<compile_context>
chip_gen: v7x
topology: tpu7x:2x2x1
jax: 0.10.2.dev20260603
libtpu: 0.0.44.dev20260713+nightly
codegen_flags: <defaults>
</compile_context>

<pallas_src>
import functools

import jax
import jax.numpy as jnp
from jax import lax
from jax.experimental import pallas as pl
from jax.experimental.pallas import tpu as pltpu
from jax.experimental.pallas import tpu_sc as plsc

N = 10000
D = 256
H = 512
K = 5000
NP = 10240
KP = 5120
BI = 256
BJ = 1024
NEG = float("-inf")



def _rank_body(s_cols_ref, s_rows_ref, ranks_ref):
    pid = pl.program_id(0)
    i0 = pid * BI
    iids = i0 + lax.broadcasted_iota(jnp.int32, (BI, 1), 0)
    pid_div = pid // (BJ // BI)
    cols = []
    for c in range(3):
        si = s_cols_ref[:, c:c + 1]
        acc = jnp.zeros((BI, 1), jnp.float32)
        for jc in range(NP // BJ):
            sj = s_rows_ref[c:c + 1, jc * BJ:(jc + 1) * BJ]

            def _ge(sj=sj, si=si):
                return jnp.sum(jnp.where(sj >= si, 1.0, 0.0), axis=1,
                               keepdims=True)

            def _gt(sj=sj, si=si):
                return jnp.sum(jnp.where(sj > si, 1.0, 0.0), axis=1,
                               keepdims=True)

            def _diag(sj=sj, si=si, jc=jc):
                jids = jc * BJ + lax.broadcasted_iota(jnp.int32, (1, BJ), 1)
                ge_f = jnp.where(sj >= si, 1.0, 0.0)
                gt_f = jnp.where(sj > si, 1.0, 0.0)
                contrib = jnp.where(jids < iids, ge_f, gt_f)
                return jnp.sum(contrib, axis=1, keepdims=True)

            part = lax.cond(
                jc < pid_div, _ge,
                lambda _diag=_diag, _gt=_gt, jc=jc: lax.cond(
                    jc == pid_div, _diag, _gt))
            acc = acc + part
        cols.append(acc)
    rank = jnp.concatenate(
        cols + [jnp.zeros((BI, 1), jnp.float32)] * 5, axis=1).astype(jnp.int32)
    ranks_ref[...] = jnp.where(iids < N, rank, iids)


def _compute_ranks(s_cols, s_rows):
    return pl.pallas_call(
        _rank_body,
        grid=(NP // BI,),
        in_specs=[
            pl.BlockSpec((BI, 8), lambda i: (i, 0)),
            pl.BlockSpec((8, NP), lambda i: (0, 0)),
        ],
        out_specs=pl.BlockSpec((BI, 8), lambda i: (i, 0)),
        out_shape=jax.ShapeDtypeStruct((NP, 8), jnp.int32),
    )(s_cols, s_rows)



def _sc_mesh():
    return plsc.VectorSubcoreMesh(core_axis_name="c", subcore_axis_name="s")


_NW = 32
_SCHUNK = NP // _NW
_SSEG = 80
_SNSEG = _SCHUNK // _SSEG
_GROWS = KP // _NW
_GSEG = 80
_GNSEG = _GROWS // _GSEG


def _scatter_build(r0, r1, r2, s0, s1, s2, rowids):
    @functools.partial(
        pl.kernel,
        mesh=_sc_mesh(),
        out_type=[jax.ShapeDtypeStruct((NP,), jnp.int32)] * 3
                 + [jax.ShapeDtypeStruct((NP,), jnp.float32)] * 3,
        scratch_types=[
            pltpu.VMEM((_SNSEG, _SSEG), jnp.int32),
            pltpu.VMEM((_SNSEG, _SSEG), jnp.int32),
            pltpu.VMEM((_SNSEG, _SSEG), jnp.float32),
            pltpu.SemaphoreType.DMA,
            pltpu.SemaphoreType.DMA,
        ],
    )
    def k(r0_h, r1_h, r2_h, s0_h, s1_h, s2_h, ids_h,
          p0_h, p1_h, p2_h, v0_h, v1_h, v2_h,
          rk_v, ids_v, sv_v, sem_a, sem_b):
        wid = lax.axis_index("s") * 2 + lax.axis_index("c")
        base = wid * _SCHUNK
        for g in range(_SNSEG):
            pltpu.sync_copy(ids_h.at[pl.ds(base + g * _SSEG, _SSEG)],
                            ids_v.at[g])
        for r_h, s_h, p_h, v_h in ((r0_h, s0_h, p0_h, v0_h),
                                   (r1_h, s1_h, p1_h, v1_h),
                                   (r2_h, s2_h, p2_h, v2_h)):
            for g in range(_SNSEG):
                pltpu.sync_copy(r_h.at[pl.ds(base + g * _SSEG, _SSEG)],
                                rk_v.at[g])
                pltpu.sync_copy(s_h.at[pl.ds(base + g * _SSEG, _SSEG)],
                                sv_v.at[g])
            cps = []
            for g in range(_SNSEG):
                cps.append(pltpu.async_copy(ids_v.at[g], p_h.at[rk_v.at[g]],
                                            sem_a))
                cps.append(pltpu.async_copy(sv_v.at[g], v_h.at[rk_v.at[g]],
                                            sem_b))
            for cp in cps:
                cp.wait()

    return k(r0, r1, r2, s0, s1, s2, rowids)


def _gather_rows(x, p0, p1, p2):
    @functools.partial(
        pl.kernel,
        mesh=_sc_mesh(),
        out_type=[jax.ShapeDtypeStruct((KP, D), jnp.float32)] * 3,
        scratch_types=[
            pltpu.VMEM((_GNSEG, _GSEG), jnp.int32),
            pltpu.VMEM((_GROWS, D), jnp.float32),
            pltpu.SemaphoreType.DMA,
        ],
    )
    def k(x_h, p0_h, p1_h, p2_h, o0_h, o1_h, o2_h, idx_v, rows_v, sem):
        wid = lax.axis_index("s") * 2 + lax.axis_index("c")
        base = wid * _GROWS
        for p_h, o_h in ((p0_h, o0_h), (p1_h, o1_h), (p2_h, o2_h)):
            for g in range(_GNSEG):
                pltpu.sync_copy(p_h.at[pl.ds(base + g * _GSEG, _GSEG)],
                                idx_v.at[g])
            cps = [pltpu.async_copy(x_h.at[idx_v.at[g]],
                                    rows_v.at[pl.ds(g * _GSEG, _GSEG)], sem)
                   for g in range(_GNSEG)]
            for cp in cps:
                cp.wait()
            pltpu.sync_copy(rows_v, o_h.at[pl.ds(base, _GROWS)])

    return k(x, p0, p1, p2)



_BM = 256


def _mlp_body(p0_ref, p1_ref, p2_ref, tv_ref, w1a_ref, w1b_ref, w1c_ref,
              b1_ref, w2_ref, b2_ref, out_ref):
    tv = jnp.tanh(tv_ref[...])
    acc = jnp.dot(p0_ref[...] * tv[:, 0:1], w1a_ref[...],
                  preferred_element_type=jnp.float32)
    acc += jnp.dot(p1_ref[...] * tv[:, 1:2], w1b_ref[...],
                   preferred_element_type=jnp.float32)
    acc += jnp.dot(p2_ref[...] * tv[:, 2:3], w1c_ref[...],
                   preferred_element_type=jnp.float32)
    h = jnp.maximum(acc + b1_ref[0:1, :], 0.0)
    out_ref[...] = jnp.dot(h, w2_ref[...],
                           preferred_element_type=jnp.float32) + b2_ref[0:1, :]


def _mlp(g0, g1, g2, tvc8, W1a, W1b, W1c, b1t, W2, b2t):
    return pl.pallas_call(
        _mlp_body,
        grid=(KP // _BM,),
        in_specs=[
            pl.BlockSpec((_BM, D), lambda i: (i, 0)),
            pl.BlockSpec((_BM, D), lambda i: (i, 0)),
            pl.BlockSpec((_BM, D), lambda i: (i, 0)),
            pl.BlockSpec((_BM, 8), lambda i: (i, 0)),
            pl.BlockSpec((D, H), lambda i: (0, 0)),
            pl.BlockSpec((D, H), lambda i: (0, 0)),
            pl.BlockSpec((D, H), lambda i: (0, 0)),
            pl.BlockSpec((8, H), lambda i: (0, 0)),
            pl.BlockSpec((H, H), lambda i: (0, 0)),
            pl.BlockSpec((8, H), lambda i: (0, 0)),
        ],
        out_specs=pl.BlockSpec((_BM, H), lambda i: (i, 0)),
        out_shape=jax.ShapeDtypeStruct((KP, H), jnp.float32),
    )(g0, g1, g2, tvc8, W1a, W1b, W1c, b1t, W2, b2t)



def kernel(x, edge_index, batch, w0, w1, w2, W1, b1, W2, b2):
    s_list = [x @ w / (jnp.linalg.norm(w) + 1e-16) for w in (w0, w1, w2)]
    pad = jnp.full((NP - N,), NEG, jnp.float32)
    s_pad = [jnp.concatenate([s, pad]) for s in s_list]
    s_cols8 = jnp.pad(jnp.stack(s_pad, axis=1), ((0, 0), (0, 5)))
    s_rows8 = jnp.pad(jnp.stack(s_pad, axis=0), ((0, 5), (0, 0)))

    ranks8 = _compute_ranks(s_cols8, s_rows8)

    rowids = jnp.arange(NP, dtype=jnp.int32)
    p0, p1, p2, v0, v1, v2 = _scatter_build(
        ranks8[:, 0], ranks8[:, 1], ranks8[:, 2],
        s_pad[0], s_pad[1], s_pad[2], rowids)

    g0, g1, g2 = _gather_rows(x, p0, p1, p2)

    tvc8 = jnp.pad(jnp.stack([v0[:KP], v1[:KP], v2[:KP]], axis=1),
                   ((0, 0), (0, 5)))
    b1t = jnp.broadcast_to(b1[None, :], (8, H))
    b2t = jnp.broadcast_to(b2[None, :], (8, H))
    fused_p = _mlp(g0, g1, g2, tvc8, W1[:D], W1[D:2 * D], W1[2 * D:],
                   b1t, W2, b2t)
    return fused_p[:K], edge_index, batch

# --- scband reference (transcript-rebuilt; emitter-appended) ---
"""Pipeline reference for scband-multi-scale-pooling-73787538145383 (READ-ONLY COPY).

The authoritative reference and input builder live on the scoring server;
editing this copy changes nothing except your own understanding.
"""

import jax, jax.numpy as jnp
import numpy as np

N = 10000
D = 256
E = 160000
H = 512
RATIO = 0.5
K = int(np.ceil(RATIO * N))  # 5000, identical for all three ratios


def setup_inputs(seed: int = 0) -> dict:
    key = jax.random.key(seed)
    ks = jax.random.split(key, 10)
    x = jax.random.normal(ks[0], (N, D), dtype=jnp.float32)
    edge_index = jax.random.randint(ks[1], (2, E), 0, N, dtype=jnp.int32)
    batch = jnp.zeros((N,), dtype=jnp.int32)
    # TopKPooling attention vectors (one per pooling layer)
    w0 = jax.random.normal(ks[2], (D,), dtype=jnp.float32) * 0.1
    w1 = jax.random.normal(ks[3], (D,), dtype=jnp.float32) * 0.1
    w2 = jax.random.normal(ks[4], (D,), dtype=jnp.float32) * 0.1
    # Fusion MLP: Linear(3*D -> H), ReLU, Linear(H -> H)
    W1 = jax.random.normal(ks[5], (3 * D, H), dtype=jnp.float32) * (1.0 / np.sqrt(3 * D))
    b1 = jnp.zeros((H,), dtype=jnp.float32)
    W2 = jax.random.normal(ks[6], (H, H), dtype=jnp.float32) * (1.0 / np.sqrt(H))
    b2 = jnp.zeros((H,), dtype=jnp.float32)
    return {"x": x, "edge_index": edge_index, "batch": batch,
            "w0": w0, "w1": w1, "w2": w2,
            "W1": W1, "b1": b1, "W2": W2, "b2": b2}


def _topk_pool(x, w):
    # PyG TopKPooling: score = (x @ w) / ||w||; select top-k (single graph since batch==0);
    # x_out = x[perm] * tanh(score[perm])
    score = x @ w / (jnp.linalg.norm(w) + 1e-16)
    vals, perm = jax.lax.top_k(score, K)
    return jnp.take(x, perm, axis=0) * jnp.tanh(vals)[:, None]


def reference(x, edge_index, batch, w0, w1, w2, W1, b1, W2, b2):
    pooled = [_topk_pool(x, w0), _topk_pool(x, w1), _topk_pool(x, w2)]
    concatenated = jnp.concatenate(pooled, axis=1)  # [K, 3*D]
    h = jax.nn.relu(concatenated @ W1 + b1)
    fused = h @ W2 + b2
    return fused, edge_index, batch

if __name__ == "__main__":
    import jax
    _d = setup_inputs()
    print(jax.jit(kernel)(*tuple(_d.values())))

</pallas_src>

<mosaic_0001>
#map = affine_map<(d0, d1) -> (0)>
module attributes {stable_mosaic.version = 14 : i64} {
  func.func @k(%arg0: i32, %arg1: i32, %arg2: memref<10240xi32, #tpu.memory_space<hbm>>, %arg3: memref<10240xi32, #tpu.memory_space<hbm>>, %arg4: memref<10240xi32, #tpu.memory_space<hbm>>, %arg5: memref<10240xf32, #tpu.memory_space<hbm>>, %arg6: memref<10240xf32, #tpu.memory_space<hbm>>, %arg7: memref<10240xf32, #tpu.memory_space<hbm>>, %arg8: memref<10240xi32, #tpu.memory_space<hbm>>, %arg9: memref<10240xi32, #tpu.memory_space<hbm>>, %arg10: memref<10240xi32, #tpu.memory_space<hbm>>, %arg11: memref<10240xi32, #tpu.memory_space<hbm>>, %arg12: memref<10240xf32, #tpu.memory_space<hbm>>, %arg13: memref<10240xf32, #tpu.memory_space<hbm>>, %arg14: memref<10240xf32, #tpu.memory_space<hbm>>, %arg15: memref<4x80xi32, #tpu.memory_space<vmem>>, %arg16: memref<4x80xi32, #tpu.memory_space<vmem>>, %arg17: memref<4x80xf32, #tpu.memory_space<vmem>>, %arg18: memref<!tpu.dma_semaphore, #tpu.memory_space<semaphore_mem>>, %arg19: memref<!tpu.dma_semaphore, #tpu.memory_space<semaphore_mem>>) attributes {dimension_semantics = [#tpu.dimension_semantics<core_parallel>, #tpu.dimension_semantics<subcore_parallel>], iteration_bounds = array<i64: 2, 16>, scalar_prefetch = 0 : i64, scratch_operands = 5 : i64, tpu.core_type = #tpu.core_type<sc_vector_subcore>, window_params = [{transform_indices = #map}, {transform_indices = #map}, {transform_indices = #map}, {transform_indices = #map}, {transform_indices = #map}, {transform_indices = #map}, {transform_indices = #map}, {transform_indices = #map}, {transform_indices = #map}, {transform_indices = #map}, {transform_indices = #map}, {transform_indices = #map}, {transform_indices = #map}]} {
    %mul3A = arith.constant 2 : i32
    %mul3A_0 = arith.muli %arg1, %mul3A : i32
    %add3A = arith.addi %mul3A_0, %arg0 : i32
    %mul3A_1 = arith.constant 320 : i32
    %mul3A_2 = arith.muli %add3A, %mul3A_1 : i32
    %add3A_3 = arith.constant 0 : i32
    %add3A_4 = arith.addi %mul3A_2, %add3A_3 : i32
    %run_scoped3A = arith.constant 0 : i32
    "tpu.region"() ({
      %run_scoped3A_564 = tpu.sem_alloc : memref<!tpu.dma_semaphore, #tpu.memory_space<semaphore_mem>>
      %dma_start3A_565 = arith.constant 0 : i32
      %dma_start3A_566 = tpu.memref_slice %arg16[%run_scoped3A, %dma_start3A_565] : memref<4x80xi32, #tpu.memory_space<vmem>> -> memref<1x80xi32, #tpu.memory_space<vmem>>
      %dma_start3A_567 = tpu.memref_squeeze %dma_start3A_566 : memref<1x80xi32, #tpu.memory_space<vmem>> -> memref<80xi32, #tpu.memory_space<vmem>>
      %dma_start3A_568 = tpu.memref_slice %arg8[%add3A_4] : memref<10240xi32, #tpu.memory_space<hbm>> -> memref<80xi32, #tpu.memory_space<hbm>>
      %dma_start3A_569 = arith.constant 0 : i32
      %dma_start3A_570 = tpu.memref_slice %arg16[%run_scoped3A, %dma_start3A_569] : memref<4x80xi32, #tpu.memory_space<vmem>> -> memref<1x80xi32, #tpu.memory_space<vmem>>
      %dma_start3A_571 = tpu.memref_squeeze %dma_start3A_570 : memref<1x80xi32, #tpu.memory_space<vmem>> -> memref<80xi32, #tpu.memory_space<vmem>>
      %dma_start3A_572 = tpu.memref_slice %arg8[%add3A_4] : memref<10240xi32, #tpu.memory_space<hbm>> -> memref<80xi32, #tpu.memory_space<hbm>>
      tpu.enqueue_dma source(%dma_start3A_572 : memref<80xi32, #tpu.memory_space<hbm>>) target(%dma_start3A_571 : memref<80xi32, #tpu.memory_space<vmem>>) target_semaphore(%run_scoped3A_564 : memref<!tpu.dma_semaphore, #tpu.memory_space<semaphore_mem>>)
      %dma_wait3A_573 = arith.constant 0 : i32
      %dma_wait3A_574 = tpu.memref_slice %arg16[%run_scoped3A, %dma_wait3A_573] : memref<4x80xi32, #tpu.memory_space<vmem>> -> memref<1x80xi32, #tpu.memory_space<vmem>>
      %dma_wait3A_575 = tpu.memref_squeeze %dma_wait3A_574 : memref<1x80xi32, #tpu.memory_space<vmem>> -> memref<80xi32, #tpu.memory_space<vmem>>
      %dma_wait3A_576 = tpu.memref_slice %arg8[%add3A_4] : memref<10240xi32, #tpu.memory_space<hbm>> -> memref<80xi32, #tpu.memory_space<hbm>>
      %dma_wait3A_577 = arith.constant 0 : i32
      %dma_wait3A_578 = tpu.memref_slice %arg16[%run_scoped3A, %dma_wait3A_577] : memref<4x80xi32, #tpu.memory_space<vmem>> -> memref<1x80xi32, #tpu.memory_space<vmem>>
      %dma_wait3A_579 = tpu.memref_squeeze %dma_wait3A_578 : memref<1x80xi32, #tpu.memory_space<vmem>> -> memref<80xi32, #tpu.memory_space<vmem>>
      %dma_wait3A_580 = tpu.memref_slice %arg8[%add3A_4] : memref<10240xi32, #tpu.memory_space<hbm>> -> memref<80xi32, #tpu.memory_space<hbm>>
      tpu.wait_dma2 semaphore(%run_scoped3A_564 : memref<!tpu.dma_semaphore, #tpu.memory_space<semaphore_mem>>) src(%dma_wait3A_580 : memref<80xi32, #tpu.memory_space<hbm>>) dst(%dma_wait3A_579 : memref<80xi32, #tpu.memory_space<vmem>>)
      tpu.yield
    }) : () -> ()
    %add3A_5 = arith.constant 80 : i32
    %add3A_6 = arith.addi %mul3A_2, %add3A_5 : i32
    %run_scoped3A_7 = arith.constant 1 : i32
    "tpu.region"() ({
      %run_scoped3A_564 = tpu.sem_alloc : memref<!tpu.dma_semaphore, #tpu.memory_space<semaphore_mem>>
      %dma_start3A_565 = arith.constant 0 : i32
      %dma_start3A_566 = tpu.memref_slice %arg16[%run_scoped3A_7, %dma_start3A_565] : memref<4x80xi32, #tpu.memory_space<vmem>> -> memref<1x80xi32, #tpu.memory_space<vmem>>
      %dma_start3A_567 = tpu.memref_squeeze %dma_start3A_566 : memref<1x80xi32, #tpu.memory_space<vmem>> -> memref<80xi32, #tpu.memory_space<vmem>>
      %dma_start3A_568 = tpu.memref_slice %arg8[%add3A_6] : memref<10240xi32, #tpu.memory_space<hbm>> -> memref<80xi32, #tpu.memory_space<hbm>>
      %dma_start3A_569 = arith.constant 0 : i32
      %dma_start3A_570 = tpu.memref_slice %arg16[%run_scoped3A_7, %dma_start3A_569] : memref<4x80xi32, #tpu.memory_space<vmem>> -> memref<1x80xi32, #tpu.memory_space<vmem>>
      %dma_start3A_571 = tpu.memref_squeeze %dma_start3A_570 : memref<1x80xi32, #tpu.memory_space<vmem>> -> memref<80xi32, #tpu.memory_space<vmem>>
      %dma_start3A_572 = tpu.memref_slice %arg8[%add3A_6] : memref<10240xi32, #tpu.memory_space<hbm>> -> memref<80xi32, #tpu.memory_space<hbm>>
      tpu.enqueue_dma source(%dma_start3A_572 : memref<80xi32, #tpu.memory_space<hbm>>) target(%dma_start3A_571 : memref<80xi32, #tpu.memory_space<vmem>>) target_semaphore(%run_scoped3A_564 : memref<!tpu.dma_semaphore, #tpu.memory_space<semaphore_mem>>)
      %dma_wait3A_573 = arith.constant 0 : i32
      %dma_wait3A_574 = tpu.memref_slice %arg16[%run_scoped3A_7, %dma_wait3A_573] : memref<4x80xi32, #tpu.memory_space<vmem>> -> memref<1x80xi32, #tpu.memory_space<vmem>>
      %dma_wait3A_575 = tpu.memref_squeeze %dma_wait3A_574 : memref<1x80xi32, #tpu.memory_space<vmem>> -> memref<80xi32, #tpu.memory_space<vmem>>
      %dma_wait3A_576 = tpu.memref_slice %arg8[%add3A_6] : memref<10240xi32, #tpu.memory_space<hbm>> -> memref<80xi32, #tpu.memory_space<hbm>>
      %dma_wait3A_577 = arith.constant 0 : i32
      %dma_wait3A_578 = tpu.memref_slice %arg16[%run_scoped3A_7, %dma_wait3A_577] : memref<4x80xi32, #tpu.memory_space<vmem>> -> memref<1x80xi32, #tpu.memory_space<vmem>>
      %dma_wait3A_579 = tpu.memref_squeeze %dma_wait3A_578 : memref<1x80xi32, #tpu.memory_space<vmem>> -> memref<80xi32, #tpu.memory_space<vmem>>
      %dma_wait3A_580 = tpu.memref_slice %arg8[%add3A_6] : memref<10240xi32, #tpu.memory_space<hbm>> -> memref<80xi32, #tpu.memory_space<hbm>>
      tpu.wait_dma2 semaphore(%run_scoped3A_564 : memref<!tpu.dma_semaphore, #tpu.memory_space<semaphore_mem>>) src(%dma_wait3A_580 : memref<80xi32, #tpu.memory_space<hbm>>) dst(%dma_wait3A_579 : memref<80xi32, #tpu.memory_space<vmem>>)
      tpu.yield
    }) : () -> ()
    %add3A_8 = arith.constant 160 : i32
    %add3A_9 = arith.addi %mul3A_2, %add3A_8 : i32
    %run_scoped3A_10 = arith.constant 2 : i32
    "tpu.region"() ({
      %run_scoped3A_564 = tpu.sem_alloc : memref<!tpu.dma_semaphore, #tpu.memory_space<semaphore_mem>>
      %dma_start3A_565 = arith.constant 0 : i32
      %dma_start3A_566 = tpu.memref_slice %arg16[%run_scoped3A_10, %dma_start3A_565] : memref<4x80xi32, #tpu.memory_space<vmem>> -> memref<1x80xi32, #tpu.memory_space<vmem>>
      %dma_start3A_567 = tpu.memref_squeeze %dma_start3A_566 : memref<1x80xi32, #tpu.memory_space<vmem>> -> memref<80xi32, #tpu.memory_space<vmem>>
      %dma_start3A_568 = tpu.memref_slice %arg8[%add3A_9] : memref<10240xi32, #tpu.memory_space<hbm>> -> memref<80xi32, #tpu.memory_space<hbm>>
      %dma_start3A_569 = arith.constant 0 : i32
      %dma_start3A_570 = tpu.memref_slice %arg16[%run_scoped3A_10, %dma_start3A_569] : memref<4x80xi32, #tpu.memory_space<vmem>> -> memref<1x80xi32, #tpu.memory_space<vmem>>
      %dma_start3A_571 = tpu.memref_squeeze %dma_start3A_570 : memref<1x80xi32, #tpu.memory_space<vmem>> -> memref<80xi32, #tpu.memory_space<vmem>>
      %dma_start3A_572 = tpu.memref_slice %arg8[%add3A_9] : memref<10240xi32, #tpu.memory_space<hbm>> -> memref<80xi32, #tpu.memory_space<hbm>>
      tpu.enqueue_dma source(%dma_start3A_572 : memref<80xi32, #tpu.memory_space<hbm>>) target(%dma_start3A_571 : memref<80xi32, #tpu.memory_space<vmem>>) target_semaphore(%run_scoped3A_564 : memref<!tpu.dma_semaphore, #tpu.memory_space<semaphore_mem>>)
      %dma_wait3A_573 = arith.constant 0 : i32
      %dma_wait3A_574 = tpu.memref_slice %arg16[%run_scoped3A_10, %dma_wait3A_573] : memref<4x80xi32, #tpu.memory_space<vmem>> -> memref<1x80xi32, #tpu.memory_space<vmem>>
      %dma_wait3A_575 = tpu.memref_squeeze %dma_wait3A_574 : memref<1x80xi32, #tpu.memory_space<vmem>> -> memref<80xi32, #tpu.memory_space<vmem>>
      %dma_wait3A_576 = tpu.memref_slice %arg8[%add3A_9] : memref<10240xi32, #tpu.memory_space<hbm>> -> memref<80xi32, #tpu.memory_space<hbm>>
      %dma_wait3A_577 = arith.constant 0 : i32
      %dma_wait3A_578 = tpu.memref_slice %arg16[%run_scoped3A_10, %dma_wait3A_577] : memref<4x80xi32, #tpu.memory_space<vmem>> -> memref<1x80xi32, #tpu.memory_space<vmem>>
      %dma_wait3A_579 = tpu.memref_squeeze %dma_wait3A_578 : memref<1x80xi32, #tpu.memory_space<vmem>> -> memref<80xi32, #tpu.memory_space<vmem>>
      %dma_wait3A_580 = tpu.memref_slice %arg8[%add3A_9] : memref<10240xi32, #tpu.memory_space<hbm>> -> memref<80xi32, #tpu.memory_space<hbm>>
      tpu.wait_dma2 semaphore(%run_scoped3A_564 : memref<!tpu.dma_semaphore, #tpu.memory_space<semaphore_mem>>) src(%dma_wait3A_580 : memref<80xi32, #tpu.memory_space<hbm>>) dst(%dma_wait3A_579 : memref<80xi32, #tpu.memory_space<vmem>>)
      tpu.yield
    }) : () -> ()
    %add3A_11 = arith.constant 240 : i32
    %add3A_12 = arith.addi %mul3A_2, %add3A_11 : i32
    %run_scoped3A_13 = arith.constant 3 : i32
    "tpu.region"() ({
      %run_scoped3A_564 = tpu.sem_alloc : memref<!tpu.dma_semaphore, #tpu.memory_space<semaphore_mem>>
      %dma_start3A_565 = arith.constant 0 : i32
      %dma_start3A_566 = tpu.memref_slice %arg16[%run_scoped3A_13, %dma_start3A_565] : memref<4x80xi32, #tpu.memory_space<vmem>> -> memref<1x80xi32, #tpu.memory_space<vmem>>
      %dma_start3A_567 = tpu.memref_squeeze %dma_start3A_566 : memref<1x80xi32, #tpu.memory_space<vmem>> -> memref<80xi32, #tpu.memory_space<vmem>>
      %dma_start3A_568 = tpu.memref_slice %arg8[%add3A_12] : memref<10240xi32, #tpu.memory_space<hbm>> -> memref<80xi32, #tpu.memory_space<hbm>>
      %dma_start3A_569 = arith.constant 0 : i32
      %dma_start3A_570 = tpu.memref_slice %arg16[%run_scoped3A_13, %dma_start3A_569] : memref<4x80xi32, #tpu.memory_space<vmem>> -> memref<1x80xi32, #tpu.memory_space<vmem>>
      %dma_start3A_571 = tpu.memref_squeeze %dma_start3A_570 : memref<1x80xi32, #tpu.memory_space<vmem>> -> memref<80xi32, #tpu.memory_space<vmem>>
      %dma_start3A_572 = tpu.memref_slice %arg8[%add3A_12] : memref<10240xi32, #tpu.memory_space<hbm>> -> memref<80xi32, #tpu.memory_space<hbm>>
      tpu.enqueue_dma source(%dma_start3A_572 : memref<80xi32, #tpu.memory_space<hbm>>) target(%dma_start3A_571 : memref<80xi32, #tpu.memory_space<vmem>>) target_semaphore(%run_scoped3A_564 : memref<!tpu.dma_semaphore, #tpu.memory_space<semaphore_mem>>)
      %dma_wait3A_573 = arith.constant 0 : i32
      %dma_wait3A_574 = tpu.memref_slice %arg16[%run_scoped3A_13, %dma_wait3A_573] : memref<4x80xi32, #tpu.memory_space<vmem>> -> memref<1x80xi32, #tpu.memory_space<vmem>>
      %dma_wait3A_575 = tpu.memref_squeeze %dma_wait3A_574 : memref<1x80xi32, #tpu.memory_space<vmem>> -> memref<80xi32, #tpu.memory_space<vmem>>
      %dma_wait3A_576 = tpu.memref_slice %arg8[%add3A_12] : memref<10240xi32, #tpu.memory_space<hbm>> -> memref<80xi32, #tpu.memory_space<hbm>>
      %dma_wait3A_577 = arith.constant 0 : i32
      %dma_wait3A_578 = tpu.memref_slice %arg16[%run_scoped3A_13, %dma_wait3A_577] : memref<4x80xi32, #tpu.memory_space<vmem>> -> memref<1x80xi32, #tpu.memory_space<vmem>>
      %dma_wait3A_579 = tpu.memref_squeeze %dma_wait3A_578 : memref<1x80xi32, #tpu.memory_space<vmem>> -> memref<80xi32, #tpu.memory_space<vmem>>
      %dma_wait3A_580 = tpu.memref_slice %arg8[%add3A_12] : memref<10240xi32, #tpu.memory_space<hbm>> -> memref<80xi32, #tpu.memory_space<hbm>>
      tpu.wait_dma2 semaphore(%run_scoped3A_564 : memref<!tpu.dma_semaphore, #tpu.memory_space<semaphore_mem>>) src(%dma_wait3A_580 : memref<80xi32, #tpu.memory_space<hbm>>) dst(%dma_wait3A_579 : memref<80xi32, #tpu.memory_space<vmem>>)
      tpu.yield
    }) : () -> ()
    %add3A_14 = arith.constant 0 : i32
    %add3A_15 = arith.addi %mul3A_2, %add3A_14 : i32
    %run_scoped3A_16 = arith.constant 0 : i32
    "tpu.region"() ({
      %run_scoped3A_564 = tpu.sem_alloc : memref<!tpu.dma_semaphore, #tpu.memory_space<semaphore_mem>>
      %dma_start3A_565 = arith.constant 0 : i32
      %dma_start3A_566 = tpu.memref_slice %arg15[%run_scoped3A_16, %dma_start3A_565] : memref<4x80xi32, #tpu.memory_space<vmem>> -> memref<1x80xi32, #tpu.memory_space<vmem>>
      %dma_start3A_567 = tpu.memref_squeeze %dma_start3A_566 : memref<1x80xi32, #tpu.memory_space<vmem>> -> memref<80xi32, #tpu.memory_space<vmem>>
      %dma_start3A_568 = tpu.memref_slice %arg2[%add3A_15] : memref<10240xi32, #tpu.memory_space<hbm>> -> memref<80xi32, #tpu.memory_space<hbm>>
      %dma_start3A_569 = arith.constant 0 : i32
      %dma_start3A_570 = tpu.memref_slice %arg15[%run_scoped3A_16, %dma_start3A_569] : memref<4x80xi32, #tpu.memory_space<vmem>> -> memref<1x80xi32, #tpu.memory_space<vmem>>
      %dma_start3A_571 = tpu.memref_squeeze %dma_start3A_570 : memref<1x80xi32, #tpu.memory_space<vmem>> -> memref<80xi32, #tpu.memory_space<vmem>>
      %dma_start3A_572 = tpu.memref_slice %arg2[%add3A_15] : memref<10240xi32, #tpu.memory_space<hbm>> -> memref<80xi32, #tpu.memory_space<hbm>>
      tpu.enqueue_dma source(%dma_start3A_572 : memref<80xi32, #tpu.memory_space<hbm>>) target(%dma_start3A_571 : memref<80xi32, #tpu.memory_space<vmem>>) target_semaphore(%run_scoped3A_564 : memref<!tpu.dma_semaphore, #tpu.memory_space<semaphore_mem>>)
      %dma_wait3A_573 = arith.constant 0 : i32
      %dma_wait3A_574 = tpu.memref_slice %arg15[%run_scoped3A_16, %dma_wait3A_573] : memref<4x80xi32, #tpu.memory_space<vmem>> -> memref<1x80xi32, #tpu.memory_space<vmem>>
      %dma_wait3A_575 = tpu.memref_squeeze %dma_wait3A_574 : memref<1x80xi32, #tpu.memory_space<vmem>> -> memref<80xi32, #tpu.memory_space<vmem>>
      %dma_wait3A_576 = tpu.memref_slice %arg2[%add3A_15] : memref<10240xi32, #tpu.memory_space<hbm>> -> memref<80xi32, #tpu.memory_space<hbm>>
      %dma_wait3A_577 = arith.constant 0 : i32
      %dma_wait3A_578 = tpu.memref_slice %arg15[%run_scoped3A_16, %dma_wait3A_577] : memref<4x80xi32, #tpu.memory_space<vmem>> -> memref<1x80xi32, #tpu.memory_space<vmem>>
      %dma_wait3A_579 = tpu.memref_squeeze %dma_wait3A_578 : memref<1x80xi32, #tpu.memory_space<vmem>> -> memref<80xi32, #tpu.memory_space<vmem>>
      %dma_wait3A_580 = tpu.memref_slice %arg2[%add3A_15] : memref<10240xi32, #tpu.memory_space<hbm>> -> memref<80xi32, #tpu.memory_space<hbm>>
      tpu.wait_dma2 semaphore(%run_scoped3A_564 : memref<!tpu.dma_semaphore, #tpu.memory_space<semaphore_mem>>) src(%dma_wait3A_580 : memref<80xi32, #tpu.memory_space<hbm>>) dst(%dma_wait3A_579 : memref<80xi32, #tpu.memory_space<vmem>>)
      tpu.yield
    }) : () -> ()
    %add3A_17 = arith.constant 0 : i32
    %add3A_18 = arith.addi %mul3A_2, %add3A_17 : i32
    %run_scoped3A_19 = arith.constant 0 : i32
    "tpu.region"() ({
      %run_scoped3A_564 = tpu.sem_alloc : memref<!tpu.dma_semaphore, #tpu.memory_space<semaphore_mem>>
      %dma_start3A_565 = arith.constant 0 : i32
      %dma_start3A_566 = tpu.memref_slice %arg17[%run_scoped3A_19, %dma_start3A_565] : memref<4x80xf32, #tpu.memory_space<vmem>> -> memref<1x80xf32, #tpu.memory_space<vmem>>
      %dma_start3A_567 = tpu.memref_squeeze %dma_start3A_566 : memref<1x80xf32, #tpu.memory_space<vmem>> -> memref<80xf32, #tpu.memory_space<vmem>>
      %dma_start3A_568 = tpu.memref_slice %arg5[%add3A_18] : memref<10240xf32, #tpu.memory_space<hbm>> -> memref<80xf32, #tpu.memory_space<hbm>>
      %dma_start3A_569 = arith.constant 0 : i32
      %dma_start3A_570 = tpu.memref_slice %arg17[%run_scoped3A_19, %dma_start3A_569] : memref<4x80xf32, #tpu.memory_space<vmem>> -> memref<1x80xf32, #tpu.memory_space<vmem>>
      %dma_start3A_571 = tpu.memref_squeeze %dma_start3A_570 : memref<1x80xf32, #tpu.memory_space<vmem>> -> memref<80xf32, #tpu.memory_space<vmem>>
      %dma_start3A_572 = tpu.memref_slice %arg5[%add3A_18] : memref<10240xf32, #tpu.memory_space<hbm>> -> memref<80xf32, #tpu.memory_space<hbm>>
      tpu.enqueue_dma source(%dma_start3A_572 : memref<80xf32, #tpu.memory_space<hbm>>) target(%dma_start3A_571 : memref<80xf32, #tpu.memory_space<vmem>>) target_semaphore(%run_scoped3A_564 : memref<!tpu.dma_semaphore, #tpu.memory_space<semaphore_mem>>)
      %dma_wait3A_573 = arith.constant 0 : i32
      %dma_wait3A_574 = tpu.memref_slice %arg17[%run_scoped3A_19, %dma_wait3A_573] : memref<4x80xf32, #tpu.memory_space<vmem>> -> memref<1x80xf32, #tpu.memory_space<vmem>>
      %dma_wait3A_575 = tpu.memref_squeeze %dma_wait3A_574 : memref<1x80xf32, #tpu.memory_space<vmem>> -> memref<80xf32, #tpu.memory_space<vmem>>
      %dma_wait3A_576 = tpu.memref_slice %arg5[%add3A_18] : memref<10240xf32, #tpu.memory_space<hbm>> -> memref<80xf32, #tpu.memory_space<hbm>>
      %dma_wait3A_577 = arith.constant 0 : i32
      %dma_wait3A_578 = tpu.memref_slice %arg17[%run_scoped3A_19, %dma_wait3A_577] : memref<4x80xf32, #tpu.memory_space<vmem>> -> memref<1x80xf32, #tpu.memory_space<vmem>>
      %dma_wait3A_579 = tpu.memref_squeeze %dma_wait3A_578 : memref<1x80xf32, #tpu.memory_space<vmem>> -> memref<80xf32, #tpu.memory_space<vmem>>
      %dma_wait3A_580 = tpu.memref_slice %arg5[%add3A_18] : memref<10240xf32, #tpu.memory_space<hbm>> -> memref<80xf32, #tpu.memory_space<hbm>>
      tpu.wait_dma2 semaphore(%run_scoped3A_564 : memref<!tpu.dma_semaphore, #tpu.memory_space<semaphore_mem>>) src(%dma_wait3A_580 : memref<80xf32, #tpu.memory_space<hbm>>) dst(%dma_wait3A_579 : memref<80xf32, #tpu.memory_space<vmem>>)
      tpu.yield
    }) : () -> ()
    %add3A_20 = arith.constant 80 : i32
    %add3A_21 = arith.addi %mul3A_2, %add3A_20 : i32
    %run_scoped3A_22 = arith.constant 1 : i32
    "tpu.region"() ({
      %run_scoped3A_564 = tpu.sem_alloc : memref<!tpu.dma_semaphore, #tpu.memory_space<semaphore_mem>>
      %dma_start3A_565 = arith.constant 0 : i32
      %dma_start3A_566 = tpu.memref_slice %arg15[%run_scoped3A_22, %dma_start3A_565] : memref<4x80xi32, #tpu.memory_space<vmem>> -> memref<1x80xi32, #tpu.memory_space<vmem>>
      %dma_start3A_567 = tpu.memref_squeeze %dma_start3A_566 : memref<1x80xi32, #tpu.memory_space<vmem>> -> memref<80xi32, #tpu.memory_space<vmem>>
      %dma_start3A_568 = tpu.memref_slice %arg2[%add3A_21] : memref<10240xi32, #tpu.memory_space<hbm>> -> memref<80xi32, #tpu.memory_space<hbm>>
      %dma_start3A_569 = arith.constant 0 : i32
      %dma_start3A_570 = tpu.memref_slice %arg15[%run_scoped3A_22, %dma_start3A_569] : memref<4x80xi32, #tpu.memory_space<vmem>> -> memref<1x80xi32, #tpu.memory_space<vmem>>
      %dma_start3A_571 = tpu.memref_squeeze %dma_start3A_570 : memref<1x80xi32, #tpu.memory_space<vmem>> -> memref<80xi32, #tpu.memory_space<vmem>>
      %dma_start3A_572 = tpu.memref_slice %arg2[%add3A_21] : memref<10240xi32, #tpu.memory_space<hbm>> -> memref<80xi32, #tpu.memory_space<hbm>>
      tpu.enqueue_dma source(%dma_start3A_572 : memref<80xi32, #tpu.memory_space<hbm>>) target(%dma_start3A_571 : memref<80xi32, #tpu.memory_space<vmem>>) target_semaphore(%run_scoped3A_564 : memref<!tpu.dma_semaphore, #tpu.memory_space<semaphore_mem>>)
      %dma_wait3A_573 = arith.constant 0 : i32
      %dma_wait3A_574 = tpu.memref_slice %arg15[%run_scoped3A_22, %dma_wait3A_573] : memref<4x80xi32, #tpu.memory_space<vmem>> -> memref<1x80xi32, #tpu.memory_space<vmem>>
      %dma_wait3A_575 = tpu.memref_squeeze %dma_wait3A_574 : memref<1x80xi32, #tpu.memory_space<vmem>> -> memref<80xi32, #tpu.memory_space<vmem>>
      %dma_wait3A_576 = tpu.memref_slice %arg2[%add3A_21] : memref<10240xi32, #tpu.memory_space<hbm>> -> memref<80xi32, #tpu.memory_space<hbm>>
      %dma_wait3A_577 = arith.constant 0 : i32
      %dma_wait3A_578 = tpu.memref_slice %arg15[%run_scoped3A_22, %dma_wait3A_577] : memref<4x80xi32, #tpu.memory_space<vmem>> -> memref<1x80xi32, #tpu.memory_space<vmem>>
      %dma_wait3A_579 = tpu.memref_squeeze %dma_wait3A_578 : memref<1x80xi32, #tpu.memory_space<vmem>> -> memref<80xi32, #tpu.memory_space<vmem>>
      %dma_wait3A_580 = tpu.memref_slice %arg2[%add3A_21] : memref<10240xi32, #tpu.memory_space<hbm>> -> memref<80xi32, #tpu.memory_space<hbm>>
      tpu.wait_dma2 semaphore(%run_scoped3A_564 : memref<!tpu.dma_semaphore, #tpu.memory_space<semaphore_mem>>) src(%dma_wait3A_580 : memref<80xi32, #tpu.memory_space<hbm>>) dst(%dma_wait3A_579 : memref<80xi32, #tpu.memory_space<vmem>>)
      tpu.yield
    }) : () -> ()
    %add3A_23 = arith.constant 80 : i32
    %add3A_24 = arith.addi %mul3A_2, %add3A_23 : i32
    %run_scoped3A_25 = arith.constant 1 : i32
    "tpu.region"() ({
      %run_scoped3A_564 = tpu.sem_alloc : memref<!tpu.dma_semaphore, #tpu.memory_space<semaphore_mem>>
      %dma_start3A_565 = arith.constant 0 : i32
      %dma_start3A_566 = tpu.memref_slice %arg17[%run_scoped3A_25, %dma_start3A_565] : memref<4x80xf32, #tpu.memory_space<vmem>> -> memref<1x80xf32, #tpu.memory_space<vmem>>
      %dma_start3A_567 = tpu.memref_squeeze %dma_start3A_566 : memref<1x80xf32, #tpu.memory_space<vmem>> -> memref<80xf32, #tpu.memory_space<vmem>>
      %dma_start3A_568 = tpu.memref_slice %arg5[%add3A_24] : memref<10240xf32, #tpu.memory_space<hbm>> -> memref<80xf32, #tpu.memory_space<hbm>>
      %dma_start3A_569 = arith.constant 0 : i32
      %dma_start3A_570 = tpu.memref_slice %arg17[%run_scoped3A_25, %dma_start3A_569] : memref<4x80xf32, #tpu.memory_space<vmem>> -> memref<1x80xf32, #tpu.memory_space<vmem>>
      %dma_start3A_571 = tpu.memref_squeeze %dma_start3A_570 : memref<1x80xf32, #tpu.memory_space<vmem>> -> memref<80xf32, #tpu.memory_space<vmem>>
      %dma_start3A_572 = tpu.memref_slice %arg5[%add3A_24] : memref<10240xf32, #tpu.memory_space<hbm>> -> memref<80xf32, #tpu.memory_space<hbm>>
      tpu.enqueue_dma source(%dma_start3A_572 : memref<80xf32, #tpu.memory_space<hbm>>) target(%dma_start3A_571 : memref<80xf32, #tpu.memory_space<vmem>>) target_semaphore(%run_scoped3A_564 : memref<!tpu.dma_semaphore, #tpu.memory_space<semaphore_mem>>)
      %dma_wait3A_573 = arith.constant 0 : i32
      %dma_wait3A_574 = tpu.memref_slice %arg17[%run_scoped3A_25, %dma_wait3A_573] : memref<4x80xf32, #tpu.memory_space<vmem>> -> memref<1x80xf32, #tpu.memory_space<vmem>>
      %dma_wait3A_575 = tpu.memref_squeeze %dma_wait3A_574 : memref<1x80xf32, #tpu.memory_space<vmem>> -> memref<80xf32, #tpu.memory_space<vmem>>
      %dma_wait3A_576 = tpu.memref_slice %arg5[%add3A_24] : memref<10240xf32, #tpu.memory_space<hbm>> -> memref<80xf32, #tpu.memory_space<hbm>>
      %dma_wait3A_577 = arith.constant 0 : i32
      %dma_wait3A_578 = tpu.memref_slice %arg17[%run_scoped3A_25, %dma_wait3A_577] : memref<4x80xf32, #tpu.memory_space<vmem>> -> memref<1x80xf32, #tpu.memory_space<vmem>>
      %dma_wait3A_579 = tpu.memref_squeeze %dma_wait3A_578 : memref<1x80xf32, #tpu.memory_space<vmem>> -> memref<80xf32, #tpu.memory_space<vmem>>
      %dma_wait3A_580 = tpu.memref_slice %arg5[%add3A_24] : memref<10240xf32, #tpu.memory_space<hbm>> -> memref<80xf32, #tpu.memory_space<hbm>>
      tpu.wait_dma2 semaphore(%run_scoped3A_564 : memref<!tpu.dma_semaphore, #tpu.memory_space<semaphore_mem>>) src(%dma_wait3A_580 : memref<80xf32, #tpu.memory_space<hbm>>) dst(%dma_wait3A_579 : memref<80xf32, #tpu.memory_space<vmem>>)
      tpu.yield
    }) : () -> ()
    %add3A_26 = arith.constant 160 : i32
    %add3A_27 = arith.addi %mul3A_2, %add3A_26 : i32
    %run_scoped3A_28 = arith.constant 2 : i32
    "tpu.region"() ({
      %run_scoped3A_564 = tpu.sem_alloc : memref<!tpu.dma_semaphore, #tpu.memory_space<semaphore_mem>>
      %dma_start3A_565 = arith.constant 0 : i32
      %dma_start3A_566 = tpu.memref_slice %arg15[%run_scoped3A_28, %dma_start3A_565] : memref<4x80xi32, #tpu.memory_space<vmem>> -> memref<1x80xi32, #tpu.memory_space<vmem>>
      %dma_start3A_567 = tpu.memref_squeeze %dma_start3A_566 : memref<1x80xi32, #tpu.memory_space<vmem>> -> memref<80xi32, #tpu.memory_space<vmem>>
      %dma_start3A_568 = tpu.memref_slice %arg2[%add3A_27] : memref<10240xi32, #tpu.memory_space<hbm>> -> memref<80xi32, #tpu.memory_space<hbm>>
      %dma_start3A_569 = arith.constant 0 : i32
      %dma_start3A_570 = tpu.memref_slice %arg15[%run_scoped3A_28, %dma_start3A_569] : memref<4x80xi32, #tpu.memory_space<vmem>> -> memref<1x80xi32, #tpu.memory_space<vmem>>
      %dma_start3A_571 = tpu.memref_squeeze %dma_start3A_570 : memref<1x80xi32, #tpu.memory_space<vmem>> -> memref<80xi32, #tpu.memory_space<vmem>>
      %dma_start3A_572 = tpu.memref_slice %arg2[%add3A_27] : memref<10240xi32, #tpu.memory_space<hbm>> -> memref<80xi32, #tpu.memory_space<hbm>>
      tpu.enqueue_dma source(%dma_start3A_572 : memref<80xi32, #tpu.memory_space<hbm>>) target(%dma_start3A_571 : memref<80xi32, #tpu.memory_space<vmem>>) target_semaphore(%run_scoped3A_564 : memref<!tpu.dma_semaphore, #tpu.memory_space<semaphore_mem>>)
      %dma_wait3A_573 = arith.constant 0 : i32
      %dma_wait3A_574 = tpu.memref_slice %arg15[%run_scoped3A_28, %dma_wait3A_573] : memref<4x80xi32, #tpu.memory_space<vmem>> -> memref<1x80xi32, #tpu.memory_space<vmem>>
      %dma_wait3A_575 = tpu.memref_squeeze %dma_wait3A_574 : memref<1x80xi32, #tpu.memory_space<vmem>> -> memref<80xi32, #tpu.memory_space<vmem>>
      %dma_wait3A_576 = tpu.memref_slice %arg2[%add3A_27] : memref<10240xi32, #tpu.memory_space<hbm>> -> memref<80xi32, #tpu.memory_space<hbm>>
      %dma_wait3A_577 = arith.constant 0 : i32
      %dma_wait3A_578 = tpu.memref_slice %arg15[%run_scoped3A_28, %dma_wait3A_577] : memref<4x80xi32, #tpu.memory_space<vmem>> -> memref<1x80xi32, #tpu.memory_space<vmem>>
      %dma_wait3A_579 = tpu.memref_squeeze %dma_wait3A_578 : memref<1x80xi32, #tpu.memory_space<vmem>> -> memref<80xi32, #tpu.memory_space<vmem>>
      %dma_wait3A_580 = tpu.memref_slice %arg2[%add3A_27] : memref<10240xi32, #tpu.memory_space<hbm>> -> memref<80xi32, #tpu.memory_space<hbm>>
      tpu.wait_dma2 semaphore(%run_scoped3A_564 : memref<!tpu.dma_semaphore, #tpu.memory_space<semaphore_mem>>) src(%dma_wait3A_580 : memref<80xi32, #tpu.memory_space<hbm>>) dst(%dma_wait3A_579 : memref<80xi32, #tpu.memory_space<vmem>>)
      tpu.yield
    }) : () -> ()
    %add3A_29 = arith.constant 160 : i32
    %add3A_30 = arith.addi %mul3A_2, %add3A_29 : i32
    %run_scoped3A_31 = arith.constant 2 : i32
    "tpu.region"() ({
      %run_scoped3A_564 = tpu.sem_alloc : memref<!tpu.dma_semaphore, #tpu.memory_space<semaphore_mem>>
      %dma_start3A_565 = arith.constant 0 : i32
      %dma_start3A_566 = tpu.memref_slice %arg17[%run_scoped3A_31, %dma_start3A_565] : memref<4x80xf32, #tpu.memory_space<vmem>> -> memref<1x80xf32, #tpu.memory_space<vmem>>
      %dma_start3A_567 = tpu.memref_squeeze %dma_start3A_566 : memref<1x80xf32, #tpu.memory_space<vmem>> -> memref<80xf32, #tpu.memory_space<vmem>>
      %dma_start3A_568 = tpu.memref_slice %arg5[%add3A_30] : memref<10240xf32, #tpu.memory_space<hbm>> -> memref<80xf32, #tpu.memory_space<hbm>>
      %dma_start3A_569 = arith.constant 0 : i32
      %dma_start3A_570 = tpu.memref_slice %arg17[%run_scoped3A_31, %dma_start3A_569] : memref<4x80xf32, #tpu.memory_space<vmem>> -> memref<1x80xf32, #tpu.memory_space<vmem>>
      %dma_start3A_571 = tpu.memref_squeeze %dma_start3A_570 : memref<1x80xf32, #tpu.memory_space<vmem>> -> memref<80xf32, #tpu.memory_space<vmem>>
      %dma_start3A_572 = tpu.memref_slice %arg5[%add3A_30] : memref<10240xf32, #tpu.memory_space<hbm>> -> memref<80xf32, #tpu.memory_space<hbm>>
      tpu.enqueue_dma source(%dma_start3A_572 : memref<80xf32, #tpu.memory_space<hbm>>) target(%dma_start3A_571 : memref<80xf32, #tpu.memory_space<vmem>>) target_semaphore(%run_scoped3A_564 : memref<!tpu.dma_semaphore, #tpu.memory_space<semaphore_mem>>)
      %dma_wait3A_573 = arith.constant 0 : i32
      %dma_wait3A_574 = tpu.memref_slice %arg17[%run_scoped3A_31, %dma_wait3A_573] : memref<4x80xf32, #tpu.memory_space<vmem>> -> memref<1x80xf32, #tpu.memory_space<vmem>>
      %dma_wait3A_575 = tpu.memref_squeeze %dma_wait3A_574 : memref<1x80xf32, #tpu.memory_space<vmem>> -> memref<80xf32, #tpu.memory_space<vmem>>
      %dma_wait3A_576 = tpu.memref_slice %arg5[%add3A_30] : memref<10240xf32, #tpu.memory_space<hbm>> -> memref<80xf32, #tpu.memory_space<hbm>>
      %dma_wait3A_577 = arith.constant 0 : i32
      %dma_wait3A_578 = tpu.memref_slice %arg17[%run_scoped3A_31, %dma_wait3A_577] : memref<4x80xf32, #tpu.memory_space<vmem>> -> memref<1x80xf32, #tpu.memory_space<vmem>>
      %dma_wait3A_579 = tpu.memref_squeeze %dma_wait3A_578 : memref<1x80xf32, #tpu.memory_space<vmem>> -> memref<80xf32, #tpu.memory_space<vmem>>
      %dma_wait3A_580 = tpu.memref_slice %arg5[%add3A_30] : memref<10240xf32, #tpu.memory_space<hbm>> -> memref<80xf32, #tpu.memory_space<hbm>>
      tpu.wait_dma2 semaphore(%run_scoped3A_564 : memref<!tpu.dma_semaphore, #tpu.memory_space<semaphore_mem>>) src(%dma_wait3A_580 : memref<80xf32, #tpu.memory_space<hbm>>) dst(%dma_wait3A_579 : memref<80xf32, #tpu.memory_space<vmem>>)
      tpu.yield
    }) : () -> ()
    %add3A_32 = arith.constant 240 : i32
    %add3A_33 = arith.addi %mul3A_2, %add3A_32 : i32
    %run_scoped3A_34 = arith.constant 3 : i32
    "tpu.region"() ({
      %run_scoped3A_564 = tpu.sem_alloc : memref<!tpu.dma_semaphore, #tpu.memory_space<semaphore_mem>>
      %dma_start3A_565 = arith.constant 0 : i32
      %dma_start3A_566 = tpu.memref_slice %arg15[%run_scoped3A_34, %dma_start3A_565] : memref<4x80xi32, #tpu.memory_space<vmem>> -> memref<1x80xi32, #tpu.memory_space<vmem>>
      %dma_start3A_567 = tpu.memref_squeeze %dma_start3A_566 : memref<1x80xi32, #tpu.memory_space<vmem>> -> memref<80xi32, #tpu.memory_space<vmem>>
      %dma_start3A_568 = tpu.memref_slice %arg2[%add3A_33] : memref<10240xi32, #tpu.memory_space<hbm>> -> memref<80xi32, #tpu.memory_space<hbm>>
      %dma_start3A_569 = arith.constant 0 : i32
      %dma_start3A_570 = tpu.memref_slice %arg15[%run_scoped3A_34, %dma_start3A_569] : memref<4x80xi32, #tpu.memory_space<vmem>> -> memref<1x80xi32, #tpu.memory_space<vmem>>
      %dma_start3A_571 = tpu.memref_squeeze %dma_start3A_570 : memref<1x80xi32, #tpu.memory_space<vmem>> -> memref<80xi32, #tpu.memory_space<vmem>>
      %dma_start3A_572 = tpu.memref_slice %arg2[%add3A_33] : memref<10240xi32, #tpu.memory_space<hbm>> -> memref<80xi32, #tpu.memory_space<hbm>>
      tpu.enqueue_dma source(%dma_start3A_572 : memref<80xi32, #tpu.memory_space<hbm>>) target(%dma_start3A_571 : memref<80xi32, #tpu.memory_space<vmem>>) target_semaphore(%run_scoped3A_564 : memref<!tpu.dma_semaphore, #tpu.memory_space<semaphore_mem>>)
      %dma_wait3A_573 = arith.constant 0 : i32
      %dma_wait3A_574 = tpu.memref_slice %arg15[%run_scoped3A_34, %dma_wait3A_573] : memref<4x80xi32, #tpu.memory_space<vmem>> -> memref<1x80xi32, #tpu.memory_space<vmem>>
      %dma_wait3A_575 = tpu.memref_squeeze %dma_wait3A_574 : memref<1x80xi32, #tpu.memory_space<vmem>> -> memref<80xi32, #tpu.memory_space<vmem>>
      %dma_wait3A_576 = tpu.memref_slice %arg2[%add3A_33] : memref<10240xi32, #tpu.memory_space<hbm>> -> memref<80xi32, #tpu.memory_space<hbm>>
      %dma_wait3A_577 = arith.constant 0 : i32
      %dma_wait3A_578 = tpu.memref_slice %arg15[%run_scoped3A_34, %dma_wait3A_577] : memref<4x80xi32, #tpu.memory_space<vmem>> -> memref<1x80xi32, #tpu.memory_space<vmem>>
      %dma_wait3A_579 = tpu.memref_squeeze %dma_wait3A_578 : memref<1x80xi32, #tpu.memory_space<vmem>> -> memref<80xi32, #tpu.memory_space<vmem>>
      %dma_wait3A_580 = tpu.memref_slice %arg2[%add3A_33] : memref<10240xi32, #tpu.memory_space<hbm>> -> memref<80xi32, #tpu.memory_space<hbm>>
      tpu.wait_dma2 semaphore(%run_scoped3A_564 : memref<!tpu.dma_semaphore, #tpu.memory_space<semaphore_mem>>) src(%dma_wait3A_580 : memref<80xi32, #tpu.memory_space<hbm>>) dst(%dma_wait3A_579 : memref<80xi32, #tpu.memory_space<vmem>>)
      tpu.yield
    }) : () -> ()
    %add3A_35 = arith.constant 240 : i32
    %add3A_36 = arith.addi %mul3A_2, %add3A_35 : i32
    %run_scoped3A_37 = arith.constant 3 : i32
    "tpu.region"() ({
      %run_scoped3A_564 = tpu.sem_alloc : memref<!tpu.dma_semaphore, #tpu.memory_space<semaphore_mem>>
      %dma_start3A_565 = arith.constant 0 : i32
      %dma_start3A_566 = tpu.memref_slice %arg17[%run_scoped3A_37, %dma_start3A_565] : memref<4x80xf32, #tpu.memory_space<vmem>> -> memref<1x80xf32, #tpu.memory_space<vmem>>
      %dma_start3A_567 = tpu.memref_squeeze %dma_start3A_566 : memref<1x80xf32, #tpu.memory_space<vmem>> -> memref<80xf32, #tpu.memory_space<vmem>>
      %dma_start3A_568 = tpu.memref_slice %arg5[%add3A_36] : memref<10240xf32, #tpu.memory_space<hbm>> -> memref<80xf32, #tpu.memory_space<hbm>>
      %dma_start3A_569 = arith.constant 0 : i32
      %dma_start3A_570 = tpu.memref_slice %arg17[%run_scoped3A_37, %dma_start3A_569] : memref<4x80xf32, #tpu.memory_space<vmem>> -> memref<1x80xf32, #tpu.memory_space<vmem>>
      %dma_start3A_571 = tpu.memref_squeeze %dma_start3A_570 : memref<1x80xf32, #tpu.memory_space<vmem>> -> memref<80xf32, #tpu.memory_space<vmem>>
      %dma_start3A_572 = tpu.memref_slice %arg5[%add3A_36] : memref<10240xf32, #tpu.memory_space<hbm>> -> memref<80xf32, #tpu.memory_space<hbm>>
      tpu.enqueue_dma source(%dma_start3A_572 : memref<80xf32, #tpu.memory_space<hbm>>) target(%dma_start3A_571 : memref<80xf32, #tpu.memory_space<vmem>>) target_semaphore(%run_scoped3A_564 : memref<!tpu.dma_semaphore, #tpu.memory_space<semaphore_mem>>)
      %dma_wait3A_573 = arith.constant 0 : i32
      %dma_wait3A_574 = tpu.memref_slice %arg17[%run_scoped3A_37, %dma_wait3A_573] : memref<4x80xf32, #tpu.memory_space<vmem>> -> memref<1x80xf32, #tpu.memory_space<vmem>>
      %dma_wait3A_575 = tpu.memref_squeeze %dma_wait3A_574 : memref<1x80xf32, #tpu.memory_space<vmem>> -> memref<80xf32, #tpu.memory_space<vmem>>
      %dma_wait3A_576 = tpu.memref_slice %arg5[%add3A_36] : memref<10240xf32, #tpu.memory_space<hbm>> -> memref<80xf32, #tpu.memory_space<hbm>>
      %dma_wait3A_577 = arith.constant 0 : i32
      %dma_wait3A_578 = tpu.memref_slice %arg17[%run_scoped3A_37, %dma_wait3A_577] : memref<4x80xf32, #tpu.memory_space<vmem>> -> memref<1x80xf32, #tpu.memory_space<vmem>>
      %dma_wait3A_579 = tpu.memref_squeeze %dma_wait3A_578 : memref<1x80xf32, #tpu.memory_space<vmem>> -> memref<80xf32, #tpu.memory_space<vmem>>
      %dma_wait3A_580 = tpu.memref_slice %arg5[%add3A_36] : memref<10240xf32, #tpu.memory_space<hbm>> -> memref<80xf32, #tpu.memory_space<hbm>>
      tpu.wait_dma2 semaphore(%run_scoped3A_564 : memref<!tpu.dma_semaphore, #tpu.memory_space<semaphore_mem>>) src(%dma_wait3A_580 : memref<80xf32, #tpu.memory_space<hbm>>) dst(%dma_wait3A_579 : memref<80xf32, #tpu.memory_space<vmem>>)
      tpu.yield
    }) : () -> ()
    %dma_start3A = arith.constant 0 : i32
    %dma_start3A_38 = arith.constant 0 : i32
    %dma_start3A_39 = arith.constant 0 : i32
    %dma_start3A_40 = tpu.memref_slice %arg16[%dma_start3A, %dma_start3A_39] : memref<4x80xi32, #tpu.memory_space<vmem>> -> memref<1x80xi32, #tpu.memory_space<vmem>>
    %dma_start3A_41 = tpu.memref_squeeze %dma_start3A_40 : memref<1x80xi32, #tpu.memory_space<vmem>> -> memref<80xi32, #tpu.memory_space<vmem>>
    %dma_start3A_42 = arith.constant 0 : i32
    %dma_start3A_43 = tpu.memref_slice %arg15[%dma_start3A_38, %dma_start3A_42] : memref<4x80xi32, #tpu.memory_space<vmem>> -> memref<1x80xi32, #tpu.memory_space<vmem>>
    %dma_start3A_44 = tpu.memref_squeeze %dma_start3A_43 : memref<1x80xi32, #tpu.memory_space<vmem>> -> memref<80xi32, #tpu.memory_space<vmem>>
    %dma_start3A_45 = arith.constant 0 : i32
    %dma_start3A_46 = tpu.memref_slice %arg9[%dma_start3A_45] : memref<10240xi32, #tpu.memory_space<hbm>> -> memref<10240xi32, #tpu.memory_space<hbm>>
    tpu.enqueue_indirect_dma source(%dma_start3A_41 : memref<80xi32, #tpu.memory_space<vmem>>) target(%dma_start3A_46 : memref<10240xi32, #tpu.memory_space<hbm>>) offsets(%dma_start3A_44 : memref<80xi32, #tpu.memory_space<vmem>>) semaphore(%arg18 : memref<!tpu.dma_semaphore, #tpu.memory_space<semaphore_mem>>)
    %dma_start3A_47 = arith.constant 0 : i32
    %dma_start3A_48 = arith.constant 0 : i32
    %dma_start3A_49 = arith.constant 0 : i32
    %dma_start3A_50 = tpu.memref_slice %arg17[%dma_start3A_47, %dma_start3A_49] : memref<4x80xf32, #tpu.memory_space<vmem>> -> memref<1x80xf32, #tpu.memory_space<vmem>>
    %dma_start3A_51 = tpu.memref_squeeze %dma_start3A_50 : memref<1x80xf32, #tpu.memory_space<vmem>> -> memref<80xf32, #tpu.memory_space<vmem>>
    %dma_start3A_52 = arith.constant 0 : i32
    %dma_start3A_53 = tpu.memref_slice %arg15[%dma_start3A_48, %dma_start3A_52] : memref<4x80xi32, #tpu.memory_space<vmem>> -> memref<1x80xi32, #tpu.memory_space<vmem>>
    %dma_start3A_54 = tpu.memref_squeeze %dma_start3A_53 : memref<1x80xi32, #tpu.memory_space<vmem>> -> memref<80xi32, #tpu.memory_space<vmem>>
    %dma_start3A_55 = arith.constant 0 : i32
    %dma_start3A_56 = tpu.memref_slice %arg12[%dma_start3A_55] : memref<10240xf32, #tpu.memory_space<hbm>> -> memref<10240xf32, #tpu.memory_space<hbm>>
    tpu.enqueue_indirect_dma source(%dma_start3A_51 : memref<80xf32, #tpu.memory_space<vmem>>) target(%dma_start3A_56 : memref<10240xf32, #tpu.memory_space<hbm>>) offsets(%dma_start3A_54 : memref<80xi32, #tpu.memory_space<vmem>>) semaphore(%arg19 : memref<!tpu.dma_semaphore, #tpu.memory_space<semaphore_mem>>)
    %dma_start3A_57 = arith.constant 1 : i32
    %dma_start3A_58 = arith.constant 1 : i32
    %dma_start3A_59 = arith.constant 0 : i32
    %dma_start3A_60 = tpu.memref_slice %arg16[%dma_start3A_57, %dma_start3A_59] : memref<4x80xi32, #tpu.memory_space<vmem>> -> memref<1x80xi32, #tpu.memory_space<vmem>>
    %dma_start3A_61 = tpu.memref_squeeze %dma_start3A_60 : memref<1x80xi32, #tpu.memory_space<vmem>> -> memref<80xi32, #tpu.memory_space<vmem>>
    %dma_start3A_62 = arith.constant 0 : i32
    %dma_start3A_63 = tpu.memref_slice %arg15[%dma_start3A_58, %dma_start3A_62] : memref<4x80xi32, #tpu.memory_space<vmem>> -> memref<1x80xi32, #tpu.memory_space<vmem>>
    %dma_start3A_64 = tpu.memref_squeeze %dma_start3A_63 : memref<1x80xi32, #tpu.memory_space<vmem>> -> memref<80xi32, #tpu.memory_space<vmem>>
    %dma_start3A_65 = arith.constant 0 : i32
    %dma_start3A_66 = tpu.memref_slice %arg9[%dma_start3A_65] : memref<10240xi32, #tpu.memory_space<hbm>> -> memref<10240xi32, #tpu.memory_space<hbm>>
    tpu.enqueue_indirect_dma source(%dma_start3A_61 : memref<80xi32, #tpu.memory_space<vmem>>) target(%dma_start3A_66 : memref<10240xi32, #tpu.memory_space<hbm>>) offsets(%dma_start3A_64 : memref<80xi32, #tpu.memory_space<vmem>>) semaphore(%arg18 : memref<!tpu.dma_semaphore, #tpu.memory_space<semaphore_mem>>)
    %dma_start3A_67 = arith.constant 1 : i32
    %dma_start3A_68 = arith.constant 1 : i32
    %dma_start3A_69 = arith.constant 0 : i32
    %dma_start3A_70 = tpu.memref_slice %arg17[%dma_start3A_67, %dma_start3A_69] : memref<4x80xf32, #tpu.memory_space<vmem>> -> memref<1x80xf32, #tpu.memory_space<vmem>>
    %dma_start3A_71 = tpu.memref_squeeze %dma_start3A_70 : memref<1x80xf32, #tpu.memory_space<vmem>> -> memref<80xf32, #tpu.memory_space<vmem>>
    %dma_start3A_72 = arith.constant 0 : i32
    %dma_start3A_73 = tpu.memref_slice %arg15[%dma_start3A_68, %dma_start3A_72] : memref<4x80xi32, #tpu.memory_space<vmem>> -> memref<1x80xi32, #tpu.memory_space<vmem>>
    %dma_start3A_74 = tpu.memref_squeeze %dma_start3A_73 : memref<1x80xi32, #tpu.memory_space<vmem>> -> memref<80xi32, #tpu.memory_space<vmem>>
    %dma_start3A_75 = arith.constant 0 : i32
    %dma_start3A_76 = tpu.memref_slice %arg12[%dma_start3A_75] : memref<10240xf32, #tpu.memory_space<hbm>> -> memref<10240xf32, #tpu.memory_space<hbm>>
    tpu.enqueue_indirect_dma source(%dma_start3A_71 : memref<80xf32, #tpu.memory_space<vmem>>) target(%dma_start3A_76 : memref<10240xf32, #tpu.memory_space<hbm>>) offsets(%dma_start3A_74 : memref<80xi32, #tpu.memory_space<vmem>>) semaphore(%arg19 : memref<!tpu.dma_semaphore, #tpu.memory_space<semaphore_mem>>)
    %dma_start3A_77 = arith.constant 2 : i32
    %dma_start3A_78 = arith.constant 2 : i32
    %dma_start3A_79 = arith.constant 0 : i32
    %dma_start3A_80 = tpu.memref_slice %arg16[%dma_start3A_77, %dma_start3A_79] : memref<4x80xi32, #tpu.memory_space<vmem>> -> memref<1x80xi32, #tpu.memory_space<vmem>>
    %dma_start3A_81 = tpu.memref_squeeze %dma_start3A_80 : memref<1x80xi32, #tpu.memory_space<vmem>> -> memref<80xi32, #tpu.memory_space<vmem>>
    %dma_start3A_82 = arith.constant 0 : i32
    %dma_start3A_83 = tpu.memref_slice %arg15[%dma_start3A_78, %dma_start3A_82] : memref<4x80xi32, #tpu.memory_space<vmem>> -> memref<1x80xi32, #tpu.memory_space<vmem>>
    %dma_start3A_84 = tpu.memref_squeeze %dma_start3A_83 : memref<1x80xi32, #tpu.memory_space<vmem>> -> memref<80xi32, #tpu.memory_space<vmem>>
    %dma_start3A_85 = arith.constant 0 : i32
    %dma_start3A_86 = tpu.memref_slice %arg9[%dma_start3A_85] : memref<10240xi32, #tpu.memory_space<hbm>> -> memref<10240xi32, #tpu.memory_space<hbm>>
    tpu.enqueue_indirect_dma source(%dma_start3A_81 : memref<80xi32, #tpu.memory_space<vmem>>) target(%dma_start3A_86 : memref<10240xi32, #tpu.memory_space<hbm>>) offsets(%dma_start3A_84 : memref<80xi32, #tpu.memory_space<vmem>>) semaphore(%arg18 : memref<!tpu.dma_semaphore, #tpu.memory_space<semaphore_mem>>)
    %dma_start3A_87 = arith.constant 2 : i32
    %dma_start3A_88 = arith.constant 2 : i32
    %dma_start3A_89 = arith.constant 0 : i32
    %dma_start3A_90 = tpu.memref_slice %arg17[%dma_start3A_87, %dma_start3A_89] : memref<4x80xf32, #tpu.memory_space<vmem>> -> memref<1x80xf32, #tpu.memory_space<vmem>>
    %dma_start3A_91 = tpu.memref_squeeze %dma_start3A_90 : memref<1x80xf32, #tpu.memory_space<vmem>> -> memref<80xf32, #tpu.memory_space<vmem>>
    %dma_start3A_92 = arith.constant 0 : i32
    %dma_start3A_93 = tpu.memref_slice %arg15[%dma_start3A_88, %dma_start3A_92] : memref<4x80xi32, #tpu.memory_space<vmem>> -> memref<1x80xi32, #tpu.memory_space<vmem>>
    %dma_start3A_94 = tpu.memref_squeeze %dma_start3A_93 : memref<1x80xi32, #tpu.memory_space<vmem>> -> memref<80xi32, #tpu.memory_space<vmem>>
    %dma_start3A_95 = arith.constant 0 : i32
    %dma_start3A_96 = tpu.memref_slice %arg12[%dma_start3A_95] : memref<10240xf32, #tpu.memory_space<hbm>> -> memref<10240xf32, #tpu.memory_space<hbm>>
    tpu.enqueue_indirect_dma source(%dma_start3A_91 : memref<80xf32, #tpu.memory_space<vmem>>) target(%dma_start3A_96 : memref<10240xf32, #tpu.memory_space<hbm>>) offsets(%dma_start3A_94 : memref<80xi32, #tpu.memory_space<vmem>>) semaphore(%arg19 : memref<!tpu.dma_semaphore, #tpu.memory_space<semaphore_mem>>)
    %dma_start3A_97 = arith.constant 3 : i32
    %dma_start3A_98 = arith.constant 3 : i32
    %dma_start3A_99 = arith.constant 0 : i32
    %dma_start3A_100 = tpu.memref_slice %arg16[%dma_start3A_97, %dma_start3A_99] : memref<4x80xi32, #tpu.memory_space<vmem>> -> memref<1x80xi32, #tpu.memory_space<vmem>>
    %dma_start3A_101 = tpu.memref_squeeze %dma_start3A_100 : memref<1x80xi32, #tpu.memory_space<vmem>> -> memref<80xi32, #tpu.memory_space<vmem>>
    %dma_start3A_102 = arith.constant 0 : i32
    %dma_start3A_103 = tpu.memref_slice %arg15[%dma_start3A_98, %dma_start3A_102] : memref<4x80xi32, #tpu.memory_space<vmem>> -> memref<1x80xi32, #tpu.memory_space<vmem>>
    %dma_start3A_104 = tpu.memref_squeeze %dma_start3A_103 : memref<1x80xi32, #tpu.memory_space<vmem>> -> memref<80xi32, #tpu.memory_space<vmem>>
    %dma_start3A_105 = arith.constant 0 : i32
    %dma_start3A_106 = tpu.memref_slice %arg9[%dma_start3A_105] : memref<10240xi32, #tpu.memory_space<hbm>> -> memref<10240xi32, #tpu.memory_space<hbm>>
    tpu.enqueue_indirect_dma source(%dma_start3A_101 : memref<80xi32, #tpu.memory_space<vmem>>) target(%dma_start3A_106 : memref<10240xi32, #tpu.memory_space<hbm>>) offsets(%dma_start3A_104 : memref<80xi32, #tpu.memory_space<vmem>>) semaphore(%arg18 : memref<!tpu.dma_semaphore, #tpu.memory_space<semaphore_mem>>)
    %dma_start3A_107 = arith.constant 3 : i32
    %dma_start3A_108 = arith.constant 3 : i32
    %dma_start3A_109 = arith.constant 0 : i32
    %dma_start3A_110 = tpu.memref_slice %arg17[%dma_start3A_107, %dma_start3A_109] : memref<4x80xf32, #tpu.memory_space<vmem>> -> memref<1x80xf32, #tpu.memory_space<vmem>>
    %dma_start3A_111 = tpu.memref_squeeze %dma_start3A_110 : memref<1x80xf32, #tpu.memory_space<vmem>> -> memref<80xf32, #tpu.memory_space<vmem>>
    %dma_start3A_112 = arith.constant 0 : i32
    %dma_start3A_113 = tpu.memref_slice %arg15[%dma_start3A_108, %dma_start3A_112] : memref<4x80xi32, #tpu.memory_space<vmem>> -> memref<1x80xi32, #tpu.memory_space<vmem>>
    %dma_start3A_114 = tpu.memref_squeeze %dma_start3A_113 : memref<1x80xi32, #tpu.memory_space<vmem>> -> memref<80xi32, #tpu.memory_space<vmem>>
    %dma_start3A_115 = arith.constant 0 : i32
    %dma_start3A_116 = tpu.memref_slice %arg12[%dma_start3A_115] : memref<10240xf32, #tpu.memory_space<hbm>> -> memref<10240xf32, #tpu.memory_space<hbm>>
    tpu.enqueue_indirect_dma source(%dma_start3A_111 : memref<80xf32, #tpu.memory_space<vmem>>) target(%dma_start3A_116 : memref<10240xf32, #tpu.memory_space<hbm>>) offsets(%dma_start3A_114 : memref<80xi32, #tpu.memory_space<vmem>>) semaphore(%arg19 : memref<!tpu.dma_semaphore, #tpu.memory_space<semaphore_mem>>)
    %dma_wait3A = arith.constant 0 : i32
    %dma_wait3A_117 = arith.constant 0 : i32
    %dma_wait3A_118 = arith.constant 0 : i32
    %dma_wait3A_119 = tpu.memref_slice %arg16[%dma_wait3A, %dma_wait3A_118] : memref<4x80xi32, #tpu.memory_space<vmem>> -> memref<1x80xi32, #tpu.memory_space<vmem>>
    %dma_wait3A_120 = tpu.memref_squeeze %dma_wait3A_119 : memref<1x80xi32, #tpu.memory_space<vmem>> -> memref<80xi32, #tpu.memory_space<vmem>>
    %dma_wait3A_121 = arith.constant 0 : i32
    %dma_wait3A_122 = tpu.memref_slice %arg15[%dma_wait3A_117, %dma_wait3A_121] : memref<4x80xi32, #tpu.memory_space<vmem>> -> memref<1x80xi32, #tpu.memory_space<vmem>>
    %dma_wait3A_123 = tpu.memref_squeeze %dma_wait3A_122 : memref<1x80xi32, #tpu.memory_space<vmem>> -> memref<80xi32, #tpu.memory_space<vmem>>
    %dma_wait3A_124 = arith.constant 0 : i32
    %dma_wait3A_125 = tpu.memref_slice %arg9[%dma_wait3A_124] : memref<10240xi32, #tpu.memory_space<hbm>> -> memref<10240xi32, #tpu.memory_space<hbm>>
    tpu.wait_indirect_dma semaphore(%arg18 : memref<!tpu.dma_semaphore, #tpu.memory_space<semaphore_mem>>) src(%dma_wait3A_120 : memref<80xi32, #tpu.memory_space<vmem>>) dst(%dma_wait3A_125 : memref<10240xi32, #tpu.memory_space<hbm>>)
    %dma_wait3A_126 = arith.constant 0 : i32
    %dma_wait3A_127 = arith.constant 0 : i32
    %dma_wait3A_128 = arith.constant 0 : i32
    %dma_wait3A_129 = tpu.memref_slice %arg17[%dma_wait3A_126, %dma_wait3A_128] : memref<4x80xf32, #tpu.memory_space<vmem>> -> memref<1x80xf32, #tpu.memory_space<vmem>>
    %dma_wait3A_130 = tpu.memref_squeeze %dma_wait3A_129 : memref<1x80xf32, #tpu.memory_space<vmem>> -> memref<80xf32, #tpu.memory_space<vmem>>
    %dma_wait3A_131 = arith.constant 0 : i32
    %dma_wait3A_132 = tpu.memref_slice %arg15[%dma_wait3A_127, %dma_wait3A_131] : memref<4x80xi32, #tpu.memory_space<vmem>> -> memref<1x80xi32, #tpu.memory_space<vmem>>
    %dma_wait3A_133 = tpu.memref_squeeze %dma_wait3A_132 : memref<1x80xi32, #tpu.memory_space<vmem>> -> memref<80xi32, #tpu.memory_space<vmem>>
    %dma_wait3A_134 = arith.constant 0 : i32
    %dma_wait3A_135 = tpu.memref_slice %arg12[%dma_wait3A_134] : memref<10240xf32, #tpu.memory_space<hbm>> -> memref<10240xf32, #tpu.memory_space<hbm>>
    tpu.wait_indirect_dma semaphore(%arg19 : memref<!tpu.dma_semaphore, #tpu.memory_space<semaphore_mem>>) src(%dma_wait3A_130 : memref<80xf32, #tpu.memory_space<vmem>>) dst(%dma_wait3A_135 : memref<10240xf32, #tpu.memory_space<hbm>>)
    %dma_wait3A_136 = arith.constant 1 : i32
    %dma_wait3A_137 = arith.constant 1 : i32
    %dma_wait3A_138 = arith.constant 0 : i32
    %dma_wait3A_139 = tpu.memref_slice %arg16[%dma_wait3A_136, %dma_wait3A_138] : memref<4x80xi32, #tpu.memory_space<vmem>> -> memref<1x80xi32, #tpu.memory_space<vmem>>
    %dma_wait3A_140 = tpu.memref_squeeze %dma_wait3A_139 : memref<1x80xi32, #tpu.memory_space<vmem>> -> memref<80xi32, #tpu.memory_space<vmem>>
    %dma_wait3A_141 = arith.constant 0 : i32
    %dma_wait3A_142 = tpu.memref_slice %arg15[%dma_wait3A_137, %dma_wait3A_141] : memref<4x80xi32, #tpu.memory_space<vmem>> -> memref<1x80xi32, #tpu.memory_space<vmem>>
    %dma_wait3A_143 = tpu.memref_squeeze %dma_wait3A_142 : memref<1x80xi32, #tpu.memory_space<vmem>> -> memref<80xi32, #tpu.memory_space<vmem>>
    %dma_wait3A_144 = arith.constant 0 : i32
    %dma_wait3A_145 = tpu.memref_slice %arg9[%dma_wait3A_144] : memref<10240xi32, #tpu.memory_space<hbm>> -> memref<10240xi32, #tpu.memory_space<hbm>>
    tpu.wait_indirect_dma semaphore(%arg18 : memref<!tpu.dma_semaphore, #tpu.memory_space<semaphore_mem>>) src(%dma_wait3A_140 : memref<80xi32, #tpu.memory_space<vmem>>) dst(%dma_wait3A_145 : memref<10240xi32, #tpu.memory_space<hbm>>)
    %dma_wait3A_146 = arith.constant 1 : i32
    %dma_wait3A_147 = arith.constant 1 : i32
    %dma_wait3A_148 = arith.constant 0 : i32
    %dma_wait3A_149 = tpu.memref_slice %arg17[%dma_wait3A_146, %dma_wait3A_148] : memref<4x80xf32, #tpu.memory_space<vmem>> -> memref<1x80xf32, #tpu.memory_space<vmem>>
    %dma_wait3A_150 = tpu.memref_squeeze %dma_wait3A_149 : memref<1x80xf32, #tpu.memory_space<vmem>> -> memref<80xf32, #tpu.memory_space<vmem>>
    %dma_wait3A_151 = arith.constant 0 : i32
    %dma_wait3A_152 = tpu.memref_slice %arg15[%dma_wait3A_147, %dma_wait3A_151] : memref<4x80xi32, #tpu.memory_space<vmem>> -> memref<1x80xi32, #tpu.memory_space<vmem>>
    %dma_wait3A_153 = tpu.memref_squeeze %dma_wait3A_152 : memref<1x80xi32, #tpu.memory_space<vmem>> -> memref<80xi32, #tpu.memory_space<vmem>>
    %dma_wait3A_154 = arith.constant 0 : i32
    %dma_wait3A_155 = tpu.memref_slice %arg12[%dma_wait3A_154] : memref<10240xf32, #tpu.memory_space<hbm>> -> memref<10240xf32, #tpu.memory_space<hbm>>
    tpu.wait_indirect_dma semaphore(%arg19 : memref<!tpu.dma_semaphore, #tpu.memory_space<semaphore_mem>>) src(%dma_wait3A_150 : memref<80xf32, #tpu.memory_space<vmem>>) dst(%dma_wait3A_155 : memref<10240xf32, #tpu.memory_space<hbm>>)
    %dma_wait3A_156 = arith.constant 2 : i32
    %dma_wait3A_157 = arith.constant 2 : i32
    %dma_wait3A_158 = arith.constant 0 : i32
    %dma_wait3A_159 = tpu.memref_slice %arg16[%dma_wait3A_156, %dma_wait3A_158] : memref<4x80xi32, #tpu.memory_space<vmem>> -> memref<1x80xi32, #tpu.memory_space<vmem>>
    %dma_wait3A_160 = tpu.memref_squeeze %dma_wait3A_159 : memref<1x80xi32, #tpu.memory_space<vmem>> -> memref<80xi32, #tpu.memory_space<vmem>>
    %dma_wait3A_161 = arith.constant 0 : i32
    %dma_wait3A_162 = tpu.memref_slice %arg15[%dma_wait3A_157, %dma_wait3A_161] : memref<4x80xi32, #tpu.memory_space<vmem>> -> memref<1x80xi32, #tpu.memory_space<vmem>>
    %dma_wait3A_163 = tpu.memref_squeeze %dma_wait3A_162 : memref<1x80xi32, #tpu.memory_space<vmem>> -> memref<80xi32, #tpu.memory_space<vmem>>
    %dma_wait3A_164 = arith.constant 0 : i32
    %dma_wait3A_165 = tpu.memref_slice %arg9[%dma_wait3A_164] : memref<10240xi32, #tpu.memory_space<hbm>> -> memref<10240xi32, #tpu.memory_space<hbm>>
    tpu.wait_indirect_dma semaphore(%arg18 : memref<!tpu.dma_semaphore, #tpu.memory_space<semaphore_mem>>) src(%dma_wait3A_160 : memref<80xi32, #tpu.memory_space<vmem>>) dst(%dma_wait3A_165 : memref<10240xi32, #tpu.memory_space<hbm>>)
    %dma_wait3A_166 = arith.constant 2 : i32
    %dma_wait3A_167 = arith.constant 2 : i32
    %dma_wait3A_168 = arith.constant 0 : i32
    %dma_wait3A_169 = tpu.memref_slice %arg17[%dma_wait3A_166, %dma_wait3A_168] : memref<4x80xf32, #tpu.memory_space<vmem>> -> memref<1x80xf32, #tpu.memory_space<vmem>>
    %dma_wait3A_170 = tpu.memref_squeeze %dma_wait3A_169 : memref<1x80xf32, #tpu.memory_space<vmem>> -> memref<80xf32, #tpu.memory_space<vmem>>
    %dma_wait3A_171 = arith.constant 0 : i32
    %dma_wait3A_172 = tpu.memref_slice %arg15[%dma_wait3A_167, %dma_wait3A_171] : memref<4x80xi32, #tpu.memory_space<vmem>> -> memref<1x80xi32, #tpu.memory_space<vmem>>
    %dma_wait3A_173 = tpu.memref_squeeze %dma_wait3A_172 : memref<1x80xi32, #tpu.memory_space<vmem>> -> memref<80xi32, #tpu.memory_space<vmem>>
    %dma_wait3A_174 = arith.constant 0 : i32
    %dma_wait3A_175 = tpu.memref_slice %arg12[%dma_wait3A_174] : memref<10240xf32, #tpu.memory_space<hbm>> -> memref<10240xf32, #tpu.memory_space<hbm>>
    tpu.wait_indirect_dma semaphore(%arg19 : memref<!tpu.dma_semaphore, #tpu.memory_space<semaphore_mem>>) src(%dma_wait3A_170 : memref<80xf32, #tpu.memory_space<vmem>>) dst(%dma_wait3A_175 : memref<10240xf32, #tpu.memory_space<hbm>>)
    %dma_wait3A_176 = arith.constant 3 : i32
    %dma_wait3A_177 = arith.constant 3 : i32
    %dma_wait3A_178 = arith.constant 0 : i32
    %dma_wait3A_179 = tpu.memref_slice %arg16[%dma_wait3A_176, %dma_wait3A_178] : memref<4x80xi32, #tpu.memory_space<vmem>> -> memref<1x80xi32, #tpu.memory_space<vmem>>
    %dma_wait3A_180 = tpu.memref_squeeze %dma_wait3A_179 : memref<1x80xi32, #tpu.memory_space<vmem>> -> memref<80xi32, #tpu.memory_space<vmem>>
    %dma_wait3A_181 = arith.constant 0 : i32
    %dma_wait3A_182 = tpu.memref_slice %arg15[%dma_wait3A_177, %dma_wait3A_181] : memref<4x80xi32, #tpu.memory_space<vmem>> -> memref<1x80xi32, #tpu.memory_space<vmem>>
    %dma_wait3A_183 = tpu.memref_squeeze %dma_wait3A_182 : memref<1x80xi32, #tpu.memory_space<vmem>> -> memref<80xi32, #tpu.memory_space<vmem>>
    %dma_wait3A_184 = arith.constant 0 : i32
    %dma_wait3A_185 = tpu.memref_slice %arg9[%dma_wait3A_184] : memref<10240xi32, #tpu.memory_space<hbm>> -> memref<10240xi32, #tpu.memory_space<hbm>>
    tpu.wait_indirect_dma semaphore(%arg18 : memref<!tpu.dma_semaphore, #tpu.memory_space<semaphore_mem>>) src(%dma_wait3A_180 : memref<80xi32, #tpu.memory_space<vmem>>) dst(%dma_wait3A_185 : memref<10240xi32, #tpu.memory_space<hbm>>)
    %dma_wait3A_186 = arith.constant 3 : i32
    %dma_wait3A_187 = arith.constant 3 : i32
    %dma_wait3A_188 = arith.constant 0 : i32
    %dma_wait3A_189 = tpu.memref_slice %arg17[%dma_wait3A_186, %dma_wait3A_188] : memref<4x80xf32, #tpu.memory_space<vmem>> -> memref<1x80xf32, #tpu.memory_space<vmem>>
    %dma_wait3A_190 = tpu.memref_squeeze %dma_wait3A_189 : memref<1x80xf32, #tpu.memory_space<vmem>> -> memref<80xf32, #tpu.memory_space<vmem>>
    %dma_wait3A_191 = arith.constant 0 : i32
    %dma_wait3A_192 = tpu.memref_slice %arg15[%dma_wait3A_187, %dma_wait3A_191] : memref<4x80xi32, #tpu.memory_space<vmem>> -> memref<1x80xi32, #tpu.memory_space<vmem>>
    %dma_wait3A_193 = tpu.memref_squeeze %dma_wait3A_192 : memref<1x80xi32, #tpu.memory_space<vmem>> -> memref<80xi32, #tpu.memory_space<vmem>>
    %dma_wait3A_194 = arith.constant 0 : i32
    %dma_wait3A_195 = tpu.memref_slice %arg12[%dma_wait3A_194] : memref<10240xf32, #tpu.memory_space<hbm>> -> memref<10240xf32, #tpu.memory_space<hbm>>
    tpu.wait_indirect_dma semaphore(%arg19 : memref<!tpu.dma_semaphore, #tpu.memory_space<semaphore_mem>>) src(%dma_wait3A_190 : memref<80xf32, #tpu.memory_space<vmem>>) dst(%dma_wait3A_195 : memref<10240xf32, #tpu.memory_space<hbm>>)
    %add3A_196 = arith.constant 0 : i32
    %add3A_197 = arith.addi %mul3A_2, %add3A_196 : i32
    %run_scoped3A_198 = arith.constant 0 : i32
    "tpu.region"() ({
      %run_scoped3A_564 = tpu.sem_alloc : memref<!tpu.dma_semaphore, #tpu.memory_space<semaphore_mem>>
      %dma_start3A_565 = arith.constant 0 : i32
      %dma_start3A_566 = tpu.memref_slice %arg15[%run_scoped3A_198, %dma_start3A_565] : memref<4x80xi32, #tpu.memory_space<vmem>> -> memref<1x80xi32, #tpu.memory_space<vmem>>
      %dma_start3A_567 = tpu.memref_squeeze %dma_start3A_566 : memref<1x80xi32, #tpu.memory_space<vmem>> -> memref<80xi32, #tpu.memory_space<vmem>>
      %dma_start3A_568 = tpu.memref_slice %arg3[%add3A_197] : memref<10240xi32, #tpu.memory_space<hbm>> -> memref<80xi32, #tpu.memory_space<hbm>>
      %dma_start3A_569 = arith.constant 0 : i32
      %dma_start3A_570 = tpu.memref_slice %arg15[%run_scoped3A_198, %dma_start3A_569] : memref<4x80xi32, #tpu.memory_space<vmem>> -> memref<1x80xi32, #tpu.memory_space<vmem>>
      %dma_start3A_571 = tpu.memref_squeeze %dma_start3A_570 : memref<1x80xi32, #tpu.memory_space<vmem>> -> memref<80xi32, #tpu.memory_space<vmem>>
      %dma_start3A_572 = tpu.memref_slice %arg3[%add3A_197] : memref<10240xi32, #tpu.memory_space<hbm>> -> memref<80xi32, #tpu.memory_space<hbm>>
      tpu.enqueue_dma source(%dma_start3A_572 : memref<80xi32, #tpu.memory_space<hbm>>) target(%dma_start3A_571 : memref<80xi32, #tpu.memory_space<vmem>>) target_semaphore(%run_scoped3A_564 : memref<!tpu.dma_semaphore, #tpu.memory_space<semaphore_mem>>)
      %dma_wait3A_573 = arith.constant 0 : i32
      %dma_wait3A_574 = tpu.memref_slice %arg15[%run_scoped3A_198, %dma_wait3A_573] : memref<4x80xi32, #tpu.memory_space<vmem>> -> memref<1x80xi32, #tpu.memory_space<vmem>>
      %dma_wait3A_575 = tpu.memref_squeeze %dma_wait3A_574 : memref<1x80xi32, #tpu.memory_space<vmem>> -> memref<80xi32, #tpu.memory_space<vmem>>
      %dma_wait3A_576 = tpu.memref_slice %arg3[%add3A_197] : memref<10240xi32, #tpu.memory_space<hbm>> -> memref<80xi32, #tpu.memory_space<hbm>>
      %dma_wait3A_577 = arith.constant 0 : i32
      %dma_wait3A_578 = tpu.memref_slice %arg15[%run_scoped3A_198, %dma_wait3A_577] : memref<4x80xi32, #tpu.memory_space<vmem>> -> memref<1x80xi32, #tpu.memory_space<vmem>>
      %dma_wait3A_579 = tpu.memref_squeeze %dma_wait3A_578 : memref<1x80xi32, #tpu.memory_space<vmem>> -> memref<80xi32, #tpu.memory_space<vmem>>
      %dma_wait3A_580 = tpu.memref_slice %arg3[%add3A_197] : memref<10240xi32, #tpu.memory_space<hbm>> -> memref<80xi32, #tpu.memory_space<hbm>>
      tpu.wait_dma2 semaphore(%run_scoped3A_564 : memref<!tpu.dma_semaphore, #tpu.memory_space<semaphore_mem>>) src(%dma_wait3A_580 : memref<80xi32, #tpu.memory_space<hbm>>) dst(%dma_wait3A_579 : memref<80xi32, #tpu.memory_space<vmem>>)
      tpu.yield
    }) : () -> ()
    %add3A_199 = arith.constant 0 : i32
    %add3A_200 = arith.addi %mul3A_2, %add3A_199 : i32
    %run_scoped3A_201 = arith.constant 0 : i32
    "tpu.region"() ({
      %run_scoped3A_564 = tpu.sem_alloc : memref<!tpu.dma_semaphore, #tpu.memory_space<semaphore_mem>>
      %dma_start3A_565 = arith.constant 0 : i32
      %dma_start3A_566 = tpu.memref_slice %arg17[%run_scoped3A_201, %dma_start3A_565] : memref<4x80xf32, #tpu.memory_space<vmem>> -> memref<1x80xf32, #tpu.memory_space<vmem>>
      %dma_start3A_567 = tpu.memref_squeeze %dma_start3A_566 : memref<1x80xf32, #tpu.memory_space<vmem>> -> memref<80xf32, #tpu.memory_space<vmem>>
      %dma_start3A_568 = tpu.memref_slice %arg6[%add3A_200] : memref<10240xf32, #tpu.memory_space<hbm>> -> memref<80xf32, #tpu.memory_space<hbm>>
      %dma_start3A_569 = arith.constant 0 : i32
      %dma_start3A_570 = tpu.memref_slice %arg17[%run_scoped3A_201, %dma_start3A_569] : memref<4x80xf32, #tpu.memory_space<vmem>> -> memref<1x80xf32, #tpu.memory_space<vmem>>
      %dma_start3A_571 = tpu.memref_squeeze %dma_start3A_570 : memref<1x80xf32, #tpu.memory_space<vmem>> -> memref<80xf32, #tpu.memory_space<vmem>>
      %dma_start3A_572 = tpu.memref_slice %arg6[%add3A_200] : memref<10240xf32, #tpu.memory_space<hbm>> -> memref<80xf32, #tpu.memory_space<hbm>>
      tpu.enqueue_dma source(%dma_start3A_572 : memref<80xf32, #tpu.memory_space<hbm>>) target(%dma_start3A_571 : memref<80xf32, #tpu.memory_space<vmem>>) target_semaphore(%run_scoped3A_564 : memref<!tpu.dma_semaphore, #tpu.memory_space<semaphore_mem>>)
      %dma_wait3A_573 = arith.constant 0 : i32
      %dma_wait3A_574 = tpu.memref_slice %arg17[%run_scoped3A_201, %dma_wait3A_573] : memref<4x80xf32, #tpu.memory_space<vmem>> -> memref<1x80xf32, #tpu.memory_space<vmem>>
      %dma_wait3A_575 = tpu.memref_squeeze %dma_wait3A_574 : memref<1x80xf32, #tpu.memory_space<vmem>> -> memref<80xf32, #tpu.memory_space<vmem>>
      %dma_wait3A_576 = tpu.memref_slice %arg6[%add3A_200] : memref<10240xf32, #tpu.memory_space<hbm>> -> memref<80xf32, #tpu.memory_space<hbm>>
      %dma_wait3A_577 = arith.constant 0 : i32
      %dma_wait3A_578 = tpu.memref_slice %arg17[%run_scoped3A_201, %dma_wait3A_577] : memref<4x80xf32, #tpu.memory_space<vmem>> -> memref<1x80xf32, #tpu.memory_space<vmem>>
      %dma_wait3A_579 = tpu.memref_squeeze %dma_wait3A_578 : memref<1x80xf32, #tpu.memory_space<vmem>> -> memref<80xf32, #tpu.memory_space<vmem>>
      %dma_wait3A_580 = tpu.memref_slice %arg6[%add3A_200] : memref<10240xf32, #tpu.memory_space<hbm>> -> memref<80xf32, #tpu.memory_space<hbm>>
      tpu.wait_dma2 semaphore(%run_scoped3A_564 : memref<!tpu.dma_semaphore, #tpu.memory_space<semaphore_mem>>) src(%dma_wait3A_580 : memref<80xf32, #tpu.memory_space<hbm>>) dst(%dma_wait3A_579 : memref<80xf32, #tpu.memory_space<vmem>>)
      tpu.yield
    }) : () -> ()
    %add3A_202 = arith.constant 80 : i32
    %add3A_203 = arith.addi %mul3A_2, %add3A_202 : i32
    %run_scoped3A_204 = arith.constant 1 : i32
    "tpu.region"() ({
      %run_scoped3A_564 = tpu.sem_alloc : memref<!tpu.dma_semaphore, #tpu.memory_space<semaphore_mem>>
      %dma_start3A_565 = arith.constant 0 : i32
      %dma_start3A_566 = tpu.memref_slice %arg15[%run_scoped3A_204, %dma_start3A_565] : memref<4x80xi32, #tpu.memory_space<vmem>> -> memref<1x80xi32, #tpu.memory_space<vmem>>
      %dma_start3A_567 = tpu.memref_squeeze %dma_start3A_566 : memref<1x80xi32, #tpu.memory_space<vmem>> -> memref<80xi32, #tpu.memory_space<vmem>>
      %dma_start3A_568 = tpu.memref_slice %arg3[%add3A_203] : memref<10240xi32, #tpu.memory_space<hbm>> -> memref<80xi32, #tpu.memory_space<hbm>>
      %dma_start3A_569 = arith.constant 0 : i32
      %dma_start3A_570 = tpu.memref_slice %arg15[%run_scoped3A_204, %dma_start3A_569] : memref<4x80xi32, #tpu.memory_space<vmem>> -> memref<1x80xi32, #tpu.memory_space<vmem>>
      %dma_start3A_571 = tpu.memref_squeeze %dma_start3A_570 : memref<1x80xi32, #tpu.memory_space<vmem>> -> memref<80xi32, #tpu.memory_space<vmem>>
      %dma_start3A_572 = tpu.memref_slice %arg3[%add3A_203] : memref<10240xi32, #tpu.memory_space<hbm>> -> memref<80xi32, #tpu.memory_space<hbm>>
      tpu.enqueue_dma source(%dma_start3A_572 : memref<80xi32, #tpu.memory_space<hbm>>) target(%dma_start3A_571 : memref<80xi32, #tpu.memory_space<vmem>>) target_semaphore(%run_scoped3A_564 : memref<!tpu.dma_semaphore, #tpu.memory_space<semaphore_mem>>)
      %dma_wait3A_573 = arith.constant 0 : i32
      %dma_wait3A_574 = tpu.memref_slice %arg15[%run_scoped3A_204, %dma_wait3A_573] : memref<4x80xi32, #tpu.memory_space<vmem>> -> memref<1x80xi32, #tpu.memory_space<vmem>>
      %dma_wait3A_575 = tpu.memref_squeeze %dma_wait3A_574 : memref<1x80xi32, #tpu.memory_space<vmem>> -> memref<80xi32, #tpu.memory_space<vmem>>
      %dma_wait3A_576 = tpu.memref_slice %arg3[%add3A_203] : memref<10240xi32, #tpu.memory_space<hbm>> -> memref<80xi32, #tpu.memory_space<hbm>>
      %dma_wait3A_577 = arith.constant 0 : i32
      %dma_wait3A_578 = tpu.memref_slice %arg15[%run_scoped3A_204, %dma_wait3A_577] : memref<4x80xi32, #tpu.memory_space<vmem>> -> memref<1x80xi32, #tpu.memory_space<vmem>>
      %dma_wait3A_579 = tpu.memref_squeeze %dma_wait3A_578 : memref<1x80xi32, #tpu.memory_space<vmem>> -> memref<80xi32, #tpu.memory_space<vmem>>
      %dma_wait3A_580 = tpu.memref_slice %arg3[%add3A_203] : memref<10240xi32, #tpu.memory_space<hbm>> -> memref<80xi32, #tpu.memory_space<hbm>>
      tpu.wait_dma2 semaphore(%run_scoped3A_564 : memref<!tpu.dma_semaphore, #tpu.memory_space<semaphore_mem>>) src(%dma_wait3A_580 : memref<80xi32, #tpu.memory_space<hbm>>) dst(%dma_wait3A_579 : memref<80xi32, #tpu.memory_space<vmem>>)
      tpu.yield
    }) : () -> ()
    %add3A_205 = arith.constant 80 : i32
    %add3A_206 = arith.addi %mul3A_2, %add3A_205 : i32
    %run_scoped3A_207 = arith.constant 1 : i32
    "tpu.region"() ({
      %run_scoped3A_564 = tpu.sem_alloc : memref<!tpu.dma_semaphore, #tpu.memory_space<semaphore_mem>>
      %dma_start3A_565 = arith.constant 0 : i32
      %dma_start3A_566 = tpu.memref_slice %arg17[%run_scoped3A_207, %dma_start3A_565] : memref<4x80xf32, #tpu.memory_space<vmem>> -> memref<1x80xf32, #tpu.memory_space<vmem>>
      %dma_start3A_567 = tpu.memref_squeeze %dma_start3A_566 : memref<1x80xf32, #tpu.memory_space<vmem>> -> memref<80xf32, #tpu.memory_space<vmem>>
      %dma_start3A_568 = tpu.memref_slice %arg6[%add3A_206] : memref<10240xf32, #tpu.memory_space<hbm>> -> memref<80xf32, #tpu.memory_space<hbm>>
      %dma_start3A_569 = arith.constant 0 : i32
      %dma_start3A_570 = tpu.memref_slice %arg17[%run_scoped3A_207, %dma_start3A_569] : memref<4x80xf32, #tpu.memory_space<vmem>> -> memref<1x80xf32, #tpu.memory_space<vmem>>
      %dma_start3A_571 = tpu.memref_squeeze %dma_start3A_570 : memref<1x80xf32, #tpu.memory_space<vmem>> -> memref<80xf32, #tpu.memory_space<vmem>>
      %dma_start3A_572 = tpu.memref_slice %arg6[%add3A_206] : memref<10240xf32, #tpu.memory_space<hbm>> -> memref<80xf32, #tpu.memory_space<hbm>>
      tpu.enqueue_dma source(%dma_start3A_572 : memref<80xf32, #tpu.memory_space<hbm>>) target(%dma_start3A_571 : memref<80xf32, #tpu.memory_space<vmem>>) target_semaphore(%run_scoped3A_564 : memref<!tpu.dma_semaphore, #tpu.memory_space<semaphore_mem>>)
      %dma_wait3A_573 = arith.constant 0 : i32
      %dma_wait3A_574 = tpu.memref_slice %arg17[%run_scoped3A_207, %dma_wait3A_573] : memref<4x80xf32, #tpu.memory_space<vmem>> -> memref<1x80xf32, #tpu.memory_space<vmem>>
      %dma_wait3A_575 = tpu.memref_squeeze %dma_wait3A_574 : memref<1x80xf32, #tpu.memory_space<vmem>> -> memref<80xf32, #tpu.memory_space<vmem>>
      %dma_wait3A_576 = tpu.memref_slice %arg6[%add3A_206] : memref<10240xf32, #tpu.memory_space<hbm>> -> memref<80xf32, #tpu.memory_space<hbm>>
      %dma_wait3A_577 = arith.constant 0 : i32
      %dma_wait3A_578 = tpu.memref_slice %arg17[%run_scoped3A_207, %dma_wait3A_577] : memref<4x80xf32, #tpu.memory_space<vmem>> -> memref<1x80xf32, #tpu.memory_space<vmem>>
      %dma_wait3A_579 = tpu.memref_squeeze %dma_wait3A_578 : memref<1x80xf32, #tpu.memory_space<vmem>> -> memref<80xf32, #tpu.memory_space<vmem>>
      %dma_wait3A_580 = tpu.memref_slice %arg6[%add3A_206] : memref<10240xf32, #tpu.memory_space<hbm>> -> memref<80xf32, #tpu.memory_space<hbm>>
      tpu.wait_dma2 semaphore(%run_scoped3A_564 : memref<!tpu.dma_semaphore, #tpu.memory_space<semaphore_mem>>) src(%dma_wait3A_580 : memref<80xf32, #tpu.memory_space<hbm>>) dst(%dma_wait3A_579 : memref<80xf32, #tpu.memory_space<vmem>>)
      tpu.yield
    }) : () -> ()
    %add3A_208 = arith.constant 160 : i32
    %add3A_209 = arith.addi %mul3A_2, %add3A_208 : i32
    %run_scoped3A_210 = arith.constant 2 : i32
    "tpu.region"() ({
      %run_scoped3A_564 = tpu.sem_alloc : memref<!tpu.dma_semaphore, #tpu.memory_space<semaphore_mem>>
      %dma_start3A_565 = arith.constant 0 : i32
      %dma_start3A_566 = tpu.memref_slice %arg15[%run_scoped3A_210, %dma_start3A_565] : memref<4x80xi32, #tpu.memory_space<vmem>> -> memref<1x80xi32, #tpu.memory_space<vmem>>
      %dma_start3A_567 = tpu.memref_squeeze %dma_start3A_566 : memref<1x80xi32, #tpu.memory_space<vmem>> -> memref<80xi32, #tpu.memory_space<vmem>>
      %dma_start3A_568 = tpu.memref_slice %arg3[%add3A_209] : memref<10240xi32, #tpu.memory_space<hbm>> -> memref<80xi32, #tpu.memory_space<hbm>>
      %dma_start3A_569 = arith.constant 0 : i32
      %dma_start3A_570 = tpu.memref_slice %arg15[%run_scoped3A_210, %dma_start3A_569] : memref<4x80xi32, #tpu.memory_space<vmem>> -> memref<1x80xi32, #tpu.memory_space<vmem>>
      %dma_start3A_571 = tpu.memref_squeeze %dma_start3A_570 : memref<1x80xi32, #tpu.memory_space<vmem>> -> memref<80xi32, #tpu.memory_space<vmem>>
      %dma_start3A_572 = tpu.memref_slice %arg3[%add3A_209] : memref<10240xi32, #tpu.memory_space<hbm>> -> memref<80xi32, #tpu.memory_space<hbm>>
      tpu.enqueue_dma source(%dma_start3A_572 : memref<80xi32, #tpu.memory_space<hbm>>) target(%dma_start3A_571 : memref<80xi32, #tpu.memory_space<vmem>>) target_semaphore(%run_scoped3A_564 : memref<!tpu.dma_semaphore, #tpu.memory_space<semaphore_mem>>)
      %dma_wait3A_573 = arith.constant 0 : i32
      %dma_wait3A_574 = tpu.memref_slice %arg15[%run_scoped3A_210, %dma_wait3A_573] : memref<4x80xi32, #tpu.memory_space<vmem>> -> memref<1x80xi32, #tpu.memory_space<vmem>>
      %dma_wait3A_575 = tpu.memref_squeeze %dma_wait3A_574 : memref<1x80xi32, #tpu.memory_space<vmem>> -> memref<80xi32, #tpu.memory_space<vmem>>
      %dma_wait3A_576 = tpu.memref_slice %arg3[%add3A_209] : memref<10240xi32, #tpu.memory_space<hbm>> -> memref<80xi32, #tpu.memory_space<hbm>>
      %dma_wait3A_577 = arith.constant 0 : i32
      %dma_wait3A_578 = tpu.memref_slice %arg15[%run_scoped3A_210, %dma_wait3A_577] : memref<4x80xi32, #tpu.memory_space<vmem>> -> memref<1x80xi32, #tpu.memory_space<vmem>>
      %dma_wait3A_579 = tpu.memref_squeeze %dma_wait3A_578 : memref<1x80xi32, #tpu.memory_space<vmem>> -> memref<80xi32, #tpu.memory_space<vmem>>
      %dma_wait3A_580 = tpu.memref_slice %arg3[%add3A_209] : memref<10240xi32, #tpu.memory_space<hbm>> -> memref<80xi32, #tpu.memory_space<hbm>>
      tpu.wait_dma2 semaphore(%run_scoped3A_564 : memref<!tpu.dma_semaphore, #tpu.memory_space<semaphore_mem>>) src(%dma_wait3A_580 : memref<80xi32, #tpu.memory_space<hbm>>) dst(%dma_wait3A_579 : memref<80xi32, #tpu.memory_space<vmem>>)
      tpu.yield
    }) : () -> ()
    %add3A_211 = arith.constant 160 : i32
    %add3A_212 = arith.addi %mul3A_2, %add3A_211 : i32
    %run_scoped3A_213 = arith.constant 2 : i32
    "tpu.region"() ({
      %run_scoped3A_564 = tpu.sem_alloc : memref<!tpu.dma_semaphore, #tpu.memory_space<semaphore_mem>>
      %dma_start3A_565 = arith.constant 0 : i32
      %dma_start3A_566 = tpu.memref_slice %arg17[%run_scoped3A_213, %dma_start3A_565] : memref<4x80xf32, #tpu.memory_space<vmem>> -> memref<1x80xf32, #tpu.memory_space<vmem>>
      %dma_start3A_567 = tpu.memref_squeeze %dma_start3A_566 : memref<1x80xf32, #tpu.memory_space<vmem>> -> memref<80xf32, #tpu.memory_space<vmem>>
      %dma_start3A_568 = tpu.memref_slice %arg6[%add3A_212] : memref<10240xf32, #tpu.memory_space<hbm>> -> memref<80xf32, #tpu.memory_space<hbm>>
      %dma_start3A_569 = arith.constant 0 : i32
      %dma_start3A_570 = tpu.memref_slice %arg17[%run_scoped3A_213, %dma_start3A_569] : memref<4x80xf32, #tpu.memory_space<vmem>> -> memref<1x80xf32, #tpu.memory_space<vmem>>
      %dma_start3A_571 = tpu.memref_squeeze %dma_start3A_570 : memref<1x80xf32, #tpu.memory_space<vmem>> -> memref<80xf32, #tpu.memory_space<vmem>>
      %dma_start3A_572 = tpu.memref_slice %arg6[%add3A_212] : memref<10240xf32, #tpu.memory_space<hbm>> -> memref<80xf32, #tpu.memory_space<hbm>>
      tpu.enqueue_dma source(%dma_start3A_572 : memref<80xf32, #tpu.memory_space<hbm>>) target(%dma_start3A_571 : memref<80xf32, #tpu.memory_space<vmem>>) target_semaphore(%run_scoped3A_564 : memref<!tpu.dma_semaphore, #tpu.memory_space<semaphore_mem>>)
      %dma_wait3A_573 = arith.constant 0 : i32
      %dma_wait3A_574 = tpu.memref_slice %arg17[%run_scoped3A_213, %dma_wait3A_573] : memref<4x80xf32, #tpu.memory_space<vmem>> -> memref<1x80xf32, #tpu.memory_space<vmem>>
      %dma_wait3A_575 = tpu.memref_squeeze %dma_wait3A_574 : memref<1x80xf32, #tpu.memory_space<vmem>> -> memref<80xf32, #tpu.memory_space<vmem>>
      %dma_wait3A_576 = tpu.memref_slice %arg6[%add3A_212] : memref<10240xf32, #tpu.memory_space<hbm>> -> memref<80xf32, #tpu.memory_space<hbm>>
      %dma_wait3A_577 = arith.constant 0 : i32
      %dma_wait3A_578 = tpu.memref_slice %arg17[%run_scoped3A_213, %dma_wait3A_577] : memref<4x80xf32, #tpu.memory_space<vmem>> -> memref<1x80xf32, #tpu.memory_space<vmem>>
      %dma_wait3A_579 = tpu.memref_squeeze %dma_wait3A_578 : memref<1x80xf32, #tpu.memory_space<vmem>> -> memref<80xf32, #tpu.memory_space<vmem>>
      %dma_wait3A_580 = tpu.memref_slice %arg6[%add3A_212] : memref<10240xf32, #tpu.memory_space<hbm>> -> memref<80xf32, #tpu.memory_space<hbm>>
      tpu.wait_dma2 semaphore(%run_scoped3A_564 : memref<!tpu.dma_semaphore, #tpu.memory_space<semaphore_mem>>) src(%dma_wait3A_580 : memref<80xf32, #tpu.memory_space<hbm>>) dst(%dma_wait3A_579 : memref<80xf32, #tpu.memory_space<vmem>>)
      tpu.yield
    }) : () -> ()
    %add3A_214 = arith.constant 240 : i32
    %add3A_215 = arith.addi %mul3A_2, %add3A_214 : i32
    %run_scoped3A_216 = arith.constant 3 : i32
    "tpu.region"() ({
      %run_scoped3A_564 = tpu.sem_alloc : memref<!tpu.dma_semaphore, #tpu.memory_space<semaphore_mem>>
      %dma_start3A_565 = arith.constant 0 : i32
      %dma_start3A_566 = tpu.memref_slice %arg15[%run_scoped3A_216, %dma_start3A_565] : memref<4x80xi32, #tpu.memory_space<vmem>> -> memref<1x80xi32, #tpu.memory_space<vmem>>
      %dma_start3A_567 = tpu.memref_squeeze %dma_start3A_566 : memref<1x80xi32, #tpu.memory_space<vmem>> -> memref<80xi32, #tpu.memory_space<vmem>>
      %dma_start3A_568 = tpu.memref_slice %arg3[%add3A_215] : memref<10240xi32, #tpu.memory_space<hbm>> -> memref<80xi32, #tpu.memory_space<hbm>>
      %dma_start3A_569 = arith.constant 0 : i32
      %dma_start3A_570 = tpu.memref_slice %arg15[%run_scoped3A_216, %dma_start3A_569] : memref<4x80xi32, #tpu.memory_space<vmem>> -> memref<1x80xi32, #tpu.memory_space<vmem>>
      %dma_start3A_571 = tpu.memref_squeeze %dma_start3A_570 : memref<1x80xi32, #tpu.memory_space<vmem>> -> memref<80xi32, #tpu.memory_space<vmem>>
      %dma_start3A_572 = tpu.memref_slice %arg3[%add3A_215] : memref<10240xi32, #tpu.memory_space<hbm>> -> memref<80xi32, #tpu.memory_space<hbm>>
      tpu.enqueue_dma source(%dma_start3A_572 : memref<80xi32, #tpu.memory_space<hbm>>) target(%dma_start3A_571 : memref<80xi32, #tpu.memory_space<vmem>>) target_semaphore(%run_scoped3A_564 : memref<!tpu.dma_semaphore, #tpu.memory_space<semaphore_mem>>)
      %dma_wait3A_573 = arith.constant 0 : i32
      %dma_wait3A_574 = tpu.memref_slice %arg15[%run_scoped3A_216, %dma_wait3A_573] : memref<4x80xi32, #tpu.memory_space<vmem>> -> memref<1x80xi32, #tpu.memory_space<vmem>>
      %dma_wait3A_575 = tpu.memref_squeeze %dma_wait3A_574 : memref<1x80xi32, #tpu.memory_space<vmem>> -> memref<80xi32, #tpu.memory_space<vmem>>
      %dma_wait3A_576 = tpu.memref_slice %arg3[%add3A_215] : memref<10240xi32, #tpu.memory_space<hbm>> -> memref<80xi32, #tpu.memory_space<hbm>>
      %dma_wait3A_577 = arith.constant 0 : i32
      %dma_wait3A_578 = tpu.memref_slice %arg15[%run_scoped3A_216, %dma_wait3A_577] : memref<4x80xi32, #tpu.memory_space<vmem>> -> memref<1x80xi32, #tpu.memory_space<vmem>>
      %dma_wait3A_579 = tpu.memref_squeeze %dma_wait3A_578 : memref<1x80xi32, #tpu.memory_space<vmem>> -> memref<80xi32, #tpu.memory_space<vmem>>
      %dma_wait3A_580 = tpu.memref_slice %arg3[%add3A_215] : memref<10240xi32, #tpu.memory_space<hbm>> -> memref<80xi32, #tpu.memory_space<hbm>>
      tpu.wait_dma2 semaphore(%run_scoped3A_564 : memref<!tpu.dma_semaphore, #tpu.memory_space<semaphore_mem>>) src(%dma_wait3A_580 : memref<80xi32, #tpu.memory_space<hbm>>) dst(%dma_wait3A_579 : memref<80xi32, #tpu.memory_space<vmem>>)
      tpu.yield
    }) : () -> ()
    %add3A_217 = arith.constant 240 : i32
    %add3A_218 = arith.addi %mul3A_2, %add3A_217 : i32
    %run_scoped3A_219 = arith.constant 3 : i32
    "tpu.region"() ({
      %run_scoped3A_564 = tpu.sem_alloc : memref<!tpu.dma_semaphore, #tpu.memory_space<semaphore_mem>>
      %dma_start3A_565 = arith.constant 0 : i32
      %dma_start3A_566 = tpu.memref_slice %arg17[%run_scoped3A_219, %dma_start3A_565] : memref<4x80xf32, #tpu.memory_space<vmem>> -> memref<1x80xf32, #tpu.memory_space<vmem>>
      %dma_start3A_567 = tpu.memref_squeeze %dma_start3A_566 : memref<1x80xf32, #tpu.memory_space<vmem>> -> memref<80xf32, #tpu.memory_space<vmem>>
      %dma_start3A_568 = tpu.memref_slice %arg6[%add3A_218] : memref<10240xf32, #tpu.memory_space<hbm>> -> memref<80xf32, #tpu.memory_space<hbm>>
      %dma_start3A_569 = arith.constant 0 : i32
      %dma_start3A_570 = tpu.memref_slice %arg17[%run_scoped3A_219, %dma_start3A_569] : memref<4x80xf32, #tpu.memory_space<vmem>> -> memref<1x80xf32, #tpu.memory_space<vmem>>
      %dma_start3A_571 = tpu.memref_squeeze %dma_start3A_570 : memref<1x80xf32, #tpu.memory_space<vmem>> -> memref<80xf32, #tpu.memory_space<vmem>>
      %dma_start3A_572 = tpu.memref_slice %arg6[%add3A_218] : memref<10240xf32, #tpu.memory_space<hbm>> -> memref<80xf32, #tpu.memory_space<hbm>>
      tpu.enqueue_dma source(%dma_start3A_572 : memref<80xf32, #tpu.memory_space<hbm>>) target(%dma_start3A_571 : memref<80xf32, #tpu.memory_space<vmem>>) target_semaphore(%run_scoped3A_564 : memref<!tpu.dma_semaphore, #tpu.memory_space<semaphore_mem>>)
      %dma_wait3A_573 = arith.constant 0 : i32
      %dma_wait3A_574 = tpu.memref_slice %arg17[%run_scoped3A_219, %dma_wait3A_573] : memref<4x80xf32, #tpu.memory_space<vmem>> -> memref<1x80xf32, #tpu.memory_space<vmem>>
      %dma_wait3A_575 = tpu.memref_squeeze %dma_wait3A_574 : memref<1x80xf32, #tpu.memory_space<vmem>> -> memref<80xf32, #tpu.memory_space<vmem>>
      %dma_wait3A_576 = tpu.memref_slice %arg6[%add3A_218] : memref<10240xf32, #tpu.memory_space<hbm>> -> memref<80xf32, #tpu.memory_space<hbm>>
      %dma_wait3A_577 = arith.constant 0 : i32
      %dma_wait3A_578 = tpu.memref_slice %arg17[%run_scoped3A_219, %dma_wait3A_577] : memref<4x80xf32, #tpu.memory_space<vmem>> -> memref<1x80xf32, #tpu.memory_space<vmem>>
      %dma_wait3A_579 = tpu.memref_squeeze %dma_wait3A_578 : memref<1x80xf32, #tpu.memory_space<vmem>> -> memref<80xf32, #tpu.memory_space<vmem>>
      %dma_wait3A_580 = tpu.memref_slice %arg6[%add3A_218] : memref<10240xf32, #tpu.memory_space<hbm>> -> memref<80xf32, #tpu.memory_space<hbm>>
      tpu.wait_dma2 semaphore(%run_scoped3A_564 : memref<!tpu.dma_semaphore, #tpu.memory_space<semaphore_mem>>) src(%dma_wait3A_580 : memref<80xf32, #tpu.memory_space<hbm>>) dst(%dma_wait3A_579 : memref<80xf32, #tpu.memory_space<vmem>>)
      tpu.yield
    }) : () -> ()
    %dma_start3A_220 = arith.constant 0 : i32
    %dma_start3A_221 = arith.constant 0 : i32
    %dma_start3A_222 = arith.constant 0 : i32
    %dma_start3A_223 = tpu.memref_slice %arg16[%dma_start3A_220, %dma_start3A_222] : memref<4x80xi32, #tpu.memory_space<vmem>> -> memref<1x80xi32, #tpu.memory_space<vmem>>
    %dma_start3A_224 = tpu.memref_squeeze %dma_start3A_223 : memref<1x80xi32, #tpu.memory_space<vmem>> -> memref<80xi32, #tpu.memory_space<vmem>>
    %dma_start3A_225 = arith.constant 0 : i32
    %dma_start3A_226 = tpu.memref_slice %arg15[%dma_start3A_221, %dma_start3A_225] : memref<4x80xi32, #tpu.memory_space<vmem>> -> memref<1x80xi32, #tpu.memory_space<vmem>>
    %dma_start3A_227 = tpu.memref_squeeze %dma_start3A_226 : memref<1x80xi32, #tpu.memory_space<vmem>> -> memref<80xi32, #tpu.memory_space<vmem>>
    %dma_start3A_228 = arith.constant 0 : i32
    %dma_start3A_229 = tpu.memref_slice %arg10[%dma_start3A_228] : memref<10240xi32, #tpu.memory_space<hbm>> -> memref<10240xi32, #tpu.memory_space<hbm>>
    tpu.enqueue_indirect_dma source(%dma_start3A_224 : memref<80xi32, #tpu.memory_space<vmem>>) target(%dma_start3A_229 : memref<10240xi32, #tpu.memory_space<hbm>>) offsets(%dma_start3A_227 : memref<80xi32, #tpu.memory_space<vmem>>) semaphore(%arg18 : memref<!tpu.dma_semaphore, #tpu.memory_space<semaphore_mem>>)
    %dma_start3A_230 = arith.constant 0 : i32
    %dma_start3A_231 = arith.constant 0 : i32
    %dma_start3A_232 = arith.constant 0 : i32
    %dma_start3A_233 = tpu.memref_slice %arg17[%dma_start3A_230, %dma_start3A_232] : memref<4x80xf32, #tpu.memory_space<vmem>> -> memref<1x80xf32, #tpu.memory_space<vmem>>
    %dma_start3A_234 = tpu.memref_squeeze %dma_start3A_233 : memref<1x80xf32, #tpu.memory_space<vmem>> -> memref<80xf32, #tpu.memory_space<vmem>>
    %dma_start3A_235 = arith.constant 0 : i32
    %dma_start3A_236 = tpu.memref_slice %arg15[%dma_start3A_231, %dma_start3A_235] : memref<4x80xi32, #tpu.memory_space<vmem>> -> memref<1x80xi32, #tpu.memory_space<vmem>>
    %dma_start3A_237 = tpu.memref_squeeze %dma_start3A_236 : memref<1x80xi32, #tpu.memory_space<vmem>> -> memref<80xi32, #tpu.memory_space<vmem>>
    %dma_start3A_238 = arith.constant 0 : i32
    %dma_start3A_239 = tpu.memref_slice %arg13[%dma_start3A_238] : memref<10240xf32, #tpu.memory_space<hbm>> -> memref<10240xf32, #tpu.memory_space<hbm>>
    tpu.enqueue_indirect_dma source(%dma_start3A_234 : memref<80xf32, #tpu.memory_space<vmem>>) target(%dma_start3A_239 : memref<10240xf32, #tpu.memory_space<hbm>>) offsets(%dma_start3A_237 : memref<80xi32, #tpu.memory_space<vmem>>) semaphore(%arg19 : memref<!tpu.dma_semaphore, #tpu.memory_space<semaphore_mem>>)
    %dma_start3A_240 = arith.constant 1 : i32
    %dma_start3A_241 = arith.constant 1 : i32
    %dma_start3A_242 = arith.constant 0 : i32
    %dma_start3A_243 = tpu.memref_slice %arg16[%dma_start3A_240, %dma_start3A_242] : memref<4x80xi32, #tpu.memory_space<vmem>> -> memref<1x80xi32, #tpu.memory_space<vmem>>
    %dma_start3A_244 = tpu.memref_squeeze %dma_start3A_243 : memref<1x80xi32, #tpu.memory_space<vmem>> -> memref<80xi32, #tpu.memory_space<vmem>>
    %dma_start3A_245 = arith.constant 0 : i32
    %dma_start3A_246 = tpu.memref_slice %arg15[%dma_start3A_241, %dma_start3A_245] : memref<4x80xi32, #tpu.memory_space<vmem>> -> memref<1x80xi32, #tpu.memory_space<vmem>>
    %dma_start3A_247 = tpu.memref_squeeze %dma_start3A_246 : memref<1x80xi32, #tpu.memory_space<vmem>> -> memref<80xi32, #tpu.memory_space<vmem>>
    %dma_start3A_248 = arith.constant 0 : i32
    %dma_start3A_249 = tpu.memref_slice %arg10[%dma_start3A_248] : memref<10240xi32, #tpu.memory_space<hbm>> -> memref<10240xi32, #tpu.memory_space<hbm>>
    tpu.enqueue_indirect_dma source(%dma_start3A_244 : memref<80xi32, #tpu.memory_space<vmem>>) target(%dma_start3A_249 : memref<10240xi32, #tpu.memory_space<hbm>>) offsets(%dma_start3A_247 : memref<80xi32, #tpu.memory_space<vmem>>) semaphore(%arg18 : memref<!tpu.dma_semaphore, #tpu.memory_space<semaphore_mem>>)
    %dma_start3A_250 = arith.constant 1 : i32
    %dma_start3A_251 = arith.constant 1 : i32
    %dma_start3A_252 = arith.constant 0 : i32
    %dma_start3A_253 = tpu.memref_slice %arg17[%dma_start3A_250, %dma_start3A_252] : memref<4x80xf32, #tpu.memory_space<vmem>> -> memref<1x80xf32, #tpu.memory_space<vmem>>
    %dma_start3A_254 = tpu.memref_squeeze %dma_start3A_253 : memref<1x80xf32, #tpu.memory_space<vmem>> -> memref<80xf32, #tpu.memory_space<vmem>>
    %dma_start3A_255 = arith.constant 0 : i32
    %dma_start3A_256 = tpu.memref_slice %arg15[%dma_start3A_251, %dma_start3A_255] : memref<4x80xi32, #tpu.memory_space<vmem>> -> memref<1x80xi32, #tpu.memory_space<vmem>>
    %dma_start3A_257 = tpu.memref_squeeze %dma_start3A_256 : memref<1x80xi32, #tpu.memory_space<vmem>> -> memref<80xi32, #tpu.memory_space<vmem>>
    %dma_start3A_258 = arith.constant 0 : i32
    %dma_start3A_259 = tpu.memref_slice %arg13[%dma_start3A_258] : memref<10240xf32, #tpu.memory_space<hbm>> -> memref<10240xf32, #tpu.memory_space<hbm>>
    tpu.enqueue_indirect_dma source(%dma_start3A_254 : memref<80xf32, #tpu.memory_space<vmem>>) target(%dma_start3A_259 : memref<10240xf32, #tpu.memory_space<hbm>>) offsets(%dma_start3A_257 : memref<80xi32, #tpu.memory_space<vmem>>) semaphore(%arg19 : memref<!tpu.dma_semaphore, #tpu.memory_space<semaphore_mem>>)
    %dma_start3A_260 = arith.constant 2 : i32
    %dma_start3A_261 = arith.constant 2 : i32
    %dma_start3A_262 = arith.constant 0 : i32
    %dma_start3A_263 = tpu.memref_slice %arg16[%dma_start3A_260, %dma_start3A_262] : memref<4x80xi32, #tpu.memory_space<vmem>> -> memref<1x80xi32, #tpu.memory_space<vmem>>
    %dma_start3A_264 = tpu.memref_squeeze %dma_start3A_263 : memref<1x80xi32, #tpu.memory_space<vmem>> -> memref<80xi32, #tpu.memory_space<vmem>>
    %dma_start3A_265 = arith.constant 0 : i32
    %dma_start3A_266 = tpu.memref_slice %arg15[%dma_start3A_261, %dma_start3A_265] : memref<4x80xi32, #tpu.memory_space<vmem>> -> memref<1x80xi32, #tpu.memory_space<vmem>>
    %dma_start3A_267 = tpu.memref_squeeze %dma_start3A_266 : memref<1x80xi32, #tpu.memory_space<vmem>> -> memref<80xi32, #tpu.memory_space<vmem>>
    %dma_start3A_268 = arith.constant 0 : i32
    %dma_start3A_269 = tpu.memref_slice %arg10[%dma_start3A_268] : memref<10240xi32, #tpu.memory_space<hbm>> -> memref<10240xi32, #tpu.memory_space<hbm>>
    tpu.enqueue_indirect_dma source(%dma_start3A_264 : memref<80xi32, #tpu.memory_space<vmem>>) target(%dma_start3A_269 : memref<10240xi32, #tpu.memory_space<hbm>>) offsets(%dma_start3A_267 : memref<80xi32, #tpu.memory_space<vmem>>) semaphore(%arg18 : memref<!tpu.dma_semaphore, #tpu.memory_space<semaphore_mem>>)
    %dma_start3A_270 = arith.constant 2 : i32
    %dma_start3A_271 = arith.constant 2 : i32
    %dma_start3A_272 = arith.constant 0 : i32
    %dma_start3A_273 = tpu.memref_slice %arg17[%dma_start3A_270, %dma_start3A_272] : memref<4x80xf32, #tpu.memory_space<vmem>> -> memref<1x80xf32, #tpu.memory_space<vmem>>
    %dma_start3A_274 = tpu.memref_squeeze %dma_start3A_273 : memref<1x80xf32, #tpu.memory_space<vmem>> -> memref<80xf32, #tpu.memory_space<vmem>>
    %dma_start3A_275 = arith.constant 0 : i32
    %dma_start3A_276 = tpu.memref_slice %arg15[%dma_start3A_271, %dma_start3A_275] : memref<4x80xi32, #tpu.memory_space<vmem>> -> memref<1x80xi32, #tpu.memory_space<vmem>>
    %dma_start3A_277 = tpu.memref_squeeze %dma_start3A_276 : memref<1x80xi32, #tpu.memory_space<vmem>> -> memref<80xi32, #tpu.memory_space<vmem>>
    %dma_start3A_278 = arith.constant 0 : i32
    %dma_start3A_279 = tpu.memref_slice %arg13[%dma_start3A_278] : memref<10240xf32, #tpu.memory_space<hbm>> -> memref<10240xf32, #tpu.memory_space<hbm>>
    tpu.enqueue_indirect_dma source(%dma_start3A_274 : memref<80xf32, #tpu.memory_space<vmem>>) target(%dma_start3A_279 : memref<10240xf32, #tpu.memory_space<hbm>>) offsets(%dma_start3A_277 : memref<80xi32, #tpu.memory_space<vmem>>) semaphore(%arg19 : memref<!tpu.dma_semaphore, #tpu.memory_space<semaphore_mem>>)
    %dma_start3A_280 = arith.constant 3 : i32
    %dma_start3A_281 = arith.constant 3 : i32
    %dma_start3A_282 = arith.constant 0 : i32
    %dma_start3A_283 = tpu.memref_slice %arg16[%dma_start3A_280, %dma_start3A_282] : memref<4x80xi32, #tpu.memory_space<vmem>> -> memref<1x80xi32, #tpu.memory_space<vmem>>
    %dma_start3A_284 = tpu.memref_squeeze %dma_start3A_283 : memref<1x80xi32, #tpu.memory_space<vmem>> -> memref<80xi32, #tpu.memory_space<vmem>>
    %dma_start3A_285 = arith.constant 0 : i32
    %dma_start3A_286 = tpu.memref_slice %arg15[%dma_start3A_281, %dma_start3A_285] : memref<4x80xi32, #tpu.memory_space<vmem>> -> memref<1x80xi32, #tpu.memory_space<vmem>>
    %dma_start3A_287 = tpu.memref_squeeze %dma_start3A_286 : memref<1x80xi32, #tpu.memory_space<vmem>> -> memref<80xi32, #tpu.memory_space<vmem>>
    %dma_start3A_288 = arith.constant 0 : i32
    %dma_start3A_289 = tpu.memref_slice %arg10[%dma_start3A_288] : memref<10240xi32, #tpu.memory_space<hbm>> -> memref<10240xi32, #tpu.memory_space<hbm>>
    tpu.enqueue_indirect_dma source(%dma_start3A_284 : memref<80xi32, #tpu.memory_space<vmem>>) target(%dma_start3A_289 : memref<10240xi32, #tpu.memory_space<hbm>>) offsets(%dma_start3A_287 : memref<80xi32, #tpu.memory_space<vmem>>) semaphore(%arg18 : memref<!tpu.dma_semaphore, #tpu.memory_space<semaphore_mem>>)
    %dma_start3A_290 = arith.constant 3 : i32
    %dma_start3A_291 = arith.constant 3 : i32
    %dma_start3A_292 = arith.constant 0 : i32
    %dma_start3A_293 = tpu.memref_slice %arg17[%dma_start3A_290, %dma_start3A_292] : memref<4x80xf32, #tpu.memory_space<vmem>> -> memref<1x80xf32, #tpu.memory_space<vmem>>
    %dma_start3A_294 = tpu.memref_squeeze %dma_start3A_293 : memref<1x80xf32, #tpu.memory_space<vmem>> -> memref<80xf32, #tpu.memory_space<vmem>>
    %dma_start3A_295 = arith.constant 0 : i32
    %dma_start3A_296 = tpu.memref_slice %arg15[%dma_start3A_291, %dma_start3A_295] : memref<4x80xi32, #tpu.memory_space<vmem>> -> memref<1x80xi32, #tpu.memory_space<vmem>>
    %dma_start3A_297 = tpu.memref_squeeze %dma_start3A_296 : memref<1x80xi32, #tpu.memory_space<vmem>> -> memref<80xi32, #tpu.memory_space<vmem>>
    %dma_start3A_298 = arith.constant 0 : i32
    %dma_start3A_299 = tpu.memref_slice %arg13[%dma_start3A_298] : memref<10240xf32, #tpu.memory_space<hbm>> -> memref<10240xf32, #tpu.memory_space<hbm>>
    tpu.enqueue_indirect_dma source(%dma_start3A_294 : memref<80xf32, #tpu.memory_space<vmem>>) target(%dma_start3A_299 : memref<10240xf32, #tpu.memory_space<hbm>>) offsets(%dma_start3A_297 : memref<80xi32, #tpu.memory_space<vmem>>) semaphore(%arg19 : memref<!tpu.dma_semaphore, #tpu.memory_space<semaphore_mem>>)
    %dma_wait3A_300 = arith.constant 0 : i32
    %dma_wait3A_301 = arith.constant 0 : i32
    %dma_wait3A_302 = arith.constant 0 : i32
    %dma_wait3A_303 = tpu.memref_slice %arg16[%dma_wait3A_300, %dma_wait3A_302] : memref<4x80xi32, #tpu.memory_space<vmem>> -> memref<1x80xi32, #tpu.memory_space<vmem>>
    %dma_wait3A_304 = tpu.memref_squeeze %dma_wait3A_303 : memref<1x80xi32, #tpu.memory_space<vmem>> -> memref<80xi32, #tpu.memory_space<vmem>>
    %dma_wait3A_305 = arith.constant 0 : i32
    %dma_wait3A_306 = tpu.memref_slice %arg15[%dma_wait3A_301, %dma_wait3A_305] : memref<4x80xi32, #tpu.memory_space<vmem>> -> memref<1x80xi32, #tpu.memory_space<vmem>>
    %dma_wait3A_307 = tpu.memref_squeeze %dma_wait3A_306 : memref<1x80xi32, #tpu.memory_space<vmem>> -> memref<80xi32, #tpu.memory_space<vmem>>
    %dma_wait3A_308 = arith.constant 0 : i32
    %dma_wait3A_309 = tpu.memref_slice %arg10[%dma_wait3A_308] : memref<10240xi32, #tpu.memory_space<hbm>> -> memref<10240xi32, #tpu.memory_space<hbm>>
    tpu.wait_indirect_dma semaphore(%arg18 : memref<!tpu.dma_semaphore, #tpu.memory_space<semaphore_mem>>) src(%dma_wait3A_304 : memref<80xi32, #tpu.memory_space<vmem>>) dst(%dma_wait3A_309 : memref<10240xi32, #tpu.memory_space<hbm>>)
    %dma_wait3A_310 = arith.constant 0 : i32
    %dma_wait3A_311 = arith.constant 0 : i32
    %dma_wait3A_312 = arith.constant 0 : i32
    %dma_wait3A_313 = tpu.memref_slice %arg17[%dma_wait3A_310, %dma_wait3A_312] : memref<4x80xf32, #tpu.memory_space<vmem>> -> memref<1x80xf32, #tpu.memory_space<vmem>>
    %dma_wait3A_314 = tpu.memref_squeeze %dma_wait3A_313 : memref<1x80xf32, #tpu.memory_space<vmem>> -> memref<80xf32, #tpu.memory_space<vmem>>
    %dma_wait3A_315 = arith.constant 0 : i32
    %dma_wait3A_316 = tpu.memref_slice %arg15[%dma_wait3A_311, %dma_wait3A_315] : memref<4x80xi32, #tpu.memory_space<vmem>> -> memref<1x80xi32, #tpu.memory_space<vmem>>
    %dma_wait3A_317 = tpu.memref_squeeze %dma_wait3A_316 : memref<1x80xi32, #tpu.memory_space<vmem>> -> memref<80xi32, #tpu.memory_space<vmem>>
    %dma_wait3A_318 = arith.constant 0 : i32
    %dma_wait3A_319 = tpu.memref_slice %arg13[%dma_wait3A_318] : memref<10240xf32, #tpu.memory_space<hbm>> -> memref<10240xf32, #tpu.memory_space<hbm>>
    tpu.wait_indirect_dma semaphore(%arg19 : memref<!tpu.dma_semaphore, #tpu.memory_space<semaphore_mem>>) src(%dma_wait3A_314 : memref<80xf32, #tpu.memory_space<vmem>>) dst(%dma_wait3A_319 : memref<10240xf32, #tpu.memory_space<hbm>>)
    %dma_wait3A_320 = arith.constant 1 : i32
    %dma_wait3A_321 = arith.constant 1 : i32
    %dma_wait3A_322 = arith.constant 0 : i32
    %dma_wait3A_323 = tpu.memref_slice %arg16[%dma_wait3A_320, %dma_wait3A_322] : memref<4x80xi32, #tpu.memory_space<vmem>> -> memref<1x80xi32, #tpu.memory_space<vmem>>
    %dma_wait3A_324 = tpu.memref_squeeze %dma_wait3A_323 : memref<1x80xi32, #tpu.memory_space<vmem>> -> memref<80xi32, #tpu.memory_space<vmem>>
    %dma_wait3A_325 = arith.constant 0 : i32
    %dma_wait3A_326 = tpu.memref_slice %arg15[%dma_wait3A_321, %dma_wait3A_325] : memref<4x80xi32, #tpu.memory_space<vmem>> -> memref<1x80xi32, #tpu.memory_space<vmem>>
    %dma_wait3A_327 = tpu.memref_squeeze %dma_wait3A_326 : memref<1x80xi32, #tpu.memory_space<vmem>> -> memref<80xi32, #tpu.memory_space<vmem>>
    %dma_wait3A_328 = arith.constant 0 : i32
    %dma_wait3A_329 = tpu.memref_slice %arg10[%dma_wait3A_328] : memref<10240xi32, #tpu.memory_space<hbm>> -> memref<10240xi32, #tpu.memory_space<hbm>>
    tpu.wait_indirect_dma semaphore(%arg18 : memref<!tpu.dma_semaphore, #tpu.memory_space<semaphore_mem>>) src(%dma_wait3A_324 : memref<80xi32, #tpu.memory_space<vmem>>) dst(%dma_wait3A_329 : memref<10240xi32, #tpu.memory_space<hbm>>)
    %dma_wait3A_330 = arith.constant 1 : i32
    %dma_wait3A_331 = arith.constant 1 : i32
    %dma_wait3A_332 = arith.constant 0 : i32
    %dma_wait3A_333 = tpu.memref_slice %arg17[%dma_wait3A_330, %dma_wait3A_332] : memref<4x80xf32, #tpu.memory_space<vmem>> -> memref<1x80xf32, #tpu.memory_space<vmem>>
    %dma_wait3A_334 = tpu.memref_squeeze %dma_wait3A_333 : memref<1x80xf32, #tpu.memory_space<vmem>> -> memref<80xf32, #tpu.memory_space<vmem>>
    %dma_wait3A_335 = arith.constant 0 : i32
    %dma_wait3A_336 = tpu.memref_slice %arg15[%dma_wait3A_331, %dma_wait3A_335] : memref<4x80xi32, #tpu.memory_space<vmem>> -> memref<1x80xi32, #tpu.memory_space<vmem>>
    %dma_wait3A_337 = tpu.memref_squeeze %dma_wait3A_336 : memref<1x80xi32, #tpu.memory_space<vmem>> -> memref<80xi32, #tpu.memory_space<vmem>>
    %dma_wait3A_338 = arith.constant 0 : i32
    %dma_wait3A_339 = tpu.memref_slice %arg13[%dma_wait3A_338] : memref<10240xf32, #tpu.memory_space<hbm>> -> memref<10240xf32, #tpu.memory_space<hbm>>
    tpu.wait_indirect_dma semaphore(%arg19 : memref<!tpu.dma_semaphore, #tpu.memory_space<semaphore_mem>>) src(%dma_wait3A_334 : memref<80xf32, #tpu.memory_space<vmem>>) dst(%dma_wait3A_339 : memref<10240xf32, #tpu.memory_space<hbm>>)
    %dma_wait3A_340 = arith.constant 2 : i32
    %dma_wait3A_341 = arith.constant 2 : i32
    %dma_wait3A_342 = arith.constant 0 : i32
    %dma_wait3A_343 = tpu.memref_slice %arg16[%dma_wait3A_340, %dma_wait3A_342] : memref<4x80xi32, #tpu.memory_space<vmem>> -> memref<1x80xi32, #tpu.memory_space<vmem>>
    %dma_wait3A_344 = tpu.memref_squeeze %dma_wait3A_343 : memref<1x80xi32, #tpu.memory_space<vmem>> -> memref<80xi32, #tpu.memory_space<vmem>>
    %dma_wait3A_345 = arith.constant 0 : i32
    %dma_wait3A_346 = tpu.memref_slice %arg15[%dma_wait3A_341, %dma_wait3A_345] : memref<4x80xi32, #tpu.memory_space<vmem>> -> memref<1x80xi32, #tpu.memory_space<vmem>>
    %dma_wait3A_347 = tpu.memref_squeeze %dma_wait3A_346 : memref<1x80xi32, #tpu.memory_space<vmem>> -> memref<80xi32, #tpu.memory_space<vmem>>
    %dma_wait3A_348 = arith.constant 0 : i32
    %dma_wait3A_349 = tpu.memref_slice %arg10[%dma_wait3A_348] : memref<10240xi32, #tpu.memory_space<hbm>> -> memref<10240xi32, #tpu.memory_space<hbm>>
    tpu.wait_indirect_dma semaphore(%arg18 : memref<!tpu.dma_semaphore, #tpu.memory_space<semaphore_mem>>) src(%dma_wait3A_344 : memref<80xi32, #tpu.memory_space<vmem>>) dst(%dma_wait3A_349 : memref<10240xi32, #tpu.memory_space<hbm>>)
    %dma_wait3A_350 = arith.constant 2 : i32
    %dma_wait3A_351 = arith.constant 2 : i32
    %dma_wait3A_352 = arith.constant 0 : i32
    %dma_wait3A_353 = tpu.memref_slice %arg17[%dma_wait3A_350, %dma_wait3A_352] : memref<4x80xf32, #tpu.memory_space<vmem>> -> memref<1x80xf32, #tpu.memory_space<vmem>>
    %dma_wait3A_354 = tpu.memref_squeeze %dma_wait3A_353 : memref<1x80xf32, #tpu.memory_space<vmem>> -> memref<80xf32, #tpu.memory_space<vmem>>
    %dma_wait3A_355 = arith.constant 0 : i32
    %dma_wait3A_356 = tpu.memref_slice %arg15[%dma_wait3A_351, %dma_wait3A_355] : memref<4x80xi32, #tpu.memory_space<vmem>> -> memref<1x80xi32, #tpu.memory_space<vmem>>
    %dma_wait3A_357 = tpu.memref_squeeze %dma_wait3A_356 : memref<1x80xi32, #tpu.memory_space<vmem>> -> memref<80xi32, #tpu.memory_space<vmem>>
    %dma_wait3A_358 = arith.constant 0 : i32
    %dma_wait3A_359 = tpu.memref_slice %arg13[%dma_wait3A_358] : memref<10240xf32, #tpu.memory_space<hbm>> -> memref<10240xf32, #tpu.memory_space<hbm>>
    tpu.wait_indirect_dma semaphore(%arg19 : memref<!tpu.dma_semaphore, #tpu.memory_space<semaphore_mem>>) src(%dma_wait3A_354 : memref<80xf32, #tpu.memory_space<vmem>>) dst(%dma_wait3A_359 : memref<10240xf32, #tpu.memory_space<hbm>>)
    %dma_wait3A_360 = arith.constant 3 : i32
    %dma_wait3A_361 = arith.constant 3 : i32
    %dma_wait3A_362 = arith.constant 0 : i32
    %dma_wait3A_363 = tpu.memref_slice %arg16[%dma_wait3A_360, %dma_wait3A_362] : memref<4x80xi32, #tpu.memory_space<vmem>> -> memref<1x80xi32, #tpu.memory_space<vmem>>
    %dma_wait3A_364 = tpu.memref_squeeze %dma_wait3A_363 : memref<1x80xi32, #tpu.memory_space<vmem>> -> memref<80xi32, #tpu.memory_space<vmem>>
    %dma_wait3A_365 = arith.constant 0 : i32
    %dma_wait3A_366 = tpu.memref_slice %arg15[%dma_wait3A_361, %dma_wait3A_365] : memref<4x80xi32, #tpu.memory_space<vmem>> -> memref<1x80xi32, #tpu.memory_space<vmem>>
    %dma_wait3A_367 = tpu.memref_squeeze %dma_wait3A_366 : memref<1x80xi32, #tpu.memory_space<vmem>> -> memref<80xi32, #tpu.memory_space<vmem>>
    %dma_wait3A_368 = arith.constant 0 : i32
    %dma_wait3A_369 = tpu.memref_slice %arg10[%dma_wait3A_368] : memref<10240xi32, #tpu.memory_space<hbm>> -> memref<10240xi32, #tpu.memory_space<hbm>>
    tpu.wait_indirect_dma semaphore(%arg18 : memref<!tpu.dma_semaphore, #tpu.memory_space<semaphore_mem>>) src(%dma_wait3A_364 : memref<80xi32, #tpu.memory_space<vmem>>) dst(%dma_wait3A_369 : memref<10240xi32, #tpu.memory_space<hbm>>)
    %dma_wait3A_370 = arith.constant 3 : i32
    %dma_wait3A_371 = arith.constant 3 : i32
    %dma_wait3A_372 = arith.constant 0 : i32
    %dma_wait3A_373 = tpu.memref_slice %arg17[%dma_wait3A_370, %dma_wait3A_372] : memref<4x80xf32, #tpu.memory_space<vmem>> -> memref<1x80xf32, #tpu.memory_space<vmem>>
    %dma_wait3A_374 = tpu.memref_squeeze %dma_wait3A_373 : memref<1x80xf32, #tpu.memory_space<vmem>> -> memref<80xf32, #tpu.memory_space<vmem>>
    %dma_wait3A_375 = arith.constant 0 : i32
    %dma_wait3A_376 = tpu.memref_slice %arg15[%dma_wait3A_371, %dma_wait3A_375] : memref<4x80xi32, #tpu.memory_space<vmem>> -> memref<1x80xi32, #tpu.memory_space<vmem>>
    %dma_wait3A_377 = tpu.memref_squeeze %dma_wait3A_376 : memref<1x80xi32, #tpu.memory_space<vmem>> -> memref<80xi32, #tpu.memory_space<vmem>>
    %dma_wait3A_378 = arith.constant 0 : i32
    %dma_wait3A_379 = tpu.memref_slice %arg13[%dma_wait3A_378] : memref<10240xf32, #tpu.memory_space<hbm>> -> memref<10240xf32, #tpu.memory_space<hbm>>
    tpu.wait_indirect_dma semaphore(%arg19 : memref<!tpu.dma_semaphore, #tpu.memory_space<semaphore_mem>>) src(%dma_wait3A_374 : memref<80xf32, #tpu.memory_space<vmem>>) dst(%dma_wait3A_379 : memref<10240xf32, #tpu.memory_space<hbm>>)
    %add3A_380 = arith.constant 0 : i32
    %add3A_381 = arith.addi %mul3A_2, %add3A_380 : i32
    %run_scoped3A_382 = arith.constant 0 : i32
    "tpu.region"() ({
      %run_scoped3A_564 = tpu.sem_alloc : memref<!tpu.dma_semaphore, #tpu.memory_space<semaphore_mem>>
      %dma_start3A_565 = arith.constant 0 : i32
      %dma_start3A_566 = tpu.memref_slice %arg15[%run_scoped3A_382, %dma_start3A_565] : memref<4x80xi32, #tpu.memory_space<vmem>> -> memref<1x80xi32, #tpu.memory_space<vmem>>
      %dma_start3A_567 = tpu.memref_squeeze %dma_start3A_566 : memref<1x80xi32, #tpu.memory_space<vmem>> -> memref<80xi32, #tpu.memory_space<vmem>>
      %dma_start3A_568 = tpu.memref_slice %arg4[%add3A_381] : memref<10240xi32, #tpu.memory_space<hbm>> -> memref<80xi32, #tpu.memory_space<hbm>>
      %dma_start3A_569 = arith.constant 0 : i32
      %dma_start3A_570 = tpu.memref_slice %arg15[%run_scoped3A_382, %dma_start3A_569] : memref<4x80xi32, #tpu.memory_space<vmem>> -> memref<1x80xi32, #tpu.memory_space<vmem>>
      %dma_start3A_571 = tpu.memref_squeeze %dma_start3A_570 : memref<1x80xi32, #tpu.memory_space<vmem>> -> memref<80xi32, #tpu.memory_space<vmem>>
      %dma_start3A_572 = tpu.memref_slice %arg4[%add3A_381] : memref<10240xi32, #tpu.memory_space<hbm>> -> memref<80xi32, #tpu.memory_space<hbm>>
      tpu.enqueue_dma source(%dma_start3A_572 : memref<80xi32, #tpu.memory_space<hbm>>) target(%dma_start3A_571 : memref<80xi32, #tpu.memory_space<vmem>>) target_semaphore(%run_scoped3A_564 : memref<!tpu.dma_semaphore, #tpu.memory_space<semaphore_mem>>)
      %dma_wait3A_573 = arith.constant 0 : i32
      %dma_wait3A_574 = tpu.memref_slice %arg15[%run_scoped3A_382, %dma_wait3A_573] : memref<4x80xi32, #tpu.memory_space<vmem>> -> memref<1x80xi32, #tpu.memory_space<vmem>>
      %dma_wait3A_575 = tpu.memref_squeeze %dma_wait3A_574 : memref<1x80xi32, #tpu.memory_space<vmem>> -> memref<80xi32, #tpu.memory_space<vmem>>
      %dma_wait3A_576 = tpu.memref_slice %arg4[%add3A_381] : memref<10240xi32, #tpu.memory_space<hbm>> -> memref<80xi32, #tpu.memory_space<hbm>>
      %dma_wait3A_577 = arith.constant 0 : i32
      %dma_wait3A_578 = tpu.memref_slice %arg15[%run_scoped3A_382, %dma_wait3A_577] : memref<4x80xi32, #tpu.memory_space<vmem>> -> memref<1x80xi32, #tpu.memory_space<vmem>>
      %dma_wait3A_579 = tpu.memref_squeeze %dma_wait3A_578 : memref<1x80xi32, #tpu.memory_space<vmem>> -> memref<80xi32, #tpu.memory_space<vmem>>
      %dma_wait3A_580 = tpu.memref_slice %arg4[%add3A_381] : memref<10240xi32, #tpu.memory_space<hbm>> -> memref<80xi32, #tpu.memory_space<hbm>>
      tpu.wait_dma2 semaphore(%run_scoped3A_564 : memref<!tpu.dma_semaphore, #tpu.memory_space<semaphore_mem>>) src(%dma_wait3A_580 : memref<80xi32, #tpu.memory_space<hbm>>) dst(%dma_wait3A_579 : memref<80xi32, #tpu.memory_space<vmem>>)
      tpu.yield
    }) : () -> ()
    %add3A_383 = arith.constant 0 : i32
    %add3A_384 = arith.addi %mul3A_2, %add3A_383 : i32
    %run_scoped3A_385 = arith.constant 0 : i32
    "tpu.region"() ({
      %run_scoped3A_564 = tpu.sem_alloc : memref<!tpu.dma_semaphore, #tpu.memory_space<semaphore_mem>>
      %dma_start3A_565 = arith.constant 0 : i32
      %dma_start3A_566 = tpu.memref_slice %arg17[%run_scoped3A_385, %dma_start3A_565] : memref<4x80xf32, #tpu.memory_space<vmem>> -> memref<1x80xf32, #tpu.memory_space<vmem>>
      %dma_start3A_567 = tpu.memref_squeeze %dma_start3A_566 : memref<1x80xf32, #tpu.memory_space<vmem>> -> memref<80xf32, #tpu.memory_space<vmem>>
      %dma_start3A_568 = tpu.memref_slice %arg7[%add3A_384] : memref<10240xf32, #tpu.memory_space<hbm>> -> memref<80xf32, #tpu.memory_space<hbm>>
      %dma_start3A_569 = arith.constant 0 : i32
      %dma_start3A_570 = tpu.memref_slice %arg17[%run_scoped3A_385, %dma_start3A_569] : memref<4x80xf32, #tpu.memory_space<vmem>> -> memref<1x80xf32, #tpu.memory_space<vmem>>
      %dma_start3A_571 = tpu.memref_squeeze %dma_start3A_570 : memref<1x80xf32, #tpu.memory_space<vmem>> -> memref<80xf32, #tpu.memory_space<vmem>>
      %dma_start3A_572 = tpu.memref_slice %arg7[%add3A_384] : memref<10240xf32, #tpu.memory_space<hbm>> -> memref<80xf32, #tpu.memory_space<hbm>>
      tpu.enqueue_dma source(%dma_start3A_572 : memref<80xf32, #tpu.memory_space<hbm>>) target(%dma_start3A_571 : memref<80xf32, #tpu.memory_space<vmem>>) target_semaphore(%run_scoped3A_564 : memref<!tpu.dma_semaphore, #tpu.memory_space<semaphore_mem>>)
      %dma_wait3A_573 = arith.constant 0 : i32
      %dma_wait3A_574 = tpu.memref_slice %arg17[%run_scoped3A_385, %dma_wait3A_573] : memref<4x80xf32, #tpu.memory_space<vmem>> -> memref<1x80xf32, #tpu.memory_space<vmem>>
      %dma_wait3A_575 = tpu.memref_squeeze %dma_wait3A_574 : memref<1x80xf32, #tpu.memory_space<vmem>> -> memref<80xf32, #tpu.memory_space<vmem>>
      %dma_wait3A_576 = tpu.memref_slice %arg7[%add3A_384] : memref<10240xf32, #tpu.memory_space<hbm>> -> memref<80xf32, #tpu.memory_space<hbm>>
      %dma_wait3A_577 = arith.constant 0 : i32
      %dma_wait3A_578 = tpu.memref_slice %arg17[%run_scoped3A_385, %dma_wait3A_577] : memref<4x80xf32, #tpu.memory_space<vmem>> -> memref<1x80xf32, #tpu.memory_space<vmem>>
      %dma_wait3A_579 = tpu.memref_squeeze %dma_wait3A_578 : memref<1x80xf32, #tpu.memory_space<vmem>> -> memref<80xf32, #tpu.memory_space<vmem>>
      %dma_wait3A_580 = tpu.memref_slice %arg7[%add3A_384] : memref<10240xf32, #tpu.memory_space<hbm>> -> memref<80xf32, #tpu.memory_space<hbm>>
      tpu.wait_dma2 semaphore(%run_scoped3A_564 : memref<!tpu.dma_semaphore, #tpu.memory_space<semaphore_mem>>) src(%dma_wait3A_580 : memref<80xf32, #tpu.memory_space<hbm>>) dst(%dma_wait3A_579 : memref<80xf32, #tpu.memory_space<vmem>>)
      tpu.yield
    }) : () -> ()
    %add3A_386 = arith.constant 80 : i32
    %add3A_387 = arith.addi %mul3A_2, %add3A_386 : i32
    %run_scoped3A_388 = arith.constant 1 : i32
    "tpu.region"() ({
      %run_scoped3A_564 = tpu.sem_alloc : memref<!tpu.dma_semaphore, #tpu.memory_space<semaphore_mem>>
      %dma_start3A_565 = arith.constant 0 : i32
      %dma_start3A_566 = tpu.memref_slice %arg15[%run_scoped3A_388, %dma_start3A_565] : memref<4x80xi32, #tpu.memory_space<vmem>> -> memref<1x80xi32, #tpu.memory_space<vmem>>
      %dma_start3A_567 = tpu.memref_squeeze %dma_start3A_566 : memref<1x80xi32, #tpu.memory_space<vmem>> -> memref<80xi32, #tpu.memory_space<vmem>>
      %dma_start3A_568 = tpu.memref_slice %arg4[%add3A_387] : memref<10240xi32, #tpu.memory_space<hbm>> -> memref<80xi32, #tpu.memory_space<hbm>>
      %dma_start3A_569 = arith.constant 0 : i32
      %dma_start3A_570 = tpu.memref_slice %arg15[%run_scoped3A_388, %dma_start3A_569] : memref<4x80xi32, #tpu.memory_space<vmem>> -> memref<1x80xi32, #tpu.memory_space<vmem>>
      %dma_start3A_571 = tpu.memref_squeeze %dma_start3A_570 : memref<1x80xi32, #tpu.memory_space<vmem>> -> memref<80xi32, #tpu.memory_space<vmem>>
      %dma_start3A_572 = tpu.memref_slice %arg4[%add3A_387] : memref<10240xi32, #tpu.memory_space<hbm>> -> memref<80xi32, #tpu.memory_space<hbm>>
      tpu.enqueue_dma source(%dma_start3A_572 : memref<80xi32, #tpu.memory_space<hbm>>) target(%dma_start3A_571 : memref<80xi32, #tpu.memory_space<vmem>>) target_semaphore(%run_scoped3A_564 : memref<!tpu.dma_semaphore, #tpu.memory_space<semaphore_mem>>)
      %dma_wait3A_573 = arith.constant 0 : i32
      %dma_wait3A_574 = tpu.memref_slice %arg15[%run_scoped3A_388, %dma_wait3A_573] : memref<4x80xi32, #tpu.memory_space<vmem>> -> memref<1x80xi32, #tpu.memory_space<vmem>>
      %dma_wait3A_575 = tpu.memref_squeeze %dma_wait3A_574 : memref<1x80xi32, #tpu.memory_space<vmem>> -> memref<80xi32, #tpu.memory_space<vmem>>
      %dma_wait3A_576 = tpu.memref_slice %arg4[%add3A_387] : memref<10240xi32, #tpu.memory_space<hbm>> -> memref<80xi32, #tpu.memory_space<hbm>>
      %dma_wait3A_577 = arith.constant 0 : i32
      %dma_wait3A_578 = tpu.memref_slice %arg15[%run_scoped3A_388, %dma_wait3A_577] : memref<4x80xi32, #tpu.memory_space<vmem>> -> memref<1x80xi32, #tpu.memory_space<vmem>>
      %dma_wait3A_579 = tpu.memref_squeeze %dma_wait3A_578 : memref<1x80xi32, #tpu.memory_space<vmem>> -> memref<80xi32, #tpu.memory_space<vmem>>
      %dma_wait3A_580 = tpu.memref_slice %arg4[%add3A_387] : memref<10240xi32, #tpu.memory_space<hbm>> -> memref<80xi32, #tpu.memory_space<hbm>>
      tpu.wait_dma2 semaphore(%run_scoped3A_564 : memref<!tpu.dma_semaphore, #tpu.memory_space<semaphore_mem>>) src(%dma_wait3A_580 : memref<80xi32, #tpu.memory_space<hbm>>) dst(%dma_wait3A_579 : memref<80xi32, #tpu.memory_space<vmem>>)
      tpu.yield
    }) : () -> ()
    %add3A_389 = arith.constant 80 : i32
    %add3A_390 = arith.addi %mul3A_2, %add3A_389 : i32
    %run_scoped3A_391 = arith.constant 1 : i32
    "tpu.region"() ({
      %run_scoped3A_564 = tpu.sem_alloc : memref<!tpu.dma_semaphore, #tpu.memory_space<semaphore_mem>>
      %dma_start3A_565 = arith.constant 0 : i32
      %dma_start3A_566 = tpu.memref_slice %arg17[%run_scoped3A_391, %dma_start3A_565] : memref<4x80xf32, #tpu.memory_space<vmem>> -> memref<1x80xf32, #tpu.memory_space<vmem>>
      %dma_start3A_567 = tpu.memref_squeeze %dma_start3A_566 : memref<1x80xf32, #tpu.memory_space<vmem>> -> memref<80xf32, #tpu.memory_space<vmem>>
      %dma_start3A_568 = tpu.memref_slice %arg7[%add3A_390] : memref<10240xf32, #tpu.memory_space<hbm>> -> memref<80xf32, #tpu.memory_space<hbm>>
      %dma_start3A_569 = arith.constant 0 : i32
      %dma_start3A_570 = tpu.memref_slice %arg17[%run_scoped3A_391, %dma_start3A_569] : memref<4x80xf32, #tpu.memory_space<vmem>> -> memref<1x80xf32, #tpu.memory_space<vmem>>
      %dma_start3A_571 = tpu.memref_squeeze %dma_start3A_570 : memref<1x80xf32, #tpu.memory_space<vmem>> -> memref<80xf32, #tpu.memory_space<vmem>>
      %dma_start3A_572 = tpu.memref_slice %arg7[%add3A_390] : memref<10240xf32, #tpu.memory_space<hbm>> -> memref<80xf32, #tpu.memory_space<hbm>>
      tpu.enqueue_dma source(%dma_start3A_572 : memref<80xf32, #tpu.memory_space<hbm>>) target(%dma_start3A_571 : memref<80xf32, #tpu.memory_space<vmem>>) target_semaphore(%run_scoped3A_564 : memref<!tpu.dma_semaphore, #tpu.memory_space<semaphore_mem>>)
      %dma_wait3A_573 = arith.constant 0 : i32
      %dma_wait3A_574 = tpu.memref_slice %arg17[%run_scoped3A_391, %dma_wait3A_573] : memref<4x80xf32, #tpu.memory_space<vmem>> -> memref<1x80xf32, #tpu.memory_space<vmem>>
      %dma_wait3A_575 = tpu.memref_squeeze %dma_wait3A_574 : memref<1x80xf32, #tpu.memory_space<vmem>> -> memref<80xf32, #tpu.memory_space<vmem>>
      %dma_wait3A_576 = tpu.memref_slice %arg7[%add3A_390] : memref<10240xf32, #tpu.memory_space<hbm>> -> memref<80xf32, #tpu.memory_space<hbm>>
      %dma_wait3A_577 = arith.constant 0 : i32
      %dma_wait3A_578 = tpu.memref_slice %arg17[%run_scoped3A_391, %dma_wait3A_577] : memref<4x80xf32, #tpu.memory_space<vmem>> -> memref<1x80xf32, #tpu.memory_space<vmem>>
      %dma_wait3A_579 = tpu.memref_squeeze %dma_wait3A_578 : memref<1x80xf32, #tpu.memory_space<vmem>> -> memref<80xf32, #tpu.memory_space<vmem>>
      %dma_wait3A_580 = tpu.memref_slice %arg7[%add3A_390] : memref<10240xf32, #tpu.memory_space<hbm>> -> memref<80xf32, #tpu.memory_space<hbm>>
      tpu.wait_dma2 semaphore(%run_scoped3A_564 : memref<!tpu.dma_semaphore, #tpu.memory_space<semaphore_mem>>) src(%dma_wait3A_580 : memref<80xf32, #tpu.memory_space<hbm>>) dst(%dma_wait3A_579 : memref<80xf32, #tpu.memory_space<vmem>>)
      tpu.yield
    }) : () -> ()
    %add3A_392 = arith.constant 160 : i32
    %add3A_393 = arith.addi %mul3A_2, %add3A_392 : i32
    %run_scoped3A_394 = arith.constant 2 : i32
    "tpu.region"() ({
      %run_scoped3A_564 = tpu.sem_alloc : memref<!tpu.dma_semaphore, #tpu.memory_space<semaphore_mem>>
      %dma_start3A_565 = arith.constant 0 : i32
      %dma_start3A_566 = tpu.memref_slice %arg15[%run_scoped3A_394, %dma_start3A_565] : memref<4x80xi32, #tpu.memory_space<vmem>> -> memref<1x80xi32, #tpu.memory_space<vmem>>
      %dma_start3A_567 = tpu.memref_squeeze %dma_start3A_566 : memref<1x80xi32, #tpu.memory_space<vmem>> -> memref<80xi32, #tpu.memory_space<vmem>>
      %dma_start3A_568 = tpu.memref_slice %arg4[%add3A_393] : memref<10240xi32, #tpu.memory_space<hbm>> -> memref<80xi32, #tpu.memory_space<hbm>>
      %dma_start3A_569 = arith.constant 0 : i32
      %dma_start3A_570 = tpu.memref_slice %arg15[%run_scoped3A_394, %dma_start3A_569] : memref<4x80xi32, #tpu.memory_space<vmem>> -> memref<1x80xi32, #tpu.memory_space<vmem>>
      %dma_start3A_571 = tpu.memref_squeeze %dma_start3A_570 : memref<1x80xi32, #tpu.memory_space<vmem>> -> memref<80xi32, #tpu.memory_space<vmem>>
      %dma_start3A_572 = tpu.memref_slice %arg4[%add3A_393] : memref<10240xi32, #tpu.memory_space<hbm>> -> memref<80xi32, #tpu.memory_space<hbm>>
      tpu.enqueue_dma source(%dma_start3A_572 : memref<80xi32, #tpu.memory_space<hbm>>) target(%dma_start3A_571 : memref<80xi32, #tpu.memory_space<vmem>>) target_semaphore(%run_scoped3A_564 : memref<!tpu.dma_semaphore, #tpu.memory_space<semaphore_mem>>)
      %dma_wait3A_573 = arith.constant 0 : i32
      %dma_wait3A_574 = tpu.memref_slice %arg15[%run_scoped3A_394, %dma_wait3A_573] : memref<4x80xi32, #tpu.memory_space<vmem>> -> memref<1x80xi32, #tpu.memory_space<vmem>>
      %dma_wait3A_575 = tpu.memref_squeeze %dma_wait3A_574 : memref<1x80xi32, #tpu.memory_space<vmem>> -> memref<80xi32, #tpu.memory_space<vmem>>
      %dma_wait3A_576 = tpu.memref_slice %arg4[%add3A_393] : memref<10240xi32, #tpu.memory_space<hbm>> -> memref<80xi32, #tpu.memory_space<hbm>>
      %dma_wait3A_577 = arith.constant 0 : i32
      %dma_wait3A_578 = tpu.memref_slice %arg15[%run_scoped3A_394, %dma_wait3A_577] : memref<4x80xi32, #tpu.memory_space<vmem>> -> memref<1x80xi32, #tpu.memory_space<vmem>>
      %dma_wait3A_579 = tpu.memref_squeeze %dma_wait3A_578 : memref<1x80xi32, #tpu.memory_space<vmem>> -> memref<80xi32, #tpu.memory_space<vmem>>
      %dma_wait3A_580 = tpu.memref_slice %arg4[%add3A_393] : memref<10240xi32, #tpu.memory_space<hbm>> -> memref<80xi32, #tpu.memory_space<hbm>>
      tpu.wait_dma2 semaphore(%run_scoped3A_564 : memref<!tpu.dma_semaphore, #tpu.memory_space<semaphore_mem>>) src(%dma_wait3A_580 : memref<80xi32, #tpu.memory_space<hbm>>) dst(%dma_wait3A_579 : memref<80xi32, #tpu.memory_space<vmem>>)
      tpu.yield
    }) : () -> ()
    %add3A_395 = arith.constant 160 : i32
    %add3A_396 = arith.addi %mul3A_2, %add3A_395 : i32
    %run_scoped3A_397 = arith.constant 2 : i32
    "tpu.region"() ({
      %run_scoped3A_564 = tpu.sem_alloc : memref<!tpu.dma_semaphore, #tpu.memory_space<semaphore_mem>>
      %dma_start3A_565 = arith.constant 0 : i32
      %dma_start3A_566 = tpu.memref_slice %arg17[%run_scoped3A_397, %dma_start3A_565] : memref<4x80xf32, #tpu.memory_space<vmem>> -> memref<1x80xf32, #tpu.memory_space<vmem>>
      %dma_start3A_567 = tpu.memref_squeeze %dma_start3A_566 : memref<1x80xf32, #tpu.memory_space<vmem>> -> memref<80xf32, #tpu.memory_space<vmem>>
      %dma_start3A_568 = tpu.memref_slice %arg7[%add3A_396] : memref<10240xf32, #tpu.memory_space<hbm>> -> memref<80xf32, #tpu.memory_space<hbm>>
      %dma_start3A_569 = arith.constant 0 : i32
      %dma_start3A_570 = tpu.memref_slice %arg17[%run_scoped3A_397, %dma_start3A_569] : memref<4x80xf32, #tpu.memory_space<vmem>> -> memref<1x80xf32, #tpu.memory_space<vmem>>
      %dma_start3A_571 = tpu.memref_squeeze %dma_start3A_570 : memref<1x80xf32, #tpu.memory_space<vmem>> -> memref<80xf32, #tpu.memory_space<vmem>>
      %dma_start3A_572 = tpu.memref_slice %arg7[%add3A_396] : memref<10240xf32, #tpu.memory_space<hbm>> -> memref<80xf32, #tpu.memory_space<hbm>>
      tpu.enqueue_dma source(%dma_start3A_572 : memref<80xf32, #tpu.memory_space<hbm>>) target(%dma_start3A_571 : memref<80xf32, #tpu.memory_space<vmem>>) target_semaphore(%run_scoped3A_564 : memref<!tpu.dma_semaphore, #tpu.memory_space<semaphore_mem>>)
      %dma_wait3A_573 = arith.constant 0 : i32
      %dma_wait3A_574 = tpu.memref_slice %arg17[%run_scoped3A_397, %dma_wait3A_573] : memref<4x80xf32, #tpu.memory_space<vmem>> -> memref<1x80xf32, #tpu.memory_space<vmem>>
      %dma_wait3A_575 = tpu.memref_squeeze %dma_wait3A_574 : memref<1x80xf32, #tpu.memory_space<vmem>> -> memref<80xf32, #tpu.memory_space<vmem>>
      %dma_wait3A_576 = tpu.memref_slice %arg7[%add3A_396] : memref<10240xf32, #tpu.memory_space<hbm>> -> memref<80xf32, #tpu.memory_space<hbm>>
      %dma_wait3A_577 = arith.constant 0 : i32
      %dma_wait3A_578 = tpu.memref_slice %arg17[%run_scoped3A_397, %dma_wait3A_577] : memref<4x80xf32, #tpu.memory_space<vmem>> -> memref<1x80xf32, #tpu.memory_space<vmem>>
      %dma_wait3A_579 = tpu.memref_squeeze %dma_wait3A_578 : memref<1x80xf32, #tpu.memory_space<vmem>> -> memref<80xf32, #tpu.memory_space<vmem>>
      %dma_wait3A_580 = tpu.memref_slice %arg7[%add3A_396] : memref<10240xf32, #tpu.memory_space<hbm>> -> memref<80xf32, #tpu.memory_space<hbm>>
      tpu.wait_dma2 semaphore(%run_scoped3A_564 : memref<!tpu.dma_semaphore, #tpu.memory_space<semaphore_mem>>) src(%dma_wait3A_580 : memref<80xf32, #tpu.memory_space<hbm>>) dst(%dma_wait3A_579 : memref<80xf32, #tpu.memory_space<vmem>>)
      tpu.yield
    }) : () -> ()
    %add3A_398 = arith.constant 240 : i32
    %add3A_399 = arith.addi %mul3A_2, %add3A_398 : i32
    %run_scoped3A_400 = arith.constant 3 : i32
    "tpu.region"() ({
      %run_scoped3A_564 = tpu.sem_alloc : memref<!tpu.dma_semaphore, #tpu.memory_space<semaphore_mem>>
      %dma_start3A_565 = arith.constant 0 : i32
      %dma_start3A_566 = tpu.memref_slice %arg15[%run_scoped3A_400, %dma_start3A_565] : memref<4x80xi32, #tpu.memory_space<vmem>> -> memref<1x80xi32, #tpu.memory_space<vmem>>
      %dma_start3A_567 = tpu.memref_squeeze %dma_start3A_566 : memref<1x80xi32, #tpu.memory_space<vmem>> -> memref<80xi32, #tpu.memory_space<vmem>>
      %dma_start3A_568 = tpu.memref_slice %arg4[%add3A_399] : memref<10240xi32, #tpu.memory_space<hbm>> -> memref<80xi32, #tpu.memory_space<hbm>>
      %dma_start3A_569 = arith.constant 0 : i32
      %dma_start3A_570 = tpu.memref_slice %arg15[%run_scoped3A_400, %dma_start3A_569] : memref<4x80xi32, #tpu.memory_space<vmem>> -> memref<1x80xi32, #tpu.memory_space<vmem>>
      %dma_start3A_571 = tpu.memref_squeeze %dma_start3A_570 : memref<1x80xi32, #tpu.memory_space<vmem>> -> memref<80xi32, #tpu.memory_space<vmem>>
      %dma_start3A_572 = tpu.memref_slice %arg4[%add3A_399] : memref<10240xi32, #tpu.memory_space<hbm>> -> memref<80xi32, #tpu.memory_space<hbm>>
      tpu.enqueue_dma source(%dma_start3A_572 : memref<80xi32, #tpu.memory_space<hbm>>) target(%dma_start3A_571 : memref<80xi32, #tpu.memory_space<vmem>>) target_semaphore(%run_scoped3A_564 : memref<!tpu.dma_semaphore, #tpu.memory_space<semaphore_mem>>)
      %dma_wait3A_573 = arith.constant 0 : i32
      %dma_wait3A_574 = tpu.memref_slice %arg15[%run_scoped3A_400, %dma_wait3A_573] : memref<4x80xi32, #tpu.memory_space<vmem>> -> memref<1x80xi32, #tpu.memory_space<vmem>>
      %dma_wait3A_575 = tpu.memref_squeeze %dma_wait3A_574 : memref<1x80xi32, #tpu.memory_space<vmem>> -> memref<80xi32, #tpu.memory_space<vmem>>
      %dma_wait3A_576 = tpu.memref_slice %arg4[%add3A_399] : memref<10240xi32, #tpu.memory_space<hbm>> -> memref<80xi32, #tpu.memory_space<hbm>>
      %dma_wait3A_577 = arith.constant 0 : i32
      %dma_wait3A_578 = tpu.memref_slice %arg15[%run_scoped3A_400, %dma_wait3A_577] : memref<4x80xi32, #tpu.memory_space<vmem>> -> memref<1x80xi32, #tpu.memory_space<vmem>>
      %dma_wait3A_579 = tpu.memref_squeeze %dma_wait3A_578 : memref<1x80xi32, #tpu.memory_space<vmem>> -> memref<80xi32, #tpu.memory_space<vmem>>
      %dma_wait3A_580 = tpu.memref_slice %arg4[%add3A_399] : memref<10240xi32, #tpu.memory_space<hbm>> -> memref<80xi32, #tpu.memory_space<hbm>>
      tpu.wait_dma2 semaphore(%run_scoped3A_564 : memref<!tpu.dma_semaphore, #tpu.memory_space<semaphore_mem>>) src(%dma_wait3A_580 : memref<80xi32, #tpu.memory_space<hbm>>) dst(%dma_wait3A_579 : memref<80xi32, #tpu.memory_space<vmem>>)
      tpu.yield
    }) : () -> ()
    %add3A_401 = arith.constant 240 : i32
    %add3A_402 = arith.addi %mul3A_2, %add3A_401 : i32
    %run_scoped3A_403 = arith.constant 3 : i32
    "tpu.region"() ({
      %run_scoped3A_564 = tpu.sem_alloc : memref<!tpu.dma_semaphore, #tpu.memory_space<semaphore_mem>>
      %dma_start3A_565 = arith.constant 0 : i32
      %dma_start3A_566 = tpu.memref_slice %arg17[%run_scoped3A_403, %dma_start3A_565] : memref<4x80xf32, #tpu.memory_space<vmem>> -> memref<1x80xf32, #tpu.memory_space<vmem>>
      %dma_start3A_567 = tpu.memref_squeeze %dma_start3A_566 : memref<1x80xf32, #tpu.memory_space<vmem>> -> memref<80xf32, #tpu.memory_space<vmem>>
      %dma_start3A_568 = tpu.memref_slice %arg7[%add3A_402] : memref<10240xf32, #tpu.memory_space<hbm>> -> memref<80xf32, #tpu.memory_space<hbm>>
      %dma_start3A_569 = arith.constant 0 : i32
      %dma_start3A_570 = tpu.memref_slice %arg17[%run_scoped3A_403, %dma_start3A_569] : memref<4x80xf32, #tpu.memory_space<vmem>> -> memref<1x80xf32, #tpu.memory_space<vmem>>
      %dma_start3A_571 = tpu.memref_squeeze %dma_start3A_570 : memref<1x80xf32, #tpu.memory_space<vmem>> -> memref<80xf32, #tpu.memory_space<vmem>>
      %dma_start3A_572 = tpu.memref_slice %arg7[%add3A_402] : memref<10240xf32, #tpu.memory_space<hbm>> -> memref<80xf32, #tpu.memory_space<hbm>>
      tpu.enqueue_dma source(%dma_start3A_572 : memref<80xf32, #tpu.memory_space<hbm>>) target(%dma_start3A_571 : memref<80xf32, #tpu.memory_space<vmem>>) target_semaphore(%run_scoped3A_564 : memref<!tpu.dma_semaphore, #tpu.memory_space<semaphore_mem>>)
      %dma_wait3A_573 = arith.constant 0 : i32
      %dma_wait3A_574 = tpu.memref_slice %arg17[%run_scoped3A_403, %dma_wait3A_573] : memref<4x80xf32, #tpu.memory_space<vmem>> -> memref<1x80xf32, #tpu.memory_space<vmem>>
      %dma_wait3A_575 = tpu.memref_squeeze %dma_wait3A_574 : memref<1x80xf32, #tpu.memory_space<vmem>> -> memref<80xf32, #tpu.memory_space<vmem>>
      %dma_wait3A_576 = tpu.memref_slice %arg7[%add3A_402] : memref<10240xf32, #tpu.memory_space<hbm>> -> memref<80xf32, #tpu.memory_space<hbm>>
      %dma_wait3A_577 = arith.constant 0 : i32
      %dma_wait3A_578 = tpu.memref_slice %arg17[%run_scoped3A_403, %dma_wait3A_577] : memref<4x80xf32, #tpu.memory_space<vmem>> -> memref<1x80xf32, #tpu.memory_space<vmem>>
      %dma_wait3A_579 = tpu.memref_squeeze %dma_wait3A_578 : memref<1x80xf32, #tpu.memory_space<vmem>> -> memref<80xf32, #tpu.memory_space<vmem>>
      %dma_wait3A_580 = tpu.memref_slice %arg7[%add3A_402] : memref<10240xf32, #tpu.memory_space<hbm>> -> memref<80xf32, #tpu.memory_space<hbm>>
      tpu.wait_dma2 semaphore(%run_scoped3A_564 : memref<!tpu.dma_semaphore, #tpu.memory_space<semaphore_mem>>) src(%dma_wait3A_580 : memref<80xf32, #tpu.memory_space<hbm>>) dst(%dma_wait3A_579 : memref<80xf32, #tpu.memory_space<vmem>>)
      tpu.yield
    }) : () -> ()
    %dma_start3A_404 = arith.constant 0 : i32
    %dma_start3A_405 = arith.constant 0 : i32
    %dma_start3A_406 = arith.constant 0 : i32
    %dma_start3A_407 = tpu.memref_slice %arg16[%dma_start3A_404, %dma_start3A_406] : memref<4x80xi32, #tpu.memory_space<vmem>> -> memref<1x80xi32, #tpu.memory_space<vmem>>
    %dma_start3A_408 = tpu.memref_squeeze %dma_start3A_407 : memref<1x80xi32, #tpu.memory_space<vmem>> -> memref<80xi32, #tpu.memory_space<vmem>>
    %dma_start3A_409 = arith.constant 0 : i32
    %dma_start3A_410 = tpu.memref_slice %arg15[%dma_start3A_405, %dma_start3A_409] : memref<4x80xi32, #tpu.memory_space<vmem>> -> memref<1x80xi32, #tpu.memory_space<vmem>>
    %dma_start3A_411 = tpu.memref_squeeze %dma_start3A_410 : memref<1x80xi32, #tpu.memory_space<vmem>> -> memref<80xi32, #tpu.memory_space<vmem>>
    %dma_start3A_412 = arith.constant 0 : i32
    %dma_start3A_413 = tpu.memref_slice %arg11[%dma_start3A_412] : memref<10240xi32, #tpu.memory_space<hbm>> -> memref<10240xi32, #tpu.memory_space<hbm>>
    tpu.enqueue_indirect_dma source(%dma_start3A_408 : memref<80xi32, #tpu.memory_space<vmem>>) target(%dma_start3A_413 : memref<10240xi32, #tpu.memory_space<hbm>>) offsets(%dma_start3A_411 : memref<80xi32, #tpu.memory_space<vmem>>) semaphore(%arg18 : memref<!tpu.dma_semaphore, #tpu.memory_space<semaphore_mem>>)
    %dma_start3A_414 = arith.constant 0 : i32
    %dma_start3A_415 = arith.constant 0 : i32
    %dma_start3A_416 = arith.constant 0 : i32
    %dma_start3A_417 = tpu.memref_slice %arg17[%dma_start3A_414, %dma_start3A_416] : memref<4x80xf32, #tpu.memory_space<vmem>> -> memref<1x80xf32, #tpu.memory_space<vmem>>
    %dma_start3A_418 = tpu.memref_squeeze %dma_start3A_417 : memref<1x80xf32, #tpu.memory_space<vmem>> -> memref<80xf32, #tpu.memory_space<vmem>>
    %dma_start3A_419 = arith.constant 0 : i32
    %dma_start3A_420 = tpu.memref_slice %arg15[%dma_start3A_415, %dma_start3A_419] : memref<4x80xi32, #tpu.memory_space<vmem>> -> memref<1x80xi32, #tpu.memory_space<vmem>>
    %dma_start3A_421 = tpu.memref_squeeze %dma_start3A_420 : memref<1x80xi32, #tpu.memory_space<vmem>> -> memref<80xi32, #tpu.memory_space<vmem>>
    %dma_start3A_422 = arith.constant 0 : i32
    %dma_start3A_423 = tpu.memref_slice %arg14[%dma_start3A_422] : memref<10240xf32, #tpu.memory_space<hbm>> -> memref<10240xf32, #tpu.memory_space<hbm>>
    tpu.enqueue_indirect_dma source(%dma_start3A_418 : memref<80xf32, #tpu.memory_space<vmem>>) target(%dma_start3A_423 : memref<10240xf32, #tpu.memory_space<hbm>>) offsets(%dma_start3A_421 : memref<80xi32, #tpu.memory_space<vmem>>) semaphore(%arg19 : memref<!tpu.dma_semaphore, #tpu.memory_space<semaphore_mem>>)
    %dma_start3A_424 = arith.constant 1 : i32
    %dma_start3A_425 = arith.constant 1 : i32
    %dma_start3A_426 = arith.constant 0 : i32
    %dma_start3A_427 = tpu.memref_slice %arg16[%dma_start3A_424, %dma_start3A_426] : memref<4x80xi32, #tpu.memory_space<vmem>> -> memref<1x80xi32, #tpu.memory_space<vmem>>
    %dma_start3A_428 = tpu.memref_squeeze %dma_start3A_427 : memref<1x80xi32, #tpu.memory_space<vmem>> -> memref<80xi32, #tpu.memory_space<vmem>>
    %dma_start3A_429 = arith.constant 0 : i32
    %dma_start3A_430 = tpu.memref_slice %arg15[%dma_start3A_425, %dma_start3A_429] : memref<4x80xi32, #tpu.memory_space<vmem>> -> memref<1x80xi32, #tpu.memory_space<vmem>>
    %dma_start3A_431 = tpu.memref_squeeze %dma_start3A_430 : memref<1x80xi32, #tpu.memory_space<vmem>> -> memref<80xi32, #tpu.memory_space<vmem>>
    %dma_start3A_432 = arith.constant 0 : i32
    %dma_start3A_433 = tpu.memref_slice %arg11[%dma_start3A_432] : memref<10240xi32, #tpu.memory_space<hbm>> -> memref<10240xi32, #tpu.memory_space<hbm>>
    tpu.enqueue_indirect_dma source(%dma_start3A_428 : memref<80xi32, #tpu.memory_space<vmem>>) target(%dma_start3A_433 : memref<10240xi32, #tpu.memory_space<hbm>>) offsets(%dma_start3A_431 : memref<80xi32, #tpu.memory_space<vmem>>) semaphore(%arg18 : memref<!tpu.dma_semaphore, #tpu.memory_space<semaphore_mem>>)
    %dma_start3A_434 = arith.constant 1 : i32
    %dma_start3A_435 = arith.constant 1 : i32
    %dma_start3A_436 = arith.constant 0 : i32
    %dma_start3A_437 = tpu.memref_slice %arg17[%dma_start3A_434, %dma_start3A_436] : memref<4x80xf32, #tpu.memory_space<vmem>> -> memref<1x80xf32, #tpu.memory_space<vmem>>
    %dma_start3A_438 = tpu.memref_squeeze %dma_start3A_437 : memref<1x80xf32, #tpu.memory_space<vmem>> -> memref<80xf32, #tpu.memory_space<vmem>>
    %dma_start3A_439 = arith.constant 0 : i32
    %dma_start3A_440 = tpu.memref_slice %arg15[%dma_start3A_435, %dma_start3A_439] : memref<4x80xi32, #tpu.memory_space<vmem>> -> memref<1x80xi32, #tpu.memory_space<vmem>>
    %dma_start3A_441 = tpu.memref_squeeze %dma_start3A_440 : memref<1x80xi32, #tpu.memory_space<vmem>> -> memref<80xi32, #tpu.memory_space<vmem>>
    %dma_start3A_442 = arith.constant 0 : i32
    %dma_start3A_443 = tpu.memref_slice %arg14[%dma_start3A_442] : memref<10240xf32, #tpu.memory_space<hbm>> -> memref<10240xf32, #tpu.memory_space<hbm>>
    tpu.enqueue_indirect_dma source(%dma_start3A_438 : memref<80xf32, #tpu.memory_space<vmem>>) target(%dma_start3A_443 : memref<10240xf32, #tpu.memory_space<hbm>>) offsets(%dma_start3A_441 : memref<80xi32, #tpu.memory_space<vmem>>) semaphore(%arg19 : memref<!tpu.dma_semaphore, #tpu.memory_space<semaphore_mem>>)
    %dma_start3A_444 = arith.constant 2 : i32
    %dma_start3A_445 = arith.constant 2 : i32
    %dma_start3A_446 = arith.constant 0 : i32
    %dma_start3A_447 = tpu.memref_slice %arg16[%dma_start3A_444, %dma_start3A_446] : memref<4x80xi32, #tpu.memory_space<vmem>> -> memref<1x80xi32, #tpu.memory_space<vmem>>
    %dma_start3A_448 = tpu.memref_squeeze %dma_start3A_447 : memref<1x80xi32, #tpu.memory_space<vmem>> -> memref<80xi32, #tpu.memory_space<vmem>>
    %dma_start3A_449 = arith.constant 0 : i32
    %dma_start3A_450 = tpu.memref_slice %arg15[%dma_start3A_445, %dma_start3A_449] : memref<4x80xi32, #tpu.memory_space<vmem>> -> memref<1x80xi32, #tpu.memory_space<vmem>>
    %dma_start3A_451 = tpu.memref_squeeze %dma_start3A_450 : memref<1x80xi32, #tpu.memory_space<vmem>> -> memref<80xi32, #tpu.memory_space<vmem>>
    %dma_start3A_452 = arith.constant 0 : i32
    %dma_start3A_453 = tpu.memref_slice %arg11[%dma_start3A_452] : memref<10240xi32, #tpu.memory_space<hbm>> -> memref<10240xi32, #tpu.memory_space<hbm>>
    tpu.enqueue_indirect_dma source(%dma_start3A_448 : memref<80xi32, #tpu.memory_space<vmem>>) target(%dma_start3A_453 : memref<10240xi32, #tpu.memory_space<hbm>>) offsets(%dma_start3A_451 : memref<80xi32, #tpu.memory_space<vmem>>) semaphore(%arg18 : memref<!tpu.dma_semaphore, #tpu.memory_space<semaphore_mem>>)
    %dma_start3A_454 = arith.constant 2 : i32
    %dma_start3A_455 = arith.constant 2 : i32
    %dma_start3A_456 = arith.constant 0 : i32
    %dma_start3A_457 = tpu.memref_slice %arg17[%dma_start3A_454, %dma_start3A_456] : memref<4x80xf32, #tpu.memory_space<vmem>> -> memref<1x80xf32, #tpu.memory_space<vmem>>
    %dma_start3A_458 = tpu.memref_squeeze %dma_start3A_457 : memref<1x80xf32, #tpu.memory_space<vmem>> -> memref<80xf32, #tpu.memory_space<vmem>>
    %dma_start3A_459 = arith.constant 0 : i32
    %dma_start3A_460 = tpu.memref_slice %arg15[%dma_start3A_455, %dma_start3A_459] : memref<4x80xi32, #tpu.memory_space<vmem>> -> memref<1x80xi32, #tpu.memory_space<vmem>>
    %dma_start3A_461 = tpu.memref_squeeze %dma_start3A_460 : memref<1x80xi32, #tpu.memory_space<vmem>> -> memref<80xi32, #tpu.memory_space<vmem>>
    %dma_start3A_462 = arith.constant 0 : i32
    %dma_start3A_463 = tpu.memref_slice %arg14[%dma_start3A_462] : memref<10240xf32, #tpu.memory_space<hbm>> -> memref<10240xf32, #tpu.memory_space<hbm>>
    tpu.enqueue_indirect_dma source(%dma_start3A_458 : memref<80xf32, #tpu.memory_space<vmem>>) target(%dma_start3A_463 : memref<10240xf32, #tpu.memory_space<hbm>>) offsets(%dma_start3A_461 : memref<80xi32, #tpu.memory_space<vmem>>) semaphore(%arg19 : memref<!tpu.dma_semaphore, #tpu.memory_space<semaphore_mem>>)
    %dma_start3A_464 = arith.constant 3 : i32
    %dma_start3A_465 = arith.constant 3 : i32
    %dma_start3A_466 = arith.constant 0 : i32
    %dma_start3A_467 = tpu.memref_slice %arg16[%dma_start3A_464, %dma_start3A_466] : memref<4x80xi32, #tpu.memory_space<vmem>> -> memref<1x80xi32, #tpu.memory_space<vmem>>
    %dma_start3A_468 = tpu.memref_squeeze %dma_start3A_467 : memref<1x80xi32, #tpu.memory_space<vmem>> -> memref<80xi32, #tpu.memory_space<vmem>>
    %dma_start3A_469 = arith.constant 0 : i32
    %dma_start3A_470 = tpu.memref_slice %arg15[%dma_start3A_465, %dma_start3A_469] : memref<4x80xi32, #tpu.memory_space<vmem>> -> memref<1x80xi32, #tpu.memory_space<vmem>>
    %dma_start3A_471 = tpu.memref_squeeze %dma_start3A_470 : memref<1x80xi32, #tpu.memory_space<vmem>> -> memref<80xi32, #tpu.memory_space<vmem>>
    %dma_start3A_472 = arith.constant 0 : i32
    %dma_start3A_473 = tpu.memref_slice %arg11[%dma_start3A_472] : memref<10240xi32, #tpu.memory_space<hbm>> -> memref<10240xi32, #tpu.memory_space<hbm>>
    tpu.enqueue_indirect_dma source(%dma_start3A_468 : memref<80xi32, #tpu.memory_space<vmem>>) target(%dma_start3A_473 : memref<10240xi32, #tpu.memory_space<hbm>>) offsets(%dma_start3A_471 : memref<80xi32, #tpu.memory_space<vmem>>) semaphore(%arg18 : memref<!tpu.dma_semaphore, #tpu.memory_space<semaphore_mem>>)
    %dma_start3A_474 = arith.constant 3 : i32
    %dma_start3A_475 = arith.constant 3 : i32
    %dma_start3A_476 = arith.constant 0 : i32
    %dma_start3A_477 = tpu.memref_slice %arg17[%dma_start3A_474, %dma_start3A_476] : memref<4x80xf32, #tpu.memory_space<vmem>> -> memref<1x80xf32, #tpu.memory_space<vmem>>
    %dma_start3A_478 = tpu.memref_squeeze %dma_start3A_477 : memref<1x80xf32, #tpu.memory_space<vmem>> -> memref<80xf32, #tpu.memory_space<vmem>>
    %dma_start3A_479 = arith.constant 0 : i32
    %dma_start3A_480 = tpu.memref_slice %arg15[%dma_start3A_475, %dma_start3A_479] : memref<4x80xi32, #tpu.memory_space<vmem>> -> memref<1x80xi32, #tpu.memory_space<vmem>>
    %dma_start3A_481 = tpu.memref_squeeze %dma_start3A_480 : memref<1x80xi32, #tpu.memory_space<vmem>> -> memref<80xi32, #tpu.memory_space<vmem>>
    %dma_start3A_482 = arith.constant 0 : i32
    %dma_start3A_483 = tpu.memref_slice %arg14[%dma_start3A_482] : memref<10240xf32, #tpu.memory_space<hbm>> -> memref<10240xf32, #tpu.memory_space<hbm>>
    tpu.enqueue_indirect_dma source(%dma_start3A_478 : memref<80xf32, #tpu.memory_space<vmem>>) target(%dma_start3A_483 : memref<10240xf32, #tpu.memory_space<hbm>>) offsets(%dma_start3A_481 : memref<80xi32, #tpu.memory_space<vmem>>) semaphore(%arg19 : memref<!tpu.dma_semaphore, #tpu.memory_space<semaphore_mem>>)
    %dma_wait3A_484 = arith.constant 0 : i32
    %dma_wait3A_485 = arith.constant 0 : i32
    %dma_wait3A_486 = arith.constant 0 : i32
    %dma_wait3A_487 = tpu.memref_slice %arg16[%dma_wait3A_484, %dma_wait3A_486] : memref<4x80xi32, #tpu.memory_space<vmem>> -> memref<1x80xi32, #tpu.memory_space<vmem>>
    %dma_wait3A_488 = tpu.memref_squeeze %dma_wait3A_487 : memref<1x80xi32, #tpu.memory_space<vmem>> -> memref<80xi32, #tpu.memory_space<vmem>>
    %dma_wait3A_489 = arith.constant 0 : i32
    %dma_wait3A_490 = tpu.memref_slice %arg15[%dma_wait3A_485, %dma_wait3A_489] : memref<4x80xi32, #tpu.memory_space<vmem>> -> memref<1x80xi32, #tpu.memory_space<vmem>>
    %dma_wait3A_491 = tpu.memref_squeeze %dma_wait3A_490 : memref<1x80xi32, #tpu.memory_space<vmem>> -> memref<80xi32, #tpu.memory_space<vmem>>
    %dma_wait3A_492 = arith.constant 0 : i32
    %dma_wait3A_493 = tpu.memref_slice %arg11[%dma_wait3A_492] : memref<10240xi32, #tpu.memory_space<hbm>> -> memref<10240xi32, #tpu.memory_space<hbm>>
    tpu.wait_indirect_dma semaphore(%arg18 : memref<!tpu.dma_semaphore, #tpu.memory_space<semaphore_mem>>) src(%dma_wait3A_488 : memref<80xi32, #tpu.memory_space<vmem>>) dst(%dma_wait3A_493 : memref<10240xi32, #tpu.memory_space<hbm>>)
    %dma_wait3A_494 = arith.constant 0 : i32
    %dma_wait3A_495 = arith.constant 0 : i32
    %dma_wait3A_496 = arith.constant 0 : i32
    %dma_wait3A_497 = tpu.memref_slice %arg17[%dma_wait3A_494, %dma_wait3A_496] : memref<4x80xf32, #tpu.memory_space<vmem>> -> memref<1x80xf32, #tpu.memory_space<vmem>>
    %dma_wait3A_498 = tpu.memref_squeeze %dma_wait3A_497 : memref<1x80xf32, #tpu.memory_space<vmem>> -> memref<80xf32, #tpu.memory_space<vmem>>
    %dma_wait3A_499 = arith.constant 0 : i32
    %dma_wait3A_500 = tpu.memref_slice %arg15[%dma_wait3A_495, %dma_wait3A_499] : memref<4x80xi32, #tpu.memory_space<vmem>> -> memref<1x80xi32, #tpu.memory_space<vmem>>
    %dma_wait3A_501 = tpu.memref_squeeze %dma_wait3A_500 : memref<1x80xi32, #tpu.memory_space<vmem>> -> memref<80xi32, #tpu.memory_space<vmem>>
    %dma_wait3A_502 = arith.constant 0 : i32
    %dma_wait3A_503 = tpu.memref_slice %arg14[%dma_wait3A_502] : memref<10240xf32, #tpu.memory_space<hbm>> -> memref<10240xf32, #tpu.memory_space<hbm>>
    tpu.wait_indirect_dma semaphore(%arg19 : memref<!tpu.dma_semaphore, #tpu.memory_space<semaphore_mem>>) src(%dma_wait3A_498 : memref<80xf32, #tpu.memory_space<vmem>>) dst(%dma_wait3A_503 : memref<10240xf32, #tpu.memory_space<hbm>>)
    %dma_wait3A_504 = arith.constant 1 : i32
    %dma_wait3A_505 = arith.constant 1 : i32
    %dma_wait3A_506 = arith.constant 0 : i32
    %dma_wait3A_507 = tpu.memref_slice %arg16[%dma_wait3A_504, %dma_wait3A_506] : memref<4x80xi32, #tpu.memory_space<vmem>> -> memref<1x80xi32, #tpu.memory_space<vmem>>
    %dma_wait3A_508 = tpu.memref_squeeze %dma_wait3A_507 : memref<1x80xi32, #tpu.memory_space<vmem>> -> memref<80xi32, #tpu.memory_space<vmem>>
    %dma_wait3A_509 = arith.constant 0 : i32
    %dma_wait3A_510 = tpu.memref_slice %arg15[%dma_wait3A_505, %dma_wait3A_509] : memref<4x80xi32, #tpu.memory_space<vmem>> -> memref<1x80xi32, #tpu.memory_space<vmem>>
    %dma_wait3A_511 = tpu.memref_squeeze %dma_wait3A_510 : memref<1x80xi32, #tpu.memory_space<vmem>> -> memref<80xi32, #tpu.memory_space<vmem>>
    %dma_wait3A_512 = arith.constant 0 : i32
    %dma_wait3A_513 = tpu.memref_slice %arg11[%dma_wait3A_512] : memref<10240xi32, #tpu.memory_space<hbm>> -> memref<10240xi32, #tpu.memory_space<hbm>>
    tpu.wait_indirect_dma semaphore(%arg18 : memref<!tpu.dma_semaphore, #tpu.memory_space<semaphore_mem>>) src(%dma_wait3A_508 : memref<80xi32, #tpu.memory_space<vmem>>) dst(%dma_wait3A_513 : memref<10240xi32, #tpu.memory_space<hbm>>)
    %dma_wait3A_514 = arith.constant 1 : i32
    %dma_wait3A_515 = arith.constant 1 : i32
    %dma_wait3A_516 = arith.constant 0 : i32
    %dma_wait3A_517 = tpu.memref_slice %arg17[%dma_wait3A_514, %dma_wait3A_516] : memref<4x80xf32, #tpu.memory_space<vmem>> -> memref<1x80xf32, #tpu.memory_space<vmem>>
    %dma_wait3A_518 = tpu.memref_squeeze %dma_wait3A_517 : memref<1x80xf32, #tpu.memory_space<vmem>> -> memref<80xf32, #tpu.memory_space<vmem>>
    %dma_wait3A_519 = arith.constant 0 : i32
    %dma_wait3A_520 = tpu.memref_slice %arg15[%dma_wait3A_515, %dma_wait3A_519] : memref<4x80xi32, #tpu.memory_space<vmem>> -> memref<1x80xi32, #tpu.memory_space<vmem>>
    %dma_wait3A_521 = tpu.memref_squeeze %dma_wait3A_520 : memref<1x80xi32, #tpu.memory_space<vmem>> -> memref<80xi32, #tpu.memory_space<vmem>>
    %dma_wait3A_522 = arith.constant 0 : i32
    %dma_wait3A_523 = tpu.memref_slice %arg14[%dma_wait3A_522] : memref<10240xf32, #tpu.memory_space<hbm>> -> memref<10240xf32, #tpu.memory_space<hbm>>
    tpu.wait_indirect_dma semaphore(%arg19 : memref<!tpu.dma_semaphore, #tpu.memory_space<semaphore_mem>>) src(%dma_wait3A_518 : memref<80xf32, #tpu.memory_space<vmem>>) dst(%dma_wait3A_523 : memref<10240xf32, #tpu.memory_space<hbm>>)
    %dma_wait3A_524 = arith.constant 2 : i32
    %dma_wait3A_525 = arith.constant 2 : i32
    %dma_wait3A_526 = arith.constant 0 : i32
    %dma_wait3A_527 = tpu.memref_slice %arg16[%dma_wait3A_524, %dma_wait3A_526] : memref<4x80xi32, #tpu.memory_space<vmem>> -> memref<1x80xi32, #tpu.memory_space<vmem>>
    %dma_wait3A_528 = tpu.memref_squeeze %dma_wait3A_527 : memref<1x80xi32, #tpu.memory_space<vmem>> -> memref<80xi32, #tpu.memory_space<vmem>>
    %dma_wait3A_529 = arith.constant 0 : i32
    %dma_wait3A_530 = tpu.memref_slice %arg15[%dma_wait3A_525, %dma_wait3A_529] : memref<4x80xi32, #tpu.memory_space<vmem>> -> memref<1x80xi32, #tpu.memory_space<vmem>>
    %dma_wait3A_531 = tpu.memref_squeeze %dma_wait3A_530 : memref<1x80xi32, #tpu.memory_space<vmem>> -> memref<80xi32, #tpu.memory_space<vmem>>
    %dma_wait3A_532 = arith.constant 0 : i32
    %dma_wait3A_533 = tpu.memref_slice %arg11[%dma_wait3A_532] : memref<10240xi32, #tpu.memory_space<hbm>> -> memref<10240xi32, #tpu.memory_space<hbm>>
    tpu.wait_indirect_dma semaphore(%arg18 : memref<!tpu.dma_semaphore, #tpu.memory_space<semaphore_mem>>) src(%dma_wait3A_528 : memref<80xi32, #tpu.memory_space<vmem>>) dst(%dma_wait3A_533 : memref<10240xi32, #tpu.memory_space<hbm>>)
    %dma_wait3A_534 = arith.constant 2 : i32
    %dma_wait3A_535 = arith.constant 2 : i32
    %dma_wait3A_536 = arith.constant 0 : i32
    %dma_wait3A_537 = tpu.memref_slice %arg17[%dma_wait3A_534, %dma_wait3A_536] : memref<4x80xf32, #tpu.memory_space<vmem>> -> memref<1x80xf32, #tpu.memory_space<vmem>>
    %dma_wait3A_538 = tpu.memref_squeeze %dma_wait3A_537 : memref<1x80xf32, #tpu.memory_space<vmem>> -> memref<80xf32, #tpu.memory_space<vmem>>
    %dma_wait3A_539 = arith.constant 0 : i32
    %dma_wait3A_540 = tpu.memref_slice %arg15[%dma_wait3A_535, %dma_wait3A_539] : memref<4x80xi32, #tpu.memory_space<vmem>> -> memref<1x80xi32, #tpu.memory_space<vmem>>
    %dma_wait3A_541 = tpu.memref_squeeze %dma_wait3A_540 : memref<1x80xi32, #tpu.memory_space<vmem>> -> memref<80xi32, #tpu.memory_space<vmem>>
    %dma_wait3A_542 = arith.constant 0 : i32
    %dma_wait3A_543 = tpu.memref_slice %arg14[%dma_wait3A_542] : memref<10240xf32, #tpu.memory_space<hbm>> -> memref<10240xf32, #tpu.memory_space<hbm>>
    tpu.wait_indirect_dma semaphore(%arg19 : memref<!tpu.dma_semaphore, #tpu.memory_space<semaphore_mem>>) src(%dma_wait3A_538 : memref<80xf32, #tpu.memory_space<vmem>>) dst(%dma_wait3A_543 : memref<10240xf32, #tpu.memory_space<hbm>>)
    %dma_wait3A_544 = arith.constant 3 : i32
    %dma_wait3A_545 = arith.constant 3 : i32
    %dma_wait3A_546 = arith.constant 0 : i32
    %dma_wait3A_547 = tpu.memref_slice %arg16[%dma_wait3A_544, %dma_wait3A_546] : memref<4x80xi32, #tpu.memory_space<vmem>> -> memref<1x80xi32, #tpu.memory_space<vmem>>
    %dma_wait3A_548 = tpu.memref_squeeze %dma_wait3A_547 : memref<1x80xi32, #tpu.memory_space<vmem>> -> memref<80xi32, #tpu.memory_space<vmem>>
    %dma_wait3A_549 = arith.constant 0 : i32
    %dma_wait3A_550 = tpu.memref_slice %arg15[%dma_wait3A_545, %dma_wait3A_549] : memref<4x80xi32, #tpu.memory_space<vmem>> -> memref<1x80xi32, #tpu.memory_space<vmem>>
    %dma_wait3A_551 = tpu.memref_squeeze %dma_wait3A_550 : memref<1x80xi32, #tpu.memory_space<vmem>> -> memref<80xi32, #tpu.memory_space<vmem>>
    %dma_wait3A_552 = arith.constant 0 : i32
    %dma_wait3A_553 = tpu.memref_slice %arg11[%dma_wait3A_552] : memref<10240xi32, #tpu.memory_space<hbm>> -> memref<10240xi32, #tpu.memory_space<hbm>>
    tpu.wait_indirect_dma semaphore(%arg18 : memref<!tpu.dma_semaphore, #tpu.memory_space<semaphore_mem>>) src(%dma_wait3A_548 : memref<80xi32, #tpu.memory_space<vmem>>) dst(%dma_wait3A_553 : memref<10240xi32, #tpu.memory_space<hbm>>)
    %dma_wait3A_554 = arith.constant 3 : i32
    %dma_wait3A_555 = arith.constant 3 : i32
    %dma_wait3A_556 = arith.constant 0 : i32
    %dma_wait3A_557 = tpu.memref_slice %arg17[%dma_wait3A_554, %dma_wait3A_556] : memref<4x80xf32, #tpu.memory_space<vmem>> -> memref<1x80xf32, #tpu.memory_space<vmem>>
    %dma_wait3A_558 = tpu.memref_squeeze %dma_wait3A_557 : memref<1x80xf32, #tpu.memory_space<vmem>> -> memref<80xf32, #tpu.memory_space<vmem>>
    %dma_wait3A_559 = arith.constant 0 : i32
    %dma_wait3A_560 = tpu.memref_slice %arg15[%dma_wait3A_555, %dma_wait3A_559] : memref<4x80xi32, #tpu.memory_space<vmem>> -> memref<1x80xi32, #tpu.memory_space<vmem>>
    %dma_wait3A_561 = tpu.memref_squeeze %dma_wait3A_560 : memref<1x80xi32, #tpu.memory_space<vmem>> -> memref<80xi32, #tpu.memory_space<vmem>>
    %dma_wait3A_562 = arith.constant 0 : i32
    %dma_wait3A_563 = tpu.memref_slice %arg14[%dma_wait3A_562] : memref<10240xf32, #tpu.memory_space<hbm>> -> memref<10240xf32, #tpu.memory_space<hbm>>
    tpu.wait_indirect_dma semaphore(%arg19 : memref<!tpu.dma_semaphore, #tpu.memory_space<semaphore_mem>>) src(%dma_wait3A_558 : memref<80xf32, #tpu.memory_space<vmem>>) dst(%dma_wait3A_563 : memref<10240xf32, #tpu.memory_space<hbm>>)
    return
  }
}

#map = affine_map<(d0, d1) -> (0, 0)>
#map1 = affine_map<(d0, d1) -> (0)>
module attributes {stable_mosaic.version = 14 : i64} {
  func.func @k(%arg0: i32, %arg1: i32, %arg2: memref<10000x256xf32, #tpu.memory_space<hbm>>, %arg3: memref<10240xi32, #tpu.memory_space<hbm>>, %arg4: memref<10240xi32, #tpu.memory_space<hbm>>, %arg5: memref<10240xi32, #tpu.memory_space<hbm>>, %arg6: memref<5120x256xf32, #tpu.memory_space<hbm>>, %arg7: memref<5120x256xf32, #tpu.memory_space<hbm>>, %arg8: memref<5120x256xf32, #tpu.memory_space<hbm>>, %arg9: memref<2x80xi32, #tpu.memory_space<vmem>>, %arg10: memref<160x256xf32, #tpu.memory_space<vmem>>, %arg11: memref<!tpu.dma_semaphore, #tpu.memory_space<semaphore_mem>>) attributes {dimension_semantics = [#tpu.dimension_semantics<core_parallel>, #tpu.dimension_semantics<subcore_parallel>], iteration_bounds = array<i64: 2, 16>, scalar_prefetch = 0 : i64, scratch_operands = 3 : i64, tpu.core_type = #tpu.core_type<sc_vector_subcore>, window_params = [{transform_indices = #map}, {transform_indices = #map1}, {transform_indices = #map1}, {transform_indices = #map1}, {transform_indices = #map}, {transform_indices = #map}, {transform_indices = #map}]} {
    %mul3A = arith.constant 2 : i32
    %mul3A_0 = arith.muli %arg1, %mul3A : i32
    %add3A = arith.addi %mul3A_0, %arg0 : i32
    %mul3A_1 = arith.constant 160 : i32
    %mul3A_2 = arith.muli %add3A, %mul3A_1 : i32
    %add3A_3 = arith.constant 0 : i32
    %add3A_4 = arith.addi %mul3A_2, %add3A_3 : i32
    %run_scoped3A = arith.constant 0 : i32
    "tpu.region"() ({
      %run_scoped3A_138 = tpu.sem_alloc : memref<!tpu.dma_semaphore, #tpu.memory_space<semaphore_mem>>
      %dma_start3A_139 = arith.constant 0 : i32
      %dma_start3A_140 = tpu.memref_slice %arg9[%run_scoped3A, %dma_start3A_139] : memref<2x80xi32, #tpu.memory_space<vmem>> -> memref<1x80xi32, #tpu.memory_space<vmem>>
      %dma_start3A_141 = tpu.memref_squeeze %dma_start3A_140 : memref<1x80xi32, #tpu.memory_space<vmem>> -> memref<80xi32, #tpu.memory_space<vmem>>
      %dma_start3A_142 = tpu.memref_slice %arg3[%add3A_4] : memref<10240xi32, #tpu.memory_space<hbm>> -> memref<80xi32, #tpu.memory_space<hbm>>
      %dma_start3A_143 = arith.constant 0 : i32
      %dma_start3A_144 = tpu.memref_slice %arg9[%run_scoped3A, %dma_start3A_143] : memref<2x80xi32, #tpu.memory_space<vmem>> -> memref<1x80xi32, #tpu.memory_space<vmem>>
      %dma_start3A_145 = tpu.memref_squeeze %dma_start3A_144 : memref<1x80xi32, #tpu.memory_space<vmem>> -> memref<80xi32, #tpu.memory_space<vmem>>
      %dma_start3A_146 = tpu.memref_slice %arg3[%add3A_4] : memref<10240xi32, #tpu.memory_space<hbm>> -> memref<80xi32, #tpu.memory_space<hbm>>
      tpu.enqueue_dma source(%dma_start3A_146 : memref<80xi32, #tpu.memory_space<hbm>>) target(%dma_start3A_145 : memref<80xi32, #tpu.memory_space<vmem>>) target_semaphore(%run_scoped3A_138 : memref<!tpu.dma_semaphore, #tpu.memory_space<semaphore_mem>>)
      %dma_wait3A_147 = arith.constant 0 : i32
      %dma_wait3A_148 = tpu.memref_slice %arg9[%run_scoped3A, %dma_wait3A_147] : memref<2x80xi32, #tpu.memory_space<vmem>> -> memref<1x80xi32, #tpu.memory_space<vmem>>
      %dma_wait3A_149 = tpu.memref_squeeze %dma_wait3A_148 : memref<1x80xi32, #tpu.memory_space<vmem>> -> memref<80xi32, #tpu.memory_space<vmem>>
      %dma_wait3A_150 = tpu.memref_slice %arg3[%add3A_4] : memref<10240xi32, #tpu.memory_space<hbm>> -> memref<80xi32, #tpu.memory_space<hbm>>
      %dma_wait3A_151 = arith.constant 0 : i32
      %dma_wait3A_152 = tpu.memref_slice %arg9[%run_scoped3A, %dma_wait3A_151] : memref<2x80xi32, #tpu.memory_space<vmem>> -> memref<1x80xi32, #tpu.memory_space<vmem>>
      %dma_wait3A_153 = tpu.memref_squeeze %dma_wait3A_152 : memref<1x80xi32, #tpu.memory_space<vmem>> -> memref<80xi32, #tpu.memory_space<vmem>>
      %dma_wait3A_154 = tpu.memref_slice %arg3[%add3A_4] : memref<10240xi32, #tpu.memory_space<hbm>> -> memref<80xi32, #tpu.memory_space<hbm>>
      tpu.wait_dma2 semaphore(%run_scoped3A_138 : memref<!tpu.dma_semaphore, #tpu.memory_space<semaphore_mem>>) src(%dma_wait3A_154 : memref<80xi32, #tpu.memory_space<hbm>>) dst(%dma_wait3A_153 : memref<80xi32, #tpu.memory_space<vmem>>)
      tpu.yield
    }) : () -> ()
    %add3A_5 = arith.constant 80 : i32
    %add3A_6 = arith.addi %mul3A_2, %add3A_5 : i32
    %run_scoped3A_7 = arith.constant 1 : i32
    "tpu.region"() ({
      %run_scoped3A_138 = tpu.sem_alloc : memref<!tpu.dma_semaphore, #tpu.memory_space<semaphore_mem>>
      %dma_start3A_139 = arith.constant 0 : i32
      %dma_start3A_140 = tpu.memref_slice %arg9[%run_scoped3A_7, %dma_start3A_139] : memref<2x80xi32, #tpu.memory_space<vmem>> -> memref<1x80xi32, #tpu.memory_space<vmem>>
      %dma_start3A_141 = tpu.memref_squeeze %dma_start3A_140 : memref<1x80xi32, #tpu.memory_space<vmem>> -> memref<80xi32, #tpu.memory_space<vmem>>
      %dma_start3A_142 = tpu.memref_slice %arg3[%add3A_6] : memref<10240xi32, #tpu.memory_space<hbm>> -> memref<80xi32, #tpu.memory_space<hbm>>
      %dma_start3A_143 = arith.constant 0 : i32
      %dma_start3A_144 = tpu.memref_slice %arg9[%run_scoped3A_7, %dma_start3A_143] : memref<2x80xi32, #tpu.memory_space<vmem>> -> memref<1x80xi32, #tpu.memory_space<vmem>>
      %dma_start3A_145 = tpu.memref_squeeze %dma_start3A_144 : memref<1x80xi32, #tpu.memory_space<vmem>> -> memref<80xi32, #tpu.memory_space<vmem>>
      %dma_start3A_146 = tpu.memref_slice %arg3[%add3A_6] : memref<10240xi32, #tpu.memory_space<hbm>> -> memref<80xi32, #tpu.memory_space<hbm>>
      tpu.enqueue_dma source(%dma_start3A_146 : memref<80xi32, #tpu.memory_space<hbm>>) target(%dma_start3A_145 : memref<80xi32, #tpu.memory_space<vmem>>) target_semaphore(%run_scoped3A_138 : memref<!tpu.dma_semaphore, #tpu.memory_space<semaphore_mem>>)
      %dma_wait3A_147 = arith.constant 0 : i32
      %dma_wait3A_148 = tpu.memref_slice %arg9[%run_scoped3A_7, %dma_wait3A_147] : memref<2x80xi32, #tpu.memory_space<vmem>> -> memref<1x80xi32, #tpu.memory_space<vmem>>
      %dma_wait3A_149 = tpu.memref_squeeze %dma_wait3A_148 : memref<1x80xi32, #tpu.memory_space<vmem>> -> memref<80xi32, #tpu.memory_space<vmem>>
      %dma_wait3A_150 = tpu.memref_slice %arg3[%add3A_6] : memref<10240xi32, #tpu.memory_space<hbm>> -> memref<80xi32, #tpu.memory_space<hbm>>
      %dma_wait3A_151 = arith.constant 0 : i32
      %dma_wait3A_152 = tpu.memref_slice %arg9[%run_scoped3A_7, %dma_wait3A_151] : memref<2x80xi32, #tpu.memory_space<vmem>> -> memref<1x80xi32, #tpu.memory_space<vmem>>
      %dma_wait3A_153 = tpu.memref_squeeze %dma_wait3A_152 : memref<1x80xi32, #tpu.memory_space<vmem>> -> memref<80xi32, #tpu.memory_space<vmem>>
      %dma_wait3A_154 = tpu.memref_slice %arg3[%add3A_6] : memref<10240xi32, #tpu.memory_space<hbm>> -> memref<80xi32, #tpu.memory_space<hbm>>
      tpu.wait_dma2 semaphore(%run_scoped3A_138 : memref<!tpu.dma_semaphore, #tpu.memory_space<semaphore_mem>>) src(%dma_wait3A_154 : memref<80xi32, #tpu.memory_space<hbm>>) dst(%dma_wait3A_153 : memref<80xi32, #tpu.memory_space<vmem>>)
      tpu.yield
    }) : () -> ()
    %dma_start3A = arith.constant 0 : i32
    %dma_start3A_8 = arith.constant 0 : i32
    %dma_start3A_9 = arith.constant 0 : i32
    %dma_start3A_10 = tpu.memref_slice %arg10[%dma_start3A_8, %dma_start3A_9] : memref<160x256xf32, #tpu.memory_space<vmem>> -> memref<80x256xf32, #tpu.memory_space<vmem>>
    %dma_start3A_11 = arith.constant 0 : i32
    %dma_start3A_12 = tpu.memref_slice %arg9[%dma_start3A, %dma_start3A_11] : memref<2x80xi32, #tpu.memory_space<vmem>> -> memref<1x80xi32, #tpu.memory_space<vmem>>
    %dma_start3A_13 = tpu.memref_squeeze %dma_start3A_12 : memref<1x80xi32, #tpu.memory_space<vmem>> -> memref<80xi32, #tpu.memory_space<vmem>>
    %dma_start3A_14 = arith.constant 0 : i32
    %dma_start3A_15 = arith.constant 0 : i32
    %dma_start3A_16 = tpu.memref_slice %arg2[%dma_start3A_14, %dma_start3A_15] : memref<10000x256xf32, #tpu.memory_space<hbm>> -> memref<10000x256xf32, #tpu.memory_space<hbm>>
    tpu.enqueue_indirect_dma source(%dma_start3A_16 : memref<10000x256xf32, #tpu.memory_space<hbm>>) target(%dma_start3A_10 : memref<80x256xf32, #tpu.memory_space<vmem>>) offsets(%dma_start3A_13 : memref<80xi32, #tpu.memory_space<vmem>>) semaphore(%arg11 : memref<!tpu.dma_semaphore, #tpu.memory_space<semaphore_mem>>)
    %dma_start3A_17 = arith.constant 1 : i32
    %dma_start3A_18 = arith.constant 80 : i32
    %dma_start3A_19 = arith.constant 0 : i32
    %dma_start3A_20 = tpu.memref_slice %arg10[%dma_start3A_18, %dma_start3A_19] : memref<160x256xf32, #tpu.memory_space<vmem>> -> memref<80x256xf32, #tpu.memory_space<vmem>>
    %dma_start3A_21 = arith.constant 0 : i32
    %dma_start3A_22 = tpu.memref_slice %arg9[%dma_start3A_17, %dma_start3A_21] : memref<2x80xi32, #tpu.memory_space<vmem>> -> memref<1x80xi32, #tpu.memory_space<vmem>>
    %dma_start3A_23 = tpu.memref_squeeze %dma_start3A_22 : memref<1x80xi32, #tpu.memory_space<vmem>> -> memref<80xi32, #tpu.memory_space<vmem>>
    %dma_start3A_24 = arith.constant 0 : i32
    %dma_start3A_25 = arith.constant 0 : i32
    %dma_start3A_26 = tpu.memref_slice %arg2[%dma_start3A_24, %dma_start3A_25] : memref<10000x256xf32, #tpu.memory_space<hbm>> -> memref<10000x256xf32, #tpu.memory_space<hbm>>
    tpu.enqueue_indirect_dma source(%dma_start3A_26 : memref<10000x256xf32, #tpu.memory_space<hbm>>) target(%dma_start3A_20 : memref<80x256xf32, #tpu.memory_space<vmem>>) offsets(%dma_start3A_23 : memref<80xi32, #tpu.memory_space<vmem>>) semaphore(%arg11 : memref<!tpu.dma_semaphore, #tpu.memory_space<semaphore_mem>>)
    %dma_wait3A = arith.constant 0 : i32
    %dma_wait3A_27 = arith.constant 0 : i32
    %dma_wait3A_28 = arith.constant 0 : i32
    %dma_wait3A_29 = tpu.memref_slice %arg10[%dma_wait3A_27, %dma_wait3A_28] : memref<160x256xf32, #tpu.memory_space<vmem>> -> memref<80x256xf32, #tpu.memory_space<vmem>>
    %dma_wait3A_30 = arith.constant 0 : i32
    %dma_wait3A_31 = tpu.memref_slice %arg9[%dma_wait3A, %dma_wait3A_30] : memref<2x80xi32, #tpu.memory_space<vmem>> -> memref<1x80xi32, #tpu.memory_space<vmem>>
    %dma_wait3A_32 = tpu.memref_squeeze %dma_wait3A_31 : memref<1x80xi32, #tpu.memory_space<vmem>> -> memref<80xi32, #tpu.memory_space<vmem>>
    %dma_wait3A_33 = arith.constant 0 : i32
    %dma_wait3A_34 = arith.constant 0 : i32
    %dma_wait3A_35 = tpu.memref_slice %arg2[%dma_wait3A_33, %dma_wait3A_34] : memref<10000x256xf32, #tpu.memory_space<hbm>> -> memref<10000x256xf32, #tpu.memory_space<hbm>>
    tpu.wait_indirect_dma semaphore(%arg11 : memref<!tpu.dma_semaphore, #tpu.memory_space<semaphore_mem>>) src(%dma_wait3A_35 : memref<10000x256xf32, #tpu.memory_space<hbm>>) dst(%dma_wait3A_29 : memref<80x256xf32, #tpu.memory_space<vmem>>)
    %dma_wait3A_36 = arith.constant 1 : i32
    %dma_wait3A_37 = arith.constant 80 : i32
    %dma_wait3A_38 = arith.constant 0 : i32
    %dma_wait3A_39 = tpu.memref_slice %arg10[%dma_wait3A_37, %dma_wait3A_38] : memref<160x256xf32, #tpu.memory_space<vmem>> -> memref<80x256xf32, #tpu.memory_space<vmem>>
    %dma_wait3A_40 = arith.constant 0 : i32
    %dma_wait3A_41 = tpu.memref_slice %arg9[%dma_wait3A_36, %dma_wait3A_40] : memref<2x80xi32, #tpu.memory_space<vmem>> -> memref<1x80xi32, #tpu.memory_space<vmem>>
    %dma_wait3A_42 = tpu.memref_squeeze %dma_wait3A_41 : memref<1x80xi32, #tpu.memory_space<vmem>> -> memref<80xi32, #tpu.memory_space<vmem>>
    %dma_wait3A_43 = arith.constant 0 : i32
    %dma_wait3A_44 = arith.constant 0 : i32
    %dma_wait3A_45 = tpu.memref_slice %arg2[%dma_wait3A_43, %dma_wait3A_44] : memref<10000x256xf32, #tpu.memory_space<hbm>> -> memref<10000x256xf32, #tpu.memory_space<hbm>>
    tpu.wait_indirect_dma semaphore(%arg11 : memref<!tpu.dma_semaphore, #tpu.memory_space<semaphore_mem>>) src(%dma_wait3A_45 : memref<10000x256xf32, #tpu.memory_space<hbm>>) dst(%dma_wait3A_39 : memref<80x256xf32, #tpu.memory_space<vmem>>)
    "tpu.region"() ({
      %run_scoped3A_138 = tpu.sem_alloc : memref<!tpu.dma_semaphore, #tpu.memory_space<semaphore_mem>>
      %dma_start3A_139 = arith.constant 0 : i32
      %dma_start3A_140 = tpu.memref_slice %arg6[%mul3A_2, %dma_start3A_139] : memref<5120x256xf32, #tpu.memory_space<hbm>> -> memref<160x256xf32, #tpu.memory_space<hbm>>
      %dma_start3A_141 = arith.constant 0 : i32
      %dma_start3A_142 = tpu.memref_slice %arg6[%mul3A_2, %dma_start3A_141] : memref<5120x256xf32, #tpu.memory_space<hbm>> -> memref<160x256xf32, #tpu.memory_space<hbm>>
      tpu.enqueue_dma source(%arg10 : memref<160x256xf32, #tpu.memory_space<vmem>>) target(%dma_start3A_142 : memref<160x256xf32, #tpu.memory_space<hbm>>) target_semaphore(%run_scoped3A_138 : memref<!tpu.dma_semaphore, #tpu.memory_space<semaphore_mem>>)
      %dma_wait3A_143 = arith.constant 0 : i32
      %dma_wait3A_144 = tpu.memref_slice %arg6[%mul3A_2, %dma_wait3A_143] : memref<5120x256xf32, #tpu.memory_space<hbm>> -> memref<160x256xf32, #tpu.memory_space<hbm>>
      %dma_wait3A_145 = arith.constant 0 : i32
      %dma_wait3A_146 = tpu.memref_slice %arg6[%mul3A_2, %dma_wait3A_145] : memref<5120x256xf32, #tpu.memory_space<hbm>> -> memref<160x256xf32, #tpu.memory_space<hbm>>
      tpu.wait_dma2 semaphore(%run_scoped3A_138 : memref<!tpu.dma_semaphore, #tpu.memory_space<semaphore_mem>>) src(%arg10 : memref<160x256xf32, #tpu.memory_space<vmem>>) dst(%dma_wait3A_146 : memref<160x256xf32, #tpu.memory_space<hbm>>)
      tpu.yield
    }) : () -> ()
    %add3A_46 = arith.constant 0 : i32
    %add3A_47 = arith.addi %mul3A_2, %add3A_46 : i32
    %run_scoped3A_48 = arith.constant 0 : i32
    "tpu.region"() ({
      %run_scoped3A_138 = tpu.sem_alloc : memref<!tpu.dma_semaphore, #tpu.memory_space<semaphore_mem>>
      %dma_start3A_139 = arith.constant 0 : i32
      %dma_start3A_140 = tpu.memref_slice %arg9[%run_scoped3A_48, %dma_start3A_139] : memref<2x80xi32, #tpu.memory_space<vmem>> -> memref<1x80xi32, #tpu.memory_space<vmem>>
      %dma_start3A_141 = tpu.memref_squeeze %dma_start3A_140 : memref<1x80xi32, #tpu.memory_space<vmem>> -> memref<80xi32, #tpu.memory_space<vmem>>
      %dma_start3A_142 = tpu.memref_slice %arg4[%add3A_47] : memref<10240xi32, #tpu.memory_space<hbm>> -> memref<80xi32, #tpu.memory_space<hbm>>
      %dma_start3A_143 = arith.constant 0 : i32
      %dma_start3A_144 = tpu.memref_slice %arg9[%run_scoped3A_48, %dma_start3A_143] : memref<2x80xi32, #tpu.memory_space<vmem>> -> memref<1x80xi32, #tpu.memory_space<vmem>>
      %dma_start3A_145 = tpu.memref_squeeze %dma_start3A_144 : memref<1x80xi32, #tpu.memory_space<vmem>> -> memref<80xi32, #tpu.memory_space<vmem>>
      %dma_start3A_146 = tpu.memref_slice %arg4[%add3A_47] : memref<10240xi32, #tpu.memory_space<hbm>> -> memref<80xi32, #tpu.memory_space<hbm>>
      tpu.enqueue_dma source(%dma_start3A_146 : memref<80xi32, #tpu.memory_space<hbm>>) target(%dma_start3A_145 : memref<80xi32, #tpu.memory_space<vmem>>) target_semaphore(%run_scoped3A_138 : memref<!tpu.dma_semaphore, #tpu.memory_space<semaphore_mem>>)
      %dma_wait3A_147 = arith.constant 0 : i32
      %dma_wait3A_148 = tpu.memref_slice %arg9[%run_scoped3A_48, %dma_wait3A_147] : memref<2x80xi32, #tpu.memory_space<vmem>> -> memref<1x80xi32, #tpu.memory_space<vmem>>
      %dma_wait3A_149 = tpu.memref_squeeze %dma_wait3A_148 : memref<1x80xi32, #tpu.memory_space<vmem>> -> memref<80xi32, #tpu.memory_space<vmem>>
      %dma_wait3A_150 = tpu.memref_slice %arg4[%add3A_47] : memref<10240xi32, #tpu.memory_space<hbm>> -> memref<80xi32, #tpu.memory_space<hbm>>
      %dma_wait3A_151 = arith.constant 0 : i32
      %dma_wait3A_152 = tpu.memref_slice %arg9[%run_scoped3A_48, %dma_wait3A_151] : memref<2x80xi32, #tpu.memory_space<vmem>> -> memref<1x80xi32, #tpu.memory_space<vmem>>
      %dma_wait3A_153 = tpu.memref_squeeze %dma_wait3A_152 : memref<1x80xi32, #tpu.memory_space<vmem>> -> memref<80xi32, #tpu.memory_space<vmem>>
      %dma_wait3A_154 = tpu.memref_slice %arg4[%add3A_47] : memref<10240xi32, #tpu.memory_space<hbm>> -> memref<80xi32, #tpu.memory_space<hbm>>
      tpu.wait_dma2 semaphore(%run_scoped3A_138 : memref<!tpu.dma_semaphore, #tpu.memory_space<semaphore_mem>>) src(%dma_wait3A_154 : memref<80xi32, #tpu.memory_space<hbm>>) dst(%dma_wait3A_153 : memref<80xi32, #tpu.memory_space<vmem>>)
      tpu.yield
    }) : () -> ()
    %add3A_49 = arith.constant 80 : i32
    %add3A_50 = arith.addi %mul3A_2, %add3A_49 : i32
    %run_scoped3A_51 = arith.constant 1 : i32
    "tpu.region"() ({
      %run_scoped3A_138 = tpu.sem_alloc : memref<!tpu.dma_semaphore, #tpu.memory_space<semaphore_mem>>
      %dma_start3A_139 = arith.constant 0 : i32
      %dma_start3A_140 = tpu.memref_slice %arg9[%run_scoped3A_51, %dma_start3A_139] : memref<2x80xi32, #tpu.memory_space<vmem>> -> memref<1x80xi32, #tpu.memory_space<vmem>>
      %dma_start3A_141 = tpu.memref_squeeze %dma_start3A_140 : memref<1x80xi32, #tpu.memory_space<vmem>> -> memref<80xi32, #tpu.memory_space<vmem>>
      %dma_start3A_142 = tpu.memref_slice %arg4[%add3A_50] : memref<10240xi32, #tpu.memory_space<hbm>> -> memref<80xi32, #tpu.memory_space<hbm>>
      %dma_start3A_143 = arith.constant 0 : i32
      %dma_start3A_144 = tpu.memref_slice %arg9[%run_scoped3A_51, %dma_start3A_143] : memref<2x80xi32, #tpu.memory_space<vmem>> -> memref<1x80xi32, #tpu.memory_space<vmem>>
      %dma_start3A_145 = tpu.memref_squeeze %dma_start3A_144 : memref<1x80xi32, #tpu.memory_space<vmem>> -> memref<80xi32, #tpu.memory_space<vmem>>
      %dma_start3A_146 = tpu.memref_slice %arg4[%add3A_50] : memref<10240xi32, #tpu.memory_space<hbm>> -> memref<80xi32, #tpu.memory_space<hbm>>
      tpu.enqueue_dma source(%dma_start3A_146 : memref<80xi32, #tpu.memory_space<hbm>>) target(%dma_start3A_145 : memref<80xi32, #tpu.memory_space<vmem>>) target_semaphore(%run_scoped3A_138 : memref<!tpu.dma_semaphore, #tpu.memory_space<semaphore_mem>>)
      %dma_wait3A_147 = arith.constant 0 : i32
      %dma_wait3A_148 = tpu.memref_slice %arg9[%run_scoped3A_51, %dma_wait3A_147] : memref<2x80xi32, #tpu.memory_space<vmem>> -> memref<1x80xi32, #tpu.memory_space<vmem>>
      %dma_wait3A_149 = tpu.memref_squeeze %dma_wait3A_148 : memref<1x80xi32, #tpu.memory_space<vmem>> -> memref<80xi32, #tpu.memory_space<vmem>>
      %dma_wait3A_150 = tpu.memref_slice %arg4[%add3A_50] : memref<10240xi32, #tpu.memory_space<hbm>> -> memref<80xi32, #tpu.memory_space<hbm>>
      %dma_wait3A_151 = arith.constant 0 : i32
      %dma_wait3A_152 = tpu.memref_slice %arg9[%run_scoped3A_51, %dma_wait3A_151] : memref<2x80xi32, #tpu.memory_space<vmem>> -> memref<1x80xi32, #tpu.memory_space<vmem>>
      %dma_wait3A_153 = tpu.memref_squeeze %dma_wait3A_152 : memref<1x80xi32, #tpu.memory_space<vmem>> -> memref<80xi32, #tpu.memory_space<vmem>>
      %dma_wait3A_154 = tpu.memref_slice %arg4[%add3A_50] : memref<10240xi32, #tpu.memory_space<hbm>> -> memref<80xi32, #tpu.memory_space<hbm>>
      tpu.wait_dma2 semaphore(%run_scoped3A_138 : memref<!tpu.dma_semaphore, #tpu.memory_space<semaphore_mem>>) src(%dma_wait3A_154 : memref<80xi32, #tpu.memory_space<hbm>>) dst(%dma_wait3A_153 : memref<80xi32, #tpu.memory_space<vmem>>)
      tpu.yield
    }) : () -> ()
    %dma_start3A_52 = arith.constant 0 : i32
    %dma_start3A_53 = arith.constant 0 : i32
    %dma_start3A_54 = arith.constant 0 : i32
    %dma_start3A_55 = tpu.memref_slice %arg10[%dma_start3A_53, %dma_start3A_54] : memref<160x256xf32, #tpu.memory_space<vmem>> -> memref<80x256xf32, #tpu.memory_space<vmem>>
    %dma_start3A_56 = arith.constant 0 : i32
    %dma_start3A_57 = tpu.memref_slice %arg9[%dma_start3A_52, %dma_start3A_56] : memref<2x80xi32, #tpu.memory_space<vmem>> -> memref<1x80xi32, #tpu.memory_space<vmem>>
    %dma_start3A_58 = tpu.memref_squeeze %dma_start3A_57 : memref<1x80xi32, #tpu.memory_space<vmem>> -> memref<80xi32, #tpu.memory_space<vmem>>
    %dma_start3A_59 = arith.constant 0 : i32
    %dma_start3A_60 = arith.constant 0 : i32
    %dma_start3A_61 = tpu.memref_slice %arg2[%dma_start3A_59, %dma_start3A_60] : memref<10000x256xf32, #tpu.memory_space<hbm>> -> memref<10000x256xf32, #tpu.memory_space<hbm>>
    tpu.enqueue_indirect_dma source(%dma_start3A_61 : memref<10000x256xf32, #tpu.memory_space<hbm>>) target(%dma_start3A_55 : memref<80x256xf32, #tpu.memory_space<vmem>>) offsets(%dma_start3A_58 : memref<80xi32, #tpu.memory_space<vmem>>) semaphore(%arg11 : memref<!tpu.dma_semaphore, #tpu.memory_space<semaphore_mem>>)
    %dma_start3A_62 = arith.constant 1 : i32
    %dma_start3A_63 = arith.constant 80 : i32
    %dma_start3A_64 = arith.constant 0 : i32
    %dma_start3A_65 = tpu.memref_slice %arg10[%dma_start3A_63, %dma_start3A_64] : memref<160x256xf32, #tpu.memory_space<vmem>> -> memref<80x256xf32, #tpu.memory_space<vmem>>
    %dma_start3A_66 = arith.constant 0 : i32
    %dma_start3A_67 = tpu.memref_slice %arg9[%dma_start3A_62, %dma_start3A_66] : memref<2x80xi32, #tpu.memory_space<vmem>> -> memref<1x80xi32, #tpu.memory_space<vmem>>
    %dma_start3A_68 = tpu.memref_squeeze %dma_start3A_67 : memref<1x80xi32, #tpu.memory_space<vmem>> -> memref<80xi32, #tpu.memory_space<vmem>>
    %dma_start3A_69 = arith.constant 0 : i32
    %dma_start3A_70 = arith.constant 0 : i32
    %dma_start3A_71 = tpu.memref_slice %arg2[%dma_start3A_69, %dma_start3A_70] : memref<10000x256xf32, #tpu.memory_space<hbm>> -> memref<10000x256xf32, #tpu.memory_space<hbm>>
    tpu.enqueue_indirect_dma source(%dma_start3A_71 : memref<10000x256xf32, #tpu.memory_space<hbm>>) target(%dma_start3A_65 : memref<80x256xf32, #tpu.memory_space<vmem>>) offsets(%dma_start3A_68 : memref<80xi32, #tpu.memory_space<vmem>>) semaphore(%arg11 : memref<!tpu.dma_semaphore, #tpu.memory_space<semaphore_mem>>)
    %dma_wait3A_72 = arith.constant 0 : i32
    %dma_wait3A_73 = arith.constant 0 : i32
    %dma_wait3A_74 = arith.constant 0 : i32
    %dma_wait3A_75 = tpu.memref_slice %arg10[%dma_wait3A_73, %dma_wait3A_74] : memref<160x256xf32, #tpu.memory_space<vmem>> -> memref<80x256xf32, #tpu.memory_space<vmem>>
    %dma_wait3A_76 = arith.constant 0 : i32
    %dma_wait3A_77 = tpu.memref_slice %arg9[%dma_wait3A_72, %dma_wait3A_76] : memref<2x80xi32, #tpu.memory_space<vmem>> -> memref<1x80xi32, #tpu.memory_space<vmem>>
    %dma_wait3A_78 = tpu.memref_squeeze %dma_wait3A_77 : memref<1x80xi32, #tpu.memory_space<vmem>> -> memref<80xi32, #tpu.memory_space<vmem>>
    %dma_wait3A_79 = arith.constant 0 : i32
    %dma_wait3A_80 = arith.constant 0 : i32
    %dma_wait3A_81 = tpu.memref_slice %arg2[%dma_wait3A_79, %dma_wait3A_80] : memref<10000x256xf32, #tpu.memory_space<hbm>> -> memref<10000x256xf32, #tpu.memory_space<hbm>>
    tpu.wait_indirect_dma semaphore(%arg11 : memref<!tpu.dma_semaphore, #tpu.memory_space<semaphore_mem>>) src(%dma_wait3A_81 : memref<10000x256xf32, #tpu.memory_space<hbm>>) dst(%dma_wait3A_75 : memref<80x256xf32, #tpu.memory_space<vmem>>)
    %dma_wait3A_82 = arith.constant 1 : i32
    %dma_wait3A_83 = arith.constant 80 : i32
    %dma_wait3A_84 = arith.constant 0 : i32
    %dma_wait3A_85 = tpu.memref_slice %arg10[%dma_wait3A_83, %dma_wait3A_84] : memref<160x256xf32, #tpu.memory_space<vmem>> -> memref<80x256xf32, #tpu.memory_space<vmem>>
    %dma_wait3A_86 = arith.constant 0 : i32
    %dma_wait3A_87 = tpu.memref_slice %arg9[%dma_wait3A_82, %dma_wait3A_86] : memref<2x80xi32, #tpu.memory_space<vmem>> -> memref<1x80xi32, #tpu.memory_space<vmem>>
    %dma_wait3A_88 = tpu.memref_squeeze %dma_wait3A_87 : memref<1x80xi32, #tpu.memory_space<vmem>> -> memref<80xi32, #tpu.memory_space<vmem>>
    %dma_wait3A_89 = arith.constant 0 : i32
    %dma_wait3A_90 = arith.constant 0 : i32
    %dma_wait3A_91 = tpu.memref_slice %arg2[%dma_wait3A_89, %dma_wait3A_90] : memref<10000x256xf32, #tpu.memory_space<hbm>> -> memref<10000x256xf32, #tpu.memory_space<hbm>>
    tpu.wait_indirect_dma semaphore(%arg11 : memref<!tpu.dma_semaphore, #tpu.memory_space<semaphore_mem>>) src(%dma_wait3A_91 : memref<10000x256xf32, #tpu.memory_space<hbm>>) dst(%dma_wait3A_85 : memref<80x256xf32, #tpu.memory_space<vmem>>)
    "tpu.region"() ({
      %run_scoped3A_138 = tpu.sem_alloc : memref<!tpu.dma_semaphore, #tpu.memory_space<semaphore_mem>>
      %dma_start3A_139 = arith.constant 0 : i32
      %dma_start3A_140 = tpu.memref_slice %arg7[%mul3A_2, %dma_start3A_139] : memref<5120x256xf32, #tpu.memory_space<hbm>> -> memref<160x256xf32, #tpu.memory_space<hbm>>
      %dma_start3A_141 = arith.constant 0 : i32
      %dma_start3A_142 = tpu.memref_slice %arg7[%mul3A_2, %dma_start3A_141] : memref<5120x256xf32, #tpu.memory_space<hbm>> -> memref<160x256xf32, #tpu.memory_space<hbm>>
      tpu.enqueue_dma source(%arg10 : memref<160x256xf32, #tpu.memory_space<vmem>>) target(%dma_start3A_142 : memref<160x256xf32, #tpu.memory_space<hbm>>) target_semaphore(%run_scoped3A_138 : memref<!tpu.dma_semaphore, #tpu.memory_space<semaphore_mem>>)
      %dma_wait3A_143 = arith.constant 0 : i32
      %dma_wait3A_144 = tpu.memref_slice %arg7[%mul3A_2, %dma_wait3A_143] : memref<5120x256xf32, #tpu.memory_space<hbm>> -> memref<160x256xf32, #tpu.memory_space<hbm>>
      %dma_wait3A_145 = arith.constant 0 : i32
      %dma_wait3A_146 = tpu.memref_slice %arg7[%mul3A_2, %dma_wait3A_145] : memref<5120x256xf32, #tpu.memory_space<hbm>> -> memref<160x256xf32, #tpu.memory_space<hbm>>
      tpu.wait_dma2 semaphore(%run_scoped3A_138 : memref<!tpu.dma_semaphore, #tpu.memory_space<semaphore_mem>>) src(%arg10 : memref<160x256xf32, #tpu.memory_space<vmem>>) dst(%dma_wait3A_146 : memref<160x256xf32, #tpu.memory_space<hbm>>)
      tpu.yield
    }) : () -> ()
    %add3A_92 = arith.constant 0 : i32
    %add3A_93 = arith.addi %mul3A_2, %add3A_92 : i32
    %run_scoped3A_94 = arith.constant 0 : i32
    "tpu.region"() ({
      %run_scoped3A_138 = tpu.sem_alloc : memref<!tpu.dma_semaphore, #tpu.memory_space<semaphore_mem>>
      %dma_start3A_139 = arith.constant 0 : i32
      %dma_start3A_140 = tpu.memref_slice %arg9[%run_scoped3A_94, %dma_start3A_139] : memref<2x80xi32, #tpu.memory_space<vmem>> -> memref<1x80xi32, #tpu.memory_space<vmem>>
      %dma_start3A_141 = tpu.memref_squeeze %dma_start3A_140 : memref<1x80xi32, #tpu.memory_space<vmem>> -> memref<80xi32, #tpu.memory_space<vmem>>
      %dma_start3A_142 = tpu.memref_slice %arg5[%add3A_93] : memref<10240xi32, #tpu.memory_space<hbm>> -> memref<80xi32, #tpu.memory_space<hbm>>
      %dma_start3A_143 = arith.constant 0 : i32
      %dma_start3A_144 = tpu.memref_slice %arg9[%run_scoped3A_94, %dma_start3A_143] : memref<2x80xi32, #tpu.memory_space<vmem>> -> memref<1x80xi32, #tpu.memory_space<vmem>>
      %dma_start3A_145 = tpu.memref_squeeze %dma_start3A_144 : memref<1x80xi32, #tpu.memory_space<vmem>> -> memref<80xi32, #tpu.memory_space<vmem>>
      %dma_start3A_146 = tpu.memref_slice %arg5[%add3A_93] : memref<10240xi32, #tpu.memory_space<hbm>> -> memref<80xi32, #tpu.memory_space<hbm>>
      tpu.enqueue_dma source(%dma_start3A_146 : memref<80xi32, #tpu.memory_space<hbm>>) target(%dma_start3A_145 : memref<80xi32, #tpu.memory_space<vmem>>) target_semaphore(%run_scoped3A_138 : memref<!tpu.dma_semaphore, #tpu.memory_space<semaphore_mem>>)
      %dma_wait3A_147 = arith.constant 0 : i32
      %dma_wait3A_148 = tpu.memref_slice %arg9[%run_scoped3A_94, %dma_wait3A_147] : memref<2x80xi32, #tpu.memory_space<vmem>> -> memref<1x80xi32, #tpu.memory_space<vmem>>
      %dma_wait3A_149 = tpu.memref_squeeze %dma_wait3A_148 : memref<1x80xi32, #tpu.memory_space<vmem>> -> memref<80xi32, #tpu.memory_space<vmem>>
      %dma_wait3A_150 = tpu.memref_slice %arg5[%add3A_93] : memref<10240xi32, #tpu.memory_space<hbm>> -> memref<80xi32, #tpu.memory_space<hbm>>
      %dma_wait3A_151 = arith.constant 0 : i32
      %dma_wait3A_152 = tpu.memref_slice %arg9[%run_scoped3A_94, %dma_wait3A_151] : memref<2x80xi32, #tpu.memory_space<vmem>> -> memref<1x80xi32, #tpu.memory_space<vmem>>
      %dma_wait3A_153 = tpu.memref_squeeze %dma_wait3A_152 : memref<1x80xi32, #tpu.memory_space<vmem>> -> memref<80xi32, #tpu.memory_space<vmem>>
      %dma_wait3A_154 = tpu.memref_slice %arg5[%add3A_93] : memref<10240xi32, #tpu.memory_space<hbm>> -> memref<80xi32, #tpu.memory_space<hbm>>
      tpu.wait_dma2 semaphore(%run_scoped3A_138 : memref<!tpu.dma_semaphore, #tpu.memory_space<semaphore_mem>>) src(%dma_wait3A_154 : memref<80xi32, #tpu.memory_space<hbm>>) dst(%dma_wait3A_153 : memref<80xi32, #tpu.memory_space<vmem>>)
      tpu.yield
    }) : () -> ()
    %add3A_95 = arith.constant 80 : i32
    %add3A_96 = arith.addi %mul3A_2, %add3A_95 : i32
    %run_scoped3A_97 = arith.constant 1 : i32
    "tpu.region"() ({
      %run_scoped3A_138 = tpu.sem_alloc : memref<!tpu.dma_semaphore, #tpu.memory_space<semaphore_mem>>
      %dma_start3A_139 = arith.constant 0 : i32
      %dma_start3A_140 = tpu.memref_slice %arg9[%run_scoped3A_97, %dma_start3A_139] : memref<2x80xi32, #tpu.memory_space<vmem>> -> memref<1x80xi32, #tpu.memory_space<vmem>>
      %dma_start3A_141 = tpu.memref_squeeze %dma_start3A_140 : memref<1x80xi32, #tpu.memory_space<vmem>> -> memref<80xi32, #tpu.memory_space<vmem>>
      %dma_start3A_142 = tpu.memref_slice %arg5[%add3A_96] : memref<10240xi32, #tpu.memory_space<hbm>> -> memref<80xi32, #tpu.memory_space<hbm>>
      %dma_start3A_143 = arith.constant 0 : i32
      %dma_start3A_144 = tpu.memref_slice %arg9[%run_scoped3A_97, %dma_start3A_143] : memref<2x80xi32, #tpu.memory_space<vmem>> -> memref<1x80xi32, #tpu.memory_space<vmem>>
      %dma_start3A_145 = tpu.memref_squeeze %dma_start3A_144 : memref<1x80xi32, #tpu.memory_space<vmem>> -> memref<80xi32, #tpu.memory_space<vmem>>
      %dma_start3A_146 = tpu.memref_slice %arg5[%add3A_96] : memref<10240xi32, #tpu.memory_space<hbm>> -> memref<80xi32, #tpu.memory_space<hbm>>
      tpu.enqueue_dma source(%dma_start3A_146 : memref<80xi32, #tpu.memory_space<hbm>>) target(%dma_start3A_145 : memref<80xi32, #tpu.memory_space<vmem>>) target_semaphore(%run_scoped3A_138 : memref<!tpu.dma_semaphore, #tpu.memory_space<semaphore_mem>>)
      %dma_wait3A_147 = arith.constant 0 : i32
      %dma_wait3A_148 = tpu.memref_slice %arg9[%run_scoped3A_97, %dma_wait3A_147] : memref<2x80xi32, #tpu.memory_space<vmem>> -> memref<1x80xi32, #tpu.memory_space<vmem>>
      %dma_wait3A_149 = tpu.memref_squeeze %dma_wait3A_148 : memref<1x80xi32, #tpu.memory_space<vmem>> -> memref<80xi32, #tpu.memory_space<vmem>>
      %dma_wait3A_150 = tpu.memref_slice %arg5[%add3A_96] : memref<10240xi32, #tpu.memory_space<hbm>> -> memref<80xi32, #tpu.memory_space<hbm>>
      %dma_wait3A_151 = arith.constant 0 : i32
      %dma_wait3A_152 = tpu.memref_slice %arg9[%run_scoped3A_97, %dma_wait3A_151] : memref<2x80xi32, #tpu.memory_space<vmem>> -> memref<1x80xi32, #tpu.memory_space<vmem>>
      %dma_wait3A_153 = tpu.memref_squeeze %dma_wait3A_152 : memref<1x80xi32, #tpu.memory_space<vmem>> -> memref<80xi32, #tpu.memory_space<vmem>>
      %dma_wait3A_154 = tpu.memref_slice %arg5[%add3A_96] : memref<10240xi32, #tpu.memory_space<hbm>> -> memref<80xi32, #tpu.memory_space<hbm>>
      tpu.wait_dma2 semaphore(%run_scoped3A_138 : memref<!tpu.dma_semaphore, #tpu.memory_space<semaphore_mem>>) src(%dma_wait3A_154 : memref<80xi32, #tpu.memory_space<hbm>>) dst(%dma_wait3A_153 : memref<80xi32, #tpu.memory_space<vmem>>)
      tpu.yield
    }) : () -> ()
    %dma_start3A_98 = arith.constant 0 : i32
    %dma_start3A_99 = arith.constant 0 : i32
    %dma_start3A_100 = arith.constant 0 : i32
    %dma_start3A_101 = tpu.memref_slice %arg10[%dma_start3A_99, %dma_start3A_100] : memref<160x256xf32, #tpu.memory_space<vmem>> -> memref<80x256xf32, #tpu.memory_space<vmem>>
    %dma_start3A_102 = arith.constant 0 : i32
    %dma_start3A_103 = tpu.memref_slice %arg9[%dma_start3A_98, %dma_start3A_102] : memref<2x80xi32, #tpu.memory_space<vmem>> -> memref<1x80xi32, #tpu.memory_space<vmem>>
    %dma_start3A_104 = tpu.memref_squeeze %dma_start3A_103 : memref<1x80xi32, #tpu.memory_space<vmem>> -> memref<80xi32, #tpu.memory_space<vmem>>
    %dma_start3A_105 = arith.constant 0 : i32
    %dma_start3A_106 = arith.constant 0 : i32
    %dma_start3A_107 = tpu.memref_slice %arg2[%dma_start3A_105, %dma_start3A_106] : memref<10000x256xf32, #tpu.memory_space<hbm>> -> memref<10000x256xf32, #tpu.memory_space<hbm>>
    tpu.enqueue_indirect_dma source(%dma_start3A_107 : memref<10000x256xf32, #tpu.memory_space<hbm>>) target(%dma_start3A_101 : memref<80x256xf32, #tpu.memory_space<vmem>>) offsets(%dma_start3A_104 : memref<80xi32, #tpu.memory_space<vmem>>) semaphore(%arg11 : memref<!tpu.dma_semaphore, #tpu.memory_space<semaphore_mem>>)
    %dma_start3A_108 = arith.constant 1 : i32
    %dma_start3A_109 = arith.constant 80 : i32
    %dma_start3A_110 = arith.constant 0 : i32
    %dma_start3A_111 = tpu.memref_slice %arg10[%dma_start3A_109, %dma_start3A_110] : memref<160x256xf32, #tpu.memory_space<vmem>> -> memref<80x256xf32, #tpu.memory_space<vmem>>
    %dma_start3A_112 = arith.constant 0 : i32
    %dma_start3A_113 = tpu.memref_slice %arg9[%dma_start3A_108, %dma_start3A_112] : memref<2x80xi32, #tpu.memory_space<vmem>> -> memref<1x80xi32, #tpu.memory_space<vmem>>
    %dma_start3A_114 = tpu.memref_squeeze %dma_start3A_113 : memref<1x80xi32, #tpu.memory_space<vmem>> -> memref<80xi32, #tpu.memory_space<vmem>>
    %dma_start3A_115 = arith.constant 0 : i32
    %dma_start3A_116 = arith.constant 0 : i32
    %dma_start3A_117 = tpu.memref_slice %arg2[%dma_start3A_115, %dma_start3A_116] : memref<10000x256xf32, #tpu.memory_space<hbm>> -> memref<10000x256xf32, #tpu.memory_space<hbm>>
    tpu.enqueue_indirect_dma source(%dma_start3A_117 : memref<10000x256xf32, #tpu.memory_space<hbm>>) target(%dma_start3A_111 : memref<80x256xf32, #tpu.memory_space<vmem>>) offsets(%dma_start3A_114 : memref<80xi32, #tpu.memory_space<vmem>>) semaphore(%arg11 : memref<!tpu.dma_semaphore, #tpu.memory_space<semaphore_mem>>)
    %dma_wait3A_118 = arith.constant 0 : i32
    %dma_wait3A_119 = arith.constant 0 : i32
    %dma_wait3A_120 = arith.constant 0 : i32
    %dma_wait3A_121 = tpu.memref_slice %arg10[%dma_wait3A_119, %dma_wait3A_120] : memref<160x256xf32, #tpu.memory_space<vmem>> -> memref<80x256xf32, #tpu.memory_space<vmem>>
    %dma_wait3A_122 = arith.constant 0 : i32
    %dma_wait3A_123 = tpu.memref_slice %arg9[%dma_wait3A_118, %dma_wait3A_122] : memref<2x80xi32, #tpu.memory_space<vmem>> -> memref<1x80xi32, #tpu.memory_space<vmem>>
    %dma_wait3A_124 = tpu.memref_squeeze %dma_wait3A_123 : memref<1x80xi32, #tpu.memory_space<vmem>> -> memref<80xi32, #tpu.memory_space<vmem>>
    %dma_wait3A_125 = arith.constant 0 : i32
    %dma_wait3A_126 = arith.constant 0 : i32
    %dma_wait3A_127 = tpu.memref_slice %arg2[%dma_wait3A_125, %dma_wait3A_126] : memref<10000x256xf32, #tpu.memory_space<hbm>> -> memref<10000x256xf32, #tpu.memory_space<hbm>>
    tpu.wait_indirect_dma semaphore(%arg11 : memref<!tpu.dma_semaphore, #tpu.memory_space<semaphore_mem>>) src(%dma_wait3A_127 : memref<10000x256xf32, #tpu.memory_space<hbm>>) dst(%dma_wait3A_121 : memref<80x256xf32, #tpu.memory_space<vmem>>)
    %dma_wait3A_128 = arith.constant 1 : i32
    %dma_wait3A_129 = arith.constant 80 : i32
    %dma_wait3A_130 = arith.constant 0 : i32
    %dma_wait3A_131 = tpu.memref_slice %arg10[%dma_wait3A_129, %dma_wait3A_130] : memref<160x256xf32, #tpu.memory_space<vmem>> -> memref<80x256xf32, #tpu.memory_space<vmem>>
    %dma_wait3A_132 = arith.constant 0 : i32
    %dma_wait3A_133 = tpu.memref_slice %arg9[%dma_wait3A_128, %dma_wait3A_132] : memref<2x80xi32, #tpu.memory_space<vmem>> -> memref<1x80xi32, #tpu.memory_space<vmem>>
    %dma_wait3A_134 = tpu.memref_squeeze %dma_wait3A_133 : memref<1x80xi32, #tpu.memory_space<vmem>> -> memref<80xi32, #tpu.memory_space<vmem>>
    %dma_wait3A_135 = arith.constant 0 : i32
    %dma_wait3A_136 = arith.constant 0 : i32
    %dma_wait3A_137 = tpu.memref_slice %arg2[%dma_wait3A_135, %dma_wait3A_136] : memref<10000x256xf32, #tpu.memory_space<hbm>> -> memref<10000x256xf32, #tpu.memory_space<hbm>>
    tpu.wait_indirect_dma semaphore(%arg11 : memref<!tpu.dma_semaphore, #tpu.memory_space<semaphore_mem>>) src(%dma_wait3A_137 : memref<10000x256xf32, #tpu.memory_space<hbm>>) dst(%dma_wait3A_131 : memref<80x256xf32, #tpu.memory_space<vmem>>)
    "tpu.region"() ({
      %run_scoped3A_138 = tpu.sem_alloc : memref<!tpu.dma_semaphore, #tpu.memory_space<semaphore_mem>>
      %dma_start3A_139 = arith.constant 0 : i32
      %dma_start3A_140 = tpu.memref_slice %arg8[%mul3A_2, %dma_start3A_139] : memref<5120x256xf32, #tpu.memory_space<hbm>> -> memref<160x256xf32, #tpu.memory_space<hbm>>
      %dma_start3A_141 = arith.constant 0 : i32
      %dma_start3A_142 = tpu.memref_slice %arg8[%mul3A_2, %dma_start3A_141] : memref<5120x256xf32, #tpu.memory_space<hbm>> -> memref<160x256xf32, #tpu.memory_space<hbm>>
      tpu.enqueue_dma source(%arg10 : memref<160x256xf32, #tpu.memory_space<vmem>>) target(%dma_start3A_142 : memref<160x256xf32, #tpu.memory_space<hbm>>) target_semaphore(%run_scoped3A_138 : memref<!tpu.dma_semaphore, #tpu.memory_space<semaphore_mem>>)
      %dma_wait3A_143 = arith.constant 0 : i32
      %dma_wait3A_144 = tpu.memref_slice %arg8[%mul3A_2, %dma_wait3A_143] : memref<5120x256xf32, #tpu.memory_space<hbm>> -> memref<160x256xf32, #tpu.memory_space<hbm>>
      %dma_wait3A_145 = arith.constant 0 : i32
      %dma_wait3A_146 = tpu.memref_slice %arg8[%mul3A_2, %dma_wait3A_145] : memref<5120x256xf32, #tpu.memory_space<hbm>> -> memref<160x256xf32, #tpu.memory_space<hbm>>
      tpu.wait_dma2 semaphore(%run_scoped3A_138 : memref<!tpu.dma_semaphore, #tpu.memory_space<semaphore_mem>>) src(%arg10 : memref<160x256xf32, #tpu.memory_space<vmem>>) dst(%dma_wait3A_146 : memref<160x256xf32, #tpu.memory_space<hbm>>)
      tpu.yield
    }) : () -> ()
    return
  }
}

module attributes {stable_mosaic.version = 14 : i64} {
  func.func @_rank_body(%arg0: i32, %arg1: memref<256x8xf32, #tpu.memory_space<vmem>>, %arg2: memref<8x10240xf32, #tpu.memory_space<vmem>>, %arg3: memref<256x8xi32, #tpu.memory_space<vmem>>) attributes {dimension_semantics = [#tpu.dimension_semantics<arbitrary>], iteration_bounds = array<i64: 40>, scalar_prefetch = 0 : i64, scratch_operands = 0 : i64, tpu.core_type = #tpu.core_type<tc>, window_params = [{transform_indices = @transform_0, window_bounds = array<i64: 256, 8>}, {pipeline_mode = #tpu.pipeline_mode<synchronous>, transform_indices = @transform_1, window_bounds = array<i64: 8, 10240>}, {transform_indices = @transform_2, window_bounds = array<i64: 256, 8>}]} {
    %mul3A = arith.constant 256 : i32
    %mul3A_0 = arith.muli %arg0, %mul3A : i32
    %iota3A = tpu.iota {dimensions = array<i32: 0>} : vector<256x1xi32>
    %add3A = vector.broadcast %mul3A_0 : i32 to vector<256x1xi32>
    %add3A_1 = arith.addi %add3A, %iota3A : vector<256x1xi32>
    %jit3A = arith.constant 4 : i32
    %div3A = arith.divsi %arg0, %jit3A : i32
    %sign3A = arith.constant 0 : i32
    %sign3A_2 = arith.cmpi sgt, %arg0, %sign3A : i32
    %sign3A_3 = arith.extui %sign3A_2 : i1 to i32
    %sign3A_4 = arith.constant 0 : i32
    %sign3A_5 = arith.cmpi slt, %arg0, %sign3A_4 : i32
    %sign3A_6 = arith.extui %sign3A_5 : i1 to i32
    %sign3A_7 = arith.subi %sign3A_3, %sign3A_6 : i32
    %sign3A_8 = arith.constant 0 : i32
    %sign3A_9 = arith.cmpi sgt, %jit3A, %sign3A_8 : i32
    %sign3A_10 = arith.extui %sign3A_9 : i1 to i32
    %sign3A_11 = arith.constant 0 : i32
    %sign3A_12 = arith.cmpi slt, %jit3A, %sign3A_11 : i32
    %sign3A_13 = arith.extui %sign3A_12 : i1 to i32
    %sign3A_14 = arith.subi %sign3A_10, %sign3A_13 : i32
    %ne3A = arith.cmpi ne, %sign3A_7, %sign3A_14 : i32
    %rem3A = arith.remsi %arg0, %jit3A : i32
    %ne3A_15 = arith.constant 0 : i32
    %ne3A_16 = arith.cmpi ne, %rem3A, %ne3A_15 : i32
    %and3A = arith.andi %ne3A, %ne3A_16 : i1
    %sub3A = arith.constant 1 : i32
    %sub3A_17 = arith.subi %div3A, %sub3A : i32
    %select_n3A = arith.select %and3A, %sub3A_17, %div3A : i32
    %get3A = arith.constant 0 : index
    %get3A_18 = arith.constant 0 : index
    %get3A_19 = vector.load %arg1[%get3A, %get3A_18] : memref<256x8xf32, #tpu.memory_space<vmem>>, vector<256x1xf32>
    %broadcast_in_dim3A = arith.constant 0.000000e+00 : f32
    %broadcast_in_dim3A_20 = vector.broadcast %broadcast_in_dim3A : f32 to vector<256x1xf32>
    %get3A_21 = arith.constant 0 : index
    %get3A_22 = arith.constant 0 : index
    %get3A_23 = vector.load %arg2[%get3A_21, %get3A_22] : memref<8x10240xf32, #tpu.memory_space<vmem>>, vector<1x1024xf32>
    %gt3A = arith.constant 0 : i32
    %gt3A_24 = arith.cmpi sgt, %select_n3A, %gt3A : i32
    %convert_element_type3A = arith.extui %gt3A_24 : i1 to i32
    %cond3A = arith.constant 0 : i32
    %cond3A_25 = arith.cmpi ne, %convert_element_type3A, %cond3A : i32
    %cond3A_26 = scf.if %cond3A_25 -> (vector<256x1xf32>) {
      %ge3A = vector.broadcast %get3A_23 : vector<1x1024xf32> to vector<256x1024xf32>
      %ge3A_340 = vector.broadcast %get3A_19 : vector<256x1xf32> to vector<256x1024xf32>
      %ge3A_341 = arith.cmpf oge, %ge3A, %ge3A_340 : vector<256x1024xf32>
      %jit3A_342 = arith.constant 1.000000e+00 : f32
      %jit3A_343 = arith.constant 0.000000e+00 : f32
      %broadcast_in_dim3A_344 = vector.broadcast %jit3A_342 : f32 to vector<256x1024xf32>
      %broadcast_in_dim3A_345 = vector.broadcast %jit3A_343 : f32 to vector<256x1024xf32>
      %select_n3A_346 = arith.select %ge3A_341, %broadcast_in_dim3A_344, %broadcast_in_dim3A_345 : vector<256x1024xi1>, vector<256x1024xf32>
      %reduce_sum3A = arith.constant dense<0.000000e+00> : vector<256xf32>
      %reduce_sum3A_347 = vector.multi_reduction <add>, %select_n3A_346, %reduce_sum3A [1] : vector<256x1024xf32> to vector<256xf32>
      %broadcast_in_dim3A_348 = vector.shape_cast %reduce_sum3A_347 : vector<256xf32> to vector<256x1xf32>
      scf.yield %broadcast_in_dim3A_348 : vector<256x1xf32>
    } else {
      %eq3A = arith.constant 0 : i32
      %eq3A_340 = arith.cmpi eq, %select_n3A, %eq3A : i32
      %convert_element_type3A_341 = arith.extui %eq3A_340 : i1 to i32
      %cond3A_342 = arith.constant 0 : i32
      %cond3A_343 = arith.cmpi ne, %convert_element_type3A_341, %cond3A_342 : i32
      %cond3A_344 = scf.if %cond3A_343 -> (vector<256x1xf32>) {
        %iota3A_345 = tpu.iota {dimensions = array<i32: 1>} : vector<1x1024xi32>
        %add3A_346 = arith.constant 0 : i32
        %add3A_347 = vector.broadcast %add3A_346 : i32 to vector<1x1024xi32>
        %add3A_348 = arith.addi %add3A_347, %iota3A_345 : vector<1x1024xi32>
        %ge3A = vector.broadcast %get3A_23 : vector<1x1024xf32> to vector<256x1024xf32>
        %ge3A_349 = vector.broadcast %get3A_19 : vector<256x1xf32> to vector<256x1024xf32>
        %ge3A_350 = arith.cmpf oge, %ge3A, %ge3A_349 : vector<256x1024xf32>
        %jit3A_351 = arith.constant 1.000000e+00 : f32
        %jit3A_352 = arith.constant 0.000000e+00 : f32
        %broadcast_in_dim3A_353 = vector.broadcast %jit3A_351 : f32 to vector<256x1024xf32>
        %broadcast_in_dim3A_354 = vector.broadcast %jit3A_352 : f32 to vector<256x1024xf32>
        %select_n3A_355 = arith.select %ge3A_350, %broadcast_in_dim3A_353, %broadcast_in_dim3A_354 : vector<256x1024xi1>, vector<256x1024xf32>
        %gt3A_356 = vector.broadcast %get3A_23 : vector<1x1024xf32> to vector<256x1024xf32>
        %gt3A_357 = vector.broadcast %get3A_19 : vector<256x1xf32> to vector<256x1024xf32>
        %gt3A_358 = arith.cmpf ogt, %gt3A_356, %gt3A_357 : vector<256x1024xf32>
        %jit3A_359 = arith.constant 1.000000e+00 : f32
        %jit3A_360 = arith.constant 0.000000e+00 : f32
        %broadcast_in_dim3A_361 = vector.broadcast %jit3A_359 : f32 to vector<256x1024xf32>
        %broadcast_in_dim3A_362 = vector.broadcast %jit3A_360 : f32 to vector<256x1024xf32>
        %select_n3A_363 = arith.select %gt3A_358, %broadcast_in_dim3A_361, %broadcast_in_dim3A_362 : vector<256x1024xi1>, vector<256x1024xf32>
        %lt3A_364 = vector.broadcast %add3A_348 : vector<1x1024xi32> to vector<256x1024xi32>
        %lt3A_365 = vector.broadcast %add3A_1 : vector<256x1xi32> to vector<256x1024xi32>
        %lt3A_366 = arith.cmpi slt, %lt3A_364, %lt3A_365 : vector<256x1024xi32>
        %select_n3A_367 = arith.select %lt3A_366, %select_n3A_355, %select_n3A_363 : vector<256x1024xi1>, vector<256x1024xf32>
        %reduce_sum3A = arith.constant dense<0.000000e+00> : vector<256xf32>
        %reduce_sum3A_368 = vector.multi_reduction <add>, %select_n3A_367, %reduce_sum3A [1] : vector<256x1024xf32> to vector<256xf32>
        %broadcast_in_dim3A_369 = vector.shape_cast %reduce_sum3A_368 : vector<256xf32> to vector<256x1xf32>
        scf.yield %broadcast_in_dim3A_369 : vector<256x1xf32>
      } else {
        %gt3A_345 = vector.broadcast %get3A_23 : vector<1x1024xf32> to vector<256x1024xf32>
        %gt3A_346 = vector.broadcast %get3A_19 : vector<256x1xf32> to vector<256x1024xf32>
        %gt3A_347 = arith.cmpf ogt, %gt3A_345, %gt3A_346 : vector<256x1024xf32>
        %jit3A_348 = arith.constant 1.000000e+00 : f32
        %jit3A_349 = arith.constant 0.000000e+00 : f32
        %broadcast_in_dim3A_350 = vector.broadcast %jit3A_348 : f32 to vector<256x1024xf32>
        %broadcast_in_dim3A_351 = vector.broadcast %jit3A_349 : f32 to vector<256x1024xf32>
        %select_n3A_352 = arith.select %gt3A_347, %broadcast_in_dim3A_350, %broadcast_in_dim3A_351 : vector<256x1024xi1>, vector<256x1024xf32>
        %reduce_sum3A = arith.constant dense<0.000000e+00> : vector<256xf32>
        %reduce_sum3A_353 = vector.multi_reduction <add>, %select_n3A_352, %reduce_sum3A [1] : vector<256x1024xf32> to vector<256xf32>
        %broadcast_in_dim3A_354 = vector.shape_cast %reduce_sum3A_353 : vector<256xf32> to vector<256x1xf32>
        scf.yield %broadcast_in_dim3A_354 : vector<256x1xf32>
      }
      scf.yield %cond3A_344 : vector<256x1xf32>
    }
    %add3A_27 = arith.addf %broadcast_in_dim3A_20, %cond3A_26 : vector<256x1xf32>
    %get3A_28 = arith.constant 0 : index
    %get3A_29 = arith.constant 1024 : index
    %get3A_30 = vector.load %arg2[%get3A_28, %get3A_29] : memref<8x10240xf32, #tpu.memory_space<vmem>>, vector<1x1024xf32>
    %gt3A_31 = arith.constant 1 : i32
    %gt3A_32 = arith.cmpi sgt, %select_n3A, %gt3A_31 : i32
    %convert_element_type3A_33 = arith.extui %gt3A_32 : i1 to i32
    %cond3A_34 = arith.constant 0 : i32
    %cond3A_35 = arith.cmpi ne, %convert_element_type3A_33, %cond3A_34 : i32
    %cond3A_36 = scf.if %cond3A_35 -> (vector<256x1xf32>) {
      %ge3A = vector.broadcast %get3A_30 : vector<1x1024xf32> to vector<256x1024xf32>
      %ge3A_340 = vector.broadcast %get3A_19 : vector<256x1xf32> to vector<256x1024xf32>
      %ge3A_341 = arith.cmpf oge, %ge3A, %ge3A_340 : vector<256x1024xf32>
      %jit3A_342 = arith.constant 1.000000e+00 : f32
      %jit3A_343 = arith.constant 0.000000e+00 : f32
      %broadcast_in_dim3A_344 = vector.broadcast %jit3A_342 : f32 to vector<256x1024xf32>
      %broadcast_in_dim3A_345 = vector.broadcast %jit3A_343 : f32 to vector<256x1024xf32>
      %select_n3A_346 = arith.select %ge3A_341, %broadcast_in_dim3A_344, %broadcast_in_dim3A_345 : vector<256x1024xi1>, vector<256x1024xf32>
      %reduce_sum3A = arith.constant dense<0.000000e+00> : vector<256xf32>
      %reduce_sum3A_347 = vector.multi_reduction <add>, %select_n3A_346, %reduce_sum3A [1] : vector<256x1024xf32> to vector<256xf32>
      %broadcast_in_dim3A_348 = vector.shape_cast %reduce_sum3A_347 : vector<256xf32> to vector<256x1xf32>
      scf.yield %broadcast_in_dim3A_348 : vector<256x1xf32>
    } else {
      %eq3A = arith.constant 1 : i32
      %eq3A_340 = arith.cmpi eq, %select_n3A, %eq3A : i32
      %convert_element_type3A_341 = arith.extui %eq3A_340 : i1 to i32
      %cond3A_342 = arith.constant 0 : i32
      %cond3A_343 = arith.cmpi ne, %convert_element_type3A_341, %cond3A_342 : i32
      %cond3A_344 = scf.if %cond3A_343 -> (vector<256x1xf32>) {
        %iota3A_345 = tpu.iota {dimensions = array<i32: 1>} : vector<1x1024xi32>
        %add3A_346 = arith.constant 1024 : i32
        %add3A_347 = vector.broadcast %add3A_346 : i32 to vector<1x1024xi32>
        %add3A_348 = arith.addi %add3A_347, %iota3A_345 : vector<1x1024xi32>
        %ge3A = vector.broadcast %get3A_30 : vector<1x1024xf32> to vector<256x1024xf32>
        %ge3A_349 = vector.broadcast %get3A_19 : vector<256x1xf32> to vector<256x1024xf32>
        %ge3A_350 = arith.cmpf oge, %ge3A, %ge3A_349 : vector<256x1024xf32>
        %jit3A_351 = arith.constant 1.000000e+00 : f32
        %jit3A_352 = arith.constant 0.000000e+00 : f32
        %broadcast_in_dim3A_353 = vector.broadcast %jit3A_351 : f32 to vector<256x1024xf32>
        %broadcast_in_dim3A_354 = vector.broadcast %jit3A_352 : f32 to vector<256x1024xf32>
        %select_n3A_355 = arith.select %ge3A_350, %broadcast_in_dim3A_353, %broadcast_in_dim3A_354 : vector<256x1024xi1>, vector<256x1024xf32>
        %gt3A_356 = vector.broadcast %get3A_30 : vector<1x1024xf32> to vector<256x1024xf32>
        %gt3A_357 = vector.broadcast %get3A_19 : vector<256x1xf32> to vector<256x1024xf32>
        %gt3A_358 = arith.cmpf ogt, %gt3A_356, %gt3A_357 : vector<256x1024xf32>
        %jit3A_359 = arith.constant 1.000000e+00 : f32
        %jit3A_360 = arith.constant 0.000000e+00 : f32
        %broadcast_in_dim3A_361 = vector.broadcast %jit3A_359 : f32 to vector<256x1024xf32>
        %broadcast_in_dim3A_362 = vector.broadcast %jit3A_360 : f32 to vector<256x1024xf32>
        %select_n3A_363 = arith.select %gt3A_358, %broadcast_in_dim3A_361, %broadcast_in_dim3A_362 : vector<256x1024xi1>, vector<256x1024xf32>
        %lt3A_364 = vector.broadcast %add3A_348 : vector<1x1024xi32> to vector<256x1024xi32>
        %lt3A_365 = vector.broadcast %add3A_1 : vector<256x1xi32> to vector<256x1024xi32>
        %lt3A_366 = arith.cmpi slt, %lt3A_364, %lt3A_365 : vector<256x1024xi32>
        %select_n3A_367 = arith.select %lt3A_366, %select_n3A_355, %select_n3A_363 : vector<256x1024xi1>, vector<256x1024xf32>
        %reduce_sum3A = arith.constant dense<0.000000e+00> : vector<256xf32>
        %reduce_sum3A_368 = vector.multi_reduction <add>, %select_n3A_367, %reduce_sum3A [1] : vector<256x1024xf32> to vector<256xf32>
        %broadcast_in_dim3A_369 = vector.shape_cast %reduce_sum3A_368 : vector<256xf32> to vector<256x1xf32>
        scf.yield %broadcast_in_dim3A_369 : vector<256x1xf32>
      } else {
        %gt3A_345 = vector.broadcast %get3A_30 : vector<1x1024xf32> to vector<256x1024xf32>
        %gt3A_346 = vector.broadcast %get3A_19 : vector<256x1xf32> to vector<256x1024xf32>
        %gt3A_347 = arith.cmpf ogt, %gt3A_345, %gt3A_346 : vector<256x1024xf32>
        %jit3A_348 = arith.constant 1.000000e+00 : f32
        %jit3A_349 = arith.constant 0.000000e+00 : f32
        %broadcast_in_dim3A_350 = vector.broadcast %jit3A_348 : f32 to vector<256x1024xf32>
        %broadcast_in_dim3A_351 = vector.broadcast %jit3A_349 : f32 to vector<256x1024xf32>
        %select_n3A_352 = arith.select %gt3A_347, %broadcast_in_dim3A_350, %broadcast_in_dim3A_351 : vector<256x1024xi1>, vector<256x1024xf32>
        %reduce_sum3A = arith.constant dense<0.000000e+00> : vector<256xf32>
        %reduce_sum3A_353 = vector.multi_reduction <add>, %select_n3A_352, %reduce_sum3A [1] : vector<256x1024xf32> to vector<256xf32>
        %broadcast_in_dim3A_354 = vector.shape_cast %reduce_sum3A_353 : vector<256xf32> to vector<256x1xf32>
        scf.yield %broadcast_in_dim3A_354 : vector<256x1xf32>
      }
      scf.yield %cond3A_344 : vector<256x1xf32>
    }
    %add3A_37 = arith.addf %add3A_27, %cond3A_36 : vector<256x1xf32>
    %get3A_38 = arith.constant 0 : index
    %get3A_39 = arith.constant 2048 : index
    %get3A_40 = vector.load %arg2[%get3A_38, %get3A_39] : memref<8x10240xf32, #tpu.memory_space<vmem>>, vector<1x1024xf32>
    %gt3A_41 = arith.constant 2 : i32
    %gt3A_42 = arith.cmpi sgt, %select_n3A, %gt3A_41 : i32
    %convert_element_type3A_43 = arith.extui %gt3A_42 : i1 to i32
    %cond3A_44 = arith.constant 0 : i32
    %cond3A_45 = arith.cmpi ne, %convert_element_type3A_43, %cond3A_44 : i32
    %cond3A_46 = scf.if %cond3A_45 -> (vector<256x1xf32>) {
      %ge3A = vector.broadcast %get3A_40 : vector<1x1024xf32> to vector<256x1024xf32>
      %ge3A_340 = vector.broadcast %get3A_19 : vector<256x1xf32> to vector<256x1024xf32>
      %ge3A_341 = arith.cmpf oge, %ge3A, %ge3A_340 : vector<256x1024xf32>
      %jit3A_342 = arith.constant 1.000000e+00 : f32
      %jit3A_343 = arith.constant 0.000000e+00 : f32
      %broadcast_in_dim3A_344 = vector.broadcast %jit3A_342 : f32 to vector<256x1024xf32>
      %broadcast_in_dim3A_345 = vector.broadcast %jit3A_343 : f32 to vector<256x1024xf32>
      %select_n3A_346 = arith.select %ge3A_341, %broadcast_in_dim3A_344, %broadcast_in_dim3A_345 : vector<256x1024xi1>, vector<256x1024xf32>
      %reduce_sum3A = arith.constant dense<0.000000e+00> : vector<256xf32>
      %reduce_sum3A_347 = vector.multi_reduction <add>, %select_n3A_346, %reduce_sum3A [1] : vector<256x1024xf32> to vector<256xf32>
      %broadcast_in_dim3A_348 = vector.shape_cast %reduce_sum3A_347 : vector<256xf32> to vector<256x1xf32>
      scf.yield %broadcast_in_dim3A_348 : vector<256x1xf32>
    } else {
      %eq3A = arith.constant 2 : i32
      %eq3A_340 = arith.cmpi eq, %select_n3A, %eq3A : i32
      %convert_element_type3A_341 = arith.extui %eq3A_340 : i1 to i32
      %cond3A_342 = arith.constant 0 : i32
      %cond3A_343 = arith.cmpi ne, %convert_element_type3A_341, %cond3A_342 : i32
      %cond3A_344 = scf.if %cond3A_343 -> (vector<256x1xf32>) {
        %iota3A_345 = tpu.iota {dimensions = array<i32: 1>} : vector<1x1024xi32>
        %add3A_346 = arith.constant 2048 : i32
        %add3A_347 = vector.broadcast %add3A_346 : i32 to vector<1x1024xi32>
        %add3A_348 = arith.addi %add3A_347, %iota3A_345 : vector<1x1024xi32>
        %ge3A = vector.broadcast %get3A_40 : vector<1x1024xf32> to vector<256x1024xf32>
        %ge3A_349 = vector.broadcast %get3A_19 : vector<256x1xf32> to vector<256x1024xf32>
        %ge3A_350 = arith.cmpf oge, %ge3A, %ge3A_349 : vector<256x1024xf32>
        %jit3A_351 = arith.constant 1.000000e+00 : f32
        %jit3A_352 = arith.constant 0.000000e+00 : f32
        %broadcast_in_dim3A_353 = vector.broadcast %jit3A_351 : f32 to vector<256x1024xf32>
        %broadcast_in_dim3A_354 = vector.broadcast %jit3A_352 : f32 to vector<256x1024xf32>
        %select_n3A_355 = arith.select %ge3A_350, %broadcast_in_dim3A_353, %broadcast_in_dim3A_354 : vector<256x1024xi1>, vector<256x1024xf32>
        %gt3A_356 = vector.broadcast %get3A_40 : vector<1x1024xf32> to vector<256x1024xf32>
        %gt3A_357 = vector.broadcast %get3A_19 : vector<256x1xf32> to vector<256x1024xf32>
        %gt3A_358 = arith.cmpf ogt, %gt3A_356, %gt3A_357 : vector<256x1024xf32>
        %jit3A_359 = arith.constant 1.000000e+00 : f32
        %jit3A_360 = arith.constant 0.000000e+00 : f32
        %broadcast_in_dim3A_361 = vector.broadcast %jit3A_359 : f32 to vector<256x1024xf32>
        %broadcast_in_dim3A_362 = vector.broadcast %jit3A_360 : f32 to vector<256x1024xf32>
        %select_n3A_363 = arith.select %gt3A_358, %broadcast_in_dim3A_361, %broadcast_in_dim3A_362 : vector<256x1024xi1>, vector<256x1024xf32>
        %lt3A_364 = vector.broadcast %add3A_348 : vector<1x1024xi32> to vector<256x1024xi32>
        %lt3A_365 = vector.broadcast %add3A_1 : vector<256x1xi32> to vector<256x1024xi32>
        %lt3A_366 = arith.cmpi slt, %lt3A_364, %lt3A_365 : vector<256x1024xi32>
        %select_n3A_367 = arith.select %lt3A_366, %select_n3A_355, %select_n3A_363 : vector<256x1024xi1>, vector<256x1024xf32>
        %reduce_sum3A = arith.constant dense<0.000000e+00> : vector<256xf32>
        %reduce_sum3A_368 = vector.multi_reduction <add>, %select_n3A_367, %reduce_sum3A [1] : vector<256x1024xf32> to vector<256xf32>
        %broadcast_in_dim3A_369 = vector.shape_cast %reduce_sum3A_368 : vector<256xf32> to vector<256x1xf32>
        scf.yield %broadcast_in_dim3A_369 : vector<256x1xf32>
      } else {
        %gt3A_345 = vector.broadcast %get3A_40 : vector<1x1024xf32> to vector<256x1024xf32>
        %gt3A_346 = vector.broadcast %get3A_19 : vector<256x1xf32> to vector<256x1024xf32>
        %gt3A_347 = arith.cmpf ogt, %gt3A_345, %gt3A_346 : vector<256x1024xf32>
        %jit3A_348 = arith.constant 1.000000e+00 : f32
        %jit3A_349 = arith.constant 0.000000e+00 : f32
        %broadcast_in_dim3A_350 = vector.broadcast %jit3A_348 : f32 to vector<256x1024xf32>
        %broadcast_in_dim3A_351 = vector.broadcast %jit3A_349 : f32 to vector<256x1024xf32>
        %select_n3A_352 = arith.select %gt3A_347, %broadcast_in_dim3A_350, %broadcast_in_dim3A_351 : vector<256x1024xi1>, vector<256x1024xf32>
        %reduce_sum3A = arith.constant dense<0.000000e+00> : vector<256xf32>
        %reduce_sum3A_353 = vector.multi_reduction <add>, %select_n3A_352, %reduce_sum3A [1] : vector<256x1024xf32> to vector<256xf32>
        %broadcast_in_dim3A_354 = vector.shape_cast %reduce_sum3A_353 : vector<256xf32> to vector<256x1xf32>
        scf.yield %broadcast_in_dim3A_354 : vector<256x1xf32>
      }
      scf.yield %cond3A_344 : vector<256x1xf32>
    }
    %add3A_47 = arith.addf %add3A_37, %cond3A_46 : vector<256x1xf32>
    %get3A_48 = arith.constant 0 : index
    %get3A_49 = arith.constant 3072 : index
    %get3A_50 = vector.load %arg2[%get3A_48, %get3A_49] : memref<8x10240xf32, #tpu.memory_space<vmem>>, vector<1x1024xf32>
    %gt3A_51 = arith.constant 3 : i32
    %gt3A_52 = arith.cmpi sgt, %select_n3A, %gt3A_51 : i32
    %convert_element_type3A_53 = arith.extui %gt3A_52 : i1 to i32
    %cond3A_54 = arith.constant 0 : i32
    %cond3A_55 = arith.cmpi ne, %convert_element_type3A_53, %cond3A_54 : i32
    %cond3A_56 = scf.if %cond3A_55 -> (vector<256x1xf32>) {
      %ge3A = vector.broadcast %get3A_50 : vector<1x1024xf32> to vector<256x1024xf32>
      %ge3A_340 = vector.broadcast %get3A_19 : vector<256x1xf32> to vector<256x1024xf32>
      %ge3A_341 = arith.cmpf oge, %ge3A, %ge3A_340 : vector<256x1024xf32>
      %jit3A_342 = arith.constant 1.000000e+00 : f32
      %jit3A_343 = arith.constant 0.000000e+00 : f32
      %broadcast_in_dim3A_344 = vector.broadcast %jit3A_342 : f32 to vector<256x1024xf32>
      %broadcast_in_dim3A_345 = vector.broadcast %jit3A_343 : f32 to vector<256x1024xf32>
      %select_n3A_346 = arith.select %ge3A_341, %broadcast_in_dim3A_344, %broadcast_in_dim3A_345 : vector<256x1024xi1>, vector<256x1024xf32>
      %reduce_sum3A = arith.constant dense<0.000000e+00> : vector<256xf32>
      %reduce_sum3A_347 = vector.multi_reduction <add>, %select_n3A_346, %reduce_sum3A [1] : vector<256x1024xf32> to vector<256xf32>
      %broadcast_in_dim3A_348 = vector.shape_cast %reduce_sum3A_347 : vector<256xf32> to vector<256x1xf32>
      scf.yield %broadcast_in_dim3A_348 : vector<256x1xf32>
    } else {
      %eq3A = arith.constant 3 : i32
      %eq3A_340 = arith.cmpi eq, %select_n3A, %eq3A : i32
      %convert_element_type3A_341 = arith.extui %eq3A_340 : i1 to i32
      %cond3A_342 = arith.constant 0 : i32
      %cond3A_343 = arith.cmpi ne, %convert_element_type3A_341, %cond3A_342 : i32
      %cond3A_344 = scf.if %cond3A_343 -> (vector<256x1xf32>) {
        %iota3A_345 = tpu.iota {dimensions = array<i32: 1>} : vector<1x1024xi32>
        %add3A_346 = arith.constant 3072 : i32
        %add3A_347 = vector.broadcast %add3A_346 : i32 to vector<1x1024xi32>
        %add3A_348 = arith.addi %add3A_347, %iota3A_345 : vector<1x1024xi32>
        %ge3A = vector.broadcast %get3A_50 : vector<1x1024xf32> to vector<256x1024xf32>
        %ge3A_349 = vector.broadcast %get3A_19 : vector<256x1xf32> to vector<256x1024xf32>
        %ge3A_350 = arith.cmpf oge, %ge3A, %ge3A_349 : vector<256x1024xf32>
        %jit3A_351 = arith.constant 1.000000e+00 : f32
        %jit3A_352 = arith.constant 0.000000e+00 : f32
        %broadcast_in_dim3A_353 = vector.broadcast %jit3A_351 : f32 to vector<256x1024xf32>
        %broadcast_in_dim3A_354 = vector.broadcast %jit3A_352 : f32 to vector<256x1024xf32>
        %select_n3A_355 = arith.select %ge3A_350, %broadcast_in_dim3A_353, %broadcast_in_dim3A_354 : vector<256x1024xi1>, vector<256x1024xf32>
        %gt3A_356 = vector.broadcast %get3A_50 : vector<1x1024xf32> to vector<256x1024xf32>
        %gt3A_357 = vector.broadcast %get3A_19 : vector<256x1xf32> to vector<256x1024xf32>
        %gt3A_358 = arith.cmpf ogt, %gt3A_356, %gt3A_357 : vector<256x1024xf32>
        %jit3A_359 = arith.constant 1.000000e+00 : f32
        %jit3A_360 = arith.constant 0.000000e+00 : f32
        %broadcast_in_dim3A_361 = vector.broadcast %jit3A_359 : f32 to vector<256x1024xf32>
        %broadcast_in_dim3A_362 = vector.broadcast %jit3A_360 : f32 to vector<256x1024xf32>
        %select_n3A_363 = arith.select %gt3A_358, %broadcast_in_dim3A_361, %broadcast_in_dim3A_362 : vector<256x1024xi1>, vector<256x1024xf32>
        %lt3A_364 = vector.broadcast %add3A_348 : vector<1x1024xi32> to vector<256x1024xi32>
        %lt3A_365 = vector.broadcast %add3A_1 : vector<256x1xi32> to vector<256x1024xi32>
        %lt3A_366 = arith.cmpi slt, %lt3A_364, %lt3A_365 : vector<256x1024xi32>
        %select_n3A_367 = arith.select %lt3A_366, %select_n3A_355, %select_n3A_363 : vector<256x1024xi1>, vector<256x1024xf32>
        %reduce_sum3A = arith.constant dense<0.000000e+00> : vector<256xf32>
        %reduce_sum3A_368 = vector.multi_reduction <add>, %select_n3A_367, %reduce_sum3A [1] : vector<256x1024xf32> to vector<256xf32>
        %broadcast_in_dim3A_369 = vector.shape_cast %reduce_sum3A_368 : vector<256xf32> to vector<256x1xf32>
        scf.yield %broadcast_in_dim3A_369 : vector<256x1xf32>
      } else {
        %gt3A_345 = vector.broadcast %get3A_50 : vector<1x1024xf32> to vector<256x1024xf32>
        %gt3A_346 = vector.broadcast %get3A_19 : vector<256x1xf32> to vector<256x1024xf32>
        %gt3A_347 = arith.cmpf ogt, %gt3A_345, %gt3A_346 : vector<256x1024xf32>
        %jit3A_348 = arith.constant 1.000000e+00 : f32
        %jit3A_349 = arith.constant 0.000000e+00 : f32
        %broadcast_in_dim3A_350 = vector.broadcast %jit3A_348 : f32 to vector<256x1024xf32>
        %broadcast_in_dim3A_351 = vector.broadcast %jit3A_349 : f32 to vector<256x1024xf32>
        %select_n3A_352 = arith.select %gt3A_347, %broadcast_in_dim3A_350, %broadcast_in_dim3A_351 : vector<256x1024xi1>, vector<256x1024xf32>
        %reduce_sum3A = arith.constant dense<0.000000e+00> : vector<256xf32>
        %reduce_sum3A_353 = vector.multi_reduction <add>, %select_n3A_352, %reduce_sum3A [1] : vector<256x1024xf32> to vector<256xf32>
        %broadcast_in_dim3A_354 = vector.shape_cast %reduce_sum3A_353 : vector<256xf32> to vector<256x1xf32>
        scf.yield %broadcast_in_dim3A_354 : vector<256x1xf32>
      }
      scf.yield %cond3A_344 : vector<256x1xf32>
    }
    %add3A_57 = arith.addf %add3A_47, %cond3A_56 : vector<256x1xf32>
    %get3A_58 = arith.constant 0 : index
    %get3A_59 = arith.constant 4096 : index
    %get3A_60 = vector.load %arg2[%get3A_58, %get3A_59] : memref<8x10240xf32, #tpu.memory_space<vmem>>, vector<1x1024xf32>
    %gt3A_61 = arith.constant 4 : i32
    %gt3A_62 = arith.cmpi sgt, %select_n3A, %gt3A_61 : i32
    %convert_element_type3A_63 = arith.extui %gt3A_62 : i1 to i32
    %cond3A_64 = arith.constant 0 : i32
    %cond3A_65 = arith.cmpi ne, %convert_element_type3A_63, %cond3A_64 : i32
    %cond3A_66 = scf.if %cond3A_65 -> (vector<256x1xf32>) {
      %ge3A = vector.broadcast %get3A_60 : vector<1x1024xf32> to vector<256x1024xf32>
      %ge3A_340 = vector.broadcast %get3A_19 : vector<256x1xf32> to vector<256x1024xf32>
      %ge3A_341 = arith.cmpf oge, %ge3A, %ge3A_340 : vector<256x1024xf32>
      %jit3A_342 = arith.constant 1.000000e+00 : f32
      %jit3A_343 = arith.constant 0.000000e+00 : f32
      %broadcast_in_dim3A_344 = vector.broadcast %jit3A_342 : f32 to vector<256x1024xf32>
      %broadcast_in_dim3A_345 = vector.broadcast %jit3A_343 : f32 to vector<256x1024xf32>
      %select_n3A_346 = arith.select %ge3A_341, %broadcast_in_dim3A_344, %broadcast_in_dim3A_345 : vector<256x1024xi1>, vector<256x1024xf32>
      %reduce_sum3A = arith.constant dense<0.000000e+00> : vector<256xf32>
      %reduce_sum3A_347 = vector.multi_reduction <add>, %select_n3A_346, %reduce_sum3A [1] : vector<256x1024xf32> to vector<256xf32>
      %broadcast_in_dim3A_348 = vector.shape_cast %reduce_sum3A_347 : vector<256xf32> to vector<256x1xf32>
      scf.yield %broadcast_in_dim3A_348 : vector<256x1xf32>
    } else {
      %eq3A = arith.constant 4 : i32
      %eq3A_340 = arith.cmpi eq, %select_n3A, %eq3A : i32
      %convert_element_type3A_341 = arith.extui %eq3A_340 : i1 to i32
      %cond3A_342 = arith.constant 0 : i32
      %cond3A_343 = arith.cmpi ne, %convert_element_type3A_341, %cond3A_342 : i32
      %cond3A_344 = scf.if %cond3A_343 -> (vector<256x1xf32>) {
        %iota3A_345 = tpu.iota {dimensions = array<i32: 1>} : vector<1x1024xi32>
        %add3A_346 = arith.constant 4096 : i32
        %add3A_347 = vector.broadcast %add3A_346 : i32 to vector<1x1024xi32>
        %add3A_348 = arith.addi %add3A_347, %iota3A_345 : vector<1x1024xi32>
        %ge3A = vector.broadcast %get3A_60 : vector<1x1024xf32> to vector<256x1024xf32>
        %ge3A_349 = vector.broadcast %get3A_19 : vector<256x1xf32> to vector<256x1024xf32>
        %ge3A_350 = arith.cmpf oge, %ge3A, %ge3A_349 : vector<256x1024xf32>
        %jit3A_351 = arith.constant 1.000000e+00 : f32
        %jit3A_352 = arith.constant 0.000000e+00 : f32
        %broadcast_in_dim3A_353 = vector.broadcast %jit3A_351 : f32 to vector<256x1024xf32>
        %broadcast_in_dim3A_354 = vector.broadcast %jit3A_352 : f32 to vector<256x1024xf32>
        %select_n3A_355 = arith.select %ge3A_350, %broadcast_in_dim3A_353, %broadcast_in_dim3A_354 : vector<256x1024xi1>, vector<256x1024xf32>
        %gt3A_356 = vector.broadcast %get3A_60 : vector<1x1024xf32> to vector<256x1024xf32>
        %gt3A_357 = vector.broadcast %get3A_19 : vector<256x1xf32> to vector<256x1024xf32>
        %gt3A_358 = arith.cmpf ogt, %gt3A_356, %gt3A_357 : vector<256x1024xf32>
        %jit3A_359 = arith.constant 1.000000e+00 : f32
        %jit3A_360 = arith.constant 0.000000e+00 : f32
        %broadcast_in_dim3A_361 = vector.broadcast %jit3A_359 : f32 to vector<256x1024xf32>
        %broadcast_in_dim3A_362 = vector.broadcast %jit3A_360 : f32 to vector<256x1024xf32>
        %select_n3A_363 = arith.select %gt3A_358, %broadcast_in_dim3A_361, %broadcast_in_dim3A_362 : vector<256x1024xi1>, vector<256x1024xf32>
        %lt3A_364 = vector.broadcast %add3A_348 : vector<1x1024xi32> to vector<256x1024xi32>
        %lt3A_365 = vector.broadcast %add3A_1 : vector<256x1xi32> to vector<256x1024xi32>
        %lt3A_366 = arith.cmpi slt, %lt3A_364, %lt3A_365 : vector<256x1024xi32>
        %select_n3A_367 = arith.select %lt3A_366, %select_n3A_355, %select_n3A_363 : vector<256x1024xi1>, vector<256x1024xf32>
        %reduce_sum3A = arith.constant dense<0.000000e+00> : vector<256xf32>
        %reduce_sum3A_368 = vector.multi_reduction <add>, %select_n3A_367, %reduce_sum3A [1] : vector<256x1024xf32> to vector<256xf32>
        %broadcast_in_dim3A_369 = vector.shape_cast %reduce_sum3A_368 : vector<256xf32> to vector<256x1xf32>
        scf.yield %broadcast_in_dim3A_369 : vector<256x1xf32>
      } else {
        %gt3A_345 = vector.broadcast %get3A_60 : vector<1x1024xf32> to vector<256x1024xf32>
        %gt3A_346 = vector.broadcast %get3A_19 : vector<256x1xf32> to vector<256x1024xf32>
        %gt3A_347 = arith.cmpf ogt, %gt3A_345, %gt3A_346 : vector<256x1024xf32>
        %jit3A_348 = arith.constant 1.000000e+00 : f32
        %jit3A_349 = arith.constant 0.000000e+00 : f32
        %broadcast_in_dim3A_350 = vector.broadcast %jit3A_348 : f32 to vector<256x1024xf32>
        %broadcast_in_dim3A_351 = vector.broadcast %jit3A_349 : f32 to vector<256x1024xf32>
        %select_n3A_352 = arith.select %gt3A_347, %broadcast_in_dim3A_350, %broadcast_in_dim3A_351 : vector<256x1024xi1>, vector<256x1024xf32>
        %reduce_sum3A = arith.constant dense<0.000000e+00> : vector<256xf32>
        %reduce_sum3A_353 = vector.multi_reduction <add>, %select_n3A_352, %reduce_sum3A [1] : vector<256x1024xf32> to vector<256xf32>
        %broadcast_in_dim3A_354 = vector.shape_cast %reduce_sum3A_353 : vector<256xf32> to vector<256x1xf32>
        scf.yield %broadcast_in_dim3A_354 : vector<256x1xf32>
      }
      scf.yield %cond3A_344 : vector<256x1xf32>
    }
    %add3A_67 = arith.addf %add3A_57, %cond3A_66 : vector<256x1xf32>
    %get3A_68 = arith.constant 0 : index
    %get3A_69 = arith.constant 5120 : index
    %get3A_70 = vector.load %arg2[%get3A_68, %get3A_69] : memref<8x10240xf32, #tpu.memory_space<vmem>>, vector<1x1024xf32>
    %gt3A_71 = arith.constant 5 : i32
    %gt3A_72 = arith.cmpi sgt, %select_n3A, %gt3A_71 : i32
    %convert_element_type3A_73 = arith.extui %gt3A_72 : i1 to i32
    %cond3A_74 = arith.constant 0 : i32
    %cond3A_75 = arith.cmpi ne, %convert_element_type3A_73, %cond3A_74 : i32
    %cond3A_76 = scf.if %cond3A_75 -> (vector<256x1xf32>) {
      %ge3A = vector.broadcast %get3A_70 : vector<1x1024xf32> to vector<256x1024xf32>
      %ge3A_340 = vector.broadcast %get3A_19 : vector<256x1xf32> to vector<256x1024xf32>
      %ge3A_341 = arith.cmpf oge, %ge3A, %ge3A_340 : vector<256x1024xf32>
      %jit3A_342 = arith.constant 1.000000e+00 : f32
      %jit3A_343 = arith.constant 0.000000e+00 : f32
      %broadcast_in_dim3A_344 = vector.broadcast %jit3A_342 : f32 to vector<256x1024xf32>
      %broadcast_in_dim3A_345 = vector.broadcast %jit3A_343 : f32 to vector<256x1024xf32>
      %select_n3A_346 = arith.select %ge3A_341, %broadcast_in_dim3A_344, %broadcast_in_dim3A_345 : vector<256x1024xi1>, vector<256x1024xf32>
      %reduce_sum3A = arith.constant dense<0.000000e+00> : vector<256xf32>
      %reduce_sum3A_347 = vector.multi_reduction <add>, %select_n3A_346, %reduce_sum3A [1] : vector<256x1024xf32> to vector<256xf32>
      %broadcast_in_dim3A_348 = vector.shape_cast %reduce_sum3A_347 : vector<256xf32> to vector<256x1xf32>
      scf.yield %broadcast_in_dim3A_348 : vector<256x1xf32>
    } else {
      %eq3A = arith.constant 5 : i32
      %eq3A_340 = arith.cmpi eq, %select_n3A, %eq3A : i32
      %convert_element_type3A_341 = arith.extui %eq3A_340 : i1 to i32
      %cond3A_342 = arith.constant 0 : i32
      %cond3A_343 = arith.cmpi ne, %convert_element_type3A_341, %cond3A_342 : i32
      %cond3A_344 = scf.if %cond3A_343 -> (vector<256x1xf32>) {
        %iota3A_345 = tpu.iota {dimensions = array<i32: 1>} : vector<1x1024xi32>
        %add3A_346 = arith.constant 5120 : i32
        %add3A_347 = vector.broadcast %add3A_346 : i32 to vector<1x1024xi32>
        %add3A_348 = arith.addi %add3A_347, %iota3A_345 : vector<1x1024xi32>
        %ge3A = vector.broadcast %get3A_70 : vector<1x1024xf32> to vector<256x1024xf32>
        %ge3A_349 = vector.broadcast %get3A_19 : vector<256x1xf32> to vector<256x1024xf32>
        %ge3A_350 = arith.cmpf oge, %ge3A, %ge3A_349 : vector<256x1024xf32>
        %jit3A_351 = arith.constant 1.000000e+00 : f32
        %jit3A_352 = arith.constant 0.000000e+00 : f32
        %broadcast_in_dim3A_353 = vector.broadcast %jit3A_351 : f32 to vector<256x1024xf32>
        %broadcast_in_dim3A_354 = vector.broadcast %jit3A_352 : f32 to vector<256x1024xf32>
        %select_n3A_355 = arith.select %ge3A_350, %broadcast_in_dim3A_353, %broadcast_in_dim3A_354 : vector<256x1024xi1>, vector<256x1024xf32>
        %gt3A_356 = vector.broadcast %get3A_70 : vector<1x1024xf32> to vector<256x1024xf32>
        %gt3A_357 = vector.broadcast %get3A_19 : vector<256x1xf32> to vector<256x1024xf32>
        %gt3A_358 = arith.cmpf ogt, %gt3A_356, %gt3A_357 : vector<256x1024xf32>
        %jit3A_359 = arith.constant 1.000000e+00 : f32
        %jit3A_360 = arith.constant 0.000000e+00 : f32
        %broadcast_in_dim3A_361 = vector.broadcast %jit3A_359 : f32 to vector<256x1024xf32>
        %broadcast_in_dim3A_362 = vector.broadcast %jit3A_360 : f32 to vector<256x1024xf32>
        %select_n3A_363 = arith.select %gt3A_358, %broadcast_in_dim3A_361, %broadcast_in_dim3A_362 : vector<256x1024xi1>, vector<256x1024xf32>
        %lt3A_364 = vector.broadcast %add3A_348 : vector<1x1024xi32> to vector<256x1024xi32>
        %lt3A_365 = vector.broadcast %add3A_1 : vector<256x1xi32> to vector<256x1024xi32>
        %lt3A_366 = arith.cmpi slt, %lt3A_364, %lt3A_365 : vector<256x1024xi32>
        %select_n3A_367 = arith.select %lt3A_366, %select_n3A_355, %select_n3A_363 : vector<256x1024xi1>, vector<256x1024xf32>
        %reduce_sum3A = arith.constant dense<0.000000e+00> : vector<256xf32>
        %reduce_sum3A_368 = vector.multi_reduction <add>, %select_n3A_367, %reduce_sum3A [1] : vector<256x1024xf32> to vector<256xf32>
        %broadcast_in_dim3A_369 = vector.shape_cast %reduce_sum3A_368 : vector<256xf32> to vector<256x1xf32>
        scf.yield %broadcast_in_dim3A_369 : vector<256x1xf32>
      } else {
        %gt3A_345 = vector.broadcast %get3A_70 : vector<1x1024xf32> to vector<256x1024xf32>
        %gt3A_346 = vector.broadcast %get3A_19 : vector<256x1xf32> to vector<256x1024xf32>
        %gt3A_347 = arith.cmpf ogt, %gt3A_345, %gt3A_346 : vector<256x1024xf32>
        %jit3A_348 = arith.constant 1.000000e+00 : f32
        %jit3A_349 = arith.constant 0.000000e+00 : f32
        %broadcast_in_dim3A_350 = vector.broadcast %jit3A_348 : f32 to vector<256x1024xf32>
        %broadcast_in_dim3A_351 = vector.broadcast %jit3A_349 : f32 to vector<256x1024xf32>
        %select_n3A_352 = arith.select %gt3A_347, %broadcast_in_dim3A_350, %broadcast_in_dim3A_351 : vector<256x1024xi1>, vector<256x1024xf32>
        %reduce_sum3A = arith.constant dense<0.000000e+00> : vector<256xf32>
        %reduce_sum3A_353 = vector.multi_reduction <add>, %select_n3A_352, %reduce_sum3A [1] : vector<256x1024xf32> to vector<256xf32>
        %broadcast_in_dim3A_354 = vector.shape_cast %reduce_sum3A_353 : vector<256xf32> to vector<256x1xf32>
        scf.yield %broadcast_in_dim3A_354 : vector<256x1xf32>
      }
      scf.yield %cond3A_344 : vector<256x1xf32>
    }
    %add3A_77 = arith.addf %add3A_67, %cond3A_76 : vector<256x1xf32>
    %get3A_78 = arith.constant 0 : index
    %get3A_79 = arith.constant 6144 : index
    %get3A_80 = vector.load %arg2[%get3A_78, %get3A_79] : memref<8x10240xf32, #tpu.memory_space<vmem>>, vector<1x1024xf32>
    %gt3A_81 = arith.constant 6 : i32
    %gt3A_82 = arith.cmpi sgt, %select_n3A, %gt3A_81 : i32
    %convert_element_type3A_83 = arith.extui %gt3A_82 : i1 to i32
    %cond3A_84 = arith.constant 0 : i32
    %cond3A_85 = arith.cmpi ne, %convert_element_type3A_83, %cond3A_84 : i32
    %cond3A_86 = scf.if %cond3A_85 -> (vector<256x1xf32>) {
      %ge3A = vector.broadcast %get3A_80 : vector<1x1024xf32> to vector<256x1024xf32>
      %ge3A_340 = vector.broadcast %get3A_19 : vector<256x1xf32> to vector<256x1024xf32>
      %ge3A_341 = arith.cmpf oge, %ge3A, %ge3A_340 : vector<256x1024xf32>
      %jit3A_342 = arith.constant 1.000000e+00 : f32
      %jit3A_343 = arith.constant 0.000000e+00 : f32
      %broadcast_in_dim3A_344 = vector.broadcast %jit3A_342 : f32 to vector<256x1024xf32>
      %broadcast_in_dim3A_345 = vector.broadcast %jit3A_343 : f32 to vector<256x1024xf32>
      %select_n3A_346 = arith.select %ge3A_341, %broadcast_in_dim3A_344, %broadcast_in_dim3A_345 : vector<256x1024xi1>, vector<256x1024xf32>
      %reduce_sum3A = arith.constant dense<0.000000e+00> : vector<256xf32>
      %reduce_sum3A_347 = vector.multi_reduction <add>, %select_n3A_346, %reduce_sum3A [1] : vector<256x1024xf32> to vector<256xf32>
      %broadcast_in_dim3A_348 = vector.shape_cast %reduce_sum3A_347 : vector<256xf32> to vector<256x1xf32>
      scf.yield %broadcast_in_dim3A_348 : vector<256x1xf32>
    } else {
      %eq3A = arith.constant 6 : i32
      %eq3A_340 = arith.cmpi eq, %select_n3A, %eq3A : i32
      %convert_element_type3A_341 = arith.extui %eq3A_340 : i1 to i32
      %cond3A_342 = arith.constant 0 : i32
      %cond3A_343 = arith.cmpi ne, %convert_element_type3A_341, %cond3A_342 : i32
      %cond3A_344 = scf.if %cond3A_343 -> (vector<256x1xf32>) {
        %iota3A_345 = tpu.iota {dimensions = array<i32: 1>} : vector<1x1024xi32>
        %add3A_346 = arith.constant 6144 : i32
        %add3A_347 = vector.broadcast %add3A_346 : i32 to vector<1x1024xi32>
        %add3A_348 = arith.addi %add3A_347, %iota3A_345 : vector<1x1024xi32>
        %ge3A = vector.broadcast %get3A_80 : vector<1x1024xf32> to vector<256x1024xf32>
        %ge3A_349 = vector.broadcast %get3A_19 : vector<256x1xf32> to vector<256x1024xf32>
        %ge3A_350 = arith.cmpf oge, %ge3A, %ge3A_349 : vector<256x1024xf32>
        %jit3A_351 = arith.constant 1.000000e+00 : f32
        %jit3A_352 = arith.constant 0.000000e+00 : f32
        %broadcast_in_dim3A_353 = vector.broadcast %jit3A_351 : f32 to vector<256x1024xf32>
        %broadcast_in_dim3A_354 = vector.broadcast %jit3A_352 : f32 to vector<256x1024xf32>
        %select_n3A_355 = arith.select %ge3A_350, %broadcast_in_dim3A_353, %broadcast_in_dim3A_354 : vector<256x1024xi1>, vector<256x1024xf32>
        %gt3A_356 = vector.broadcast %get3A_80 : vector<1x1024xf32> to vector<256x1024xf32>
        %gt3A_357 = vector.broadcast %get3A_19 : vector<256x1xf32> to vector<256x1024xf32>
        %gt3A_358 = arith.cmpf ogt, %gt3A_356, %gt3A_357 : vector<256x1024xf32>
        %jit3A_359 = arith.constant 1.000000e+00 : f32
        %jit3A_360 = arith.constant 0.000000e+00 : f32
        %broadcast_in_dim3A_361 = vector.broadcast %jit3A_359 : f32 to vector<256x1024xf32>
        %broadcast_in_dim3A_362 = vector.broadcast %jit3A_360 : f32 to vector<256x1024xf32>
        %select_n3A_363 = arith.select %gt3A_358, %broadcast_in_dim3A_361, %broadcast_in_dim3A_362 : vector<256x1024xi1>, vector<256x1024xf32>
        %lt3A_364 = vector.broadcast %add3A_348 : vector<1x1024xi32> to vector<256x1024xi32>
        %lt3A_365 = vector.broadcast %add3A_1 : vector<256x1xi32> to vector<256x1024xi32>
        %lt3A_366 = arith.cmpi slt, %lt3A_364, %lt3A_365 : vector<256x1024xi32>
        %select_n3A_367 = arith.select %lt3A_366, %select_n3A_355, %select_n3A_363 : vector<256x1024xi1>, vector<256x1024xf32>
        %reduce_sum3A = arith.constant dense<0.000000e+00> : vector<256xf32>
        %reduce_sum3A_368 = vector.multi_reduction <add>, %select_n3A_367, %reduce_sum3A [1] : vector<256x1024xf32> to vector<256xf32>
        %broadcast_in_dim3A_369 = vector.shape_cast %reduce_sum3A_368 : vector<256xf32> to vector<256x1xf32>
        scf.yield %broadcast_in_dim3A_369 : vector<256x1xf32>
      } else {
        %gt3A_345 = vector.broadcast %get3A_80 : vector<1x1024xf32> to vector<256x1024xf32>
        %gt3A_346 = vector.broadcast %get3A_19 : vector<256x1xf32> to vector<256x1024xf32>
        %gt3A_347 = arith.cmpf ogt, %gt3A_345, %gt3A_346 : vector<256x1024xf32>
        %jit3A_348 = arith.constant 1.000000e+00 : f32
        %jit3A_349 = arith.constant 0.000000e+00 : f32
        %broadcast_in_dim3A_350 = vector.broadcast %jit3A_348 : f32 to vector<256x1024xf32>
        %broadcast_in_dim3A_351 = vector.broadcast %jit3A_349 : f32 to vector<256x1024xf32>
        %select_n3A_352 = arith.select %gt3A_347, %broadcast_in_dim3A_350, %broadcast_in_dim3A_351 : vector<256x1024xi1>, vector<256x1024xf32>
        %reduce_sum3A = arith.constant dense<0.000000e+00> : vector<256xf32>
        %reduce_sum3A_353 = vector.multi_reduction <add>, %select_n3A_352, %reduce_sum3A [1] : vector<256x1024xf32> to vector<256xf32>
        %broadcast_in_dim3A_354 = vector.shape_cast %reduce_sum3A_353 : vector<256xf32> to vector<256x1xf32>
        scf.yield %broadcast_in_dim3A_354 : vector<256x1xf32>
      }
      scf.yield %cond3A_344 : vector<256x1xf32>
    }
    %add3A_87 = arith.addf %add3A_77, %cond3A_86 : vector<256x1xf32>
    %get3A_88 = arith.constant 0 : index
    %get3A_89 = arith.constant 7168 : index
    %get3A_90 = vector.load %arg2[%get3A_88, %get3A_89] : memref<8x10240xf32, #tpu.memory_space<vmem>>, vector<1x1024xf32>
    %gt3A_91 = arith.constant 7 : i32
    %gt3A_92 = arith.cmpi sgt, %select_n3A, %gt3A_91 : i32
    %convert_element_type3A_93 = arith.extui %gt3A_92 : i1 to i32
    %cond3A_94 = arith.constant 0 : i32
    %cond3A_95 = arith.cmpi ne, %convert_element_type3A_93, %cond3A_94 : i32
    %cond3A_96 = scf.if %cond3A_95 -> (vector<256x1xf32>) {
      %ge3A = vector.broadcast %get3A_90 : vector<1x1024xf32> to vector<256x1024xf32>
      %ge3A_340 = vector.broadcast %get3A_19 : vector<256x1xf32> to vector<256x1024xf32>
      %ge3A_341 = arith.cmpf oge, %ge3A, %ge3A_340 : vector<256x1024xf32>
      %jit3A_342 = arith.constant 1.000000e+00 : f32
      %jit3A_343 = arith.constant 0.000000e+00 : f32
      %broadcast_in_dim3A_344 = vector.broadcast %jit3A_342 : f32 to vector<256x1024xf32>
      %broadcast_in_dim3A_345 = vector.broadcast %jit3A_343 : f32 to vector<256x1024xf32>
      %select_n3A_346 = arith.select %ge3A_341, %broadcast_in_dim3A_344, %broadcast_in_dim3A_345 : vector<256x1024xi1>, vector<256x1024xf32>
      %reduce_sum3A = arith.constant dense<0.000000e+00> : vector<256xf32>
      %reduce_sum3A_347 = vector.multi_reduction <add>, %select_n3A_346, %reduce_sum3A [1] : vector<256x1024xf32> to vector<256xf32>
      %broadcast_in_dim3A_348 = vector.shape_cast %reduce_sum3A_347 : vector<256xf32> to vector<256x1xf32>
      scf.yield %broadcast_in_dim3A_348 : vector<256x1xf32>
    } else {
      %eq3A = arith.constant 7 : i32
      %eq3A_340 = arith.cmpi eq, %select_n3A, %eq3A : i32
      %convert_element_type3A_341 = arith.extui %eq3A_340 : i1 to i32
      %cond3A_342 = arith.constant 0 : i32
      %cond3A_343 = arith.cmpi ne, %convert_element_type3A_341, %cond3A_342 : i32
      %cond3A_344 = scf.if %cond3A_343 -> (vector<256x1xf32>) {
        %iota3A_345 = tpu.iota {dimensions = array<i32: 1>} : vector<1x1024xi32>
        %add3A_346 = arith.constant 7168 : i32
        %add3A_347 = vector.broadcast %add3A_346 : i32 to vector<1x1024xi32>
        %add3A_348 = arith.addi %add3A_347, %iota3A_345 : vector<1x1024xi32>
        %ge3A = vector.broadcast %get3A_90 : vector<1x1024xf32> to vector<256x1024xf32>
        %ge3A_349 = vector.broadcast %get3A_19 : vector<256x1xf32> to vector<256x1024xf32>
        %ge3A_350 = arith.cmpf oge, %ge3A, %ge3A_349 : vector<256x1024xf32>
        %jit3A_351 = arith.constant 1.000000e+00 : f32
        %jit3A_352 = arith.constant 0.000000e+00 : f32
        %broadcast_in_dim3A_353 = vector.broadcast %jit3A_351 : f32 to vector<256x1024xf32>
        %broadcast_in_dim3A_354 = vector.broadcast %jit3A_352 : f32 to vector<256x1024xf32>
        %select_n3A_355 = arith.select %ge3A_350, %broadcast_in_dim3A_353, %broadcast_in_dim3A_354 : vector<256x1024xi1>, vector<256x1024xf32>
        %gt3A_356 = vector.broadcast %get3A_90 : vector<1x1024xf32> to vector<256x1024xf32>
        %gt3A_357 = vector.broadcast %get3A_19 : vector<256x1xf32> to vector<256x1024xf32>
        %gt3A_358 = arith.cmpf ogt, %gt3A_356, %gt3A_357 : vector<256x1024xf32>
        %jit3A_359 = arith.constant 1.000000e+00 : f32
        %jit3A_360 = arith.constant 0.000000e+00 : f32
        %broadcast_in_dim3A_361 = vector.broadcast %jit3A_359 : f32 to vector<256x1024xf32>
        %broadcast_in_dim3A_362 = vector.broadcast %jit3A_360 : f32 to vector<256x1024xf32>
        %select_n3A_363 = arith.select %gt3A_358, %broadcast_in_dim3A_361, %broadcast_in_dim3A_362 : vector<256x1024xi1>, vector<256x1024xf32>
        %lt3A_364 = vector.broadcast %add3A_348 : vector<1x1024xi32> to vector<256x1024xi32>
        %lt3A_365 = vector.broadcast %add3A_1 : vector<256x1xi32> to vector<256x1024xi32>
        %lt3A_366 = arith.cmpi slt, %lt3A_364, %lt3A_365 : vector<256x1024xi32>
        %select_n3A_367 = arith.select %lt3A_366, %select_n3A_355, %select_n3A_363 : vector<256x1024xi1>, vector<256x1024xf32>
        %reduce_sum3A = arith.constant dense<0.000000e+00> : vector<256xf32>
        %reduce_sum3A_368 = vector.multi_reduction <add>, %select_n3A_367, %reduce_sum3A [1] : vector<256x1024xf32> to vector<256xf32>
        %broadcast_in_dim3A_369 = vector.shape_cast %reduce_sum3A_368 : vector<256xf32> to vector<256x1xf32>
        scf.yield %broadcast_in_dim3A_369 : vector<256x1xf32>
      } else {
        %gt3A_345 = vector.broadcast %get3A_90 : vector<1x1024xf32> to vector<256x1024xf32>
        %gt3A_346 = vector.broadcast %get3A_19 : vector<256x1xf32> to vector<256x1024xf32>
        %gt3A_347 = arith.cmpf ogt, %gt3A_345, %gt3A_346 : vector<256x1024xf32>
        %jit3A_348 = arith.constant 1.000000e+00 : f32
        %jit3A_349 = arith.constant 0.000000e+00 : f32
        %broadcast_in_dim3A_350 = vector.broadcast %jit3A_348 : f32 to vector<256x1024xf32>
        %broadcast_in_dim3A_351 = vector.broadcast %jit3A_349 : f32 to vector<256x1024xf32>
        %select_n3A_352 = arith.select %gt3A_347, %broadcast_in_dim3A_350, %broadcast_in_dim3A_351 : vector<256x1024xi1>, vector<256x1024xf32>
        %reduce_sum3A = arith.constant dense<0.000000e+00> : vector<256xf32>
        %reduce_sum3A_353 = vector.multi_reduction <add>, %select_n3A_352, %reduce_sum3A [1] : vector<256x1024xf32> to vector<256xf32>
        %broadcast_in_dim3A_354 = vector.shape_cast %reduce_sum3A_353 : vector<256xf32> to vector<256x1xf32>
        scf.yield %broadcast_in_dim3A_354 : vector<256x1xf32>
      }
      scf.yield %cond3A_344 : vector<256x1xf32>
    }
    %add3A_97 = arith.addf %add3A_87, %cond3A_96 : vector<256x1xf32>
    %get3A_98 = arith.constant 0 : index
    %get3A_99 = arith.constant 8192 : index
    %get3A_100 = vector.load %arg2[%get3A_98, %get3A_99] : memref<8x10240xf32, #tpu.memory_space<vmem>>, vector<1x1024xf32>
    %gt3A_101 = arith.constant 8 : i32
    %gt3A_102 = arith.cmpi sgt, %select_n3A, %gt3A_101 : i32
    %convert_element_type3A_103 = arith.extui %gt3A_102 : i1 to i32
    %cond3A_104 = arith.constant 0 : i32
    %cond3A_105 = arith.cmpi ne, %convert_element_type3A_103, %cond3A_104 : i32
    %cond3A_106 = scf.if %cond3A_105 -> (vector<256x1xf32>) {
      %ge3A = vector.broadcast %get3A_100 : vector<1x1024xf32> to vector<256x1024xf32>
      %ge3A_340 = vector.broadcast %get3A_19 : vector<256x1xf32> to vector<256x1024xf32>
      %ge3A_341 = arith.cmpf oge, %ge3A, %ge3A_340 : vector<256x1024xf32>
      %jit3A_342 = arith.constant 1.000000e+00 : f32
      %jit3A_343 = arith.constant 0.000000e+00 : f32
      %broadcast_in_dim3A_344 = vector.broadcast %jit3A_342 : f32 to vector<256x1024xf32>
      %broadcast_in_dim3A_345 = vector.broadcast %jit3A_343 : f32 to vector<256x1024xf32>
      %select_n3A_346 = arith.select %ge3A_341, %broadcast_in_dim3A_344, %broadcast_in_dim3A_345 : vector<256x1024xi1>, vector<256x1024xf32>
      %reduce_sum3A = arith.constant dense<0.000000e+00> : vector<256xf32>
      %reduce_sum3A_347 = vector.multi_reduction <add>, %select_n3A_346, %reduce_sum3A [1] : vector<256x1024xf32> to vector<256xf32>
      %broadcast_in_dim3A_348 = vector.shape_cast %reduce_sum3A_347 : vector<256xf32> to vector<256x1xf32>
      scf.yield %broadcast_in_dim3A_348 : vector<256x1xf32>
    } else {
      %eq3A = arith.constant 8 : i32
      %eq3A_340 = arith.cmpi eq, %select_n3A, %eq3A : i32
      %convert_element_type3A_341 = arith.extui %eq3A_340 : i1 to i32
      %cond3A_342 = arith.constant 0 : i32
      %cond3A_343 = arith.cmpi ne, %convert_element_type3A_341, %cond3A_342 : i32
      %cond3A_344 = scf.if %cond3A_343 -> (vector<256x1xf32>) {
        %iota3A_345 = tpu.iota {dimensions = array<i32: 1>} : vector<1x1024xi32>
        %add3A_346 = arith.constant 8192 : i32
        %add3A_347 = vector.broadcast %add3A_346 : i32 to vector<1x1024xi32>
        %add3A_348 = arith.addi %add3A_347, %iota3A_345 : vector<1x1024xi32>
        %ge3A = vector.broadcast %get3A_100 : vector<1x1024xf32> to vector<256x1024xf32>
        %ge3A_349 = vector.broadcast %get3A_19 : vector<256x1xf32> to vector<256x1024xf32>
        %ge3A_350 = arith.cmpf oge, %ge3A, %ge3A_349 : vector<256x1024xf32>
        %jit3A_351 = arith.constant 1.000000e+00 : f32
        %jit3A_352 = arith.constant 0.000000e+00 : f32
        %broadcast_in_dim3A_353 = vector.broadcast %jit3A_351 : f32 to vector<256x1024xf32>
        %broadcast_in_dim3A_354 = vector.broadcast %jit3A_352 : f32 to vector<256x1024xf32>
        %select_n3A_355 = arith.select %ge3A_350, %broadcast_in_dim3A_353, %broadcast_in_dim3A_354 : vector<256x1024xi1>, vector<256x1024xf32>
        %gt3A_356 = vector.broadcast %get3A_100 : vector<1x1024xf32> to vector<256x1024xf32>
        %gt3A_357 = vector.broadcast %get3A_19 : vector<256x1xf32> to vector<256x1024xf32>
        %gt3A_358 = arith.cmpf ogt, %gt3A_356, %gt3A_357 : vector<256x1024xf32>
        %jit3A_359 = arith.constant 1.000000e+00 : f32
        %jit3A_360 = arith.constant 0.000000e+00 : f32
        %broadcast_in_dim3A_361 = vector.broadcast %jit3A_359 : f32 to vector<256x1024xf32>
        %broadcast_in_dim3A_362 = vector.broadcast %jit3A_360 : f32 to vector<256x1024xf32>
        %select_n3A_363 = arith.select %gt3A_358, %broadcast_in_dim3A_361, %broadcast_in_dim3A_362 : vector<256x1024xi1>, vector<256x1024xf32>
        %lt3A_364 = vector.broadcast %add3A_348 : vector<1x1024xi32> to vector<256x1024xi32>
        %lt3A_365 = vector.broadcast %add3A_1 : vector<256x1xi32> to vector<256x1024xi32>
        %lt3A_366 = arith.cmpi slt, %lt3A_364, %lt3A_365 : vector<256x1024xi32>
        %select_n3A_367 = arith.select %lt3A_366, %select_n3A_355, %select_n3A_363 : vector<256x1024xi1>, vector<256x1024xf32>
        %reduce_sum3A = arith.constant dense<0.000000e+00> : vector<256xf32>
        %reduce_sum3A_368 = vector.multi_reduction <add>, %select_n3A_367, %reduce_sum3A [1] : vector<256x1024xf32> to vector<256xf32>
        %broadcast_in_dim3A_369 = vector.shape_cast %reduce_sum3A_368 : vector<256xf32> to vector<256x1xf32>
        scf.yield %broadcast_in_dim3A_369 : vector<256x1xf32>
      } else {
        %gt3A_345 = vector.broadcast %get3A_100 : vector<1x1024xf32> to vector<256x1024xf32>
        %gt3A_346 = vector.broadcast %get3A_19 : vector<256x1xf32> to vector<256x1024xf32>
        %gt3A_347 = arith.cmpf ogt, %gt3A_345, %gt3A_346 : vector<256x1024xf32>
        %jit3A_348 = arith.constant 1.000000e+00 : f32
        %jit3A_349 = arith.constant 0.000000e+00 : f32
        %broadcast_in_dim3A_350 = vector.broadcast %jit3A_348 : f32 to vector<256x1024xf32>
        %broadcast_in_dim3A_351 = vector.broadcast %jit3A_349 : f32 to vector<256x1024xf32>
        %select_n3A_352 = arith.select %gt3A_347, %broadcast_in_dim3A_350, %broadcast_in_dim3A_351 : vector<256x1024xi1>, vector<256x1024xf32>
        %reduce_sum3A = arith.constant dense<0.000000e+00> : vector<256xf32>
        %reduce_sum3A_353 = vector.multi_reduction <add>, %select_n3A_352, %reduce_sum3A [1] : vector<256x1024xf32> to vector<256xf32>
        %broadcast_in_dim3A_354 = vector.shape_cast %reduce_sum3A_353 : vector<256xf32> to vector<256x1xf32>
        scf.yield %broadcast_in_dim3A_354 : vector<256x1xf32>
      }
      scf.yield %cond3A_344 : vector<256x1xf32>
    }
    %add3A_107 = arith.addf %add3A_97, %cond3A_106 : vector<256x1xf32>
    %get3A_108 = arith.constant 0 : index
    %get3A_109 = arith.constant 9216 : index
    %get3A_110 = vector.load %arg2[%get3A_108, %get3A_109] : memref<8x10240xf32, #tpu.memory_space<vmem>>, vector<1x1024xf32>
    %gt3A_111 = arith.constant 9 : i32
    %gt3A_112 = arith.cmpi sgt, %select_n3A, %gt3A_111 : i32
    %convert_element_type3A_113 = arith.extui %gt3A_112 : i1 to i32
    %cond3A_114 = arith.constant 0 : i32
    %cond3A_115 = arith.cmpi ne, %convert_element_type3A_113, %cond3A_114 : i32
    %cond3A_116 = scf.if %cond3A_115 -> (vector<256x1xf32>) {
      %ge3A = vector.broadcast %get3A_110 : vector<1x1024xf32> to vector<256x1024xf32>
      %ge3A_340 = vector.broadcast %get3A_19 : vector<256x1xf32> to vector<256x1024xf32>
      %ge3A_341 = arith.cmpf oge, %ge3A, %ge3A_340 : vector<256x1024xf32>
      %jit3A_342 = arith.constant 1.000000e+00 : f32
      %jit3A_343 = arith.constant 0.000000e+00 : f32
      %broadcast_in_dim3A_344 = vector.broadcast %jit3A_342 : f32 to vector<256x1024xf32>
      %broadcast_in_dim3A_345 = vector.broadcast %jit3A_343 : f32 to vector<256x1024xf32>
      %select_n3A_346 = arith.select %ge3A_341, %broadcast_in_dim3A_344, %broadcast_in_dim3A_345 : vector<256x1024xi1>, vector<256x1024xf32>
      %reduce_sum3A = arith.constant dense<0.000000e+00> : vector<256xf32>
      %reduce_sum3A_347 = vector.multi_reduction <add>, %select_n3A_346, %reduce_sum3A [1] : vector<256x1024xf32> to vector<256xf32>
      %broadcast_in_dim3A_348 = vector.shape_cast %reduce_sum3A_347 : vector<256xf32> to vector<256x1xf32>
      scf.yield %broadcast_in_dim3A_348 : vector<256x1xf32>
    } else {
      %eq3A = arith.constant 9 : i32
      %eq3A_340 = arith.cmpi eq, %select_n3A, %eq3A : i32
      %convert_element_type3A_341 = arith.extui %eq3A_340 : i1 to i32
      %cond3A_342 = arith.constant 0 : i32
      %cond3A_343 = arith.cmpi ne, %convert_element_type3A_341, %cond3A_342 : i32
      %cond3A_344 = scf.if %cond3A_343 -> (vector<256x1xf32>) {
        %iota3A_345 = tpu.iota {dimensions = array<i32: 1>} : vector<1x1024xi32>
        %add3A_346 = arith.constant 9216 : i32
        %add3A_347 = vector.broadcast %add3A_346 : i32 to vector<1x1024xi32>
        %add3A_348 = arith.addi %add3A_347, %iota3A_345 : vector<1x1024xi32>
        %ge3A = vector.broadcast %get3A_110 : vector<1x1024xf32> to vector<256x1024xf32>
        %ge3A_349 = vector.broadcast %get3A_19 : vector<256x1xf32> to vector<256x1024xf32>
        %ge3A_350 = arith.cmpf oge, %ge3A, %ge3A_349 : vector<256x1024xf32>
        %jit3A_351 = arith.constant 1.000000e+00 : f32
        %jit3A_352 = arith.constant 0.000000e+00 : f32
        %broadcast_in_dim3A_353 = vector.broadcast %jit3A_351 : f32 to vector<256x1024xf32>
        %broadcast_in_dim3A_354 = vector.broadcast %jit3A_352 : f32 to vector<256x1024xf32>
        %select_n3A_355 = arith.select %ge3A_350, %broadcast_in_dim3A_353, %broadcast_in_dim3A_354 : vector<256x1024xi1>, vector<256x1024xf32>
        %gt3A_356 = vector.broadcast %get3A_110 : vector<1x1024xf32> to vector<256x1024xf32>
        %gt3A_357 = vector.broadcast %get3A_19 : vector<256x1xf32> to vector<256x1024xf32>
        %gt3A_358 = arith.cmpf ogt, %gt3A_356, %gt3A_357 : vector<256x1024xf32>
        %jit3A_359 = arith.constant 1.000000e+00 : f32
        %jit3A_360 = arith.constant 0.000000e+00 : f32
        %broadcast_in_dim3A_361 = vector.broadcast %jit3A_359 : f32 to vector<256x1024xf32>
        %broadcast_in_dim3A_362 = vector.broadcast %jit3A_360 : f32 to vector<256x1024xf32>
        %select_n3A_363 = arith.select %gt3A_358, %broadcast_in_dim3A_361, %broadcast_in_dim3A_362 : vector<256x1024xi1>, vector<256x1024xf32>
        %lt3A_364 = vector.broadcast %add3A_348 : vector<1x1024xi32> to vector<256x1024xi32>
        %lt3A_365 = vector.broadcast %add3A_1 : vector<256x1xi32> to vector<256x1024xi32>
        %lt3A_366 = arith.cmpi slt, %lt3A_364, %lt3A_365 : vector<256x1024xi32>
        %select_n3A_367 = arith.select %lt3A_366, %select_n3A_355, %select_n3A_363 : vector<256x1024xi1>, vector<256x1024xf32>
        %reduce_sum3A = arith.constant dense<0.000000e+00> : vector<256xf32>
        %reduce_sum3A_368 = vector.multi_reduction <add>, %select_n3A_367, %reduce_sum3A [1] : vector<256x1024xf32> to vector<256xf32>
        %broadcast_in_dim3A_369 = vector.shape_cast %reduce_sum3A_368 : vector<256xf32> to vector<256x1xf32>
        scf.yield %broadcast_in_dim3A_369 : vector<256x1xf32>
      } else {
        %gt3A_345 = vector.broadcast %get3A_110 : vector<1x1024xf32> to vector<256x1024xf32>
        %gt3A_346 = vector.broadcast %get3A_19 : vector<256x1xf32> to vector<256x1024xf32>
        %gt3A_347 = arith.cmpf ogt, %gt3A_345, %gt3A_346 : vector<256x1024xf32>
        %jit3A_348 = arith.constant 1.000000e+00 : f32
        %jit3A_349 = arith.constant 0.000000e+00 : f32
        %broadcast_in_dim3A_350 = vector.broadcast %jit3A_348 : f32 to vector<256x1024xf32>
        %broadcast_in_dim3A_351 = vector.broadcast %jit3A_349 : f32 to vector<256x1024xf32>
        %select_n3A_352 = arith.select %gt3A_347, %broadcast_in_dim3A_350, %broadcast_in_dim3A_351 : vector<256x1024xi1>, vector<256x1024xf32>
        %reduce_sum3A = arith.constant dense<0.000000e+00> : vector<256xf32>
        %reduce_sum3A_353 = vector.multi_reduction <add>, %select_n3A_352, %reduce_sum3A [1] : vector<256x1024xf32> to vector<256xf32>
        %broadcast_in_dim3A_354 = vector.shape_cast %reduce_sum3A_353 : vector<256xf32> to vector<256x1xf32>
        scf.yield %broadcast_in_dim3A_354 : vector<256x1xf32>
      }
      scf.yield %cond3A_344 : vector<256x1xf32>
    }
    %add3A_117 = arith.addf %add3A_107, %cond3A_116 : vector<256x1xf32>
    %get3A_118 = arith.constant 0 : index
    %get3A_119 = arith.constant 1 : index
    %get3A_120 = vector.load %arg1[%get3A_118, %get3A_119] : memref<256x8xf32, #tpu.memory_space<vmem>>, vector<256x1xf32>
    %broadcast_in_dim3A_121 = arith.constant 0.000000e+00 : f32
    %broadcast_in_dim3A_122 = vector.broadcast %broadcast_in_dim3A_121 : f32 to vector<256x1xf32>
    %get3A_123 = arith.constant 1 : index
    %get3A_124 = arith.constant 0 : index
    %get3A_125 = vector.load %arg2[%get3A_123, %get3A_124] : memref<8x10240xf32, #tpu.memory_space<vmem>>, vector<1x1024xf32>
    %gt3A_126 = arith.constant 0 : i32
    %gt3A_127 = arith.cmpi sgt, %select_n3A, %gt3A_126 : i32
    %convert_element_type3A_128 = arith.extui %gt3A_127 : i1 to i32
    %cond3A_129 = arith.constant 0 : i32
    %cond3A_130 = arith.cmpi ne, %convert_element_type3A_128, %cond3A_129 : i32
    %cond3A_131 = scf.if %cond3A_130 -> (vector<256x1xf32>) {
      %ge3A = vector.broadcast %get3A_125 : vector<1x1024xf32> to vector<256x1024xf32>
      %ge3A_340 = vector.broadcast %get3A_120 : vector<256x1xf32> to vector<256x1024xf32>
      %ge3A_341 = arith.cmpf oge, %ge3A, %ge3A_340 : vector<256x1024xf32>
      %jit3A_342 = arith.constant 1.000000e+00 : f32
      %jit3A_343 = arith.constant 0.000000e+00 : f32
      %broadcast_in_dim3A_344 = vector.broadcast %jit3A_342 : f32 to vector<256x1024xf32>
      %broadcast_in_dim3A_345 = vector.broadcast %jit3A_343 : f32 to vector<256x1024xf32>
      %select_n3A_346 = arith.select %ge3A_341, %broadcast_in_dim3A_344, %broadcast_in_dim3A_345 : vector<256x1024xi1>, vector<256x1024xf32>
      %reduce_sum3A = arith.constant dense<0.000000e+00> : vector<256xf32>
      %reduce_sum3A_347 = vector.multi_reduction <add>, %select_n3A_346, %reduce_sum3A [1] : vector<256x1024xf32> to vector<256xf32>
      %broadcast_in_dim3A_348 = vector.shape_cast %reduce_sum3A_347 : vector<256xf32> to vector<256x1xf32>
      scf.yield %broadcast_in_dim3A_348 : vector<256x1xf32>
    } else {
      %eq3A = arith.constant 0 : i32
      %eq3A_340 = arith.cmpi eq, %select_n3A, %eq3A : i32
      %convert_element_type3A_341 = arith.extui %eq3A_340 : i1 to i32
      %cond3A_342 = arith.constant 0 : i32
      %cond3A_343 = arith.cmpi ne, %convert_element_type3A_341, %cond3A_342 : i32
      %cond3A_344 = scf.if %cond3A_343 -> (vector<256x1xf32>) {
        %iota3A_345 = tpu.iota {dimensions = array<i32: 1>} : vector<1x1024xi32>
        %add3A_346 = arith.constant 0 : i32
        %add3A_347 = vector.broadcast %add3A_346 : i32 to vector<1x1024xi32>
        %add3A_348 = arith.addi %add3A_347, %iota3A_345 : vector<1x1024xi32>
        %ge3A = vector.broadcast %get3A_125 : vector<1x1024xf32> to vector<256x1024xf32>
        %ge3A_349 = vector.broadcast %get3A_120 : vector<256x1xf32> to vector<256x1024xf32>
        %ge3A_350 = arith.cmpf oge, %ge3A, %ge3A_349 : vector<256x1024xf32>
        %jit3A_351 = arith.constant 1.000000e+00 : f32
        %jit3A_352 = arith.constant 0.000000e+00 : f32
        %broadcast_in_dim3A_353 = vector.broadcast %jit3A_351 : f32 to vector<256x1024xf32>
        %broadcast_in_dim3A_354 = vector.broadcast %jit3A_352 : f32 to vector<256x1024xf32>
        %select_n3A_355 = arith.select %ge3A_350, %broadcast_in_dim3A_353, %broadcast_in_dim3A_354 : vector<256x1024xi1>, vector<256x1024xf32>
        %gt3A_356 = vector.broadcast %get3A_125 : vector<1x1024xf32> to vector<256x1024xf32>
        %gt3A_357 = vector.broadcast %get3A_120 : vector<256x1xf32> to vector<256x1024xf32>
        %gt3A_358 = arith.cmpf ogt, %gt3A_356, %gt3A_357 : vector<256x1024xf32>
        %jit3A_359 = arith.constant 1.000000e+00 : f32
        %jit3A_360 = arith.constant 0.000000e+00 : f32
        %broadcast_in_dim3A_361 = vector.broadcast %jit3A_359 : f32 to vector<256x1024xf32>
        %broadcast_in_dim3A_362 = vector.broadcast %jit3A_360 : f32 to vector<256x1024xf32>
        %select_n3A_363 = arith.select %gt3A_358, %broadcast_in_dim3A_361, %broadcast_in_dim3A_362 : vector<256x1024xi1>, vector<256x1024xf32>
        %lt3A_364 = vector.broadcast %add3A_348 : vector<1x1024xi32> to vector<256x1024xi32>
        %lt3A_365 = vector.broadcast %add3A_1 : vector<256x1xi32> to vector<256x1024xi32>
        %lt3A_366 = arith.cmpi slt, %lt3A_364, %lt3A_365 : vector<256x1024xi32>
        %select_n3A_367 = arith.select %lt3A_366, %select_n3A_355, %select_n3A_363 : vector<256x1024xi1>, vector<256x1024xf32>
        %reduce_sum3A = arith.constant dense<0.000000e+00> : vector<256xf32>
        %reduce_sum3A_368 = vector.multi_reduction <add>, %select_n3A_367, %reduce_sum3A [1] : vector<256x1024xf32> to vector<256xf32>
        %broadcast_in_dim3A_369 = vector.shape_cast %reduce_sum3A_368 : vector<256xf32> to vector<256x1xf32>
        scf.yield %broadcast_in_dim3A_369 : vector<256x1xf32>
      } else {
        %gt3A_345 = vector.broadcast %get3A_125 : vector<1x1024xf32> to vector<256x1024xf32>
        %gt3A_346 = vector.broadcast %get3A_120 : vector<256x1xf32> to vector<256x1024xf32>
        %gt3A_347 = arith.cmpf ogt, %gt3A_345, %gt3A_346 : vector<256x1024xf32>
        %jit3A_348 = arith.constant 1.000000e+00 : f32
        %jit3A_349 = arith.constant 0.000000e+00 : f32
        %broadcast_in_dim3A_350 = vector.broadcast %jit3A_348 : f32 to vector<256x1024xf32>
        %broadcast_in_dim3A_351 = vector.broadcast %jit3A_349 : f32 to vector<256x1024xf32>
        %select_n3A_352 = arith.select %gt3A_347, %broadcast_in_dim3A_350, %broadcast_in_dim3A_351 : vector<256x1024xi1>, vector<256x1024xf32>
        %reduce_sum3A = arith.constant dense<0.000000e+00> : vector<256xf32>
        %reduce_sum3A_353 = vector.multi_reduction <add>, %select_n3A_352, %reduce_sum3A [1] : vector<256x1024xf32> to vector<256xf32>
        %broadcast_in_dim3A_354 = vector.shape_cast %reduce_sum3A_353 : vector<256xf32> to vector<256x1xf32>
        scf.yield %broadcast_in_dim3A_354 : vector<256x1xf32>
      }
      scf.yield %cond3A_344 : vector<256x1xf32>
    }
    %add3A_132 = arith.addf %broadcast_in_dim3A_122, %cond3A_131 : vector<256x1xf32>
    %get3A_133 = arith.constant 1 : index
    %get3A_134 = arith.constant 1024 : index
    %get3A_135 = vector.load %arg2[%get3A_133, %get3A_134] : memref<8x10240xf32, #tpu.memory_space<vmem>>, vector<1x1024xf32>
    %gt3A_136 = arith.constant 1 : i32
    %gt3A_137 = arith.cmpi sgt, %select_n3A, %gt3A_136 : i32
    %convert_element_type3A_138 = arith.extui %gt3A_137 : i1 to i32
    %cond3A_139 = arith.constant 0 : i32
    %cond3A_140 = arith.cmpi ne, %convert_element_type3A_138, %cond3A_139 : i32
    %cond3A_141 = scf.if %cond3A_140 -> (vector<256x1xf32>) {
      %ge3A = vector.broadcast %get3A_135 : vector<1x1024xf32> to vector<256x1024xf32>
      %ge3A_340 = vector.broadcast %get3A_120 : vector<256x1xf32> to vector<256x1024xf32>
      %ge3A_341 = arith.cmpf oge, %ge3A, %ge3A_340 : vector<256x1024xf32>
      %jit3A_342 = arith.constant 1.000000e+00 : f32
      %jit3A_343 = arith.constant 0.000000e+00 : f32
      %broadcast_in_dim3A_344 = vector.broadcast %jit3A_342 : f32 to vector<256x1024xf32>
      %broadcast_in_dim3A_345 = vector.broadcast %jit3A_343 : f32 to vector<256x1024xf32>
      %select_n3A_346 = arith.select %ge3A_341, %broadcast_in_dim3A_344, %broadcast_in_dim3A_345 : vector<256x1024xi1>, vector<256x1024xf32>
      %reduce_sum3A = arith.constant dense<0.000000e+00> : vector<256xf32>
      %reduce_sum3A_347 = vector.multi_reduction <add>, %select_n3A_346, %reduce_sum3A [1] : vector<256x1024xf32> to vector<256xf32>
      %broadcast_in_dim3A_348 = vector.shape_cast %reduce_sum3A_347 : vector<256xf32> to vector<256x1xf32>
      scf.yield %broadcast_in_dim3A_348 : vector<256x1xf32>
    } else {
      %eq3A = arith.constant 1 : i32
      %eq3A_340 = arith.cmpi eq, %select_n3A, %eq3A : i32
      %convert_element_type3A_341 = arith.extui %eq3A_340 : i1 to i32
      %cond3A_342 = arith.constant 0 : i32
      %cond3A_343 = arith.cmpi ne, %convert_element_type3A_341, %cond3A_342 : i32
      %cond3A_344 = scf.if %cond3A_343 -> (vector<256x1xf32>) {
        %iota3A_345 = tpu.iota {dimensions = array<i32: 1>} : vector<1x1024xi32>
        %add3A_346 = arith.constant 1024 : i32
        %add3A_347 = vector.broadcast %add3A_346 : i32 to vector<1x1024xi32>
        %add3A_348 = arith.addi %add3A_347, %iota3A_345 : vector<1x1024xi32>
        %ge3A = vector.broadcast %get3A_135 : vector<1x1024xf32> to vector<256x1024xf32>
        %ge3A_349 = vector.broadcast %get3A_120 : vector<256x1xf32> to vector<256x1024xf32>
        %ge3A_350 = arith.cmpf oge, %ge3A, %ge3A_349 : vector<256x1024xf32>
        %jit3A_351 = arith.constant 1.000000e+00 : f32
        %jit3A_352 = arith.constant 0.000000e+00 : f32
        %broadcast_in_dim3A_353 = vector.broadcast %jit3A_351 : f32 to vector<256x1024xf32>
        %broadcast_in_dim3A_354 = vector.broadcast %jit3A_352 : f32 to vector<256x1024xf32>
        %select_n3A_355 = arith.select %ge3A_350, %broadcast_in_dim3A_353, %broadcast_in_dim3A_354 : vector<256x1024xi1>, vector<256x1024xf32>
        %gt3A_356 = vector.broadcast %get3A_135 : vector<1x1024xf32> to vector<256x1024xf32>
        %gt3A_357 = vector.broadcast %get3A_120 : vector<256x1xf32> to vector<256x1024xf32>
        %gt3A_358 = arith.cmpf ogt, %gt3A_356, %gt3A_357 : vector<256x1024xf32>
        %jit3A_359 = arith.constant 1.000000e+00 : f32
        %jit3A_360 = arith.constant 0.000000e+00 : f32
        %broadcast_in_dim3A_361 = vector.broadcast %jit3A_359 : f32 to vector<256x1024xf32>
        %broadcast_in_dim3A_362 = vector.broadcast %jit3A_360 : f32 to vector<256x1024xf32>
        %select_n3A_363 = arith.select %gt3A_358, %broadcast_in_dim3A_361, %broadcast_in_dim3A_362 : vector<256x1024xi1>, vector<256x1024xf32>
        %lt3A_364 = vector.broadcast %add3A_348 : vector<1x1024xi32> to vector<256x1024xi32>
        %lt3A_365 = vector.broadcast %add3A_1 : vector<256x1xi32> to vector<256x1024xi32>
        %lt3A_366 = arith.cmpi slt, %lt3A_364, %lt3A_365 : vector<256x1024xi32>
        %select_n3A_367 = arith.select %lt3A_366, %select_n3A_355, %select_n3A_363 : vector<256x1024xi1>, vector<256x1024xf32>
        %reduce_sum3A = arith.constant dense<0.000000e+00> : vector<256xf32>
        %reduce_sum3A_368 = vector.multi_reduction <add>, %select_n3A_367, %reduce_sum3A [1] : vector<256x1024xf32> to vector<256xf32>
        %broadcast_in_dim3A_369 = vector.shape_cast %reduce_sum3A_368 : vector<256xf32> to vector<256x1xf32>
        scf.yield %broadcast_in_dim3A_369 : vector<256x1xf32>
      } else {
        %gt3A_345 = vector.broadcast %get3A_135 : vector<1x1024xf32> to vector<256x1024xf32>
        %gt3A_346 = vector.broadcast %get3A_120 : vector<256x1xf32> to vector<256x1024xf32>
        %gt3A_347 = arith.cmpf ogt, %gt3A_345, %gt3A_346 : vector<256x1024xf32>
        %jit3A_348 = arith.constant 1.000000e+00 : f32
        %jit3A_349 = arith.constant 0.000000e+00 : f32
        %broadcast_in_dim3A_350 = vector.broadcast %jit3A_348 : f32 to vector<256x1024xf32>
        %broadcast_in_dim3A_351 = vector.broadcast %jit3A_349 : f32 to vector<256x1024xf32>
        %select_n3A_352 = arith.select %gt3A_347, %broadcast_in_dim3A_350, %broadcast_in_dim3A_351 : vector<256x1024xi1>, vector<256x1024xf32>
        %reduce_sum3A = arith.constant dense<0.000000e+00> : vector<256xf32>
        %reduce_sum3A_353 = vector.multi_reduction <add>, %select_n3A_352, %reduce_sum3A [1] : vector<256x1024xf32> to vector<256xf32>
        %broadcast_in_dim3A_354 = vector.shape_cast %reduce_sum3A_353 : vector<256xf32> to vector<256x1xf32>
        scf.yield %broadcast_in_dim3A_354 : vector<256x1xf32>
      }
      scf.yield %cond3A_344 : vector<256x1xf32>
    }
    %add3A_142 = arith.addf %add3A_132, %cond3A_141 : vector<256x1xf32>
    %get3A_143 = arith.constant 1 : index
    %get3A_144 = arith.constant 2048 : index
    %get3A_145 = vector.load %arg2[%get3A_143, %get3A_144] : memref<8x10240xf32, #tpu.memory_space<vmem>>, vector<1x1024xf32>
    %gt3A_146 = arith.constant 2 : i32
    %gt3A_147 = arith.cmpi sgt, %select_n3A, %gt3A_146 : i32
    %convert_element_type3A_148 = arith.extui %gt3A_147 : i1 to i32
    %cond3A_149 = arith.constant 0 : i32
    %cond3A_150 = arith.cmpi ne, %convert_element_type3A_148, %cond3A_149 : i32
    %cond3A_151 = scf.if %cond3A_150 -> (vector<256x1xf32>) {
      %ge3A = vector.broadcast %get3A_145 : vector<1x1024xf32> to vector<256x1024xf32>
      %ge3A_340 = vector.broadcast %get3A_120 : vector<256x1xf32> to vector<256x1024xf32>
      %ge3A_341 = arith.cmpf oge, %ge3A, %ge3A_340 : vector<256x1024xf32>
      %jit3A_342 = arith.constant 1.000000e+00 : f32
      %jit3A_343 = arith.constant 0.000000e+00 : f32
      %broadcast_in_dim3A_344 = vector.broadcast %jit3A_342 : f32 to vector<256x1024xf32>
      %broadcast_in_dim3A_345 = vector.broadcast %jit3A_343 : f32 to vector<256x1024xf32>
      %select_n3A_346 = arith.select %ge3A_341, %broadcast_in_dim3A_344, %broadcast_in_dim3A_345 : vector<256x1024xi1>, vector<256x1024xf32>
      %reduce_sum3A = arith.constant dense<0.000000e+00> : vector<256xf32>
      %reduce_sum3A_347 = vector.multi_reduction <add>, %select_n3A_346, %reduce_sum3A [1] : vector<256x1024xf32> to vector<256xf32>
      %broadcast_in_dim3A_348 = vector.shape_cast %reduce_sum3A_347 : vector<256xf32> to vector<256x1xf32>
      scf.yield %broadcast_in_dim3A_348 : vector<256x1xf32>
    } else {
      %eq3A = arith.constant 2 : i32
      %eq3A_340 = arith.cmpi eq, %select_n3A, %eq3A : i32
      %convert_element_type3A_341 = arith.extui %eq3A_340 : i1 to i32
      %cond3A_342 = arith.constant 0 : i32
      %cond3A_343 = arith.cmpi ne, %convert_element_type3A_341, %cond3A_342 : i32
      %cond3A_344 = scf.if %cond3A_343 -> (vector<256x1xf32>) {
        %iota3A_345 = tpu.iota {dimensions = array<i32: 1>} : vector<1x1024xi32>
        %add3A_346 = arith.constant 2048 : i32
        %add3A_347 = vector.broadcast %add3A_346 : i32 to vector<1x1024xi32>
        %add3A_348 = arith.addi %add3A_347, %iota3A_345 : vector<1x1024xi32>
        %ge3A = vector.broadcast %get3A_145 : vector<1x1024xf32> to vector<256x1024xf32>
        %ge3A_349 = vector.broadcast %get3A_120 : vector<256x1xf32> to vector<256x1024xf32>
        %ge3A_350 = arith.cmpf oge, %ge3A, %ge3A_349 : vector<256x1024xf32>
        %jit3A_351 = arith.constant 1.000000e+00 : f32
        %jit3A_352 = arith.constant 0.000000e+00 : f32
        %broadcast_in_dim3A_353 = vector.broadcast %jit3A_351 : f32 to vector<256x1024xf32>
        %broadcast_in_dim3A_354 = vector.broadcast %jit3A_352 : f32 to vector<256x1024xf32>
        %select_n3A_355 = arith.select %ge3A_350, %broadcast_in_dim3A_353, %broadcast_in_dim3A_354 : vector<256x1024xi1>, vector<256x1024xf32>
        %gt3A_356 = vector.broadcast %get3A_145 : vector<1x1024xf32> to vector<256x1024xf32>
        %gt3A_357 = vector.broadcast %get3A_120 : vector<256x1xf32> to vector<256x1024xf32>
        %gt3A_358 = arith.cmpf ogt, %gt3A_356, %gt3A_357 : vector<256x1024xf32>
        %jit3A_359 = arith.constant 1.000000e+00 : f32
        %jit3A_360 = arith.constant 0.000000e+00 : f32
        %broadcast_in_dim3A_361 = vector.broadcast %jit3A_359 : f32 to vector<256x1024xf32>
        %broadcast_in_dim3A_362 = vector.broadcast %jit3A_360 : f32 to vector<256x1024xf32>
        %select_n3A_363 = arith.select %gt3A_358, %broadcast_in_dim3A_361, %broadcast_in_dim3A_362 : vector<256x1024xi1>, vector<256x1024xf32>
        %lt3A_364 = vector.broadcast %add3A_348 : vector<1x1024xi32> to vector<256x1024xi32>
        %lt3A_365 = vector.broadcast %add3A_1 : vector<256x1xi32> to vector<256x1024xi32>
        %lt3A_366 = arith.cmpi slt, %lt3A_364, %lt3A_365 : vector<256x1024xi32>
        %select_n3A_367 = arith.select %lt3A_366, %select_n3A_355, %select_n3A_363 : vector<256x1024xi1>, vector<256x1024xf32>
        %reduce_sum3A = arith.constant dense<0.000000e+00> : vector<256xf32>
        %reduce_sum3A_368 = vector.multi_reduction <add>, %select_n3A_367, %reduce_sum3A [1] : vector<256x1024xf32> to vector<256xf32>
        %broadcast_in_dim3A_369 = vector.shape_cast %reduce_sum3A_368 : vector<256xf32> to vector<256x1xf32>
        scf.yield %broadcast_in_dim3A_369 : vector<256x1xf32>
      } else {
        %gt3A_345 = vector.broadcast %get3A_145 : vector<1x1024xf32> to vector<256x1024xf32>
        %gt3A_346 = vector.broadcast %get3A_120 : vector<256x1xf32> to vector<256x1024xf32>
        %gt3A_347 = arith.cmpf ogt, %gt3A_345, %gt3A_346 : vector<256x1024xf32>
        %jit3A_348 = arith.constant 1.000000e+00 : f32
        %jit3A_349 = arith.constant 0.000000e+00 : f32
        %broadcast_in_dim3A_350 = vector.broadcast %jit3A_348 : f32 to vector<256x1024xf32>
        %broadcast_in_dim3A_351 = vector.broadcast %jit3A_349 : f32 to vector<256x1024xf32>
        %select_n3A_352 = arith.select %gt3A_347, %broadcast_in_dim3A_350, %broadcast_in_dim3A_351 : vector<256x1024xi1>, vector<256x1024xf32>
        %reduce_sum3A = arith.constant dense<0.000000e+00> : vector<256xf32>
        %reduce_sum3A_353 = vector.multi_reduction <add>, %select_n3A_352, %reduce_sum3A [1] : vector<256x1024xf32> to vector<256xf32>
        %broadcast_in_dim3A_354 = vector.shape_cast %reduce_sum3A_353 : vector<256xf32> to vector<256x1xf32>
        scf.yield %broadcast_in_dim3A_354 : vector<256x1xf32>
      }
      scf.yield %cond3A_344 : vector<256x1xf32>
    }
    %add3A_152 = arith.addf %add3A_142, %cond3A_151 : vector<256x1xf32>
    %get3A_153 = arith.constant 1 : index
    %get3A_154 = arith.constant 3072 : index
    %get3A_155 = vector.load %arg2[%get3A_153, %get3A_154] : memref<8x10240xf32, #tpu.memory_space<vmem>>, vector<1x1024xf32>
    %gt3A_156 = arith.constant 3 : i32
    %gt3A_157 = arith.cmpi sgt, %select_n3A, %gt3A_156 : i32
    %convert_element_type3A_158 = arith.extui %gt3A_157 : i1 to i32
    %cond3A_159 = arith.constant 0 : i32
    %cond3A_160 = arith.cmpi ne, %convert_element_type3A_158, %cond3A_159 : i32
    %cond3A_161 = scf.if %cond3A_160 -> (vector<256x1xf32>) {
      %ge3A = vector.broadcast %get3A_155 : vector<1x1024xf32> to vector<256x1024xf32>
      %ge3A_340 = vector.broadcast %get3A_120 : vector<256x1xf32> to vector<256x1024xf32>
      %ge3A_341 = arith.cmpf oge, %ge3A, %ge3A_340 : vector<256x1024xf32>
      %jit3A_342 = arith.constant 1.000000e+00 : f32
      %jit3A_343 = arith.constant 0.000000e+00 : f32
      %broadcast_in_dim3A_344 = vector.broadcast %jit3A_342 : f32 to vector<256x1024xf32>
      %broadcast_in_dim3A_345 = vector.broadcast %jit3A_343 : f32 to vector<256x1024xf32>
      %select_n3A_346 = arith.select %ge3A_341, %broadcast_in_dim3A_344, %broadcast_in_dim3A_345 : vector<256x1024xi1>, vector<256x1024xf32>
      %reduce_sum3A = arith.constant dense<0.000000e+00> : vector<256xf32>
      %reduce_sum3A_347 = vector.multi_reduction <add>, %select_n3A_346, %reduce_sum3A [1] : vector<256x1024xf32> to vector<256xf32>
      %broadcast_in_dim3A_348 = vector.shape_cast %reduce_sum3A_347 : vector<256xf32> to vector<256x1xf32>
      scf.yield %broadcast_in_dim3A_348 : vector<256x1xf32>
    } else {
      %eq3A = arith.constant 3 : i32
      %eq3A_340 = arith.cmpi eq, %select_n3A, %eq3A : i32
      %convert_element_type3A_341 = arith.extui %eq3A_340 : i1 to i32
      %cond3A_342 = arith.constant 0 : i32
      %cond3A_343 = arith.cmpi ne, %convert_element_type3A_341, %cond3A_342 : i32
      %cond3A_344 = scf.if %cond3A_343 -> (vector<256x1xf32>) {
        %iota3A_345 = tpu.iota {dimensions = array<i32: 1>} : vector<1x1024xi32>
        %add3A_346 = arith.constant 3072 : i32
        %add3A_347 = vector.broadcast %add3A_346 : i32 to vector<1x1024xi32>
        %add3A_348 = arith.addi %add3A_347, %iota3A_345 : vector<1x1024xi32>
        %ge3A = vector.broadcast %get3A_155 : vector<1x1024xf32> to vector<256x1024xf32>
        %ge3A_349 = vector.broadcast %get3A_120 : vector<256x1xf32> to vector<256x1024xf32>
        %ge3A_350 = arith.cmpf oge, %ge3A, %ge3A_349 : vector<256x1024xf32>
        %jit3A_351 = arith.constant 1.000000e+00 : f32
        %jit3A_352 = arith.constant 0.000000e+00 : f32
        %broadcast_in_dim3A_353 = vector.broadcast %jit3A_351 : f32 to vector<256x1024xf32>
        %broadcast_in_dim3A_354 = vector.broadcast %jit3A_352 : f32 to vector<256x1024xf32>
        %select_n3A_355 = arith.select %ge3A_350, %broadcast_in_dim3A_353, %broadcast_in_dim3A_354 : vector<256x1024xi1>, vector<256x1024xf32>
        %gt3A_356 = vector.broadcast %get3A_155 : vector<1x1024xf32> to vector<256x1024xf32>
        %gt3A_357 = vector.broadcast %get3A_120 : vector<256x1xf32> to vector<256x1024xf32>
        %gt3A_358 = arith.cmpf ogt, %gt3A_356, %gt3A_357 : vector<256x1024xf32>
        %jit3A_359 = arith.constant 1.000000e+00 : f32
        %jit3A_360 = arith.constant 0.000000e+00 : f32
        %broadcast_in_dim3A_361 = vector.broadcast %jit3A_359 : f32 to vector<256x1024xf32>
        %broadcast_in_dim3A_362 = vector.broadcast %jit3A_360 : f32 to vector<256x1024xf32>
        %select_n3A_363 = arith.select %gt3A_358, %broadcast_in_dim3A_361, %broadcast_in_dim3A_362 : vector<256x1024xi1>, vector<256x1024xf32>
        %lt3A_364 = vector.broadcast %add3A_348 : vector<1x1024xi32> to vector<256x1024xi32>
        %lt3A_365 = vector.broadcast %add3A_1 : vector<256x1xi32> to vector<256x1024xi32>
        %lt3A_366 = arith.cmpi slt, %lt3A_364, %lt3A_365 : vector<256x1024xi32>
        %select_n3A_367 = arith.select %lt3A_366, %select_n3A_355, %select_n3A_363 : vector<256x1024xi1>, vector<256x1024xf32>
        %reduce_sum3A = arith.constant dense<0.000000e+00> : vector<256xf32>
        %reduce_sum3A_368 = vector.multi_reduction <add>, %select_n3A_367, %reduce_sum3A [1] : vector<256x1024xf32> to vector<256xf32>
        %broadcast_in_dim3A_369 = vector.shape_cast %reduce_sum3A_368 : vector<256xf32> to vector<256x1xf32>
        scf.yield %broadcast_in_dim3A_369 : vector<256x1xf32>
      } else {
        %gt3A_345 = vector.broadcast %get3A_155 : vector<1x1024xf32> to vector<256x1024xf32>
        %gt3A_346 = vector.broadcast %get3A_120 : vector<256x1xf32> to vector<256x1024xf32>
        %gt3A_347 = arith.cmpf ogt, %gt3A_345, %gt3A_346 : vector<256x1024xf32>
        %jit3A_348 = arith.constant 1.000000e+00 : f32
        %jit3A_349 = arith.constant 0.000000e+00 : f32
        %broadcast_in_dim3A_350 = vector.broadcast %jit3A_348 : f32 to vector<256x1024xf32>
        %broadcast_in_dim3A_351 = vector.broadcast %jit3A_349 : f32 to vector<256x1024xf32>
        %select_n3A_352 = arith.select %gt3A_347, %broadcast_in_dim3A_350, %broadcast_in_dim3A_351 : vector<256x1024xi1>, vector<256x1024xf32>
        %reduce_sum3A = arith.constant dense<0.000000e+00> : vector<256xf32>
        %reduce_sum3A_353 = vector.multi_reduction <add>, %select_n3A_352, %reduce_sum3A [1] : vector<256x1024xf32> to vector<256xf32>
        %broadcast_in_dim3A_354 = vector.shape_cast %reduce_sum3A_353 : vector<256xf32> to vector<256x1xf32>
        scf.yield %broadcast_in_dim3A_354 : vector<256x1xf32>
      }
      scf.yield %cond3A_344 : vector<256x1xf32>
    }
    %add3A_162 = arith.addf %add3A_152, %cond3A_161 : vector<256x1xf32>
    %get3A_163 = arith.constant 1 : index
    %get3A_164 = arith.constant 4096 : index
    %get3A_165 = vector.load %arg2[%get3A_163, %get3A_164] : memref<8x10240xf32, #tpu.memory_space<vmem>>, vector<1x1024xf32>
    %gt3A_166 = arith.constant 4 : i32
    %gt3A_167 = arith.cmpi sgt, %select_n3A, %gt3A_166 : i32
    %convert_element_type3A_168 = arith.extui %gt3A_167 : i1 to i32
    %cond3A_169 = arith.constant 0 : i32
    %cond3A_170 = arith.cmpi ne, %convert_element_type3A_168, %cond3A_169 : i32
    %cond3A_171 = scf.if %cond3A_170 -> (vector<256x1xf32>) {
      %ge3A = vector.broadcast %get3A_165 : vector<1x1024xf32> to vector<256x1024xf32>
      %ge3A_340 = vector.broadcast %get3A_120 : vector<256x1xf32> to vector<256x1024xf32>
      %ge3A_341 = arith.cmpf oge, %ge3A, %ge3A_340 : vector<256x1024xf32>
      %jit3A_342 = arith.constant 1.000000e+00 : f32
      %jit3A_343 = arith.constant 0.000000e+00 : f32
      %broadcast_in_dim3A_344 = vector.broadcast %jit3A_342 : f32 to vector<256x1024xf32>
      %broadcast_in_dim3A_345 = vector.broadcast %jit3A_343 : f32 to vector<256x1024xf32>
      %select_n3A_346 = arith.select %ge3A_341, %broadcast_in_dim3A_344, %broadcast_in_dim3A_345 : vector<256x1024xi1>, vector<256x1024xf32>
      %reduce_sum3A = arith.constant dense<0.000000e+00> : vector<256xf32>
      %reduce_sum3A_347 = vector.multi_reduction <add>, %select_n3A_346, %reduce_sum3A [1] : vector<256x1024xf32> to vector<256xf32>
      %broadcast_in_dim3A_348 = vector.shape_cast %reduce_sum3A_347 : vector<256xf32> to vector<256x1xf32>
      scf.yield %broadcast_in_dim3A_348 : vector<256x1xf32>
    } else {
      %eq3A = arith.constant 4 : i32
      %eq3A_340 = arith.cmpi eq, %select_n3A, %eq3A : i32
      %convert_element_type3A_341 = arith.extui %eq3A_340 : i1 to i32
      %cond3A_342 = arith.constant 0 : i32
      %cond3A_343 = arith.cmpi ne, %convert_element_type3A_341, %cond3A_342 : i32
      %cond3A_344 = scf.if %cond3A_343 -> (vector<256x1xf32>) {
        %iota3A_345 = tpu.iota {dimensions = array<i32: 1>} : vector<1x1024xi32>
        %add3A_346 = arith.constant 4096 : i32
        %add3A_347 = vector.broadcast %add3A_346 : i32 to vector<1x1024xi32>
        %add3A_348 = arith.addi %add3A_347, %iota3A_345 : vector<1x1024xi32>
        %ge3A = vector.broadcast %get3A_165 : vector<1x1024xf32> to vector<256x1024xf32>
        %ge3A_349 = vector.broadcast %get3A_120 : vector<256x1xf32> to vector<256x1024xf32>
        %ge3A_350 = arith.cmpf oge, %ge3A, %ge3A_349 : vector<256x1024xf32>
        %jit3A_351 = arith.constant 1.000000e+00 : f32
        %jit3A_352 = arith.constant 0.000000e+00 : f32
        %broadcast_in_dim3A_353 = vector.broadcast %jit3A_351 : f32 to vector<256x1024xf32>
        %broadcast_in_dim3A_354 = vector.broadcast %jit3A_352 : f32 to vector<256x1024xf32>
        %select_n3A_355 = arith.select %ge3A_350, %broadcast_in_dim3A_353, %broadcast_in_dim3A_354 : vector<256x1024xi1>, vector<256x1024xf32>
        %gt3A_356 = vector.broadcast %get3A_165 : vector<1x1024xf32> to vector<256x1024xf32>
        %gt3A_357 = vector.broadcast %get3A_120 : vector<256x1xf32> to vector<256x1024xf32>
        %gt3A_358 = arith.cmpf ogt, %gt3A_356, %gt3A_357 : vector<256x1024xf32>
        %jit3A_359 = arith.constant 1.000000e+00 : f32
        %jit3A_360 = arith.constant 0.000000e+00 : f32
        %broadcast_in_dim3A_361 = vector.broadcast %jit3A_359 : f32 to vector<256x1024xf32>
        %broadcast_in_dim3A_362 = vector.broadcast %jit3A_360 : f32 to vector<256x1024xf32>
        %select_n3A_363 = arith.select %gt3A_358, %broadcast_in_dim3A_361, %broadcast_in_dim3A_362 : vector<256x1024xi1>, vector<256x1024xf32>
        %lt3A_364 = vector.broadcast %add3A_348 : vector<1x1024xi32> to vector<256x1024xi32>
        %lt3A_365 = vector.broadcast %add3A_1 : vector<256x1xi32> to vector<256x1024xi32>
        %lt3A_366 = arith.cmpi slt, %lt3A_364, %lt3A_365 : vector<256x1024xi32>
        %select_n3A_367 = arith.select %lt3A_366, %select_n3A_355, %select_n3A_363 : vector<256x1024xi1>, vector<256x1024xf32>
        %reduce_sum3A = arith.constant dense<0.000000e+00> : vector<256xf32>
        %reduce_sum3A_368 = vector.multi_reduction <add>, %select_n3A_367, %reduce_sum3A [1] : vector<256x1024xf32> to vector<256xf32>
        %broadcast_in_dim3A_369 = vector.shape_cast %reduce_sum3A_368 : vector<256xf32> to vector<256x1xf32>
        scf.yield %broadcast_in_dim3A_369 : vector<256x1xf32>
      } else {
        %gt3A_345 = vector.broadcast %get3A_165 : vector<1x1024xf32> to vector<256x1024xf32>
        %gt3A_346 = vector.broadcast %get3A_120 : vector<256x1xf32> to vector<256x1024xf32>
        %gt3A_347 = arith.cmpf ogt, %gt3A_345, %gt3A_346 : vector<256x1024xf32>
        %jit3A_348 = arith.constant 1.000000e+00 : f32
        %jit3A_349 = arith.constant 0.000000e+00 : f32
        %broadcast_in_dim3A_350 = vector.broadcast %jit3A_348 : f32 to vector<256x1024xf32>
        %broadcast_in_dim3A_351 = vector.broadcast %jit3A_349 : f32 to vector<256x1024xf32>
        %select_n3A_352 = arith.select %gt3A_347, %broadcast_in_dim3A_350, %broadcast_in_dim3A_351 : vector<256x1024xi1>, vector<256x1024xf32>
        %reduce_sum3A = arith.constant dense<0.000000e+00> : vector<256xf32>
        %reduce_sum3A_353 = vector.multi_reduction <add>, %select_n3A_352, %reduce_sum3A [1] : vector<256x1024xf32> to vector<256xf32>
        %broadcast_in_dim3A_354 = vector.shape_cast %reduce_sum3A_353 : vector<256xf32> to vector<256x1xf32>
        scf.yield %broadcast_in_dim3A_354 : vector<256x1xf32>
      }
      scf.yield %cond3A_344 : vector<256x1xf32>
    }
    %add3A_172 = arith.addf %add3A_162, %cond3A_171 : vector<256x1xf32>
    %get3A_173 = arith.constant 1 : index
    %get3A_174 = arith.constant 5120 : index
    %get3A_175 = vector.load %arg2[%get3A_173, %get3A_174] : memref<8x10240xf32, #tpu.memory_space<vmem>>, vector<1x1024xf32>
    %gt3A_176 = arith.constant 5 : i32
    %gt3A_177 = arith.cmpi sgt, %select_n3A, %gt3A_176 : i32
    %convert_element_type3A_178 = arith.extui %gt3A_177 : i1 to i32
    %cond3A_179 = arith.constant 0 : i32
    %cond3A_180 = arith.cmpi ne, %convert_element_type3A_178, %cond3A_179 : i32
    %cond3A_181 = scf.if %cond3A_180 -> (vector<256x1xf32>) {
      %ge3A = vector.broadcast %get3A_175 : vector<1x1024xf32> to vector<256x1024xf32>
      %ge3A_340 = vector.broadcast %get3A_120 : vector<256x1xf32> to vector<256x1024xf32>
      %ge3A_341 = arith.cmpf oge, %ge3A, %ge3A_340 : vector<256x1024xf32>
      %jit3A_342 = arith.constant 1.000000e+00 : f32
      %jit3A_343 = arith.constant 0.000000e+00 : f32
      %broadcast_in_dim3A_344 = vector.broadcast %jit3A_342 : f32 to vector<256x1024xf32>
      %broadcast_in_dim3A_345 = vector.broadcast %jit3A_343 : f32 to vector<256x1024xf32>
      %select_n3A_346 = arith.select %ge3A_341, %broadcast_in_dim3A_344, %broadcast_in_dim3A_345 : vector<256x1024xi1>, vector<256x1024xf32>
      %reduce_sum3A = arith.constant dense<0.000000e+00> : vector<256xf32>
      %reduce_sum3A_347 = vector.multi_reduction <add>, %select_n3A_346, %reduce_sum3A [1] : vector<256x1024xf32> to vector<256xf32>
      %broadcast_in_dim3A_348 = vector.shape_cast %reduce_sum3A_347 : vector<256xf32> to vector<256x1xf32>
      scf.yield %broadcast_in_dim3A_348 : vector<256x1xf32>
    } else {
      %eq3A = arith.constant 5 : i32
      %eq3A_340 = arith.cmpi eq, %select_n3A, %eq3A : i32
      %convert_element_type3A_341 = arith.extui %eq3A_340 : i1 to i32
      %cond3A_342 = arith.constant 0 : i32
      %cond3A_343 = arith.cmpi ne, %convert_element_type3A_341, %cond3A_342 : i32
      %cond3A_344 = scf.if %cond3A_343 -> (vector<256x1xf32>) {
        %iota3A_345 = tpu.iota {dimensions = array<i32: 1>} : vector<1x1024xi32>
        %add3A_346 = arith.constant 5120 : i32
        %add3A_347 = vector.broadcast %add3A_346 : i32 to vector<1x1024xi32>
        %add3A_348 = arith.addi %add3A_347, %iota3A_345 : vector<1x1024xi32>
        %ge3A = vector.broadcast %get3A_175 : vector<1x1024xf32> to vector<256x1024xf32>
        %ge3A_349 = vector.broadcast %get3A_120 : vector<256x1xf32> to vector<256x1024xf32>
        %ge3A_350 = arith.cmpf oge, %ge3A, %ge3A_349 : vector<256x1024xf32>
        %jit3A_351 = arith.constant 1.000000e+00 : f32
        %jit3A_352 = arith.constant 0.000000e+00 : f32
        %broadcast_in_dim3A_353 = vector.broadcast %jit3A_351 : f32 to vector<256x1024xf32>
        %broadcast_in_dim3A_354 = vector.broadcast %jit3A_352 : f32 to vector<256x1024xf32>
        %select_n3A_355 = arith.select %ge3A_350, %broadcast_in_dim3A_353, %broadcast_in_dim3A_354 : vector<256x1024xi1>, vector<256x1024xf32>
        %gt3A_356 = vector.broadcast %get3A_175 : vector<1x1024xf32> to vector<256x1024xf32>
        %gt3A_357 = vector.broadcast %get3A_120 : vector<256x1xf32> to vector<256x1024xf32>
        %gt3A_358 = arith.cmpf ogt, %gt3A_356, %gt3A_357 : vector<256x1024xf32>
        %jit3A_359 = arith.constant 1.000000e+00 : f32
        %jit3A_360 = arith.constant 0.000000e+00 : f32
        %broadcast_in_dim3A_361 = vector.broadcast %jit3A_359 : f32 to vector<256x1024xf32>
        %broadcast_in_dim3A_362 = vector.broadcast %jit3A_360 : f32 to vector<256x1024xf32>
        %select_n3A_363 = arith.select %gt3A_358, %broadcast_in_dim3A_361, %broadcast_in_dim3A_362 : vector<256x1024xi1>, vector<256x1024xf32>
        %lt3A_364 = vector.broadcast %add3A_348 : vector<1x1024xi32> to vector<256x1024xi32>
        %lt3A_365 = vector.broadcast %add3A_1 : vector<256x1xi32> to vector<256x1024xi32>
        %lt3A_366 = arith.cmpi slt, %lt3A_364, %lt3A_365 : vector<256x1024xi32>
        %select_n3A_367 = arith.select %lt3A_366, %select_n3A_355, %select_n3A_363 : vector<256x1024xi1>, vector<256x1024xf32>
        %reduce_sum3A = arith.constant dense<0.000000e+00> : vector<256xf32>
        %reduce_sum3A_368 = vector.multi_reduction <add>, %select_n3A_367, %reduce_sum3A [1] : vector<256x1024xf32> to vector<256xf32>
        %broadcast_in_dim3A_369 = vector.shape_cast %reduce_sum3A_368 : vector<256xf32> to vector<256x1xf32>
        scf.yield %broadcast_in_dim3A_369 : vector<256x1xf32>
      } else {
        %gt3A_345 = vector.broadcast %get3A_175 : vector<1x1024xf32> to vector<256x1024xf32>
        %gt3A_346 = vector.broadcast %get3A_120 : vector<256x1xf32> to vector<256x1024xf32>
        %gt3A_347 = arith.cmpf ogt, %gt3A_345, %gt3A_346 : vector<256x1024xf32>
        %jit3A_348 = arith.constant 1.000000e+00 : f32
        %jit3A_349 = arith.constant 0.000000e+00 : f32
        %broadcast_in_dim3A_350 = vector.broadcast %jit3A_348 : f32 to vector<256x1024xf32>
        %broadcast_in_dim3A_351 = vector.broadcast %jit3A_349 : f32 to vector<256x1024xf32>
        %select_n3A_352 = arith.select %gt3A_347, %broadcast_in_dim3A_350, %broadcast_in_dim3A_351 : vector<256x1024xi1>, vector<256x1024xf32>
        %reduce_sum3A = arith.constant dense<0.000000e+00> : vector<256xf32>
        %reduce_sum3A_353 = vector.multi_reduction <add>, %select_n3A_352, %reduce_sum3A [1] : vector<256x1024xf32> to vector<256xf32>
        %broadcast_in_dim3A_354 = vector.shape_cast %reduce_sum3A_353 : vector<256xf32> to vector<256x1xf32>
        scf.yield %broadcast_in_dim3A_354 : vector<256x1xf32>
      }
      scf.yield %cond3A_344 : vector<256x1xf32>
    }
    %add3A_182 = arith.addf %add3A_172, %cond3A_181 : vector<256x1xf32>
    %get3A_183 = arith.constant 1 : index
    %get3A_184 = arith.constant 6144 : index
    %get3A_185 = vector.load %arg2[%get3A_183, %get3A_184] : memref<8x10240xf32, #tpu.memory_space<vmem>>, vector<1x1024xf32>
    %gt3A_186 = arith.constant 6 : i32
    %gt3A_187 = arith.cmpi sgt, %select_n3A, %gt3A_186 : i32
    %convert_element_type3A_188 = arith.extui %gt3A_187 : i1 to i32
    %cond3A_189 = arith.constant 0 : i32
    %cond3A_190 = arith.cmpi ne, %convert_element_type3A_188, %cond3A_189 : i32
    %cond3A_191 = scf.if %cond3A_190 -> (vector<256x1xf32>) {
      %ge3A = vector.broadcast %get3A_185 : vector<1x1024xf32> to vector<256x1024xf32>
      %ge3A_340 = vector.broadcast %get3A_120 : vector<256x1xf32> to vector<256x1024xf32>
      %ge3A_341 = arith.cmpf oge, %ge3A, %ge3A_340 : vector<256x1024xf32>
      %jit3A_342 = arith.constant 1.000000e+00 : f32
      %jit3A_343 = arith.constant 0.000000e+00 : f32
      %broadcast_in_dim3A_344 = vector.broadcast %jit3A_342 : f32 to vector<256x1024xf32>
      %broadcast_in_dim3A_345 = vector.broadcast %jit3A_343 : f32 to vector<256x1024xf32>
      %select_n3A_346 = arith.select %ge3A_341, %broadcast_in_dim3A_344, %broadcast_in_dim3A_345 : vector<256x1024xi1>, vector<256x1024xf32>
      %reduce_sum3A = arith.constant dense<0.000000e+00> : vector<256xf32>
      %reduce_sum3A_347 = vector.multi_reduction <add>, %select_n3A_346, %reduce_sum3A [1] : vector<256x1024xf32> to vector<256xf32>
      %broadcast_in_dim3A_348 = vector.shape_cast %reduce_sum3A_347 : vector<256xf32> to vector<256x1xf32>
      scf.yield %broadcast_in_dim3A_348 : vector<256x1xf32>
    } else {
      %eq3A = arith.constant 6 : i32
      %eq3A_340 = arith.cmpi eq, %select_n3A, %eq3A : i32
      %convert_element_type3A_341 = arith.extui %eq3A_340 : i1 to i32
      %cond3A_342 = arith.constant 0 : i32
      %cond3A_343 = arith.cmpi ne, %convert_element_type3A_341, %cond3A_342 : i32
      %cond3A_344 = scf.if %cond3A_343 -> (vector<256x1xf32>) {
        %iota3A_345 = tpu.iota {dimensions = array<i32: 1>} : vector<1x1024xi32>
        %add3A_346 = arith.constant 6144 : i32
        %add3A_347 = vector.broadcast %add3A_346 : i32 to vector<1x1024xi32>
        %add3A_348 = arith.addi %add3A_347, %iota3A_345 : vector<1x1024xi32>
        %ge3A = vector.broadcast %get3A_185 : vector<1x1024xf32> to vector<256x1024xf32>
        %ge3A_349 = vector.broadcast %get3A_120 : vector<256x1xf32> to vector<256x1024xf32>
        %ge3A_350 = arith.cmpf oge, %ge3A, %ge3A_349 : vector<256x1024xf32>
        %jit3A_351 = arith.constant 1.000000e+00 : f32
        %jit3A_352 = arith.constant 0.000000e+00 : f32
        %broadcast_in_dim3A_353 = vector.broadcast %jit3A_351 : f32 to vector<256x1024xf32>
        %broadcast_in_dim3A_354 = vector.broadcast %jit3A_352 : f32 to vector<256x1024xf32>
        %select_n3A_355 = arith.select %ge3A_350, %broadcast_in_dim3A_353, %broadcast_in_dim3A_354 : vector<256x1024xi1>, vector<256x1024xf32>
        %gt3A_356 = vector.broadcast %get3A_185 : vector<1x1024xf32> to vector<256x1024xf32>
        %gt3A_357 = vector.broadcast %get3A_120 : vector<256x1xf32> to vector<256x1024xf32>
        %gt3A_358 = arith.cmpf ogt, %gt3A_356, %gt3A_357 : vector<256x1024xf32>
        %jit3A_359 = arith.constant 1.000000e+00 : f32
        %jit3A_360 = arith.constant 0.000000e+00 : f32
        %broadcast_in_dim3A_361 = vector.broadcast %jit3A_359 : f32 to vector<256x1024xf32>
        %broadcast_in_dim3A_362 = vector.broadcast %jit3A_360 : f32 to vector<256x1024xf32>
        %select_n3A_363 = arith.select %gt3A_358, %broadcast_in_dim3A_361, %broadcast_in_dim3A_362 : vector<256x1024xi1>, vector<256x1024xf32>
        %lt3A_364 = vector.broadcast %add3A_348 : vector<1x1024xi32> to vector<256x1024xi32>
        %lt3A_365 = vector.broadcast %add3A_1 : vector<256x1xi32> to vector<256x1024xi32>
        %lt3A_366 = arith.cmpi slt, %lt3A_364, %lt3A_365 : vector<256x1024xi32>
        %select_n3A_367 = arith.select %lt3A_366, %select_n3A_355, %select_n3A_363 : vector<256x1024xi1>, vector<256x1024xf32>
        %reduce_sum3A = arith.constant dense<0.000000e+00> : vector<256xf32>
        %reduce_sum3A_368 = vector.multi_reduction <add>, %select_n3A_367, %reduce_sum3A [1] : vector<256x1024xf32> to vector<256xf32>
        %broadcast_in_dim3A_369 = vector.shape_cast %reduce_sum3A_368 : vector<256xf32> to vector<256x1xf32>
        scf.yield %broadcast_in_dim3A_369 : vector<256x1xf32>
      } else {
        %gt3A_345 = vector.broadcast %get3A_185 : vector<1x1024xf32> to vector<256x1024xf32>
        %gt3A_346 = vector.broadcast %get3A_120 : vector<256x1xf32> to vector<256x1024xf32>
        %gt3A_347 = arith.cmpf ogt, %gt3A_345, %gt3A_346 : vector<256x1024xf32>
        %jit3A_348 = arith.constant 1.000000e+00 : f32
        %jit3A_349 = arith.constant 0.000000e+00 : f32
        %broadcast_in_dim3A_350 = vector.broadcast %jit3A_348 : f32 to vector<256x1024xf32>
        %broadcast_in_dim3A_351 = vector.broadcast %jit3A_349 : f32 to vector<256x1024xf32>
        %select_n3A_352 = arith.select %gt3A_347, %broadcast_in_dim3A_350, %broadcast_in_dim3A_351 : vector<256x1024xi1>, vector<256x1024xf32>
        %reduce_sum3A = arith.constant dense<0.000000e+00> : vector<256xf32>
        %reduce_sum3A_353 = vector.multi_reduction <add>, %select_n3A_352, %reduce_sum3A [1] : vector<256x1024xf32> to vector<256xf32>
        %broadcast_in_dim3A_354 = vector.shape_cast %reduce_sum3A_353 : vector<256xf32> to vector<256x1xf32>
        scf.yield %broadcast_in_dim3A_354 : vector<256x1xf32>
      }
      scf.yield %cond3A_344 : vector<256x1xf32>
    }
    %add3A_192 = arith.addf %add3A_182, %cond3A_191 : vector<256x1xf32>
    %get3A_193 = arith.constant 1 : index
    %get3A_194 = arith.constant 7168 : index
    %get3A_195 = vector.load %arg2[%get3A_193, %get3A_194] : memref<8x10240xf32, #tpu.memory_space<vmem>>, vector<1x1024xf32>
    %gt3A_196 = arith.constant 7 : i32
    %gt3A_197 = arith.cmpi sgt, %select_n3A, %gt3A_196 : i32
    %convert_element_type3A_198 = arith.extui %gt3A_197 : i1 to i32
    %cond3A_199 = arith.constant 0 : i32
    %cond3A_200 = arith.cmpi ne, %convert_element_type3A_198, %cond3A_199 : i32
    %cond3A_201 = scf.if %cond3A_200 -> (vector<256x1xf32>) {
      %ge3A = vector.broadcast %get3A_195 : vector<1x1024xf32> to vector<256x1024xf32>
      %ge3A_340 = vector.broadcast %get3A_120 : vector<256x1xf32> to vector<256x1024xf32>
      %ge3A_341 = arith.cmpf oge, %ge3A, %ge3A_340 : vector<256x1024xf32>
      %jit3A_342 = arith.constant 1.000000e+00 : f32
      %jit3A_343 = arith.constant 0.000000e+00 : f32
      %broadcast_in_dim3A_344 = vector.broadcast %jit3A_342 : f32 to vector<256x1024xf32>
      %broadcast_in_dim3A_345 = vector.broadcast %jit3A_343 : f32 to vector<256x1024xf32>
      %select_n3A_346 = arith.select %ge3A_341, %broadcast_in_dim3A_344, %broadcast_in_dim3A_345 : vector<256x1024xi1>, vector<256x1024xf32>
      %reduce_sum3A = arith.constant dense<0.000000e+00> : vector<256xf32>
      %reduce_sum3A_347 = vector.multi_reduction <add>, %select_n3A_346, %reduce_sum3A [1] : vector<256x1024xf32> to vector<256xf32>
      %broadcast_in_dim3A_348 = vector.shape_cast %reduce_sum3A_347 : vector<256xf32> to vector<256x1xf32>
      scf.yield %broadcast_in_dim3A_348 : vector<256x1xf32>
    } else {
      %eq3A = arith.constant 7 : i32
      %eq3A_340 = arith.cmpi eq, %select_n3A, %eq3A : i32
      %convert_element_type3A_341 = arith.extui %eq3A_340 : i1 to i32
      %cond3A_342 = arith.constant 0 : i32
      %cond3A_343 = arith.cmpi ne, %convert_element_type3A_341, %cond3A_342 : i32
      %cond3A_344 = scf.if %cond3A_343 -> (vector<256x1xf32>) {
        %iota3A_345 = tpu.iota {dimensions = array<i32: 1>} : vector<1x1024xi32>
        %add3A_346 = arith.constant 7168 : i32
        %add3A_347 = vector.broadcast %add3A_346 : i32 to vector<1x1024xi32>
        %add3A_348 = arith.addi %add3A_347, %iota3A_345 : vector<1x1024xi32>
        %ge3A = vector.broadcast %get3A_195 : vector<1x1024xf32> to vector<256x1024xf32>
        %ge3A_349 = vector.broadcast %get3A_120 : vector<256x1xf32> to vector<256x1024xf32>
        %ge3A_350 = arith.cmpf oge, %ge3A, %ge3A_349 : vector<256x1024xf32>
        %jit3A_351 = arith.constant 1.000000e+00 : f32
        %jit3A_352 = arith.constant 0.000000e+00 : f32
        %broadcast_in_dim3A_353 = vector.broadcast %jit3A_351 : f32 to vector<256x1024xf32>
        %broadcast_in_dim3A_354 = vector.broadcast %jit3A_352 : f32 to vector<256x1024xf32>
        %select_n3A_355 = arith.select %ge3A_350, %broadcast_in_dim3A_353, %broadcast_in_dim3A_354 : vector<256x1024xi1>, vector<256x1024xf32>
        %gt3A_356 = vector.broadcast %get3A_195 : vector<1x1024xf32> to vector<256x1024xf32>
        %gt3A_357 = vector.broadcast %get3A_120 : vector<256x1xf32> to vector<256x1024xf32>
        %gt3A_358 = arith.cmpf ogt, %gt3A_356, %gt3A_357 : vector<256x1024xf32>
        %jit3A_359 = arith.constant 1.000000e+00 : f32
        %jit3A_360 = arith.constant 0.000000e+00 : f32
        %broadcast_in_dim3A_361 = vector.broadcast %jit3A_359 : f32 to vector<256x1024xf32>
        %broadcast_in_dim3A_362 = vector.broadcast %jit3A_360 : f32 to vector<256x1024xf32>
        %select_n3A_363 = arith.select %gt3A_358, %broadcast_in_dim3A_361, %broadcast_in_dim3A_362 : vector<256x1024xi1>, vector<256x1024xf32>
        %lt3A_364 = vector.broadcast %add3A_348 : vector<1x1024xi32> to vector<256x1024xi32>
        %lt3A_365 = vector.broadcast %add3A_1 : vector<256x1xi32> to vector<256x1024xi32>
        %lt3A_366 = arith.cmpi slt, %lt3A_364, %lt3A_365 : vector<256x1024xi32>
        %select_n3A_367 = arith.select %lt3A_366, %select_n3A_355, %select_n3A_363 : vector<256x1024xi1>, vector<256x1024xf32>
        %reduce_sum3A = arith.constant dense<0.000000e+00> : vector<256xf32>
        %reduce_sum3A_368 = vector.multi_reduction <add>, %select_n3A_367, %reduce_sum3A [1] : vector<256x1024xf32> to vector<256xf32>
        %broadcast_in_dim3A_369 = vector.shape_cast %reduce_sum3A_368 : vector<256xf32> to vector<256x1xf32>
        scf.yield %broadcast_in_dim3A_369 : vector<256x1xf32>
      } else {
        %gt3A_345 = vector.broadcast %get3A_195 : vector<1x1024xf32> to vector<256x1024xf32>
        %gt3A_346 = vector.broadcast %get3A_120 : vector<256x1xf32> to vector<256x1024xf32>
        %gt3A_347 = arith.cmpf ogt, %gt3A_345, %gt3A_346 : vector<256x1024xf32>
        %jit3A_348 = arith.constant 1.000000e+00 : f32
        %jit3A_349 = arith.constant 0.000000e+00 : f32
        %broadcast_in_dim3A_350 = vector.broadcast %jit3A_348 : f32 to vector<256x1024xf32>
        %broadcast_in_dim3A_351 = vector.broadcast %jit3A_349 : f32 to vector<256x1024xf32>
        %select_n3A_352 = arith.select %gt3A_347, %broadcast_in_dim3A_350, %broadcast_in_dim3A_351 : vector<256x1024xi1>, vector<256x1024xf32>
        %reduce_sum3A = arith.constant dense<0.000000e+00> : vector<256xf32>
        %reduce_sum3A_353 = vector.multi_reduction <add>, %select_n3A_352, %reduce_sum3A [1] : vector<256x1024xf32> to vector<256xf32>
        %broadcast_in_dim3A_354 = vector.shape_cast %reduce_sum3A_353 : vector<256xf32> to vector<256x1xf32>
        scf.yield %broadcast_in_dim3A_354 : vector<256x1xf32>
      }
      scf.yield %cond3A_344 : vector<256x1xf32>
    }
    %add3A_202 = arith.addf %add3A_192, %cond3A_201 : vector<256x1xf32>
    %get3A_203 = arith.constant 1 : index
    %get3A_204 = arith.constant 8192 : index
    %get3A_205 = vector.load %arg2[%get3A_203, %get3A_204] : memref<8x10240xf32, #tpu.memory_space<vmem>>, vector<1x1024xf32>
    %gt3A_206 = arith.constant 8 : i32
    %gt3A_207 = arith.cmpi sgt, %select_n3A, %gt3A_206 : i32
    %convert_element_type3A_208 = arith.extui %gt3A_207 : i1 to i32
    %cond3A_209 = arith.constant 0 : i32
    %cond3A_210 = arith.cmpi ne, %convert_element_type3A_208, %cond3A_209 : i32
    %cond3A_211 = scf.if %cond3A_210 -> (vector<256x1xf32>) {
      %ge3A = vector.broadcast %get3A_205 : vector<1x1024xf32> to vector<256x1024xf32>
      %ge3A_340 = vector.broadcast %get3A_120 : vector<256x1xf32> to vector<256x1024xf32>
      %ge3A_341 = arith.cmpf oge, %ge3A, %ge3A_340 : vector<256x1024xf32>
      %jit3A_342 = arith.constant 1.000000e+00 : f32
      %jit3A_343 = arith.constant 0.000000e+00 : f32
      %broadcast_in_dim3A_344 = vector.broadcast %jit3A_342 : f32 to vector<256x1024xf32>
      %broadcast_in_dim3A_345 = vector.broadcast %jit3A_343 : f32 to vector<256x1024xf32>
      %select_n3A_346 = arith.select %ge3A_341, %broadcast_in_dim3A_344, %broadcast_in_dim3A_345 : vector<256x1024xi1>, vector<256x1024xf32>
      %reduce_sum3A = arith.constant dense<0.000000e+00> : vector<256xf32>
      %reduce_sum3A_347 = vector.multi_reduction <add>, %select_n3A_346, %reduce_sum3A [1] : vector<256x1024xf32> to vector<256xf32>
      %broadcast_in_dim3A_348 = vector.shape_cast %reduce_sum3A_347 : vector<256xf32> to vector<256x1xf32>
      scf.yield %broadcast_in_dim3A_348 : vector<256x1xf32>
    } else {
      %eq3A = arith.constant 8 : i32
      %eq3A_340 = arith.cmpi eq, %select_n3A, %eq3A : i32
      %convert_element_type3A_341 = arith.extui %eq3A_340 : i1 to i32
      %cond3A_342 = arith.constant 0 : i32
      %cond3A_343 = arith.cmpi ne, %convert_element_type3A_341, %cond3A_342 : i32
      %cond3A_344 = scf.if %cond3A_343 -> (vector<256x1xf32>) {
        %iota3A_345 = tpu.iota {dimensions = array<i32: 1>} : vector<1x1024xi32>
        %add3A_346 = arith.constant 8192 : i32
        %add3A_347 = vector.broadcast %add3A_346 : i32 to vector<1x1024xi32>
        %add3A_348 = arith.addi %add3A_347, %iota3A_345 : vector<1x1024xi32>
        %ge3A = vector.broadcast %get3A_205 : vector<1x1024xf32> to vector<256x1024xf32>
        %ge3A_349 = vector.broadcast %get3A_120 : vector<256x1xf32> to vector<256x1024xf32>
        %ge3A_350 = arith.cmpf oge, %ge3A, %ge3A_349 : vector<256x1024xf32>
        %jit3A_351 = arith.constant 1.000000e+00 : f32
        %jit3A_352 = arith.constant 0.000000e+00 : f32
        %broadcast_in_dim3A_353 = vector.broadcast %jit3A_351 : f32 to vector<256x1024xf32>
        %broadcast_in_dim3A_354 = vector.broadcast %jit3A_352 : f32 to vector<256x1024xf32>
        %select_n3A_355 = arith.select %ge3A_350, %broadcast_in_dim3A_353, %broadcast_in_dim3A_354 : vector<256x1024xi1>, vector<256x1024xf32>
        %gt3A_356 = vector.broadcast %get3A_205 : vector<1x1024xf32> to vector<256x1024xf32>
        %gt3A_357 = vector.broadcast %get3A_120 : vector<256x1xf32> to vector<256x1024xf32>
        %gt3A_358 = arith.cmpf ogt, %gt3A_356, %gt3A_357 : vector<256x1024xf32>
        %jit3A_359 = arith.constant 1.000000e+00 : f32
        %jit3A_360 = arith.constant 0.000000e+00 : f32
        %broadcast_in_dim3A_361 = vector.broadcast %jit3A_359 : f32 to vector<256x1024xf32>
        %broadcast_in_dim3A_362 = vector.broadcast %jit3A_360 : f32 to vector<256x1024xf32>
        %select_n3A_363 = arith.select %gt3A_358, %broadcast_in_dim3A_361, %broadcast_in_dim3A_362 : vector<256x1024xi1>, vector<256x1024xf32>
        %lt3A_364 = vector.broadcast %add3A_348 : vector<1x1024xi32> to vector<256x1024xi32>
        %lt3A_365 = vector.broadcast %add3A_1 : vector<256x1xi32> to vector<256x1024xi32>
        %lt3A_366 = arith.cmpi slt, %lt3A_364, %lt3A_365 : vector<256x1024xi32>
        %select_n3A_367 = arith.select %lt3A_366, %select_n3A_355, %select_n3A_363 : vector<256x1024xi1>, vector<256x1024xf32>
        %reduce_sum3A = arith.constant dense<0.000000e+00> : vector<256xf32>
        %reduce_sum3A_368 = vector.multi_reduction <add>, %select_n3A_367, %reduce_sum3A [1] : vector<256x1024xf32> to vector<256xf32>
        %broadcast_in_dim3A_369 = vector.shape_cast %reduce_sum3A_368 : vector<256xf32> to vector<256x1xf32>
        scf.yield %broadcast_in_dim3A_369 : vector<256x1xf32>
      } else {
        %gt3A_345 = vector.broadcast %get3A_205 : vector<1x1024xf32> to vector<256x1024xf32>
        %gt3A_346 = vector.broadcast %get3A_120 : vector<256x1xf32> to vector<256x1024xf32>
        %gt3A_347 = arith.cmpf ogt, %gt3A_345, %gt3A_346 : vector<256x1024xf32>
        %jit3A_348 = arith.constant 1.000000e+00 : f32
        %jit3A_349 = arith.constant 0.000000e+00 : f32
        %broadcast_in_dim3A_350 = vector.broadcast %jit3A_348 : f32 to vector<256x1024xf32>
        %broadcast_in_dim3A_351 = vector.broadcast %jit3A_349 : f32 to vector<256x1024xf32>
        %select_n3A_352 = arith.select %gt3A_347, %broadcast_in_dim3A_350, %broadcast_in_dim3A_351 : vector<256x1024xi1>, vector<256x1024xf32>
        %reduce_sum3A = arith.constant dense<0.000000e+00> : vector<256xf32>
        %reduce_sum3A_353 = vector.multi_reduction <add>, %select_n3A_352, %reduce_sum3A [1] : vector<256x1024xf32> to vector<256xf32>
        %broadcast_in_dim3A_354 = vector.shape_cast %reduce_sum3A_353 : vector<256xf32> to vector<256x1xf32>
        scf.yield %broadcast_in_dim3A_354 : vector<256x1xf32>
      }
      scf.yield %cond3A_344 : vector<256x1xf32>
    }
    %add3A_212 = arith.addf %add3A_202, %cond3A_211 : vector<256x1xf32>
    %get3A_213 = arith.constant 1 : index
    %get3A_214 = arith.constant 9216 : index
    %get3A_215 = vector.load %arg2[%get3A_213, %get3A_214] : memref<8x10240xf32, #tpu.memory_space<vmem>>, vector<1x1024xf32>
    %gt3A_216 = arith.constant 9 : i32
    %gt3A_217 = arith.cmpi sgt, %select_n3A, %gt3A_216 : i32
    %convert_element_type3A_218 = arith.extui %gt3A_217 : i1 to i32
    %cond3A_219 = arith.constant 0 : i32
    %cond3A_220 = arith.cmpi ne, %convert_element_type3A_218, %cond3A_219 : i32
    %cond3A_221 = scf.if %cond3A_220 -> (vector<256x1xf32>) {
      %ge3A = vector.broadcast %get3A_215 : vector<1x1024xf32> to vector<256x1024xf32>
      %ge3A_340 = vector.broadcast %get3A_120 : vector<256x1xf32> to vector<256x1024xf32>
      %ge3A_341 = arith.cmpf oge, %ge3A, %ge3A_340 : vector<256x1024xf32>
      %jit3A_342 = arith.constant 1.000000e+00 : f32
      %jit3A_343 = arith.constant 0.000000e+00 : f32
      %broadcast_in_dim3A_344 = vector.broadcast %jit3A_342 : f32 to vector<256x1024xf32>
      %broadcast_in_dim3A_345 = vector.broadcast %jit3A_343 : f32 to vector<256x1024xf32>
      %select_n3A_346 = arith.select %ge3A_341, %broadcast_in_dim3A_344, %broadcast_in_dim3A_345 : vector<256x1024xi1>, vector<256x1024xf32>
      %reduce_sum3A = arith.constant dense<0.000000e+00> : vector<256xf32>
      %reduce_sum3A_347 = vector.multi_reduction <add>, %select_n3A_346, %reduce_sum3A [1] : vector<256x1024xf32> to vector<256xf32>
      %broadcast_in_dim3A_348 = vector.shape_cast %reduce_sum3A_347 : vector<256xf32> to vector<256x1xf32>
      scf.yield %broadcast_in_dim3A_348 : vector<256x1xf32>
    } else {
      %eq3A = arith.constant 9 : i32
      %eq3A_340 = arith.cmpi eq, %select_n3A, %eq3A : i32
      %convert_element_type3A_341 = arith.extui %eq3A_340 : i1 to i32
      %cond3A_342 = arith.constant 0 : i32
      %cond3A_343 = arith.cmpi ne, %convert_element_type3A_341, %cond3A_342 : i32
      %cond3A_344 = scf.if %cond3A_343 -> (vector<256x1xf32>) {
        %iota3A_345 = tpu.iota {dimensions = array<i32: 1>} : vector<1x1024xi32>
        %add3A_346 = arith.constant 9216 : i32
        %add3A_347 = vector.broadcast %add3A_346 : i32 to vector<1x1024xi32>
        %add3A_348 = arith.addi %add3A_347, %iota3A_345 : vector<1x1024xi32>
        %ge3A = vector.broadcast %get3A_215 : vector<1x1024xf32> to vector<256x1024xf32>
        %ge3A_349 = vector.broadcast %get3A_120 : vector<256x1xf32> to vector<256x1024xf32>
        %ge3A_350 = arith.cmpf oge, %ge3A, %ge3A_349 : vector<256x1024xf32>
        %jit3A_351 = arith.constant 1.000000e+00 : f32
        %jit3A_352 = arith.constant 0.000000e+00 : f32
        %broadcast_in_dim3A_353 = vector.broadcast %jit3A_351 : f32 to vector<256x1024xf32>
        %broadcast_in_dim3A_354 = vector.broadcast %jit3A_352 : f32 to vector<256x1024xf32>
        %select_n3A_355 = arith.select %ge3A_350, %broadcast_in_dim3A_353, %broadcast_in_dim3A_354 : vector<256x1024xi1>, vector<256x1024xf32>
        %gt3A_356 = vector.broadcast %get3A_215 : vector<1x1024xf32> to vector<256x1024xf32>
        %gt3A_357 = vector.broadcast %get3A_120 : vector<256x1xf32> to vector<256x1024xf32>
        %gt3A_358 = arith.cmpf ogt, %gt3A_356, %gt3A_357 : vector<256x1024xf32>
        %jit3A_359 = arith.constant 1.000000e+00 : f32
        %jit3A_360 = arith.constant 0.000000e+00 : f32
        %broadcast_in_dim3A_361 = vector.broadcast %jit3A_359 : f32 to vector<256x1024xf32>
        %broadcast_in_dim3A_362 = vector.broadcast %jit3A_360 : f32 to vector<256x1024xf32>
        %select_n3A_363 = arith.select %gt3A_358, %broadcast_in_dim3A_361, %broadcast_in_dim3A_362 : vector<256x1024xi1>, vector<256x1024xf32>
        %lt3A_364 = vector.broadcast %add3A_348 : vector<1x1024xi32> to vector<256x1024xi32>
        %lt3A_365 = vector.broadcast %add3A_1 : vector<256x1xi32> to vector<256x1024xi32>
        %lt3A_366 = arith.cmpi slt, %lt3A_364, %lt3A_365 : vector<256x1024xi32>
        %select_n3A_367 = arith.select %lt3A_366, %select_n3A_355, %select_n3A_363 : vector<256x1024xi1>, vector<256x1024xf32>
        %reduce_sum3A = arith.constant dense<0.000000e+00> : vector<256xf32>
        %reduce_sum3A_368 = vector.multi_reduction <add>, %select_n3A_367, %reduce_sum3A [1] : vector<256x1024xf32> to vector<256xf32>
        %broadcast_in_dim3A_369 = vector.shape_cast %reduce_sum3A_368 : vector<256xf32> to vector<256x1xf32>
        scf.yield %broadcast_in_dim3A_369 : vector<256x1xf32>
      } else {
        %gt3A_345 = vector.broadcast %get3A_215 : vector<1x1024xf32> to vector<256x1024xf32>
        %gt3A_346 = vector.broadcast %get3A_120 : vector<256x1xf32> to vector<256x1024xf32>
        %gt3A_347 = arith.cmpf ogt, %gt3A_345, %gt3A_346 : vector<256x1024xf32>
        %jit3A_348 = arith.constant 1.000000e+00 : f32
        %jit3A_349 = arith.constant 0.000000e+00 : f32
        %broadcast_in_dim3A_350 = vector.broadcast %jit3A_348 : f32 to vector<256x1024xf32>
        %broadcast_in_dim3A_351 = vector.broadcast %jit3A_349 : f32 to vector<256x1024xf32>
        %select_n3A_352 = arith.select %gt3A_347, %broadcast_in_dim3A_350, %broadcast_in_dim3A_351 : vector<256x1024xi1>, vector<256x1024xf32>
        %reduce_sum3A = arith.constant dense<0.000000e+00> : vector<256xf32>
        %reduce_sum3A_353 = vector.multi_reduction <add>, %select_n3A_352, %reduce_sum3A [1] : vector<256x1024xf32> to vector<256xf32>
        %broadcast_in_dim3A_354 = vector.shape_cast %reduce_sum3A_353 : vector<256xf32> to vector<256x1xf32>
        scf.yield %broadcast_in_dim3A_354 : vector<256x1xf32>
      }
      scf.yield %cond3A_344 : vector<256x1xf32>
    }
    %add3A_222 = arith.addf %add3A_212, %cond3A_221 : vector<256x1xf32>
    %get3A_223 = arith.constant 0 : index
    %get3A_224 = arith.constant 2 : index
    %get3A_225 = vector.load %arg1[%get3A_223, %get3A_224] : memref<256x8xf32, #tpu.memory_space<vmem>>, vector<256x1xf32>
    %broadcast_in_dim3A_226 = arith.constant 0.000000e+00 : f32
    %broadcast_in_dim3A_227 = vector.broadcast %broadcast_in_dim3A_226 : f32 to vector<256x1xf32>
    %get3A_228 = arith.constant 2 : index
    %get3A_229 = arith.constant 0 : index
    %get3A_230 = vector.load %arg2[%get3A_228, %get3A_229] : memref<8x10240xf32, #tpu.memory_space<vmem>>, vector<1x1024xf32>
    %gt3A_231 = arith.constant 0 : i32
    %gt3A_232 = arith.cmpi sgt, %select_n3A, %gt3A_231 : i32
    %convert_element_type3A_233 = arith.extui %gt3A_232 : i1 to i32
    %cond3A_234 = arith.constant 0 : i32
    %cond3A_235 = arith.cmpi ne, %convert_element_type3A_233, %cond3A_234 : i32
    %cond3A_236 = scf.if %cond3A_235 -> (vector<256x1xf32>) {
      %ge3A = vector.broadcast %get3A_230 : vector<1x1024xf32> to vector<256x1024xf32>
      %ge3A_340 = vector.broadcast %get3A_225 : vector<256x1xf32> to vector<256x1024xf32>
      %ge3A_341 = arith.cmpf oge, %ge3A, %ge3A_340 : vector<256x1024xf32>
      %jit3A_342 = arith.constant 1.000000e+00 : f32
      %jit3A_343 = arith.constant 0.000000e+00 : f32
      %broadcast_in_dim3A_344 = vector.broadcast %jit3A_342 : f32 to vector<256x1024xf32>
      %broadcast_in_dim3A_345 = vector.broadcast %jit3A_343 : f32 to vector<256x1024xf32>
      %select_n3A_346 = arith.select %ge3A_341, %broadcast_in_dim3A_344, %broadcast_in_dim3A_345 : vector<256x1024xi1>, vector<256x1024xf32>
      %reduce_sum3A = arith.constant dense<0.000000e+00> : vector<256xf32>
      %reduce_sum3A_347 = vector.multi_reduction <add>, %select_n3A_346, %reduce_sum3A [1] : vector<256x1024xf32> to vector<256xf32>
      %broadcast_in_dim3A_348 = vector.shape_cast %reduce_sum3A_347 : vector<256xf32> to vector<256x1xf32>
      scf.yield %broadcast_in_dim3A_348 : vector<256x1xf32>
    } else {
      %eq3A = arith.constant 0 : i32
      %eq3A_340 = arith.cmpi eq, %select_n3A, %eq3A : i32
      %convert_element_type3A_341 = arith.extui %eq3A_340 : i1 to i32
      %cond3A_342 = arith.constant 0 : i32
      %cond3A_343 = arith.cmpi ne, %convert_element_type3A_341, %cond3A_342 : i32
      %cond3A_344 = scf.if %cond3A_343 -> (vector<256x1xf32>) {
        %iota3A_345 = tpu.iota {dimensions = array<i32: 1>} : vector<1x1024xi32>
        %add3A_346 = arith.constant 0 : i32
        %add3A_347 = vector.broadcast %add3A_346 : i32 to vector<1x1024xi32>
        %add3A_348 = arith.addi %add3A_347, %iota3A_345 : vector<1x1024xi32>
        %ge3A = vector.broadcast %get3A_230 : vector<1x1024xf32> to vector<256x1024xf32>
        %ge3A_349 = vector.broadcast %get3A_225 : vector<256x1xf32> to vector<256x1024xf32>
        %ge3A_350 = arith.cmpf oge, %ge3A, %ge3A_349 : vector<256x1024xf32>
        %jit3A_351 = arith.constant 1.000000e+00 : f32
        %jit3A_352 = arith.constant 0.000000e+00 : f32
        %broadcast_in_dim3A_353 = vector.broadcast %jit3A_351 : f32 to vector<256x1024xf32>
        %broadcast_in_dim3A_354 = vector.broadcast %jit3A_352 : f32 to vector<256x1024xf32>
        %select_n3A_355 = arith.select %ge3A_350, %broadcast_in_dim3A_353, %broadcast_in_dim3A_354 : vector<256x1024xi1>, vector<256x1024xf32>
        %gt3A_356 = vector.broadcast %get3A_230 : vector<1x1024xf32> to vector<256x1024xf32>
        %gt3A_357 = vector.broadcast %get3A_225 : vector<256x1xf32> to vector<256x1024xf32>
        %gt3A_358 = arith.cmpf ogt, %gt3A_356, %gt3A_357 : vector<256x1024xf32>
        %jit3A_359 = arith.constant 1.000000e+00 : f32
        %jit3A_360 = arith.constant 0.000000e+00 : f32
        %broadcast_in_dim3A_361 = vector.broadcast %jit3A_359 : f32 to vector<256x1024xf32>
        %broadcast_in_dim3A_362 = vector.broadcast %jit3A_360 : f32 to vector<256x1024xf32>
        %select_n3A_363 = arith.select %gt3A_358, %broadcast_in_dim3A_361, %broadcast_in_dim3A_362 : vector<256x1024xi1>, vector<256x1024xf32>
        %lt3A_364 = vector.broadcast %add3A_348 : vector<1x1024xi32> to vector<256x1024xi32>
        %lt3A_365 = vector.broadcast %add3A_1 : vector<256x1xi32> to vector<256x1024xi32>
        %lt3A_366 = arith.cmpi slt, %lt3A_364, %lt3A_365 : vector<256x1024xi32>
        %select_n3A_367 = arith.select %lt3A_366, %select_n3A_355, %select_n3A_363 : vector<256x1024xi1>, vector<256x1024xf32>
        %reduce_sum3A = arith.constant dense<0.000000e+00> : vector<256xf32>
        %reduce_sum3A_368 = vector.multi_reduction <add>, %select_n3A_367, %reduce_sum3A [1] : vector<256x1024xf32> to vector<256xf32>
        %broadcast_in_dim3A_369 = vector.shape_cast %reduce_sum3A_368 : vector<256xf32> to vector<256x1xf32>
        scf.yield %broadcast_in_dim3A_369 : vector<256x1xf32>
      } else {
        %gt3A_345 = vector.broadcast %get3A_230 : vector<1x1024xf32> to vector<256x1024xf32>
        %gt3A_346 = vector.broadcast %get3A_225 : vector<256x1xf32> to vector<256x1024xf32>
        %gt3A_347 = arith.cmpf ogt, %gt3A_345, %gt3A_346 : vector<256x1024xf32>
        %jit3A_348 = arith.constant 1.000000e+00 : f32
        %jit3A_349 = arith.constant 0.000000e+00 : f32
        %broadcast_in_dim3A_350 = vector.broadcast %jit3A_348 : f32 to vector<256x1024xf32>
        %broadcast_in_dim3A_351 = vector.broadcast %jit3A_349 : f32 to vector<256x1024xf32>
        %select_n3A_352 = arith.select %gt3A_347, %broadcast_in_dim3A_350, %broadcast_in_dim3A_351 : vector<256x1024xi1>, vector<256x1024xf32>
        %reduce_sum3A = arith.constant dense<0.000000e+00> : vector<256xf32>
        %reduce_sum3A_353 = vector.multi_reduction <add>, %select_n3A_352, %reduce_sum3A [1] : vector<256x1024xf32> to vector<256xf32>
        %broadcast_in_dim3A_354 = vector.shape_cast %reduce_sum3A_353 : vector<256xf32> to vector<256x1xf32>
        scf.yield %broadcast_in_dim3A_354 : vector<256x1xf32>
      }
      scf.yield %cond3A_344 : vector<256x1xf32>
    }
    %add3A_237 = arith.addf %broadcast_in_dim3A_227, %cond3A_236 : vector<256x1xf32>
    %get3A_238 = arith.constant 2 : index
    %get3A_239 = arith.constant 1024 : index
    %get3A_240 = vector.load %arg2[%get3A_238, %get3A_239] : memref<8x10240xf32, #tpu.memory_space<vmem>>, vector<1x1024xf32>
    %gt3A_241 = arith.constant 1 : i32
    %gt3A_242 = arith.cmpi sgt, %select_n3A, %gt3A_241 : i32
    %convert_element_type3A_243 = arith.extui %gt3A_242 : i1 to i32
    %cond3A_244 = arith.constant 0 : i32
    %cond3A_245 = arith.cmpi ne, %convert_element_type3A_243, %cond3A_244 : i32
    %cond3A_246 = scf.if %cond3A_245 -> (vector<256x1xf32>) {
      %ge3A = vector.broadcast %get3A_240 : vector<1x1024xf32> to vector<256x1024xf32>
      %ge3A_340 = vector.broadcast %get3A_225 : vector<256x1xf32> to vector<256x1024xf32>
      %ge3A_341 = arith.cmpf oge, %ge3A, %ge3A_340 : vector<256x1024xf32>
      %jit3A_342 = arith.constant 1.000000e+00 : f32
      %jit3A_343 = arith.constant 0.000000e+00 : f32
      %broadcast_in_dim3A_344 = vector.broadcast %jit3A_342 : f32 to vector<256x1024xf32>
      %broadcast_in_dim3A_345 = vector.broadcast %jit3A_343 : f32 to vector<256x1024xf32>
      %select_n3A_346 = arith.select %ge3A_341, %broadcast_in_dim3A_344, %broadcast_in_dim3A_345 : vector<256x1024xi1>, vector<256x1024xf32>
      %reduce_sum3A = arith.constant dense<0.000000e+00> : vector<256xf32>
      %reduce_sum3A_347 = vector.multi_reduction <add>, %select_n3A_346, %reduce_sum3A [1] : vector<256x1024xf32> to vector<256xf32>
      %broadcast_in_dim3A_348 = vector.shape_cast %reduce_sum3A_347 : vector<256xf32> to vector<256x1xf32>
      scf.yield %broadcast_in_dim3A_348 : vector<256x1xf32>
    } else {
      %eq3A = arith.constant 1 : i32
      %eq3A_340 = arith.cmpi eq, %select_n3A, %eq3A : i32
      %convert_element_type3A_341 = arith.extui %eq3A_340 : i1 to i32
      %cond3A_342 = arith.constant 0 : i32
      %cond3A_343 = arith.cmpi ne, %convert_element_type3A_341, %cond3A_342 : i32
      %cond3A_344 = scf.if %cond3A_343 -> (vector<256x1xf32>) {
        %iota3A_345 = tpu.iota {dimensions = array<i32: 1>} : vector<1x1024xi32>
        %add3A_346 = arith.constant 1024 : i32
        %add3A_347 = vector.broadcast %add3A_346 : i32 to vector<1x1024xi32>
        %add3A_348 = arith.addi %add3A_347, %iota3A_345 : vector<1x1024xi32>
        %ge3A = vector.broadcast %get3A_240 : vector<1x1024xf32> to vector<256x1024xf32>
        %ge3A_349 = vector.broadcast %get3A_225 : vector<256x1xf32> to vector<256x1024xf32>
        %ge3A_350 = arith.cmpf oge, %ge3A, %ge3A_349 : vector<256x1024xf32>
        %jit3A_351 = arith.constant 1.000000e+00 : f32
        %jit3A_352 = arith.constant 0.000000e+00 : f32
        %broadcast_in_dim3A_353 = vector.broadcast %jit3A_351 : f32 to vector<256x1024xf32>
        %broadcast_in_dim3A_354 = vector.broadcast %jit3A_352 : f32 to vector<256x1024xf32>
        %select_n3A_355 = arith.select %ge3A_350, %broadcast_in_dim3A_353, %broadcast_in_dim3A_354 : vector<256x1024xi1>, vector<256x1024xf32>
        %gt3A_356 = vector.broadcast %get3A_240 : vector<1x1024xf32> to vector<256x1024xf32>
        %gt3A_357 = vector.broadcast %get3A_225 : vector<256x1xf32> to vector<256x1024xf32>
        %gt3A_358 = arith.cmpf ogt, %gt3A_356, %gt3A_357 : vector<256x1024xf32>
        %jit3A_359 = arith.constant 1.000000e+00 : f32
        %jit3A_360 = arith.constant 0.000000e+00 : f32
        %broadcast_in_dim3A_361 = vector.broadcast %jit3A_359 : f32 to vector<256x1024xf32>
        %broadcast_in_dim3A_362 = vector.broadcast %jit3A_360 : f32 to vector<256x1024xf32>
        %select_n3A_363 = arith.select %gt3A_358, %broadcast_in_dim3A_361, %broadcast_in_dim3A_362 : vector<256x1024xi1>, vector<256x1024xf32>
        %lt3A_364 = vector.broadcast %add3A_348 : vector<1x1024xi32> to vector<256x1024xi32>
        %lt3A_365 = vector.broadcast %add3A_1 : vector<256x1xi32> to vector<256x1024xi32>
        %lt3A_366 = arith.cmpi slt, %lt3A_364, %lt3A_365 : vector<256x1024xi32>
        %select_n3A_367 = arith.select %lt3A_366, %select_n3A_355, %select_n3A_363 : vector<256x1024xi1>, vector<256x1024xf32>
        %reduce_sum3A = arith.constant dense<0.000000e+00> : vector<256xf32>
        %reduce_sum3A_368 = vector.multi_reduction <add>, %select_n3A_367, %reduce_sum3A [1] : vector<256x1024xf32> to vector<256xf32>
        %broadcast_in_dim3A_369 = vector.shape_cast %reduce_sum3A_368 : vector<256xf32> to vector<256x1xf32>
        scf.yield %broadcast_in_dim3A_369 : vector<256x1xf32>
      } else {
        %gt3A_345 = vector.broadcast %get3A_240 : vector<1x1024xf32> to vector<256x1024xf32>
        %gt3A_346 = vector.broadcast %get3A_225 : vector<256x1xf32> to vector<256x1024xf32>
        %gt3A_347 = arith.cmpf ogt, %gt3A_345, %gt3A_346 : vector<256x1024xf32>
        %jit3A_348 = arith.constant 1.000000e+00 : f32
        %jit3A_349 = arith.constant 0.000000e+00 : f32
        %broadcast_in_dim3A_350 = vector.broadcast %jit3A_348 : f32 to vector<256x1024xf32>
        %broadcast_in_dim3A_351 = vector.broadcast %jit3A_349 : f32 to vector<256x1024xf32>
        %select_n3A_352 = arith.select %gt3A_347, %broadcast_in_dim3A_350, %broadcast_in_dim3A_351 : vector<256x1024xi1>, vector<256x1024xf32>
        %reduce_sum3A = arith.constant dense<0.000000e+00> : vector<256xf32>
        %reduce_sum3A_353 = vector.multi_reduction <add>, %select_n3A_352, %reduce_sum3A [1] : vector<256x1024xf32> to vector<256xf32>
        %broadcast_in_dim3A_354 = vector.shape_cast %reduce_sum3A_353 : vector<256xf32> to vector<256x1xf32>
        scf.yield %broadcast_in_dim3A_354 : vector<256x1xf32>
      }
      scf.yield %cond3A_344 : vector<256x1xf32>
    }
    %add3A_247 = arith.addf %add3A_237, %cond3A_246 : vector<256x1xf32>
    %get3A_248 = arith.constant 2 : index
    %get3A_249 = arith.constant 2048 : index
    %get3A_250 = vector.load %arg2[%get3A_248, %get3A_249] : memref<8x10240xf32, #tpu.memory_space<vmem>>, vector<1x1024xf32>
    %gt3A_251 = arith.constant 2 : i32
    %gt3A_252 = arith.cmpi sgt, %select_n3A, %gt3A_251 : i32
    %convert_element_type3A_253 = arith.extui %gt3A_252 : i1 to i32
    %cond3A_254 = arith.constant 0 : i32
    %cond3A_255 = arith.cmpi ne, %convert_element_type3A_253, %cond3A_254 : i32
    %cond3A_256 = scf.if %cond3A_255 -> (vector<256x1xf32>) {
      %ge3A = vector.broadcast %get3A_250 : vector<1x1024xf32> to vector<256x1024xf32>
      %ge3A_340 = vector.broadcast %get3A_225 : vector<256x1xf32> to vector<256x1024xf32>
      %ge3A_341 = arith.cmpf oge, %ge3A, %ge3A_340 : vector<256x1024xf32>
      %jit3A_342 = arith.constant 1.000000e+00 : f32
      %jit3A_343 = arith.constant 0.000000e+00 : f32
      %broadcast_in_dim3A_344 = vector.broadcast %jit3A_342 : f32 to vector<256x1024xf32>
      %broadcast_in_dim3A_345 = vector.broadcast %jit3A_343 : f32 to vector<256x1024xf32>
      %select_n3A_346 = arith.select %ge3A_341, %broadcast_in_dim3A_344, %broadcast_in_dim3A_345 : vector<256x1024xi1>, vector<256x1024xf32>
      %reduce_sum3A = arith.constant dense<0.000000e+00> : vector<256xf32>
      %reduce_sum3A_347 = vector.multi_reduction <add>, %select_n3A_346, %reduce_sum3A [1] : vector<256x1024xf32> to vector<256xf32>
      %broadcast_in_dim3A_348 = vector.shape_cast %reduce_sum3A_347 : vector<256xf32> to vector<256x1xf32>
      scf.yield %broadcast_in_dim3A_348 : vector<256x1xf32>
    } else {
      %eq3A = arith.constant 2 : i32
      %eq3A_340 = arith.cmpi eq, %select_n3A, %eq3A : i32
      %convert_element_type3A_341 = arith.extui %eq3A_340 : i1 to i32
      %cond3A_342 = arith.constant 0 : i32
      %cond3A_343 = arith.cmpi ne, %convert_element_type3A_341, %cond3A_342 : i32
      %cond3A_344 = scf.if %cond3A_343 -> (vector<256x1xf32>) {
        %iota3A_345 = tpu.iota {dimensions = array<i32: 1>} : vector<1x1024xi32>
        %add3A_346 = arith.constant 2048 : i32
        %add3A_347 = vector.broadcast %add3A_346 : i32 to vector<1x1024xi32>
        %add3A_348 = arith.addi %add3A_347, %iota3A_345 : vector<1x1024xi32>
        %ge3A = vector.broadcast %get3A_250 : vector<1x1024xf32> to vector<256x1024xf32>
        %ge3A_349 = vector.broadcast %get3A_225 : vector<256x1xf32> to vector<256x1024xf32>
        %ge3A_350 = arith.cmpf oge, %ge3A, %ge3A_349 : vector<256x1024xf32>
        %jit3A_351 = arith.constant 1.000000e+00 : f32
        %jit3A_352 = arith.constant 0.000000e+00 : f32
        %broadcast_in_dim3A_353 = vector.broadcast %jit3A_351 : f32 to vector<256x1024xf32>
        %broadcast_in_dim3A_354 = vector.broadcast %jit3A_352 : f32 to vector<256x1024xf32>
        %select_n3A_355 = arith.select %ge3A_350, %broadcast_in_dim3A_353, %broadcast_in_dim3A_354 : vector<256x1024xi1>, vector<256x1024xf32>
        %gt3A_356 = vector.broadcast %get3A_250 : vector<1x1024xf32> to vector<256x1024xf32>
        %gt3A_357 = vector.broadcast %get3A_225 : vector<256x1xf32> to vector<256x1024xf32>
        %gt3A_358 = arith.cmpf ogt, %gt3A_356, %gt3A_357 : vector<256x1024xf32>
        %jit3A_359 = arith.constant 1.000000e+00 : f32
        %jit3A_360 = arith.constant 0.000000e+00 : f32
        %broadcast_in_dim3A_361 = vector.broadcast %jit3A_359 : f32 to vector<256x1024xf32>
        %broadcast_in_dim3A_362 = vector.broadcast %jit3A_360 : f32 to vector<256x1024xf32>
        %select_n3A_363 = arith.select %gt3A_358, %broadcast_in_dim3A_361, %broadcast_in_dim3A_362 : vector<256x1024xi1>, vector<256x1024xf32>
        %lt3A_364 = vector.broadcast %add3A_348 : vector<1x1024xi32> to vector<256x1024xi32>
        %lt3A_365 = vector.broadcast %add3A_1 : vector<256x1xi32> to vector<256x1024xi32>
        %lt3A_366 = arith.cmpi slt, %lt3A_364, %lt3A_365 : vector<256x1024xi32>
        %select_n3A_367 = arith.select %lt3A_366, %select_n3A_355, %select_n3A_363 : vector<256x1024xi1>, vector<256x1024xf32>
        %reduce_sum3A = arith.constant dense<0.000000e+00> : vector<256xf32>
        %reduce_sum3A_368 = vector.multi_reduction <add>, %select_n3A_367, %reduce_sum3A [1] : vector<256x1024xf32> to vector<256xf32>
        %broadcast_in_dim3A_369 = vector.shape_cast %reduce_sum3A_368 : vector<256xf32> to vector<256x1xf32>
        scf.yield %broadcast_in_dim3A_369 : vector<256x1xf32>
      } else {
        %gt3A_345 = vector.broadcast %get3A_250 : vector<1x1024xf32> to vector<256x1024xf32>
        %gt3A_346 = vector.broadcast %get3A_225 : vector<256x1xf32> to vector<256x1024xf32>
        %gt3A_347 = arith.cmpf ogt, %gt3A_345, %gt3A_346 : vector<256x1024xf32>
        %jit3A_348 = arith.constant 1.000000e+00 : f32
        %jit3A_349 = arith.constant 0.000000e+00 : f32
        %broadcast_in_dim3A_350 = vector.broadcast %jit3A_348 : f32 to vector<256x1024xf32>
        %broadcast_in_dim3A_351 = vector.broadcast %jit3A_349 : f32 to vector<256x1024xf32>
        %select_n3A_352 = arith.select %gt3A_347, %broadcast_in_dim3A_350, %broadcast_in_dim3A_351 : vector<256x1024xi1>, vector<256x1024xf32>
        %reduce_sum3A = arith.constant dense<0.000000e+00> : vector<256xf32>
        %reduce_sum3A_353 = vector.multi_reduction <add>, %select_n3A_352, %reduce_sum3A [1] : vector<256x1024xf32> to vector<256xf32>
        %broadcast_in_dim3A_354 = vector.shape_cast %reduce_sum3A_353 : vector<256xf32> to vector<256x1xf32>
        scf.yield %broadcast_in_dim3A_354 : vector<256x1xf32>
      }
      scf.yield %cond3A_344 : vector<256x1xf32>
    }
    %add3A_257 = arith.addf %add3A_247, %cond3A_256 : vector<256x1xf32>
    %get3A_258 = arith.constant 2 : index
    %get3A_259 = arith.constant 3072 : index
    %get3A_260 = vector.load %arg2[%get3A_258, %get3A_259] : memref<8x10240xf32, #tpu.memory_space<vmem>>, vector<1x1024xf32>
    %gt3A_261 = arith.constant 3 : i32
    %gt3A_262 = arith.cmpi sgt, %select_n3A, %gt3A_261 : i32
    %convert_element_type3A_263 = arith.extui %gt3A_262 : i1 to i32
    %cond3A_264 = arith.constant 0 : i32
    %cond3A_265 = arith.cmpi ne, %convert_element_type3A_263, %cond3A_264 : i32
    %cond3A_266 = scf.if %cond3A_265 -> (vector<256x1xf32>) {
      %ge3A = vector.broadcast %get3A_260 : vector<1x1024xf32> to vector<256x1024xf32>
      %ge3A_340 = vector.broadcast %get3A_225 : vector<256x1xf32> to vector<256x1024xf32>
      %ge3A_341 = arith.cmpf oge, %ge3A, %ge3A_340 : vector<256x1024xf32>
      %jit3A_342 = arith.constant 1.000000e+00 : f32
      %jit3A_343 = arith.constant 0.000000e+00 : f32
      %broadcast_in_dim3A_344 = vector.broadcast %jit3A_342 : f32 to vector<256x1024xf32>
      %broadcast_in_dim3A_345 = vector.broadcast %jit3A_343 : f32 to vector<256x1024xf32>
      %select_n3A_346 = arith.select %ge3A_341, %broadcast_in_dim3A_344, %broadcast_in_dim3A_345 : vector<256x1024xi1>, vector<256x1024xf32>
      %reduce_sum3A = arith.constant dense<0.000000e+00> : vector<256xf32>
      %reduce_sum3A_347 = vector.multi_reduction <add>, %select_n3A_346, %reduce_sum3A [1] : vector<256x1024xf32> to vector<256xf32>
      %broadcast_in_dim3A_348 = vector.shape_cast %reduce_sum3A_347 : vector<256xf32> to vector<256x1xf32>
      scf.yield %broadcast_in_dim3A_348 : vector<256x1xf32>
    } else {
      %eq3A = arith.constant 3 : i32
      %eq3A_340 = arith.cmpi eq, %select_n3A, %eq3A : i32
      %convert_element_type3A_341 = arith.extui %eq3A_340 : i1 to i32
      %cond3A_342 = arith.constant 0 : i32
      %cond3A_343 = arith.cmpi ne, %convert_element_type3A_341, %cond3A_342 : i32
      %cond3A_344 = scf.if %cond3A_343 -> (vector<256x1xf32>) {
        %iota3A_345 = tpu.iota {dimensions = array<i32: 1>} : vector<1x1024xi32>
        %add3A_346 = arith.constant 3072 : i32
        %add3A_347 = vector.broadcast %add3A_346 : i32 to vector<1x1024xi32>
        %add3A_348 = arith.addi %add3A_347, %iota3A_345 : vector<1x1024xi32>
        %ge3A = vector.broadcast %get3A_260 : vector<1x1024xf32> to vector<256x1024xf32>
        %ge3A_349 = vector.broadcast %get3A_225 : vector<256x1xf32> to vector<256x1024xf32>
        %ge3A_350 = arith.cmpf oge, %ge3A, %ge3A_349 : vector<256x1024xf32>
        %jit3A_351 = arith.constant 1.000000e+00 : f32
        %jit3A_352 = arith.constant 0.000000e+00 : f32
        %broadcast_in_dim3A_353 = vector.broadcast %jit3A_351 : f32 to vector<256x1024xf32>
        %broadcast_in_dim3A_354 = vector.broadcast %jit3A_352 : f32 to vector<256x1024xf32>
        %select_n3A_355 = arith.select %ge3A_350, %broadcast_in_dim3A_353, %broadcast_in_dim3A_354 : vector<256x1024xi1>, vector<256x1024xf32>
        %gt3A_356 = vector.broadcast %get3A_260 : vector<1x1024xf32> to vector<256x1024xf32>
        %gt3A_357 = vector.broadcast %get3A_225 : vector<256x1xf32> to vector<256x1024xf32>
        %gt3A_358 = arith.cmpf ogt, %gt3A_356, %gt3A_357 : vector<256x1024xf32>
        %jit3A_359 = arith.constant 1.000000e+00 : f32
        %jit3A_360 = arith.constant 0.000000e+00 : f32
        %broadcast_in_dim3A_361 = vector.broadcast %jit3A_359 : f32 to vector<256x1024xf32>
        %broadcast_in_dim3A_362 = vector.broadcast %jit3A_360 : f32 to vector<256x1024xf32>
        %select_n3A_363 = arith.select %gt3A_358, %broadcast_in_dim3A_361, %broadcast_in_dim3A_362 : vector<256x1024xi1>, vector<256x1024xf32>
        %lt3A_364 = vector.broadcast %add3A_348 : vector<1x1024xi32> to vector<256x1024xi32>
        %lt3A_365 = vector.broadcast %add3A_1 : vector<256x1xi32> to vector<256x1024xi32>
        %lt3A_366 = arith.cmpi slt, %lt3A_364, %lt3A_365 : vector<256x1024xi32>
        %select_n3A_367 = arith.select %lt3A_366, %select_n3A_355, %select_n3A_363 : vector<256x1024xi1>, vector<256x1024xf32>
        %reduce_sum3A = arith.constant dense<0.000000e+00> : vector<256xf32>
        %reduce_sum3A_368 = vector.multi_reduction <add>, %select_n3A_367, %reduce_sum3A [1] : vector<256x1024xf32> to vector<256xf32>
        %broadcast_in_dim3A_369 = vector.shape_cast %reduce_sum3A_368 : vector<256xf32> to vector<256x1xf32>
        scf.yield %broadcast_in_dim3A_369 : vector<256x1xf32>
      } else {
        %gt3A_345 = vector.broadcast %get3A_260 : vector<1x1024xf32> to vector<256x1024xf32>
        %gt3A_346 = vector.broadcast %get3A_225 : vector<256x1xf32> to vector<256x1024xf32>
        %gt3A_347 = arith.cmpf ogt, %gt3A_345, %gt3A_346 : vector<256x1024xf32>
        %jit3A_348 = arith.constant 1.000000e+00 : f32
        %jit3A_349 = arith.constant 0.000000e+00 : f32
        %broadcast_in_dim3A_350 = vector.broadcast %jit3A_348 : f32 to vector<256x1024xf32>
        %broadcast_in_dim3A_351 = vector.broadcast %jit3A_349 : f32 to vector<256x1024xf32>
        %select_n3A_352 = arith.select %gt3A_347, %broadcast_in_dim3A_350, %broadcast_in_dim3A_351 : vector<256x1024xi1>, vector<256x1024xf32>
        %reduce_sum3A = arith.constant dense<0.000000e+00> : vector<256xf32>
        %reduce_sum3A_353 = vector.multi_reduction <add>, %select_n3A_352, %reduce_sum3A [1] : vector<256x1024xf32> to vector<256xf32>
        %broadcast_in_dim3A_354 = vector.shape_cast %reduce_sum3A_353 : vector<256xf32> to vector<256x1xf32>
        scf.yield %broadcast_in_dim3A_354 : vector<256x1xf32>
      }
      scf.yield %cond3A_344 : vector<256x1xf32>
    }
    %add3A_267 = arith.addf %add3A_257, %cond3A_266 : vector<256x1xf32>
    %get3A_268 = arith.constant 2 : index
    %get3A_269 = arith.constant 4096 : index
    %get3A_270 = vector.load %arg2[%get3A_268, %get3A_269] : memref<8x10240xf32, #tpu.memory_space<vmem>>, vector<1x1024xf32>
    %gt3A_271 = arith.constant 4 : i32
    %gt3A_272 = arith.cmpi sgt, %select_n3A, %gt3A_271 : i32
    %convert_element_type3A_273 = arith.extui %gt3A_272 : i1 to i32
    %cond3A_274 = arith.constant 0 : i32
    %cond3A_275 = arith.cmpi ne, %convert_element_type3A_273, %cond3A_274 : i32
    %cond3A_276 = scf.if %cond3A_275 -> (vector<256x1xf32>) {
      %ge3A = vector.broadcast %get3A_270 : vector<1x1024xf32> to vector<256x1024xf32>
      %ge3A_340 = vector.broadcast %get3A_225 : vector<256x1xf32> to vector<256x1024xf32>
      %ge3A_341 = arith.cmpf oge, %ge3A, %ge3A_340 : vector<256x1024xf32>
      %jit3A_342 = arith.constant 1.000000e+00 : f32
      %jit3A_343 = arith.constant 0.000000e+00 : f32
      %broadcast_in_dim3A_344 = vector.broadcast %jit3A_342 : f32 to vector<256x1024xf32>
      %broadcast_in_dim3A_345 = vector.broadcast %jit3A_343 : f32 to vector<256x1024xf32>
      %select_n3A_346 = arith.select %ge3A_341, %broadcast_in_dim3A_344, %broadcast_in_dim3A_345 : vector<256x1024xi1>, vector<256x1024xf32>
      %reduce_sum3A = arith.constant dense<0.000000e+00> : vector<256xf32>
      %reduce_sum3A_347 = vector.multi_reduction <add>, %select_n3A_346, %reduce_sum3A [1] : vector<256x1024xf32> to vector<256xf32>
      %broadcast_in_dim3A_348 = vector.shape_cast %reduce_sum3A_347 : vector<256xf32> to vector<256x1xf32>
      scf.yield %broadcast_in_dim3A_348 : vector<256x1xf32>
    } else {
      %eq3A = arith.constant 4 : i32
      %eq3A_340 = arith.cmpi eq, %select_n3A, %eq3A : i32
      %convert_element_type3A_341 = arith.extui %eq3A_340 : i1 to i32
      %cond3A_342 = arith.constant 0 : i32
      %cond3A_343 = arith.cmpi ne, %convert_element_type3A_341, %cond3A_342 : i32
      %cond3A_344 = scf.if %cond3A_343 -> (vector<256x1xf32>) {
        %iota3A_345 = tpu.iota {dimensions = array<i32: 1>} : vector<1x1024xi32>
        %add3A_346 = arith.constant 4096 : i32
        %add3A_347 = vector.broadcast %add3A_346 : i32 to vector<1x1024xi32>
        %add3A_348 = arith.addi %add3A_347, %iota3A_345 : vector<1x1024xi32>
        %ge3A = vector.broadcast %get3A_270 : vector<1x1024xf32> to vector<256x1024xf32>
        %ge3A_349 = vector.broadcast %get3A_225 : vector<256x1xf32> to vector<256x1024xf32>
        %ge3A_350 = arith.cmpf oge, %ge3A, %ge3A_349 : vector<256x1024xf32>
        %jit3A_351 = arith.constant 1.000000e+00 : f32
        %jit3A_352 = arith.constant 0.000000e+00 : f32
        %broadcast_in_dim3A_353 = vector.broadcast %jit3A_351 : f32 to vector<256x1024xf32>
        %broadcast_in_dim3A_354 = vector.broadcast %jit3A_352 : f32 to vector<256x1024xf32>
        %select_n3A_355 = arith.select %ge3A_350, %broadcast_in_dim3A_353, %broadcast_in_dim3A_354 : vector<256x1024xi1>, vector<256x1024xf32>
        %gt3A_356 = vector.broadcast %get3A_270 : vector<1x1024xf32> to vector<256x1024xf32>
        %gt3A_357 = vector.broadcast %get3A_225 : vector<256x1xf32> to vector<256x1024xf32>
        %gt3A_358 = arith.cmpf ogt, %gt3A_356, %gt3A_357 : vector<256x1024xf32>
        %jit3A_359 = arith.constant 1.000000e+00 : f32
        %jit3A_360 = arith.constant 0.000000e+00 : f32
        %broadcast_in_dim3A_361 = vector.broadcast %jit3A_359 : f32 to vector<256x1024xf32>
        %broadcast_in_dim3A_362 = vector.broadcast %jit3A_360 : f32 to vector<256x1024xf32>
        %select_n3A_363 = arith.select %gt3A_358, %broadcast_in_dim3A_361, %broadcast_in_dim3A_362 : vector<256x1024xi1>, vector<256x1024xf32>
        %lt3A_364 = vector.broadcast %add3A_348 : vector<1x1024xi32> to vector<256x1024xi32>
        %lt3A_365 = vector.broadcast %add3A_1 : vector<256x1xi32> to vector<256x1024xi32>
        %lt3A_366 = arith.cmpi slt, %lt3A_364, %lt3A_365 : vector<256x1024xi32>
        %select_n3A_367 = arith.select %lt3A_366, %select_n3A_355, %select_n3A_363 : vector<256x1024xi1>, vector<256x1024xf32>
        %reduce_sum3A = arith.constant dense<0.000000e+00> : vector<256xf32>
        %reduce_sum3A_368 = vector.multi_reduction <add>, %select_n3A_367, %reduce_sum3A [1] : vector<256x1024xf32> to vector<256xf32>
        %broadcast_in_dim3A_369 = vector.shape_cast %reduce_sum3A_368 : vector<256xf32> to vector<256x1xf32>
        scf.yield %broadcast_in_dim3A_369 : vector<256x1xf32>
      } else {
        %gt3A_345 = vector.broadcast %get3A_270 : vector<1x1024xf32> to vector<256x1024xf32>
        %gt3A_346 = vector.broadcast %get3A_225 : vector<256x1xf32> to vector<256x1024xf32>
        %gt3A_347 = arith.cmpf ogt, %gt3A_345, %gt3A_346 : vector<256x1024xf32>
        %jit3A_348 = arith.constant 1.000000e+00 : f32
        %jit3A_349 = arith.constant 0.000000e+00 : f32
        %broadcast_in_dim3A_350 = vector.broadcast %jit3A_348 : f32 to vector<256x1024xf32>
        %broadcast_in_dim3A_351 = vector.broadcast %jit3A_349 : f32 to vector<256x1024xf32>
        %select_n3A_352 = arith.select %gt3A_347, %broadcast_in_dim3A_350, %broadcast_in_dim3A_351 : vector<256x1024xi1>, vector<256x1024xf32>
        %reduce_sum3A = arith.constant dense<0.000000e+00> : vector<256xf32>
        %reduce_sum3A_353 = vector.multi_reduction <add>, %select_n3A_352, %reduce_sum3A [1] : vector<256x1024xf32> to vector<256xf32>
        %broadcast_in_dim3A_354 = vector.shape_cast %reduce_sum3A_353 : vector<256xf32> to vector<256x1xf32>
        scf.yield %broadcast_in_dim3A_354 : vector<256x1xf32>
      }
      scf.yield %cond3A_344 : vector<256x1xf32>
    }
    %add3A_277 = arith.addf %add3A_267, %cond3A_276 : vector<256x1xf32>
    %get3A_278 = arith.constant 2 : index
    %get3A_279 = arith.constant 5120 : index
    %get3A_280 = vector.load %arg2[%get3A_278, %get3A_279] : memref<8x10240xf32, #tpu.memory_space<vmem>>, vector<1x1024xf32>
    %gt3A_281 = arith.constant 5 : i32
    %gt3A_282 = arith.cmpi sgt, %select_n3A, %gt3A_281 : i32
    %convert_element_type3A_283 = arith.extui %gt3A_282 : i1 to i32
    %cond3A_284 = arith.constant 0 : i32
    %cond3A_285 = arith.cmpi ne, %convert_element_type3A_283, %cond3A_284 : i32
    %cond3A_286 = scf.if %cond3A_285 -> (vector<256x1xf32>) {
      %ge3A = vector.broadcast %get3A_280 : vector<1x1024xf32> to vector<256x1024xf32>
      %ge3A_340 = vector.broadcast %get3A_225 : vector<256x1xf32> to vector<256x1024xf32>
      %ge3A_341 = arith.cmpf oge, %ge3A, %ge3A_340 : vector<256x1024xf32>
      %jit3A_342 = arith.constant 1.000000e+00 : f32
      %jit3A_343 = arith.constant 0.000000e+00 : f32
      %broadcast_in_dim3A_344 = vector.broadcast %jit3A_342 : f32 to vector<256x1024xf32>
      %broadcast_in_dim3A_345 = vector.broadcast %jit3A_343 : f32 to vector<256x1024xf32>
      %select_n3A_346 = arith.select %ge3A_341, %broadcast_in_dim3A_344, %broadcast_in_dim3A_345 : vector<256x1024xi1>, vector<256x1024xf32>
      %reduce_sum3A = arith.constant dense<0.000000e+00> : vector<256xf32>
      %reduce_sum3A_347 = vector.multi_reduction <add>, %select_n3A_346, %reduce_sum3A [1] : vector<256x1024xf32> to vector<256xf32>
      %broadcast_in_dim3A_348 = vector.shape_cast %reduce_sum3A_347 : vector<256xf32> to vector<256x1xf32>
      scf.yield %broadcast_in_dim3A_348 : vector<256x1xf32>
    } else {
      %eq3A = arith.constant 5 : i32
      %eq3A_340 = arith.cmpi eq, %select_n3A, %eq3A : i32
      %convert_element_type3A_341 = arith.extui %eq3A_340 : i1 to i32
      %cond3A_342 = arith.constant 0 : i32
      %cond3A_343 = arith.cmpi ne, %convert_element_type3A_341, %cond3A_342 : i32
      %cond3A_344 = scf.if %cond3A_343 -> (vector<256x1xf32>) {
        %iota3A_345 = tpu.iota {dimensions = array<i32: 1>} : vector<1x1024xi32>
        %add3A_346 = arith.constant 5120 : i32
        %add3A_347 = vector.broadcast %add3A_346 : i32 to vector<1x1024xi32>
        %add3A_348 = arith.addi %add3A_347, %iota3A_345 : vector<1x1024xi32>
        %ge3A = vector.broadcast %get3A_280 : vector<1x1024xf32> to vector<256x1024xf32>
        %ge3A_349 = vector.broadcast %get3A_225 : vector<256x1xf32> to vector<256x1024xf32>
        %ge3A_350 = arith.cmpf oge, %ge3A, %ge3A_349 : vector<256x1024xf32>
        %jit3A_351 = arith.constant 1.000000e+00 : f32
        %jit3A_352 = arith.constant 0.000000e+00 : f32
        %broadcast_in_dim3A_353 = vector.broadcast %jit3A_351 : f32 to vector<256x1024xf32>
        %broadcast_in_dim3A_354 = vector.broadcast %jit3A_352 : f32 to vector<256x1024xf32>
        %select_n3A_355 = arith.select %ge3A_350, %broadcast_in_dim3A_353, %broadcast_in_dim3A_354 : vector<256x1024xi1>, vector<256x1024xf32>
        %gt3A_356 = vector.broadcast %get3A_280 : vector<1x1024xf32> to vector<256x1024xf32>
        %gt3A_357 = vector.broadcast %get3A_225 : vector<256x1xf32> to vector<256x1024xf32>
        %gt3A_358 = arith.cmpf ogt, %gt3A_356, %gt3A_357 : vector<256x1024xf32>
        %jit3A_359 = arith.constant 1.000000e+00 : f32
        %jit3A_360 = arith.constant 0.000000e+00 : f32
        %broadcast_in_dim3A_361 = vector.broadcast %jit3A_359 : f32 to vector<256x1024xf32>
        %broadcast_in_dim3A_362 = vector.broadcast %jit3A_360 : f32 to vector<256x1024xf32>
        %select_n3A_363 = arith.select %gt3A_358, %broadcast_in_dim3A_361, %broadcast_in_dim3A_362 : vector<256x1024xi1>, vector<256x1024xf32>
        %lt3A_364 = vector.broadcast %add3A_348 : vector<1x1024xi32> to vector<256x1024xi32>
        %lt3A_365 = vector.broadcast %add3A_1 : vector<256x1xi32> to vector<256x1024xi32>
        %lt3A_366 = arith.cmpi slt, %lt3A_364, %lt3A_365 : vector<256x1024xi32>
        %select_n3A_367 = arith.select %lt3A_366, %select_n3A_355, %select_n3A_363 : vector<256x1024xi1>, vector<256x1024xf32>
        %reduce_sum3A = arith.constant dense<0.000000e+00> : vector<256xf32>
        %reduce_sum3A_368 = vector.multi_reduction <add>, %select_n3A_367, %reduce_sum3A [1] : vector<256x1024xf32> to vector<256xf32>
        %broadcast_in_dim3A_369 = vector.shape_cast %reduce_sum3A_368 : vector<256xf32> to vector<256x1xf32>
        scf.yield %broadcast_in_dim3A_369 : vector<256x1xf32>
      } else {
        %gt3A_345 = vector.broadcast %get3A_280 : vector<1x1024xf32> to vector<256x1024xf32>
        %gt3A_346 = vector.broadcast %get3A_225 : vector<256x1xf32> to vector<256x1024xf32>
        %gt3A_347 = arith.cmpf ogt, %gt3A_345, %gt3A_346 : vector<256x1024xf32>
        %jit3A_348 = arith.constant 1.000000e+00 : f32
        %jit3A_349 = arith.constant 0.000000e+00 : f32
        %broadcast_in_dim3A_350 = vector.broadcast %jit3A_348 : f32 to vector<256x1024xf32>
        %broadcast_in_dim3A_351 = vector.broadcast %jit3A_349 : f32 to vector<256x1024xf32>
        %select_n3A_352 = arith.select %gt3A_347, %broadcast_in_dim3A_350, %broadcast_in_dim3A_351 : vector<256x1024xi1>, vector<256x1024xf32>
        %reduce_sum3A = arith.constant dense<0.000000e+00> : vector<256xf32>
        %reduce_sum3A_353 = vector.multi_reduction <add>, %select_n3A_352, %reduce_sum3A [1] : vector<256x1024xf32> to vector<256xf32>
        %broadcast_in_dim3A_354 = vector.shape_cast %reduce_sum3A_353 : vector<256xf32> to vector<256x1xf32>
        scf.yield %broadcast_in_dim3A_354 : vector<256x1xf32>
      }
      scf.yield %cond3A_344 : vector<256x1xf32>
    }
    %add3A_287 = arith.addf %add3A_277, %cond3A_286 : vector<256x1xf32>
    %get3A_288 = arith.constant 2 : index
    %get3A_289 = arith.constant 6144 : index
    %get3A_290 = vector.load %arg2[%get3A_288, %get3A_289] : memref<8x10240xf32, #tpu.memory_space<vmem>>, vector<1x1024xf32>
    %gt3A_291 = arith.constant 6 : i32
    %gt3A_292 = arith.cmpi sgt, %select_n3A, %gt3A_291 : i32
    %convert_element_type3A_293 = arith.extui %gt3A_292 : i1 to i32
    %cond3A_294 = arith.constant 0 : i32
    %cond3A_295 = arith.cmpi ne, %convert_element_type3A_293, %cond3A_294 : i32
    %cond3A_296 = scf.if %cond3A_295 -> (vector<256x1xf32>) {
      %ge3A = vector.broadcast %get3A_290 : vector<1x1024xf32> to vector<256x1024xf32>
      %ge3A_340 = vector.broadcast %get3A_225 : vector<256x1xf32> to vector<256x1024xf32>
      %ge3A_341 = arith.cmpf oge, %ge3A, %ge3A_340 : vector<256x1024xf32>
      %jit3A_342 = arith.constant 1.000000e+00 : f32
      %jit3A_343 = arith.constant 0.000000e+00 : f32
      %broadcast_in_dim3A_344 = vector.broadcast %jit3A_342 : f32 to vector<256x1024xf32>
      %broadcast_in_dim3A_345 = vector.broadcast %jit3A_343 : f32 to vector<256x1024xf32>
      %select_n3A_346 = arith.select %ge3A_341, %broadcast_in_dim3A_344, %broadcast_in_dim3A_345 : vector<256x1024xi1>, vector<256x1024xf32>
      %reduce_sum3A = arith.constant dense<0.000000e+00> : vector<256xf32>
      %reduce_sum3A_347 = vector.multi_reduction <add>, %select_n3A_346, %reduce_sum3A [1] : vector<256x1024xf32> to vector<256xf32>
      %broadcast_in_dim3A_348 = vector.shape_cast %reduce_sum3A_347 : vector<256xf32> to vector<256x1xf32>
      scf.yield %broadcast_in_dim3A_348 : vector<256x1xf32>
    } else {
      %eq3A = arith.constant 6 : i32
      %eq3A_340 = arith.cmpi eq, %select_n3A, %eq3A : i32
      %convert_element_type3A_341 = arith.extui %eq3A_340 : i1 to i32
      %cond3A_342 = arith.constant 0 : i32
      %cond3A_343 = arith.cmpi ne, %convert_element_type3A_341, %cond3A_342 : i32
      %cond3A_344 = scf.if %cond3A_343 -> (vector<256x1xf32>) {
        %iota3A_345 = tpu.iota {dimensions = array<i32: 1>} : vector<1x1024xi32>
        %add3A_346 = arith.constant 6144 : i32
        %add3A_347 = vector.broadcast %add3A_346 : i32 to vector<1x1024xi32>
        %add3A_348 = arith.addi %add3A_347, %iota3A_345 : vector<1x1024xi32>
        %ge3A = vector.broadcast %get3A_290 : vector<1x1024xf32> to vector<256x1024xf32>
        %ge3A_349 = vector.broadcast %get3A_225 : vector<256x1xf32> to vector<256x1024xf32>
        %ge3A_350 = arith.cmpf oge, %ge3A, %ge3A_349 : vector<256x1024xf32>
        %jit3A_351 = arith.constant 1.000000e+00 : f32
        %jit3A_352 = arith.constant 0.000000e+00 : f32
        %broadcast_in_dim3A_353 = vector.broadcast %jit3A_351 : f32 to vector<256x1024xf32>
        %broadcast_in_dim3A_354 = vector.broadcast %jit3A_352 : f32 to vector<256x1024xf32>
        %select_n3A_355 = arith.select %ge3A_350, %broadcast_in_dim3A_353, %broadcast_in_dim3A_354 : vector<256x1024xi1>, vector<256x1024xf32>
        %gt3A_356 = vector.broadcast %get3A_290 : vector<1x1024xf32> to vector<256x1024xf32>
        %gt3A_357 = vector.broadcast %get3A_225 : vector<256x1xf32> to vector<256x1024xf32>
        %gt3A_358 = arith.cmpf ogt, %gt3A_356, %gt3A_357 : vector<256x1024xf32>
        %jit3A_359 = arith.constant 1.000000e+00 : f32
        %jit3A_360 = arith.constant 0.000000e+00 : f32
        %broadcast_in_dim3A_361 = vector.broadcast %jit3A_359 : f32 to vector<256x1024xf32>
        %broadcast_in_dim3A_362 = vector.broadcast %jit3A_360 : f32 to vector<256x1024xf32>
        %select_n3A_363 = arith.select %gt3A_358, %broadcast_in_dim3A_361, %broadcast_in_dim3A_362 : vector<256x1024xi1>, vector<256x1024xf32>
        %lt3A_364 = vector.broadcast %add3A_348 : vector<1x1024xi32> to vector<256x1024xi32>
        %lt3A_365 = vector.broadcast %add3A_1 : vector<256x1xi32> to vector<256x1024xi32>
        %lt3A_366 = arith.cmpi slt, %lt3A_364, %lt3A_365 : vector<256x1024xi32>
        %select_n3A_367 = arith.select %lt3A_366, %select_n3A_355, %select_n3A_363 : vector<256x1024xi1>, vector<256x1024xf32>
        %reduce_sum3A = arith.constant dense<0.000000e+00> : vector<256xf32>
        %reduce_sum3A_368 = vector.multi_reduction <add>, %select_n3A_367, %reduce_sum3A [1] : vector<256x1024xf32> to vector<256xf32>
        %broadcast_in_dim3A_369 = vector.shape_cast %reduce_sum3A_368 : vector<256xf32> to vector<256x1xf32>
        scf.yield %broadcast_in_dim3A_369 : vector<256x1xf32>
      } else {
        %gt3A_345 = vector.broadcast %get3A_290 : vector<1x1024xf32> to vector<256x1024xf32>
        %gt3A_346 = vector.broadcast %get3A_225 : vector<256x1xf32> to vector<256x1024xf32>
        %gt3A_347 = arith.cmpf ogt, %gt3A_345, %gt3A_346 : vector<256x1024xf32>
        %jit3A_348 = arith.constant 1.000000e+00 : f32
        %jit3A_349 = arith.constant 0.000000e+00 : f32
        %broadcast_in_dim3A_350 = vector.broadcast %jit3A_348 : f32 to vector<256x1024xf32>
        %broadcast_in_dim3A_351 = vector.broadcast %jit3A_349 : f32 to vector<256x1024xf32>
        %select_n3A_352 = arith.select %gt3A_347, %broadcast_in_dim3A_350, %broadcast_in_dim3A_351 : vector<256x1024xi1>, vector<256x1024xf32>
        %reduce_sum3A = arith.constant dense<0.000000e+00> : vector<256xf32>
        %reduce_sum3A_353 = vector.multi_reduction <add>, %select_n3A_352, %reduce_sum3A [1] : vector<256x1024xf32> to vector<256xf32>
        %broadcast_in_dim3A_354 = vector.shape_cast %reduce_sum3A_353 : vector<256xf32> to vector<256x1xf32>
        scf.yield %broadcast_in_dim3A_354 : vector<256x1xf32>
      }
      scf.yield %cond3A_344 : vector<256x1xf32>
    }
    %add3A_297 = arith.addf %add3A_287, %cond3A_296 : vector<256x1xf32>
    %get3A_298 = arith.constant 2 : index
    %get3A_299 = arith.constant 7168 : index
    %get3A_300 = vector.load %arg2[%get3A_298, %get3A_299] : memref<8x10240xf32, #tpu.memory_space<vmem>>, vector<1x1024xf32>
    %gt3A_301 = arith.constant 7 : i32
    %gt3A_302 = arith.cmpi sgt, %select_n3A, %gt3A_301 : i32
    %convert_element_type3A_303 = arith.extui %gt3A_302 : i1 to i32
    %cond3A_304 = arith.constant 0 : i32
    %cond3A_305 = arith.cmpi ne, %convert_element_type3A_303, %cond3A_304 : i32
    %cond3A_306 = scf.if %cond3A_305 -> (vector<256x1xf32>) {
      %ge3A = vector.broadcast %get3A_300 : vector<1x1024xf32> to vector<256x1024xf32>
      %ge3A_340 = vector.broadcast %get3A_225 : vector<256x1xf32> to vector<256x1024xf32>
      %ge3A_341 = arith.cmpf oge, %ge3A, %ge3A_340 : vector<256x1024xf32>
      %jit3A_342 = arith.constant 1.000000e+00 : f32
      %jit3A_343 = arith.constant 0.000000e+00 : f32
      %broadcast_in_dim3A_344 = vector.broadcast %jit3A_342 : f32 to vector<256x1024xf32>
      %broadcast_in_dim3A_345 = vector.broadcast %jit3A_343 : f32 to vector<256x1024xf32>
      %select_n3A_346 = arith.select %ge3A_341, %broadcast_in_dim3A_344, %broadcast_in_dim3A_345 : vector<256x1024xi1>, vector<256x1024xf32>
      %reduce_sum3A = arith.constant dense<0.000000e+00> : vector<256xf32>
      %reduce_sum3A_347 = vector.multi_reduction <add>, %select_n3A_346, %reduce_sum3A [1] : vector<256x1024xf32> to vector<256xf32>
      %broadcast_in_dim3A_348 = vector.shape_cast %reduce_sum3A_347 : vector<256xf32> to vector<256x1xf32>
      scf.yield %broadcast_in_dim3A_348 : vector<256x1xf32>
    } else {
      %eq3A = arith.constant 7 : i32
      %eq3A_340 = arith.cmpi eq, %select_n3A, %eq3A : i32
      %convert_element_type3A_341 = arith.extui %eq3A_340 : i1 to i32
      %cond3A_342 = arith.constant 0 : i32
      %cond3A_343 = arith.cmpi ne, %convert_element_type3A_341, %cond3A_342 : i32
      %cond3A_344 = scf.if %cond3A_343 -> (vector<256x1xf32>) {
        %iota3A_345 = tpu.iota {dimensions = array<i32: 1>} : vector<1x1024xi32>
        %add3A_346 = arith.constant 7168 : i32
        %add3A_347 = vector.broadcast %add3A_346 : i32 to vector<1x1024xi32>
        %add3A_348 = arith.addi %add3A_347, %iota3A_345 : vector<1x1024xi32>
        %ge3A = vector.broadcast %get3A_300 : vector<1x1024xf32> to vector<256x1024xf32>
        %ge3A_349 = vector.broadcast %get3A_225 : vector<256x1xf32> to vector<256x1024xf32>
        %ge3A_350 = arith.cmpf oge, %ge3A, %ge3A_349 : vector<256x1024xf32>
        %jit3A_351 = arith.constant 1.000000e+00 : f32
        %jit3A_352 = arith.constant 0.000000e+00 : f32
        %broadcast_in_dim3A_353 = vector.broadcast %jit3A_351 : f32 to vector<256x1024xf32>
        %broadcast_in_dim3A_354 = vector.broadcast %jit3A_352 : f32 to vector<256x1024xf32>
        %select_n3A_355 = arith.select %ge3A_350, %broadcast_in_dim3A_353, %broadcast_in_dim3A_354 : vector<256x1024xi1>, vector<256x1024xf32>
        %gt3A_356 = vector.broadcast %get3A_300 : vector<1x1024xf32> to vector<256x1024xf32>
        %gt3A_357 = vector.broadcast %get3A_225 : vector<256x1xf32> to vector<256x1024xf32>
        %gt3A_358 = arith.cmpf ogt, %gt3A_356, %gt3A_357 : vector<256x1024xf32>
        %jit3A_359 = arith.constant 1.000000e+00 : f32
        %jit3A_360 = arith.constant 0.000000e+00 : f32
        %broadcast_in_dim3A_361 = vector.broadcast %jit3A_359 : f32 to vector<256x1024xf32>
        %broadcast_in_dim3A_362 = vector.broadcast %jit3A_360 : f32 to vector<256x1024xf32>
        %select_n3A_363 = arith.select %gt3A_358, %broadcast_in_dim3A_361, %broadcast_in_dim3A_362 : vector<256x1024xi1>, vector<256x1024xf32>
        %lt3A_364 = vector.broadcast %add3A_348 : vector<1x1024xi32> to vector<256x1024xi32>
        %lt3A_365 = vector.broadcast %add3A_1 : vector<256x1xi32> to vector<256x1024xi32>
        %lt3A_366 = arith.cmpi slt, %lt3A_364, %lt3A_365 : vector<256x1024xi32>
        %select_n3A_367 = arith.select %lt3A_366, %select_n3A_355, %select_n3A_363 : vector<256x1024xi1>, vector<256x1024xf32>
        %reduce_sum3A = arith.constant dense<0.000000e+00> : vector<256xf32>
        %reduce_sum3A_368 = vector.multi_reduction <add>, %select_n3A_367, %reduce_sum3A [1] : vector<256x1024xf32> to vector<256xf32>
        %broadcast_in_dim3A_369 = vector.shape_cast %reduce_sum3A_368 : vector<256xf32> to vector<256x1xf32>
        scf.yield %broadcast_in_dim3A_369 : vector<256x1xf32>
      } else {
        %gt3A_345 = vector.broadcast %get3A_300 : vector<1x1024xf32> to vector<256x1024xf32>
        %gt3A_346 = vector.broadcast %get3A_225 : vector<256x1xf32> to vector<256x1024xf32>
        %gt3A_347 = arith.cmpf ogt, %gt3A_345, %gt3A_346 : vector<256x1024xf32>
        %jit3A_348 = arith.constant 1.000000e+00 : f32
        %jit3A_349 = arith.constant 0.000000e+00 : f32
        %broadcast_in_dim3A_350 = vector.broadcast %jit3A_348 : f32 to vector<256x1024xf32>
        %broadcast_in_dim3A_351 = vector.broadcast %jit3A_349 : f32 to vector<256x1024xf32>
        %select_n3A_352 = arith.select %gt3A_347, %broadcast_in_dim3A_350, %broadcast_in_dim3A_351 : vector<256x1024xi1>, vector<256x1024xf32>
        %reduce_sum3A = arith.constant dense<0.000000e+00> : vector<256xf32>
        %reduce_sum3A_353 = vector.multi_reduction <add>, %select_n3A_352, %reduce_sum3A [1] : vector<256x1024xf32> to vector<256xf32>
        %broadcast_in_dim3A_354 = vector.shape_cast %reduce_sum3A_353 : vector<256xf32> to vector<256x1xf32>
        scf.yield %broadcast_in_dim3A_354 : vector<256x1xf32>
      }
      scf.yield %cond3A_344 : vector<256x1xf32>
    }
    %add3A_307 = arith.addf %add3A_297, %cond3A_306 : vector<256x1xf32>
    %get3A_308 = arith.constant 2 : index
    %get3A_309 = arith.constant 8192 : index
    %get3A_310 = vector.load %arg2[%get3A_308, %get3A_309] : memref<8x10240xf32, #tpu.memory_space<vmem>>, vector<1x1024xf32>
    %gt3A_311 = arith.constant 8 : i32
    %gt3A_312 = arith.cmpi sgt, %select_n3A, %gt3A_311 : i32
    %convert_element_type3A_313 = arith.extui %gt3A_312 : i1 to i32
    %cond3A_314 = arith.constant 0 : i32
    %cond3A_315 = arith.cmpi ne, %convert_element_type3A_313, %cond3A_314 : i32
    %cond3A_316 = scf.if %cond3A_315 -> (vector<256x1xf32>) {
      %ge3A = vector.broadcast %get3A_310 : vector<1x1024xf32> to vector<256x1024xf32>
      %ge3A_340 = vector.broadcast %get3A_225 : vector<256x1xf32> to vector<256x1024xf32>
      %ge3A_341 = arith.cmpf oge, %ge3A, %ge3A_340 : vector<256x1024xf32>
      %jit3A_342 = arith.constant 1.000000e+00 : f32
      %jit3A_343 = arith.constant 0.000000e+00 : f32
      %broadcast_in_dim3A_344 = vector.broadcast %jit3A_342 : f32 to vector<256x1024xf32>
      %broadcast_in_dim3A_345 = vector.broadcast %jit3A_343 : f32 to vector<256x1024xf32>
      %select_n3A_346 = arith.select %ge3A_341, %broadcast_in_dim3A_344, %broadcast_in_dim3A_345 : vector<256x1024xi1>, vector<256x1024xf32>
      %reduce_sum3A = arith.constant dense<0.000000e+00> : vector<256xf32>
      %reduce_sum3A_347 = vector.multi_reduction <add>, %select_n3A_346, %reduce_sum3A [1] : vector<256x1024xf32> to vector<256xf32>
      %broadcast_in_dim3A_348 = vector.shape_cast %reduce_sum3A_347 : vector<256xf32> to vector<256x1xf32>
      scf.yield %broadcast_in_dim3A_348 : vector<256x1xf32>
    } else {
      %eq3A = arith.constant 8 : i32
      %eq3A_340 = arith.cmpi eq, %select_n3A, %eq3A : i32
      %convert_element_type3A_341 = arith.extui %eq3A_340 : i1 to i32
      %cond3A_342 = arith.constant 0 : i32
      %cond3A_343 = arith.cmpi ne, %convert_element_type3A_341, %cond3A_342 : i32
      %cond3A_344 = scf.if %cond3A_343 -> (vector<256x1xf32>) {
        %iota3A_345 = tpu.iota {dimensions = array<i32: 1>} : vector<1x1024xi32>
        %add3A_346 = arith.constant 8192 : i32
        %add3A_347 = vector.broadcast %add3A_346 : i32 to vector<1x1024xi32>
        %add3A_348 = arith.addi %add3A_347, %iota3A_345 : vector<1x1024xi32>
        %ge3A = vector.broadcast %get3A_310 : vector<1x1024xf32> to vector<256x1024xf32>
        %ge3A_349 = vector.broadcast %get3A_225 : vector<256x1xf32> to vector<256x1024xf32>
        %ge3A_350 = arith.cmpf oge, %ge3A, %ge3A_349 : vector<256x1024xf32>
        %jit3A_351 = arith.constant 1.000000e+00 : f32
        %jit3A_352 = arith.constant 0.000000e+00 : f32
        %broadcast_in_dim3A_353 = vector.broadcast %jit3A_351 : f32 to vector<256x1024xf32>
        %broadcast_in_dim3A_354 = vector.broadcast %jit3A_352 : f32 to vector<256x1024xf32>
        %select_n3A_355 = arith.select %ge3A_350, %broadcast_in_dim3A_353, %broadcast_in_dim3A_354 : vector<256x1024xi1>, vector<256x1024xf32>
        %gt3A_356 = vector.broadcast %get3A_310 : vector<1x1024xf32> to vector<256x1024xf32>
        %gt3A_357 = vector.broadcast %get3A_225 : vector<256x1xf32> to vector<256x1024xf32>
        %gt3A_358 = arith.cmpf ogt, %gt3A_356, %gt3A_357 : vector<256x1024xf32>
        %jit3A_359 = arith.constant 1.000000e+00 : f32
        %jit3A_360 = arith.constant 0.000000e+00 : f32
        %broadcast_in_dim3A_361 = vector.broadcast %jit3A_359 : f32 to vector<256x1024xf32>
        %broadcast_in_dim3A_362 = vector.broadcast %jit3A_360 : f32 to vector<256x1024xf32>
        %select_n3A_363 = arith.select %gt3A_358, %broadcast_in_dim3A_361, %broadcast_in_dim3A_362 : vector<256x1024xi1>, vector<256x1024xf32>
        %lt3A_364 = vector.broadcast %add3A_348 : vector<1x1024xi32> to vector<256x1024xi32>
        %lt3A_365 = vector.broadcast %add3A_1 : vector<256x1xi32> to vector<256x1024xi32>
        %lt3A_366 = arith.cmpi slt, %lt3A_364, %lt3A_365 : vector<256x1024xi32>
        %select_n3A_367 = arith.select %lt3A_366, %select_n3A_355, %select_n3A_363 : vector<256x1024xi1>, vector<256x1024xf32>
        %reduce_sum3A = arith.constant dense<0.000000e+00> : vector<256xf32>
        %reduce_sum3A_368 = vector.multi_reduction <add>, %select_n3A_367, %reduce_sum3A [1] : vector<256x1024xf32> to vector<256xf32>
        %broadcast_in_dim3A_369 = vector.shape_cast %reduce_sum3A_368 : vector<256xf32> to vector<256x1xf32>
        scf.yield %broadcast_in_dim3A_369 : vector<256x1xf32>
      } else {
        %gt3A_345 = vector.broadcast %get3A_310 : vector<1x1024xf32> to vector<256x1024xf32>
        %gt3A_346 = vector.broadcast %get3A_225 : vector<256x1xf32> to vector<256x1024xf32>
        %gt3A_347 = arith.cmpf ogt, %gt3A_345, %gt3A_346 : vector<256x1024xf32>
        %jit3A_348 = arith.constant 1.000000e+00 : f32
        %jit3A_349 = arith.constant 0.000000e+00 : f32
        %broadcast_in_dim3A_350 = vector.broadcast %jit3A_348 : f32 to vector<256x1024xf32>
        %broadcast_in_dim3A_351 = vector.broadcast %jit3A_349 : f32 to vector<256x1024xf32>
        %select_n3A_352 = arith.select %gt3A_347, %broadcast_in_dim3A_350, %broadcast_in_dim3A_351 : vector<256x1024xi1>, vector<256x1024xf32>
        %reduce_sum3A = arith.constant dense<0.000000e+00> : vector<256xf32>
        %reduce_sum3A_353 = vector.multi_reduction <add>, %select_n3A_352, %reduce_sum3A [1] : vector<256x1024xf32> to vector<256xf32>
        %broadcast_in_dim3A_354 = vector.shape_cast %reduce_sum3A_353 : vector<256xf32> to vector<256x1xf32>
        scf.yield %broadcast_in_dim3A_354 : vector<256x1xf32>
      }
      scf.yield %cond3A_344 : vector<256x1xf32>
    }
    %add3A_317 = arith.addf %add3A_307, %cond3A_316 : vector<256x1xf32>
    %get3A_318 = arith.constant 2 : index
    %get3A_319 = arith.constant 9216 : index
    %get3A_320 = vector.load %arg2[%get3A_318, %get3A_319] : memref<8x10240xf32, #tpu.memory_space<vmem>>, vector<1x1024xf32>
    %gt3A_321 = arith.constant 9 : i32
    %gt3A_322 = arith.cmpi sgt, %select_n3A, %gt3A_321 : i32
    %convert_element_type3A_323 = arith.extui %gt3A_322 : i1 to i32
    %cond3A_324 = arith.constant 0 : i32
    %cond3A_325 = arith.cmpi ne, %convert_element_type3A_323, %cond3A_324 : i32
    %cond3A_326 = scf.if %cond3A_325 -> (vector<256x1xf32>) {
      %ge3A = vector.broadcast %get3A_320 : vector<1x1024xf32> to vector<256x1024xf32>
      %ge3A_340 = vector.broadcast %get3A_225 : vector<256x1xf32> to vector<256x1024xf32>
      %ge3A_341 = arith.cmpf oge, %ge3A, %ge3A_340 : vector<256x1024xf32>
      %jit3A_342 = arith.constant 1.000000e+00 : f32
      %jit3A_343 = arith.constant 0.000000e+00 : f32
      %broadcast_in_dim3A_344 = vector.broadcast %jit3A_342 : f32 to vector<256x1024xf32>
      %broadcast_in_dim3A_345 = vector.broadcast %jit3A_343 : f32 to vector<256x1024xf32>
      %select_n3A_346 = arith.select %ge3A_341, %broadcast_in_dim3A_344, %broadcast_in_dim3A_345 : vector<256x1024xi1>, vector<256x1024xf32>
      %reduce_sum3A = arith.constant dense<0.000000e+00> : vector<256xf32>
      %reduce_sum3A_347 = vector.multi_reduction <add>, %select_n3A_346, %reduce_sum3A [1] : vector<256x1024xf32> to vector<256xf32>
      %broadcast_in_dim3A_348 = vector.shape_cast %reduce_sum3A_347 : vector<256xf32> to vector<256x1xf32>
      scf.yield %broadcast_in_dim3A_348 : vector<256x1xf32>
    } else {
      %eq3A = arith.constant 9 : i32
      %eq3A_340 = arith.cmpi eq, %select_n3A, %eq3A : i32
      %convert_element_type3A_341 = arith.extui %eq3A_340 : i1 to i32
      %cond3A_342 = arith.constant 0 : i32
      %cond3A_343 = arith.cmpi ne, %convert_element_type3A_341, %cond3A_342 : i32
      %cond3A_344 = scf.if %cond3A_343 -> (vector<256x1xf32>) {
        %iota3A_345 = tpu.iota {dimensions = array<i32: 1>} : vector<1x1024xi32>
        %add3A_346 = arith.constant 9216 : i32
        %add3A_347 = vector.broadcast %add3A_346 : i32 to vector<1x1024xi32>
        %add3A_348 = arith.addi %add3A_347, %iota3A_345 : vector<1x1024xi32>
        %ge3A = vector.broadcast %get3A_320 : vector<1x1024xf32> to vector<256x1024xf32>
        %ge3A_349 = vector.broadcast %get3A_225 : vector<256x1xf32> to vector<256x1024xf32>
        %ge3A_350 = arith.cmpf oge, %ge3A, %ge3A_349 : vector<256x1024xf32>
        %jit3A_351 = arith.constant 1.000000e+00 : f32
        %jit3A_352 = arith.constant 0.000000e+00 : f32
        %broadcast_in_dim3A_353 = vector.broadcast %jit3A_351 : f32 to vector<256x1024xf32>
        %broadcast_in_dim3A_354 = vector.broadcast %jit3A_352 : f32 to vector<256x1024xf32>
        %select_n3A_355 = arith.select %ge3A_350, %broadcast_in_dim3A_353, %broadcast_in_dim3A_354 : vector<256x1024xi1>, vector<256x1024xf32>
        %gt3A_356 = vector.broadcast %get3A_320 : vector<1x1024xf32> to vector<256x1024xf32>
        %gt3A_357 = vector.broadcast %get3A_225 : vector<256x1xf32> to vector<256x1024xf32>
        %gt3A_358 = arith.cmpf ogt, %gt3A_356, %gt3A_357 : vector<256x1024xf32>
        %jit3A_359 = arith.constant 1.000000e+00 : f32
        %jit3A_360 = arith.constant 0.000000e+00 : f32
        %broadcast_in_dim3A_361 = vector.broadcast %jit3A_359 : f32 to vector<256x1024xf32>
        %broadcast_in_dim3A_362 = vector.broadcast %jit3A_360 : f32 to vector<256x1024xf32>
        %select_n3A_363 = arith.select %gt3A_358, %broadcast_in_dim3A_361, %broadcast_in_dim3A_362 : vector<256x1024xi1>, vector<256x1024xf32>
        %lt3A_364 = vector.broadcast %add3A_348 : vector<1x1024xi32> to vector<256x1024xi32>
        %lt3A_365 = vector.broadcast %add3A_1 : vector<256x1xi32> to vector<256x1024xi32>
        %lt3A_366 = arith.cmpi slt, %lt3A_364, %lt3A_365 : vector<256x1024xi32>
        %select_n3A_367 = arith.select %lt3A_366, %select_n3A_355, %select_n3A_363 : vector<256x1024xi1>, vector<256x1024xf32>
        %reduce_sum3A = arith.constant dense<0.000000e+00> : vector<256xf32>
        %reduce_sum3A_368 = vector.multi_reduction <add>, %select_n3A_367, %reduce_sum3A [1] : vector<256x1024xf32> to vector<256xf32>
        %broadcast_in_dim3A_369 = vector.shape_cast %reduce_sum3A_368 : vector<256xf32> to vector<256x1xf32>
        scf.yield %broadcast_in_dim3A_369 : vector<256x1xf32>
      } else {
        %gt3A_345 = vector.broadcast %get3A_320 : vector<1x1024xf32> to vector<256x1024xf32>
        %gt3A_346 = vector.broadcast %get3A_225 : vector<256x1xf32> to vector<256x1024xf32>
        %gt3A_347 = arith.cmpf ogt, %gt3A_345, %gt3A_346 : vector<256x1024xf32>
        %jit3A_348 = arith.constant 1.000000e+00 : f32
        %jit3A_349 = arith.constant 0.000000e+00 : f32
        %broadcast_in_dim3A_350 = vector.broadcast %jit3A_348 : f32 to vector<256x1024xf32>
        %broadcast_in_dim3A_351 = vector.broadcast %jit3A_349 : f32 to vector<256x1024xf32>
        %select_n3A_352 = arith.select %gt3A_347, %broadcast_in_dim3A_350, %broadcast_in_dim3A_351 : vector<256x1024xi1>, vector<256x1024xf32>
        %reduce_sum3A = arith.constant dense<0.000000e+00> : vector<256xf32>
        %reduce_sum3A_353 = vector.multi_reduction <add>, %select_n3A_352, %reduce_sum3A [1] : vector<256x1024xf32> to vector<256xf32>
        %broadcast_in_dim3A_354 = vector.shape_cast %reduce_sum3A_353 : vector<256xf32> to vector<256x1xf32>
        scf.yield %broadcast_in_dim3A_354 : vector<256x1xf32>
      }
      scf.yield %cond3A_344 : vector<256x1xf32>
    }
    %add3A_327 = arith.addf %add3A_317, %cond3A_326 : vector<256x1xf32>
    %broadcast_in_dim3A_328 = arith.constant 0.000000e+00 : f32
    %broadcast_in_dim3A_329 = vector.broadcast %broadcast_in_dim3A_328 : f32 to vector<256x1xf32>
    %concatenate3A = tpu.concatenate %add3A_117, %add3A_222, %add3A_327, %broadcast_in_dim3A_329, %broadcast_in_dim3A_329, %broadcast_in_dim3A_329, %broadcast_in_dim3A_329, %broadcast_in_dim3A_329 in 1 : vector<256x1xf32>, vector<256x1xf32>, vector<256x1xf32>, vector<256x1xf32>, vector<256x1xf32>, vector<256x1xf32>, vector<256x1xf32>, vector<256x1xf32> -> vector<256x8xf32>
    %convert_element_type3A_330 = arith.fptosi %concatenate3A : vector<256x8xf32> to vector<256x8xi32>
    %lt3A = arith.constant 10000 : i32
    %lt3A_331 = vector.broadcast %lt3A : i32 to vector<256x1xi32>
    %lt3A_332 = arith.cmpi slt, %add3A_1, %lt3A_331 : vector<256x1xi32>
    %broadcast_in_dim3A_333 = vector.shape_cast %lt3A_332 : vector<256x1xi1> to vector<256x1xi1>
    %broadcast_in_dim3A_334 = vector.broadcast %broadcast_in_dim3A_333 : vector<256x1xi1> to vector<256x8xi1>
    %broadcast_in_dim3A_335 = vector.shape_cast %add3A_1 : vector<256x1xi32> to vector<256x1xi32>
    %broadcast_in_dim3A_336 = vector.broadcast %broadcast_in_dim3A_335 : vector<256x1xi32> to vector<256x8xi32>
    %select_n3A_337 = arith.select %broadcast_in_dim3A_334, %convert_element_type3A_330, %broadcast_in_dim3A_336 : vector<256x8xi1>, vector<256x8xi32>
    %swap3A = arith.constant 0 : index
    %swap3A_338 = arith.constant 0 : index
    %swap3A_339 = vector.load %arg3[%swap3A, %swap3A_338] : memref<256x8xi32, #tpu.memory_space<vmem>>, vector<256x8xi32>
    tpu.vector_store %arg3[%swap3A, %swap3A_338], %select_n3A_337 {strides = array<i32>} : memref<256x8xi32, #tpu.memory_space<vmem>>, vector<256x8xi32>,
    return
  }
  func.func @transform_0(%arg0: i32) -> (i32, i32) {
    %c0_i32 = arith.constant 0 : i32
    %c0_i32_0 = arith.constant 0 : i32
    return %arg0, %c0_i32 : i32, i32
  }
  func.func @transform_1(%arg0: i32) -> (i32, i32) {
    %c0_i32 = arith.constant 0 : i32
    %c0_i32_0 = arith.constant 0 : i32
    %c0_i32_1 = arith.constant 0 : i32
    return %c0_i32, %c0_i32_0 : i32, i32
  }
  func.func @transform_2(%arg0: i32) -> (i32, i32) {
    %c0_i32 = arith.constant 0 : i32
    %c0_i32_0 = arith.constant 0 : i32
    return %arg0, %c0_i32 : i32, i32
  }
}

module attributes {stable_mosaic.version = 14 : i64} {
  func.func @_mlp_body(%arg0: i32, %arg1: memref<256x256xf32, #tpu.memory_space<vmem>>, %arg2: memref<256x256xf32, #tpu.memory_space<vmem>>, %arg3: memref<256x256xf32, #tpu.memory_space<vmem>>, %arg4: memref<256x8xf32, #tpu.memory_space<vmem>>, %arg5: memref<256x512xf32, #tpu.memory_space<vmem>>, %arg6: memref<256x512xf32, #tpu.memory_space<vmem>>, %arg7: memref<256x512xf32, #tpu.memory_space<vmem>>, %arg8: memref<8x512xf32, #tpu.memory_space<vmem>>, %arg9: memref<512x512xf32, #tpu.memory_space<vmem>>, %arg10: memref<8x512xf32, #tpu.memory_space<vmem>>, %arg11: memref<256x512xf32, #tpu.memory_space<vmem>>) attributes {dimension_semantics = [#tpu.dimension_semantics<arbitrary>], iteration_bounds = array<i64: 20>, scalar_prefetch = 0 : i64, scratch_operands = 0 : i64, tpu.core_type = #tpu.core_type<tc>, window_params = [{transform_indices = @transform_0, window_bounds = array<i64: 256, 256>}, {transform_indices = @transform_1, window_bounds = array<i64: 256, 256>}, {transform_indices = @transform_2, window_bounds = array<i64: 256, 256>}, {transform_indices = @transform_3, window_bounds = array<i64: 256, 8>}, {pipeline_mode = #tpu.pipeline_mode<synchronous>, transform_indices = @transform_4, window_bounds = array<i64: 256, 512>}, {pipeline_mode = #tpu.pipeline_mode<synchronous>, transform_indices = @transform_5, window_bounds = array<i64: 256, 512>}, {pipeline_mode = #tpu.pipeline_mode<synchronous>, transform_indices = @transform_6, window_bounds = array<i64: 256, 512>}, {pipeline_mode = #tpu.pipeline_mode<synchronous>, transform_indices = @transform_7, window_bounds = array<i64: 8, 512>}, {pipeline_mode = #tpu.pipeline_mode<synchronous>, transform_indices = @transform_8, window_bounds = array<i64: 512, 512>}, {pipeline_mode = #tpu.pipeline_mode<synchronous>, transform_indices = @transform_9, window_bounds = array<i64: 8, 512>}, {transform_indices = @transform_10, window_bounds = array<i64: 256, 512>}]} {
    %get3A = arith.constant 0 : index
    %get3A_0 = arith.constant 0 : index
    %get3A_1 = vector.load %arg4[%get3A, %get3A_0] : memref<256x8xf32, #tpu.memory_space<vmem>>, vector<256x8xf32>
    %tanh3A = math.tanh %get3A_1 : vector<256x8xf32>
    %get3A_2 = arith.constant 0 : index
    %get3A_3 = arith.constant 0 : index
    %get3A_4 = vector.load %arg1[%get3A_2, %get3A_3] : memref<256x256xf32, #tpu.memory_space<vmem>>, vector<256x256xf32>
    %slice3A = vector.extract_strided_slice %tanh3A {offsets = [0, 0], sizes = [256, 1], strides = [1, 1]} : vector<256x8xf32> to vector<256x1xf32>
    %mul3A = vector.broadcast %slice3A : vector<256x1xf32> to vector<256x256xf32>
    %mul3A_5 = arith.mulf %get3A_4, %mul3A : vector<256x256xf32>
    %get3A_6 = arith.constant 0 : index
    %get3A_7 = arith.constant 0 : index
    %get3A_8 = vector.load %arg5[%get3A_6, %get3A_7] : memref<256x512xf32, #tpu.memory_space<vmem>>, vector<256x512xf32>
    %dot_general3A = arith.constant dense<0.000000e+00> : vector<256x512xf32>
    %dot_general3A_9 = tpu.matmul %mul3A_5, %get3A_8, %dot_general3A {dimension_numbers = #tpu.dot_dimension_numbers<[1], [0], [0], [1], [0, 0, 1, 1], [], []>, transpose_lhs_hint = false} : vector<256x256xf32>, vector<256x512xf32>, vector<256x512xf32> -> vector<256x512xf32>
    %get3A_10 = arith.constant 0 : index
    %get3A_11 = arith.constant 0 : index
    %get3A_12 = vector.load %arg2[%get3A_10, %get3A_11] : memref<256x256xf32, #tpu.memory_space<vmem>>, vector<256x256xf32>
    %slice3A_13 = vector.extract_strided_slice %tanh3A {offsets = [0, 1], sizes = [256, 1], strides = [1, 1]} : vector<256x8xf32> to vector<256x1xf32>
    %mul3A_14 = vector.broadcast %slice3A_13 : vector<256x1xf32> to vector<256x256xf32>
    %mul3A_15 = arith.mulf %get3A_12, %mul3A_14 : vector<256x256xf32>
    %get3A_16 = arith.constant 0 : index
    %get3A_17 = arith.constant 0 : index
    %get3A_18 = vector.load %arg6[%get3A_16, %get3A_17] : memref<256x512xf32, #tpu.memory_space<vmem>>, vector<256x512xf32>
    %dot_general3A_19 = arith.constant dense<0.000000e+00> : vector<256x512xf32>
    %dot_general3A_20 = tpu.matmul %mul3A_15, %get3A_18, %dot_general3A_19 {dimension_numbers = #tpu.dot_dimension_numbers<[1], [0], [0], [1], [0, 0, 1, 1], [], []>, transpose_lhs_hint = false} : vector<256x256xf32>, vector<256x512xf32>, vector<256x512xf32> -> vector<256x512xf32>
    %add3A = arith.addf %dot_general3A_9, %dot_general3A_20 : vector<256x512xf32>
    %get3A_21 = arith.constant 0 : index
    %get3A_22 = arith.constant 0 : index
    %get3A_23 = vector.load %arg3[%get3A_21, %get3A_22] : memref<256x256xf32, #tpu.memory_space<vmem>>, vector<256x256xf32>
    %slice3A_24 = vector.extract_strided_slice %tanh3A {offsets = [0, 2], sizes = [256, 1], strides = [1, 1]} : vector<256x8xf32> to vector<256x1xf32>
    %mul3A_25 = vector.broadcast %slice3A_24 : vector<256x1xf32> to vector<256x256xf32>
    %mul3A_26 = arith.mulf %get3A_23, %mul3A_25 : vector<256x256xf32>
    %get3A_27 = arith.constant 0 : index
    %get3A_28 = arith.constant 0 : index
    %get3A_29 = vector.load %arg7[%get3A_27, %get3A_28] : memref<256x512xf32, #tpu.memory_space<vmem>>, vector<256x512xf32>
    %dot_general3A_30 = arith.constant dense<0.000000e+00> : vector<256x512xf32>
    %dot_general3A_31 = tpu.matmul %mul3A_26, %get3A_29, %dot_general3A_30 {dimension_numbers = #tpu.dot_dimension_numbers<[1], [0], [0], [1], [0, 0, 1, 1], [], []>, transpose_lhs_hint = false} : vector<256x256xf32>, vector<256x512xf32>, vector<256x512xf32> -> vector<256x512xf32>
    %add3A_32 = arith.addf %add3A, %dot_general3A_31 : vector<256x512xf32>
    %get3A_33 = arith.constant 0 : index
    %get3A_34 = arith.constant 0 : index
    %get3A_35 = vector.load %arg8[%get3A_33, %get3A_34] : memref<8x512xf32, #tpu.memory_space<vmem>>, vector<1x512xf32>
    %add3A_36 = vector.broadcast %get3A_35 : vector<1x512xf32> to vector<256x512xf32>
    %add3A_37 = arith.addf %add3A_32, %add3A_36 : vector<256x512xf32>
    %max3A = arith.constant 0.000000e+00 : f32
    %max3A_38 = vector.broadcast %max3A : f32 to vector<256x512xf32>
    %max3A_39 = arith.maximumf %add3A_37, %max3A_38 : vector<256x512xf32>
    %get3A_40 = arith.constant 0 : index
    %get3A_41 = arith.constant 0 : index
    %get3A_42 = vector.load %arg9[%get3A_40, %get3A_41] : memref<512x512xf32, #tpu.memory_space<vmem>>, vector<512x512xf32>
    %dot_general3A_43 = arith.constant dense<0.000000e+00> : vector<256x512xf32>
    %dot_general3A_44 = tpu.matmul %max3A_39, %get3A_42, %dot_general3A_43 {dimension_numbers = #tpu.dot_dimension_numbers<[1], [0], [0], [1], [0, 0, 1, 1], [], []>, transpose_lhs_hint = false} : vector<256x512xf32>, vector<512x512xf32>, vector<256x512xf32> -> vector<256x512xf32>
    %get3A_45 = arith.constant 0 : index
    %get3A_46 = arith.constant 0 : index
    %get3A_47 = vector.load %arg10[%get3A_45, %get3A_46] : memref<8x512xf32, #tpu.memory_space<vmem>>, vector<1x512xf32>
    %add3A_48 = vector.broadcast %get3A_47 : vector<1x512xf32> to vector<256x512xf32>
    %add3A_49 = arith.addf %dot_general3A_44, %add3A_48 : vector<256x512xf32>
    %swap3A = arith.constant 0 : index
    %swap3A_50 = arith.constant 0 : index
    %swap3A_51 = vector.load %arg11[%swap3A, %swap3A_50] : memref<256x512xf32, #tpu.memory_space<vmem>>, vector<256x512xf32>
    tpu.vector_store %arg11[%swap3A, %swap3A_50], %add3A_49 {strides = array<i32>} : memref<256x512xf32, #tpu.memory_space<vmem>>, vector<256x512xf32>,
    return
  }
  func.func @transform_0(%arg0: i32) -> (i32, i32) {
    %c0_i32 = arith.constant 0 : i32
    %c0_i32_0 = arith.constant 0 : i32
    return %arg0, %c0_i32 : i32, i32
  }
  func.func @transform_1(%arg0: i32) -> (i32, i32) {
    %c0_i32 = arith.constant 0 : i32
    %c0_i32_0 = arith.constant 0 : i32
    return %arg0, %c0_i32 : i32, i32
  }
  func.func @transform_2(%arg0: i32) -> (i32, i32) {
    %c0_i32 = arith.constant 0 : i32
    %c0_i32_0 = arith.constant 0 : i32
    return %arg0, %c0_i32 : i32, i32
  }
  func.func @transform_3(%arg0: i32) -> (i32, i32) {
    %c0_i32 = arith.constant 0 : i32
    %c0_i32_0 = arith.constant 0 : i32
    return %arg0, %c0_i32 : i32, i32
  }
  func.func @transform_4(%arg0: i32) -> (i32, i32) {
    %c0_i32 = arith.constant 0 : i32
    %c0_i32_0 = arith.constant 0 : i32
    %c0_i32_1 = arith.constant 0 : i32
    return %c0_i32, %c0_i32_0 : i32, i32
  }
  func.func @transform_5(%arg0: i32) -> (i32, i32) {
    %c0_i32 = arith.constant 0 : i32
    %c0_i32_0 = arith.constant 0 : i32
    %c0_i32_1 = arith.constant 0 : i32
    return %c0_i32, %c0_i32_0 : i32, i32
  }
  func.func @transform_6(%arg0: i32) -> (i32, i32) {
    %c0_i32 = arith.constant 0 : i32
    %c0_i32_0 = arith.constant 0 : i32
    %c0_i32_1 = arith.constant 0 : i32
    return %c0_i32, %c0_i32_0 : i32, i32
  }
  func.func @transform_7(%arg0: i32) -> (i32, i32) {
    %c0_i32 = arith.constant 0 : i32
    %c0_i32_0 = arith.constant 0 : i32
    %c0_i32_1 = arith.constant 0 : i32
    return %c0_i32, %c0_i32_0 : i32, i32
  }
  func.func @transform_8(%arg0: i32) -> (i32, i32) {
    %c0_i32 = arith.constant 0 : i32
    %c0_i32_0 = arith.constant 0 : i32
    %c0_i32_1 = arith.constant 0 : i32
    return %c0_i32, %c0_i32_0 : i32, i32
  }
  func.func @transform_9(%arg0: i32) -> (i32, i32) {
    %c0_i32 = arith.constant 0 : i32
    %c0_i32_0 = arith.constant 0 : i32
    %c0_i32_1 = arith.constant 0 : i32
    return %c0_i32, %c0_i32_0 : i32, i32
  }
  func.func @transform_10(%arg0: i32) -> (i32, i32) {
    %c0_i32 = arith.constant 0 : i32
    %c0_i32_0 = arith.constant 0 : i32
    return %arg0, %c0_i32 : i32, i32
  }
}

</mosaic_0001>

<sc_bundles>
// kernel: kernel.6.cloned.1.call-start
scs
__scs_entry_jumppad:
0x0: {  	(pc) =	sbr.rel $0x88, $3  }
0x1: {  	(tag) =	ssettag $0x0;
	lr =	simm.s32 $0x1  }
0x2: {  	[smem:$0x3F97] =	sst lr;
	_ =	strace $0xD0000000  }
0x3: {  	_ = 	snop  }
0x4: {  	_ = 	snop  }
0x5: {  	_ = 	snop  }
0x6: {  	_ = 	snop  }
0x7: {  	_ = 	snop  }
__scs_overlays_trampoline_lowered:
0x8: {  	[smem:$0x3FA6] =	sst s0  }
0x9: {  	[smem:$0x3FA7] =	sst s1  }
0xa: {  	[smem:$0x3FA8] =	sst s2  }
0xb: {  	[smem:$0x3FA9] =	sst s3  }
0xc: {  	[smem:$0x3FAA] =	sst s4  }
0xd: {  	[smem:$0x3FAB] =	sst s5  }
0xe: {  	[smem:$0x3FAC] =	sst s6  }
0xf: {  	[smem:$0x3FAD] =	sst s7  }
0x10: {  	[smem:$0x3FAE] =	sst s8  }
0x11: {  	[smem:$0x3FAF] =	sst s9;
	s0 =	simm.s32 @!p0 $0x0  }
0x12: {  	s1 =	sld [smem:$0x3F95];
	s0 =	simm.s32 @p0 $0x1  }
0x13: {  	[smem:$0x3FB0] =	sst s0;
	s0 =	simm.s32 @!p1 $0x0  }
0x14: {  	s2 =	sld [smem:$0x3F94];
	s0 =	simm.s32 @p1 $0x1  }
0x15: {  	[smem:$0x3FB1] =	sst s0;
	s0 =	simm.s32 @!p2 $0x0  }
0x16: {  	s3 =	sld [smem:$0x3FDB];
	s0 =	simm.s32 @p2 $0x1  }
0x17: {  	s4 =	simm.s32 $0x1BF5;
	[smem:$0x3FB3] =	sst s0  }
0x18: {  	s0 =	sld [smem:$0x3F96];
	_ =	swait.ge [sflag:s4], $0x0  }
0x19: {  	s7 =	sld [smem:$0x3F97]  }
0x1a: {  	s8 =	sadd.s32 $0xFFFFE003, lr  }
0x1b: {  	s9 =	sadd.s32 $0xFFFFFEF7, lr;
	s5 =	simm.s32 $0xFFFFFFFF;
	p2 =	slt.u32 s8, $0xFFFFF086  }
0x1c: {  	p1 =	slt.u32 s9, $0xF7A;
	s5 =	simm.s32 @!p2 $0x0  }
0x1d: {  	s5 =	simm.s32 @p1 $0x1;
	p0 =	seq.s32 s7, s2  }
0x1e: {  	s7 =	smul.u32 @!p0 $0xF7A, s2;
	p2 =	seq.s32 @!p0 s5, $0x0  }
0x1f: {  	s9 =	smul.u32 $0xF7A, s1;
	s8 =	simm.s32 @!p0 $0x1BF5;
	p2 =	por !p2, p0  }
0x20: {  	[sflag:s8] =	ssyncset.s32 @!p0 $0xFFFFF086;
	s6 =	sadd.s32 @!p0 s3, s7;
	s7 =	simm.s32 @!p0 $0x108  }
0x21: {  	s3 =	sadd.s32 s3, s9;
	s6 =	sadd.s32 @!p0 $0x88, s6;
	s7 =	simm.s32 @p2 $0x1082  }
0x22: {  	[simem:s7], [sflag:s8] =	dma.local @!p0 [hbm:s6], $0xF7A  }
0x23: {  	s9 =	sor.u32 $0xD0000000, s2;
	s6 =	simm.s32 $0x108;
	_ =	swait.ge @!p0 [sflag:s8], $0x0  }
0x24: {  	s3 =	sadd.s32 $0x88, s3;
	s6 =	simm.s32 @!p1 $0x1082;
	[sflag:s4] =	ssyncset.s32 $0xFFFFF086  }
0x25: {  	[simem:s6], [sflag:s4] =	dma.local [hbm:s3], $0xF7A  }
0x26: {  	[smem:$0x3F97] =	sst s1;
	(tag) =	ssettag s2;
	_ =	strace s9  }
0x27: {  	s1 =	sld [smem:$0x3FA7]  }
0x28: {  	s2 =	sld [smem:$0x3FA8]  }
0x29: {  	s4 =	sld [smem:$0x3FAA]  }
0x2a: {  	p0 =	seq.s32 s5, $0x0;
	s5 =	sld [smem:$0x3FAB]  }
0x2b: {  	s6 =	sld [smem:$0x3FAC]  }
0x2c: {  	s7 =	sld [smem:$0x3FAD]  }
0x2d: {  	s3 =	simm.s32 $0x108;
	s8 =	sld [smem:$0x3FAE]  }
0x2e: {  	s3 =	simm.s32 @!p0 $0x1082;
	s9 =	sld [smem:$0x3FAF]  }
0x2f: {  	lr =	sadd.s32 s0, s3;
	s0 =	sld [smem:$0x3FA6]  }
0x30: {  	s3 =	sld [smem:$0x3FA9]  }
0x31: {  	[smem:$0x3FB2] =	sst s10  }
0x32: {  	s10 =	sld [smem:$0x3FB0];
	_ =	sdelay $0x3  }
0x33: {  	p0 =	seq.s32 s10, $0x1;
	s10 =	sld [smem:$0x3FB2];
	_ =	sdelay $0x3  }
0x34: {  	[smem:$0x3FB2] =	sst s10  }
0x35: {  	s10 =	sld [smem:$0x3FB1];
	_ =	sdelay $0x3  }
0x36: {  	p1 =	seq.s32 s10, $0x1;
	s10 =	sld [smem:$0x3FB2];
	_ =	sdelay $0x3  }
0x37: {  	[smem:$0x3FB2] =	sst s10  }
0x38: {  	s10 =	sld [smem:$0x3FB3]  }
0x39: {  	_ = 	snop;
	(pc) =	sbr.ind lr, $3  }
0x3a: {  	_ = 	snop  }
0x3b: {  	_ = 	snop  }
0x3c: {  	p2 =	seq.s32 s10, $0x1;
	s10 =	sld [smem:$0x3FB2]  }
0x3d: {  	_ =	shalt  }
0x3e: {  	_ =	shalt  }
0x3f: {  	_ =	shalt  }
0x40: {  	_ =	shalt  }
0x41: {  	_ =	shalt  }
0x42: {  	_ =	shalt  }
0x43: {  	_ =	shalt  }
0x44: {  	_ =	shalt  }
0x45: {  	_ =	shalt  }
0x46: {  	_ =	shalt  }
0x47: {  	_ =	shalt  }
0x48: {  	_ =	shalt  }
0x49: {  	_ =	shalt  }
0x4a: {  	_ =	shalt  }
0x4b: {  	_ =	shalt  }
0x4c: {  	_ =	shalt  }
0x4d: {  	_ =	shalt  }
0x4e: {  	_ =	shalt  }
0x4f: {  	_ =	shalt  }
0x50: {  	_ =	shalt  }
0x51: {  	_ =	shalt  }
0x52: {  	_ =	shalt  }
0x53: {  	_ =	shalt  }
0x54: {  	_ =	shalt  }
0x55: {  	_ =	shalt  }
0x56: {  	_ =	shalt  }
0x57: {  	_ =	shalt  }
0x58: {  	_ =	shalt  }
0x59: {  	_ =	shalt  }
0x5a: {  	_ =	shalt  }
0x5b: {  	_ =	shalt  }
0x5c: {  	_ =	shalt  }
0x5d: {  	_ =	shalt  }
0x5e: {  	_ =	shalt  }
0x5f: {  	_ =	shalt  }
0x60: {  	_ =	shalt  }
0x61: {  	_ =	shalt  }
0x62: {  	_ =	shalt  }
0x63: {  	_ =	shalt  }
0x64: {  	_ =	shalt  }
0x65: {  	_ =	shalt  }
0x66: {  	_ =	shalt  }
0x67: {  	_ =	shalt  }
0x68: {  	_ =	shalt  }
0x69: {  	_ =	shalt  }
0x6a: {  	_ =	shalt  }
0x6b: {  	_ =	shalt  }
0x6c: {  	_ =	shalt  }
0x6d: {  	_ =	shalt  }
0x6e: {  	_ =	shalt  }
0x6f: {  	_ =	shalt  }
0x70: {  	_ =	shalt  }
0x71: {  	_ =	shalt  }
0x72: {  	_ =	shalt  }
0x73: {  	_ =	shalt  }
0x74: {  	_ =	shalt  }
0x75: {  	_ =	shalt  }
0x76: {  	_ =	shalt  }
0x77: {  	_ =	shalt  }
0x78: {  	_ =	shalt  }
0x79: {  	_ =	shalt  }
0x7a: {  	_ =	shalt  }
0x7b: {  	_ =	shalt  }
0x7c: {  	_ =	shalt  }
0x7d: {  	_ =	shalt  }
0x7e: {  	_ =	shalt  }
0x7f: {  	_ =	shalt  }
0x80: {  	_ =	shalt  }
0x81: {  	_ =	shalt  }
0x82: {  	_ =	shalt  }
0x83: {  	_ =	shalt  }
0x84: {  	_ =	shalt  }
0x85: {  	_ =	shalt  }
0x86: {  	_ =	shalt  }
0x87: {  	_ =	shalt  }
.Lfunc_end0:
.L_simem_size_0:
called_computation_lowered:
.L_overlay_start_0:
0x88: {  	s2 =	sld [smem:$0x3FD9]  }
0x89: {  	s3 =	sld [smem:$0x3FFE];
	_ =	sdelay $0x1  }
0x8a: {  	s1 =	srdreg.scid  }
0x8b: {  	s0 =	sand.u32 $0x1, s1  }
0x8c: {  	s14 =	sshll.u32 s0, $0xA;
	s2 =	sadd.s32 s3, s2  }
0x8d: {  	s2 =	sadd.s32 s2, s14  }
0x8e: {  	[smem:$0x3FBE] =	sst s2  }
0x8f: {  	_ = 	snop  }
0x90: {  	s2 =	sld [smem:$0x3FD0];
	_ =	sdelay $0x2  }
0x91: {  	s15 =	simm.s32 $0xA;
	s4 =	simm.s32 $0x10  }
0x92: {  	[smem:s4], [sflag:s15] =	dma.local [hbm:s2], $0x1  }
0x93: {  	_ =	swait.eq [sflag:s15], $0x1  }
0x94: {  	s16 =	sld [smem:$0x10];
	[sflag:s15] =	ssyncset.done $0x0  }
0x95: {  	s17 =	sld [smem:$0x11];
	[sflag:s15] =	ssyncadd.s32 $0xFFFFFFFF  }
0x96: {  	s18 =	sld [smem:$0x12];
	(tm) =	ssettm $0x1  }
0x97: {  	s5 =	sld [smem:$0x3FFB];
	_ =	sdelay $0x3  }
0x98: {  	_ =	strace s5  }
0x99: {  	s5 =	sld [smem:$0x3FFC];
	_ =	sdelay $0x3  }
0x9a: {  	_ =	strace s5  }
0x9b: {  	s5 =	sld [smem:$0x3FFD];
	_ =	sdelay $0x3  }
0x9c: {  	_ =	strace s5  }
0x9d: {  	_ =	strace $0x8FFFFFFF  }
0x9e: {  	s19 =	sld [smem:$0x3FDB];
	_ =	sdelay $0x1  }
0x9f: {  	s6 =	simm.s32 $_scs_section_size  }
0xa0: {  	s7 =	simm.s32 $_size__tile_overlayer_lowered;
	s8 =	simm.s32 $_tile_overlayer_lowered  }
0xa1: {  	s22 =	simm.s32 $0x1BFF;
	s21 =	sshll.u32 s8, $0x1;
	s5 =	sadd.s32 s6, s19  }
0xa2: {  	s9 =	simm.s32 $0x0;
	s20 =	sshll.u32 s7, $0x1;
	s7 =	sadd.s32 s21, s5  }
0xa3: {  	[timem:s9], [sflag:s22] =	dma.local [hbm:s7], s20  }
0xa4: {  	_ =	swait.ge [sflag:s22], s20  }
0xa5: {  	s6 =	ssub.s32 $0x0, s20;
	[sflag:s22] =	ssyncset.done $0x0  }
0xa6: {  	[sflag:s22] =	ssyncadd.s32 s6;
	_ =	sdelay $0x1  }
0xa7: {  	s23 =	simm.s32 $0x1B8B  }
0xa8: {  	_ =	swait.ge [sflag:s23], $0x1  }
0xa9: {  	[sflag:s23] =	ssyncset.done $0x0  }
0xaa: {  	s25 =	simm.s32 $0x1B8E;
	s24 =	sld [smem:$0x3FFE];
	[sflag:s23] =	ssyncadd.s32 $0xFFFFFFFF  }
0xab: {  	s26 =	simm.s32 $execute0_lowered;
	[smem:$0x3FD2] =	sst s25  }
0xac: {  	s7 =	sshll.u32 s26, $0x1;
	_ =	strace $0x80000046;
	[dreg:$0x1] =	wrdreg $0xFFFFFFFF  }
0xad: {  	s28 =	simm.s32 $_size_execute0_lowered;
	s5 =	sadd.s32 s5, s7;
	[dreg:$0x0] =	wrdreg $0x0  }
0xae: {  	s7 =	sshll.u32 s28, $0x1;
	[dreg:$0x2] =	wrdreg s5  }
0xaf: {  	[dreg:$0x3] =	wrdreg s7  }
0xb0: {  	[dreg:$0x4] =	wrdreg $0xC0  }
0xb1: {  	_ =	task [dreg:s9], $0x5FFFF  }
0xb2: {  	[dreg:$0x1] =	wrdreg $0xFFFFFFFF  }
0xb3: {  	[dreg:$0x0] =	wrdreg $0x60  }
0xb4: {  	[dreg:$0x2] =	wrdreg s16  }
0xb5: {  	[dreg:$0x3] =	wrdreg s17  }
0xb6: {  	[dreg:$0x4] =	wrdreg s18  }
0xb7: {  	[dreg:$0x5] =	wrdreg s24  }
0xb8: {  	[dreg:$0x6] =	wrdreg $0x9  }
0xb9: {  	_ =	task.clear_ibuf [dreg:s9], $0x7FFFF;
	_ =	strace $0x90000046  }
0xba: {  	s29 =	simm.s32 $0x9;
	_ =	strace $0x80000048  }
0xbb: {  	_ =	swait.ge [sflag:s29], $0x1  }
0xbc: {  	[sflag:s29] =	ssyncadd.s32 $0xFFFFFFFF  }
0xbd: {  	_ =	strace $0x90000048  }
0xbe: {  	_ =	sfence  }
0xbf: {  	s30 =	sld [smem:$0x0];
	_ =	sdelay $0x2  }
0xc0: {  	s31 =	sshll.u32 s1, $0xD;
	s1 =	sshrl.u32 s1, $0x2  }
0xc1: {  	s3 =	sand.u32 $0x4000, s31;
	s1 =	sadd.s32 s1, s30  }
0xc2: {  	s0 =	sor.u32 s3, s0;
	s1 =	sshll.u32 s1, $0x11  }
0xc3: {  	s0 =	sor.u32 s1, s0  }
0xc4: {  	s0 =	sadd.s32 $0x8F2B, s0  }
0xc5: {  	[sflag:s0] =	ssyncadd.remote.s32 $0x1  }
0xc6: {  	_ =	sfence.sel $0xFFFF  }
0xc7: {  	[dreg:$0x0] =	wrdreg $0xFFFFFFFF;
	(pc) =	sbr.abs _section_cstart, $3  }
0xc8: {  	[dreg:$0x1] =	wrdreg $0xFFFFFFFF  }
0xc9: {  	_ =	task.clear_ibuf [dreg:s9], $0x2FFFF;
	_ =	strace $0x9FFFFFFF  }
0xca: {  	(tm) =	ssettm $0x7FFFFFFF  }
0xcb: {  	_ =	shalt  }
tec
execute0_lowered:
.L_overlay_start_1:
0x0: {  	(tag) =	ssettag $0x1  }
0x1: {  	s1 =	srdreg.scid;
	s2 =	stileid.u32  }
0x2: {  	s0 =	rddreg [dreg:$0x0];
	s5 =	sand.u32 $0x1, s1;
	s2 =	sshll.u32 s2, $0x1  }
0x3: {  	s4 =	rddreg [dreg:$0x1];
	s2 =	sor.u32 s5, s2  }
0x4: {  	s6 =	rddreg [dreg:$0x3];
	p0 =	por $0x0, $0x0;
	s3 =	smul.u32 $0x140, s2  }
0x5: {  	s1 =	rddreg [dreg:$0x2];
	s7 =	sadd.s32 $0x1600, s6;
	s18 =	sadd.s32 $0x400, s6  }
0x6: {  	s26 =	sadd.s32 $0xA00, s6;
	s2 =	simm.s32 $0x0;
	s8 =	sshrl.u32 s3, $0x3  }
0x7: {  	s12 =	sadd.s32 $0x1000, s6;
	[smem:$0x7FF] =	sst s2;
	s3 =	sadd.s32 s7, s8  }
0x8: {  	_ =	strace $0x80000047;
	s19 =	sadd.s32 s0, s8;
	[dreg:$0x5] =	wrdreg s3  }
0x9: {  	s30 =	sadd.s32 $0x2E00, s6;
	s20 =	sadd.s32 s18, s8;
	[dreg:$0x9] =	wrdreg s19  }
0xa: {  	s9 =	sadd.s32 $0xA, s8;
	s13 =	sadd.s32 s26, s8;
	[dreg:$0xa] =	wrdreg s20  }
0xb: {  	s10 =	sadd.s32 $0x14, s8;
	s15 =	sadd.s32 s7, s9;
	[dreg:$0x12] =	wrdreg s13  }
0xc: {  	s11 =	sadd.s32 $0x1E, s8;
	s16 =	sadd.s32 s7, s10;
	[dreg:$0x6] =	wrdreg s15  }
0xd: {  	s28 =	sadd.s32 $0x3400, s6;
	s17 =	sadd.s32 s7, s11;
	[dreg:$0x7] =	wrdreg s16  }
0xe: {  	s31 =	sadd.s32 $0x2800, s6;
	s21 =	sadd.s32 s0, s9;
	[dreg:$0x8] =	wrdreg s17  }
0xf: {  	s29 =	sadd.s32 $0x1C00, s6;
	s22 =	sadd.s32 s18, s9;
	[dreg:$0xb] =	wrdreg s21  }
0x10: {  	s5 =	ssub.s32 $0x2, s5;
	s23 =	sadd.s32 s0, s10;
	[dreg:$0xc] =	wrdreg s22  }
0x11: {  	s24 =	sadd.s32 s18, s10;
	s0 =	sadd.s32 s0, s11;
	[dreg:$0xd] =	wrdreg s23  }
0x12: {  	s25 =	sadd.s32 s18, s11;
	s3 =	sadd.s32 s4, s8;
	[dreg:$0xe] =	wrdreg s24  }
0x13: {  	s14 =	sadd.s32 s4, s9;
	s18 =	sadd.s32 s4, s11;
	[dreg:$0xf] =	wrdreg s0  }
0x14: {  	s19 =	sadd.s32 s26, s11;
	s20 =	sshrl.u32 s5, $0x1;
	[dreg:$0x10] =	wrdreg s25  }
0x15: {  	s7 =	simm.s32 $0x380;
	s13 =	simm.s32 $0x80;
	[dreg:$0x11] =	wrdreg s3  }
0x16: {  	[dreg:$0x13] =	wrdreg s14;
	s15 =	sadd.s32 s26, s9;
	s3 =	sadd.s32 $0x3A00, s6  }
0x17: {  	s16 =	sadd.s32 s4, s10;
	s17 =	sadd.s32 s26, s10;
	[dreg:$0x17] =	wrdreg s18  }
0x18: {  	[dreg:$0x18] =	wrdreg s19;
	s21 =	sadd.s32 s1, s8;
	s4 =	sadd.s32 $0x2200, s6  }
0x19: {  	s5 =	ssub.s32 s5, s20;
	s26 =	sadd.s32 s12, s8;
	s25 =	sadd.s32 s1, s9  }
0x1a: {  	s24 =	sadd.s32 s12, s9;
	s23 =	sadd.s32 s1, s10;
	s9 =	simm.s32 $0x200  }
0x1b: {  	s8 =	simm.s32 $0x300;
	s14 =	simm.s32 $0x100;
	s0 =	rddreg [dreg:$0x5]  }
0x1c: {  	s19 =	simm.s32 $0x500;
	[dreg:$0x14] =	wrdreg s15;
	s22 =	smax.u32 s5, $0x1  }
0x1d: {  	s18 =	simm.s32 $0x180;
	[dreg:$0x15] =	wrdreg s16;
	p1 =	sne.s32 s22, $0x1  }
.Ltmp0:
0x1e: {  	s20 =	simm.s32 $0x580;
	[dreg:$0x16] =	wrdreg s17;
	(pc) =	sbr.rel @!p1 .LBB2_3-.Ltmp0, $4  }
0x1f: {  	s6 =	simm.s32 $0x1;
	[dreg:$0x19] =	wrdreg s21;
	s21 =	sadd.s32 s12, s10  }
0x20: {  	s17 =	sadd.s32 s1, s11;
	s11 =	sadd.s32 s12, s11;
	s12 =	simm.s32 $0x3  }
0x21: {  	s10 =	simm.s32 $0x280;
	s15 =	simm.s32 $0x400;
	s16 =	simm.s32 $0x480  }
0x22: {  	s5 =	simm.s32 $0x2;
	s1 =	sadd.s32 $0xFFFFFFFF, s22;
	s22 =	simm.s32 $0x50  }
0x23: {  	[tilespmem:s9], [sflag:$0x3] =	stream.linear.gather [hbm4b:s0+s2], $0x50, $0x38;
	[tilespmem:$0x600] =	vst v63  }
0x24: {  	_ =	swait.ge [sflag:s12], $0x50  }
0x25: {  	[sflag:s12] =	ssyncset.done $0x0  }
0x26: {  	s0 =	rddreg [dreg:$0x6];
	[sflag:s12] =	ssyncadd.s32 $0xFFFFFFB0  }
0x27: {  	[tilespmem:s10], [sflag:$0x3] =	stream.linear.gather [hbm4b:s0+s2], $0x50, $0x38;
	[tilespmem:$0x600] =	vst v63  }
0x28: {  	_ =	swait.ge [sflag:s12], $0x50  }
0x29: {  	[sflag:s12] =	ssyncset.done $0x0  }
0x2a: {  	s0 =	rddreg [dreg:$0x7];
	[sflag:s12] =	ssyncadd.s32 $0xFFFFFFB0  }
0x2b: {  	[tilespmem:s8], [sflag:$0x3] =	stream.linear.gather [hbm4b:s0+s2], $0x50, $0x38;
	[tilespmem:$0x600] =	vst v63  }
0x2c: {  	_ =	swait.ge [sflag:s12], $0x50  }
0x2d: {  	[sflag:s12] =	ssyncset.done $0x0  }
0x2e: {  	s0 =	rddreg [dreg:$0x8];
	[sflag:s12] =	ssyncadd.s32 $0xFFFFFFB0  }
0x2f: {  	[tilespmem:s7], [sflag:$0x3] =	stream.linear.gather [hbm4b:s0+s2], $0x50, $0x38;
	[tilespmem:$0x600] =	vst v63  }
0x30: {  	_ =	swait.ge [sflag:s12], $0x50  }
0x31: {  	[sflag:s12] =	ssyncset.done $0x0  }
0x32: {  	s0 =	rddreg [dreg:$0x9];
	[sflag:s12] =	ssyncadd.s32 $0xFFFFFFB0  }
0x33: {  	[tilespmem:s2], [sflag:$0x3] =	stream.linear.gather [hbm4b:s0+s2], $0x50, $0x38;
	[tilespmem:$0x600] =	vst v63  }
0x34: {  	_ =	swait.ge [sflag:s12], $0x50  }
0x35: {  	[sflag:s12] =	ssyncset.done $0x0  }
0x36: {  	s0 =	rddreg [dreg:$0xa];
	[sflag:s12] =	ssyncadd.s32 $0xFFFFFFB0  }
0x37: {  	[tilespmem:s15], [sflag:$0x3] =	stream.linear.gather [hbm4b:s0+s2], $0x50, $0x38;
	[tilespmem:$0x600] =	vst v63  }
0x38: {  	_ =	swait.ge [sflag:s12], $0x50  }
0x39: {  	[sflag:s12] =	ssyncset.done $0x0  }
0x3a: {  	s0 =	rddreg [dreg:$0xb];
	[sflag:s12] =	ssyncadd.s32 $0xFFFFFFB0  }
0x3b: {  	[tilespmem:s13], [sflag:$0x3] =	stream.linear.gather [hbm4b:s0+s2], $0x50, $0x38;
	[tilespmem:$0x600] =	vst v63  }
0x3c: {  	_ =	swait.ge [sflag:s12], $0x50  }
0x3d: {  	[sflag:s12] =	ssyncset.done $0x0  }
0x3e: {  	s0 =	rddreg [dreg:$0xc];
	[sflag:s12] =	ssyncadd.s32 $0xFFFFFFB0  }
0x3f: {  	[tilespmem:s16], [sflag:$0x3] =	stream.linear.gather [hbm4b:s0+s2], $0x50, $0x38;
	[tilespmem:$0x600] =	vst v63  }
0x40: {  	_ =	swait.ge [sflag:s12], $0x50  }
0x41: {  	[sflag:s12] =	ssyncset.done $0x0  }
0x42: {  	s0 =	rddreg [dreg:$0xd];
	[sflag:s12] =	ssyncadd.s32 $0xFFFFFFB0  }
0x43: {  	[tilespmem:s14], [sflag:$0x3] =	stream.linear.gather [hbm4b:s0+s2], $0x50, $0x38;
	[tilespmem:$0x600] =	vst v63  }
0x44: {  	_ =	swait.ge [sflag:s12], $0x50  }
0x45: {  	[sflag:s12] =	ssyncset.done $0x0  }
0x46: {  	s0 =	rddreg [dreg:$0xe];
	[sflag:s12] =	ssyncadd.s32 $0xFFFFFFB0  }
0x47: {  	[tilespmem:s19], [sflag:$0x3] =	stream.linear.gather [hbm4b:s0+s2], $0x50, $0x38;
	[tilespmem:$0x600] =	vst v63  }
0x48: {  	_ =	swait.ge [sflag:s12], $0x50  }
0x49: {  	[sflag:s12] =	ssyncset.done $0x0  }
0x4a: {  	s0 =	rddreg [dreg:$0xf];
	[sflag:s12] =	ssyncadd.s32 $0xFFFFFFB0  }
0x4b: {  	[tilespmem:s18], [sflag:$0x3] =	stream.linear.gather [hbm4b:s0+s2], $0x50, $0x38;
	[tilespmem:$0x600] =	vst v63  }
0x4c: {  	_ =	swait.ge [sflag:s12], $0x50  }
0x4d: {  	[sflag:s12] =	ssyncset.done $0x0  }
0x4e: {  	s0 =	rddreg [dreg:$0x10];
	[sflag:s12] =	ssyncadd.s32 $0xFFFFFFB0  }
0x4f: {  	[tilespmem:s20], [sflag:$0x3] =	stream.linear.gather [hbm4b:s0+s2], $0x50, $0x38;
	[tilespmem:$0x600] =	vst v63  }
0x50: {  	_ =	swait.ge [sflag:s12], $0x50  }
0x51: {  	[sflag:s12] =	ssyncset.done $0x0  }
0x52: {  	[sflag:s12] =	ssyncadd.s32 $0xFFFFFFB0  }
0x53: {  	[hbm4b:s30+s22] =	stream.indirect.scatter [tilespmem:s9], [sflag:$0x1], $0x1, s2, s22, $0xb8;
	[tilespmem:$0x600] =	vst v63  }
0x54: {  	_ = 	snop  }
0x55: {  	[hbm4b:s31+s22] =	stream.indirect.scatter [tilespmem:s15], [sflag:$0x2], $0x1, s2, s22, $0xb8;
	[tilespmem:$0x600] =	vst v63  }
0x56: {  	_ = 	snop  }
0x57: {  	[hbm4b:s30+s22] =	stream.indirect.scatter [tilespmem:s10], [sflag:$0x1], $0x1, s13, s22, $0xb8;
	[tilespmem:$0x600] =	vst v63  }
0x58: {  	_ = 	snop  }
0x59: {  	[hbm4b:s31+s22] =	stream.indirect.scatter [tilespmem:s16], [sflag:$0x2], $0x1, s13, s22, $0xb8;
	[tilespmem:$0x600] =	vst v63  }
0x5a: {  	_ = 	snop  }
0x5b: {  	[hbm4b:s30+s22] =	stream.indirect.scatter [tilespmem:s8], [sflag:$0x1], $0x1, s14, s22, $0xb8;
	[tilespmem:$0x600] =	vst v63  }
0x5c: {  	_ = 	snop  }
0x5d: {  	[hbm4b:s31+s22] =	stream.indirect.scatter [tilespmem:s19], [sflag:$0x2], $0x1, s14, s22, $0xb8;
	[tilespmem:$0x600] =	vst v63  }
0x5e: {  	_ = 	snop  }
0x5f: {  	[hbm4b:s30+s22] =	stream.indirect.scatter [tilespmem:s7], [sflag:$0x1], $0x1, s18, s22, $0xb8;
	[tilespmem:$0x600] =	vst v63  }
0x60: {  	_ = 	snop  }
0x61: {  	[hbm4b:s31+s22] =	stream.indirect.scatter [tilespmem:s20], [sflag:$0x2], $0x1, s18, s22, $0xb8;
	[tilespmem:$0x600] =	vst v63  }
0x62: {  	_ =	swait.ge [sflag:s6], $0x50  }
0x63: {  	[sflag:s6] =	ssyncset.done $0x0  }
0x64: {  	[sflag:s6] =	ssyncadd.s32 $0xFFFFFFB0  }
0x65: {  	_ =	swait.ge [sflag:s5], $0x50  }
0x66: {  	[sflag:s5] =	ssyncset.done $0x0  }
0x67: {  	[sflag:s5] =	ssyncadd.s32 $0xFFFFFFB0  }
0x68: {  	_ =	swait.ge [sflag:s6], $0x50  }
0x69: {  	[sflag:s6] =	ssyncset.done $0x0  }
0x6a: {  	[sflag:s6] =	ssyncadd.s32 $0xFFFFFFB0  }
0x6b: {  	_ =	swait.ge [sflag:s5], $0x50  }
0x6c: {  	[sflag:s5] =	ssyncset.done $0x0  }
0x6d: {  	[sflag:s5] =	ssyncadd.s32 $0xFFFFFFB0  }
0x6e: {  	_ =	swait.ge [sflag:s6], $0x50  }
0x6f: {  	[sflag:s6] =	ssyncset.done $0x0  }
0x70: {  	[sflag:s6] =	ssyncadd.s32 $0xFFFFFFB0  }
0x71: {  	_ =	swait.ge [sflag:s5], $0x50  }
0x72: {  	[sflag:s5] =	ssyncset.done $0x0  }
0x73: {  	[sflag:s5] =	ssyncadd.s32 $0xFFFFFFB0  }
0x74: {  	_ =	swait.ge [sflag:s6], $0x50  }
0x75: {  	[sflag:s6] =	ssyncset.done $0x0  }
0x76: {  	[sflag:s6] =	ssyncadd.s32 $0xFFFFFFB0  }
0x77: {  	_ =	swait.ge [sflag:s5], $0x50  }
0x78: {  	[sflag:s5] =	ssyncset.done $0x0  }
0x79: {  	s0 =	rddreg [dreg:$0x11];
	[sflag:s5] =	ssyncadd.s32 $0xFFFFFFB0  }
0x7a: {  	[tilespmem:s2], [sflag:$0x3] =	stream.linear.gather [hbm4b:s0+s2], $0x50, $0x38;
	[tilespmem:$0x600] =	vst v63  }
0x7b: {  	_ =	swait.ge [sflag:s12], $0x50  }
0x7c: {  	[sflag:s12] =	ssyncset.done $0x0  }
0x7d: {  	s0 =	rddreg [dreg:$0x12];
	[sflag:s12] =	ssyncadd.s32 $0xFFFFFFB0  }
0x7e: {  	[tilespmem:s15], [sflag:$0x3] =	stream.linear.gather [hbm4b:s0+s2], $0x50, $0x38;
	[tilespmem:$0x600] =	vst v63  }
0x7f: {  	_ =	swait.ge [sflag:s12], $0x50  }
0x80: {  	[sflag:s12] =	ssyncset.done $0x0  }
0x81: {  	s0 =	rddreg [dreg:$0x13];
	[sflag:s12] =	ssyncadd.s32 $0xFFFFFFB0  }
0x82: {  	[tilespmem:s13], [sflag:$0x3] =	stream.linear.gather [hbm4b:s0+s2], $0x50, $0x38;
	[tilespmem:$0x600] =	vst v63  }
0x83: {  	_ =	swait.ge [sflag:s12], $0x50  }
0x84: {  	[sflag:s12] =	ssyncset.done $0x0  }
0x85: {  	s0 =	rddreg [dreg:$0x14];
	[sflag:s12] =	ssyncadd.s32 $0xFFFFFFB0  }
0x86: {  	[tilespmem:s16], [sflag:$0x3] =	stream.linear.gather [hbm4b:s0+s2], $0x50, $0x38;
	[tilespmem:$0x600] =	vst v63  }
0x87: {  	_ =	swait.ge [sflag:s12], $0x50  }
0x88: {  	[sflag:s12] =	ssyncset.done $0x0  }
0x89: {  	s0 =	rddreg [dreg:$0x15];
	[sflag:s12] =	ssyncadd.s32 $0xFFFFFFB0  }
0x8a: {  	[tilespmem:s14], [sflag:$0x3] =	stream.linear.gather [hbm4b:s0+s2], $0x50, $0x38;
	[tilespmem:$0x600] =	vst v63  }
0x8b: {  	_ =	swait.ge [sflag:s12], $0x50  }
0x8c: {  	[sflag:s12] =	ssyncset.done $0x0  }
0x8d: {  	s0 =	rddreg [dreg:$0x16];
	[sflag:s12] =	ssyncadd.s32 $0xFFFFFFB0  }
0x8e: {  	[tilespmem:s19], [sflag:$0x3] =	stream.linear.gather [hbm4b:s0+s2], $0x50, $0x38;
	[tilespmem:$0x600] =	vst v63  }
0x8f: {  	_ =	swait.ge [sflag:s12], $0x50  }
0x90: {  	[sflag:s12] =	ssyncset.done $0x0  }
0x91: {  	s0 =	rddreg [dreg:$0x17];
	[sflag:s12] =	ssyncadd.s32 $0xFFFFFFB0  }
0x92: {  	[tilespmem:s18], [sflag:$0x3] =	stream.linear.gather [hbm4b:s0+s2], $0x50, $0x38;
	[tilespmem:$0x600] =	vst v63  }
0x93: {  	_ =	swait.ge [sflag:s12], $0x50  }
0x94: {  	[sflag:s12] =	ssyncset.done $0x0  }
0x95: {  	s0 =	rddreg [dreg:$0x18];
	[sflag:s12] =	ssyncadd.s32 $0xFFFFFFB0  }
0x96: {  	[tilespmem:s20], [sflag:$0x3] =	stream.linear.gather [hbm4b:s0+s2], $0x50, $0x38;
	[tilespmem:$0x600] =	vst v63  }
0x97: {  	_ =	swait.ge [sflag:s12], $0x50  }
0x98: {  	[sflag:s12] =	ssyncset.done $0x0  }
0x99: {  	[sflag:s12] =	ssyncadd.s32 $0xFFFFFFB0  }
0x9a: {  	[hbm4b:s28+s22] =	stream.indirect.scatter [tilespmem:s9], [sflag:$0x1], $0x1, s2, s22, $0xb8;
	[tilespmem:$0x600] =	vst v63  }
0x9b: {  	_ = 	snop  }
0x9c: {  	[hbm4b:s29+s22] =	stream.indirect.scatter [tilespmem:s15], [sflag:$0x2], $0x1, s2, s22, $0xb8;
	[tilespmem:$0x600] =	vst v63  }
0x9d: {  	_ = 	snop  }
0x9e: {  	[hbm4b:s28+s22] =	stream.indirect.scatter [tilespmem:s10], [sflag:$0x1], $0x1, s13, s22, $0xb8;
	[tilespmem:$0x600] =	vst v63  }
0x9f: {  	_ = 	snop  }
0xa0: {  	[hbm4b:s29+s22] =	stream.indirect.scatter [tilespmem:s16], [sflag:$0x2], $0x1, s13, s22, $0xb8;
	[tilespmem:$0x600] =	vst v63  }
0xa1: {  	_ = 	snop  }
0xa2: {  	[hbm4b:s28+s22] =	stream.indirect.scatter [tilespmem:s8], [sflag:$0x1], $0x1, s14, s22, $0xb8;
	[tilespmem:$0x600] =	vst v63  }
0xa3: {  	_ = 	snop  }
0xa4: {  	[hbm4b:s29+s22] =	stream.indirect.scatter [tilespmem:s19], [sflag:$0x2], $0x1, s14, s22, $0xb8;
	[tilespmem:$0x600] =	vst v63  }
0xa5: {  	_ = 	snop  }
0xa6: {  	[hbm4b:s28+s22] =	stream.indirect.scatter [tilespmem:s7], [sflag:$0x1], $0x1, s18, s22, $0xb8;
	[tilespmem:$0x600] =	vst v63  }
0xa7: {  	_ = 	snop  }
0xa8: {  	[hbm4b:s29+s22] =	stream.indirect.scatter [tilespmem:s20], [sflag:$0x2], $0x1, s18, s22, $0xb8;
	[tilespmem:$0x600] =	vst v63  }
0xa9: {  	_ =	swait.ge [sflag:s6], $0x50  }
0xaa: {  	[sflag:s6] =	ssyncset.done $0x0  }
0xab: {  	[sflag:s6] =	ssyncadd.s32 $0xFFFFFFB0  }
0xac: {  	_ =	swait.ge [sflag:s5], $0x50  }
0xad: {  	[sflag:s5] =	ssyncset.done $0x0  }
0xae: {  	[sflag:s5] =	ssyncadd.s32 $0xFFFFFFB0  }
0xaf: {  	_ =	swait.ge [sflag:s6], $0x50  }
0xb0: {  	[sflag:s6] =	ssyncset.done $0x0  }
0xb1: {  	[sflag:s6] =	ssyncadd.s32 $0xFFFFFFB0  }
0xb2: {  	_ =	swait.ge [sflag:s5], $0x50  }
0xb3: {  	[sflag:s5] =	ssyncset.done $0x0  }
0xb4: {  	[sflag:s5] =	ssyncadd.s32 $0xFFFFFFB0  }
0xb5: {  	_ =	swait.ge [sflag:s6], $0x50  }
0xb6: {  	[sflag:s6] =	ssyncset.done $0x0  }
0xb7: {  	[sflag:s6] =	ssyncadd.s32 $0xFFFFFFB0  }
0xb8: {  	_ =	swait.ge [sflag:s5], $0x50  }
0xb9: {  	[sflag:s5] =	ssyncset.done $0x0  }
0xba: {  	[sflag:s5] =	ssyncadd.s32 $0xFFFFFFB0  }
0xbb: {  	_ =	swait.ge [sflag:s6], $0x50  }
0xbc: {  	[sflag:s6] =	ssyncset.done $0x0  }
0xbd: {  	[sflag:s6] =	ssyncadd.s32 $0xFFFFFFB0  }
0xbe: {  	_ =	swait.ge [sflag:s5], $0x50  }
0xbf: {  	[sflag:s5] =	ssyncset.done $0x0  }
0xc0: {  	s0 =	rddreg [dreg:$0x19];
	[sflag:s5] =	ssyncadd.s32 $0xFFFFFFB0  }
0xc1: {  	[tilespmem:s2], [sflag:$0x3] =	stream.linear.gather [hbm4b:s0+s2], $0x50, $0x38;
	[tilespmem:$0x600] =	vst v63  }
0xc2: {  	_ =	swait.ge [sflag:s12], $0x50  }
0xc3: {  	[sflag:s12] =	ssyncset.done $0x0  }
0xc4: {  	[sflag:s12] =	ssyncadd.s32 $0xFFFFFFB0  }
0xc5: {  	[tilespmem:s15], [sflag:$0x3] =	stream.linear.gather [hbm4b:s26+s2], $0x50, $0x38;
	[tilespmem:$0x600] =	vst v63  }
0xc6: {  	_ =	swait.ge [sflag:s12], $0x50  }
0xc7: {  	[sflag:s12] =	ssyncset.done $0x0  }
0xc8: {  	[sflag:s12] =	ssyncadd.s32 $0xFFFFFFB0  }
0xc9: {  	[tilespmem:s13], [sflag:$0x3] =	stream.linear.gather [hbm4b:s25+s2], $0x50, $0x38;
	[tilespmem:$0x600] =	vst v63  }
0xca: {  	_ =	swait.ge [sflag:s12], $0x50  }
0xcb: {  	[sflag:s12] =	ssyncset.done $0x0  }
0xcc: {  	[sflag:s12] =	ssyncadd.s32 $0xFFFFFFB0  }
0xcd: {  	[tilespmem:s16], [sflag:$0x3] =	stream.linear.gather [hbm4b:s24+s2], $0x50, $0x38;
	[tilespmem:$0x600] =	vst v63  }
0xce: {  	_ =	swait.ge [sflag:s12], $0x50  }
0xcf: {  	[sflag:s12] =	ssyncset.done $0x0  }
0xd0: {  	[sflag:s12] =	ssyncadd.s32 $0xFFFFFFB0  }
0xd1: {  	[tilespmem:s14], [sflag:$0x3] =	stream.linear.gather [hbm4b:s23+s2], $0x50, $0x38;
	[tilespmem:$0x600] =	vst v63  }
0xd2: {  	_ =	swait.ge [sflag:s12], $0x50  }
0xd3: {  	[sflag:s12] =	ssyncset.done $0x0  }
0xd4: {  	[sflag:s12] =	ssyncadd.s32 $0xFFFFFFB0  }
0xd5: {  	[tilespmem:s19], [sflag:$0x3] =	stream.linear.gather [hbm4b:s21+s2], $0x50, $0x38;
	[tilespmem:$0x600] =	vst v63  }
0xd6: {  	_ =	swait.ge [sflag:s12], $0x50  }
0xd7: {  	[sflag:s12] =	ssyncset.done $0x0  }
0xd8: {  	[sflag:s12] =	ssyncadd.s32 $0xFFFFFFB0  }
0xd9: {  	[tilespmem:s18], [sflag:$0x3] =	stream.linear.gather [hbm4b:s17+s2], $0x50, $0x38;
	[tilespmem:$0x600] =	vst v63  }
0xda: {  	_ =	swait.ge [sflag:s12], $0x50  }
0xdb: {  	[sflag:s12] =	ssyncset.done $0x0  }
0xdc: {  	[sflag:s12] =	ssyncadd.s32 $0xFFFFFFB0  }
0xdd: {  	[tilespmem:s20], [sflag:$0x3] =	stream.linear.gather [hbm4b:s11+s2], $0x50, $0x38;
	[tilespmem:$0x600] =	vst v63  }
0xde: {  	_ =	swait.ge [sflag:s12], $0x50  }
0xdf: {  	[sflag:s12] =	ssyncset.done $0x0  }
0xe0: {  	[sflag:s12] =	ssyncadd.s32 $0xFFFFFFB0  }
0xe1: {  	[hbm4b:s3+s22] =	stream.indirect.scatter [tilespmem:s9], [sflag:$0x1], $0x1, s2, s22, $0xb8;
	[tilespmem:$0x600] =	vst v63  }
0xe2: {  	_ = 	snop  }
0xe3: {  	[hbm4b:s4+s22] =	stream.indirect.scatter [tilespmem:s15], [sflag:$0x2], $0x1, s2, s22, $0xb8;
	[tilespmem:$0x600] =	vst v63  }
0xe4: {  	_ = 	snop  }
0xe5: {  	[hbm4b:s3+s22] =	stream.indirect.scatter [tilespmem:s10], [sflag:$0x1], $0x1, s13, s22, $0xb8;
	[tilespmem:$0x600] =	vst v63  }
0xe6: {  	_ = 	snop  }
0xe7: {  	[hbm4b:s4+s22] =	stream.indirect.scatter [tilespmem:s16], [sflag:$0x2], $0x1, s13, s22, $0xb8;
	[tilespmem:$0x600] =	vst v63  }
0xe8: {  	_ = 	snop  }
0xe9: {  	[hbm4b:s3+s22] =	stream.indirect.scatter [tilespmem:s8], [sflag:$0x1], $0x1, s14, s22, $0xb8;
	[tilespmem:$0x600] =	vst v63  }
0xea: {  	_ = 	snop  }
0xeb: {  	[hbm4b:s4+s22] =	stream.indirect.scatter [tilespmem:s19], [sflag:$0x2], $0x1, s14, s22, $0xb8;
	[tilespmem:$0x600] =	vst v63  }
0xec: {  	_ = 	snop  }
0xed: {  	[hbm4b:s3+s22] =	stream.indirect.scatter [tilespmem:s7], [sflag:$0x1], $0x1, s18, s22, $0xb8;
	[tilespmem:$0x600] =	vst v63  }
0xee: {  	_ = 	snop  }
0xef: {  	[hbm4b:s4+s22] =	stream.indirect.scatter [tilespmem:s20], [sflag:$0x2], $0x1, s18, s22, $0xb8;
	[tilespmem:$0x600] =	vst v63  }
0xf0: {  	_ =	swait.ge [sflag:s6], $0x50  }
0xf1: {  	[sflag:s6] =	ssyncset.done $0x0  }
0xf2: {  	[sflag:s6] =	ssyncadd.s32 $0xFFFFFFB0  }
0xf3: {  	_ =	swait.ge [sflag:s5], $0x50  }
0xf4: {  	[sflag:s5] =	ssyncset.done $0x0  }
0xf5: {  	[sflag:s5] =	ssyncadd.s32 $0xFFFFFFB0  }
0xf6: {  	_ =	swait.ge [sflag:s6], $0x50  }
0xf7: {  	[sflag:s6] =	ssyncset.done $0x0  }
0xf8: {  	[sflag:s6] =	ssyncadd.s32 $0xFFFFFFB0  }
0xf9: {  	_ =	swait.ge [sflag:s5], $0x50  }
0xfa: {  	[sflag:s5] =	ssyncset.done $0x0  }
0xfb: {  	[sflag:s5] =	ssyncadd.s32 $0xFFFFFFB0  }
0xfc: {  	_ =	swait.ge [sflag:s6], $0x50  }
0xfd: {  	[sflag:s6] =	ssyncset.done $0x0  }
0xfe: {  	[sflag:s6] =	ssyncadd.s32 $0xFFFFFFB0  }
0xff: {  	_ =	swait.ge [sflag:s5], $0x50  }
0x100: {  	[sflag:s5] =	ssyncset.done $0x0  }
0x101: {  	p1 =	sne.s32 s1, $0x1;
	[sflag:s5] =	ssyncadd.s32 $0xFFFFFFB0  }
.Ltmp1:
0x102: {  	_ =	swait.ge [sflag:s6], $0x50;
	(pc) =	sbr.rel @!p1 .LBB2_3-.Ltmp1, $4  }
0x103: {  	[sflag:s6] =	ssyncset.done $0x0  }
0x104: {  	[sflag:s6] =	ssyncadd.s32 $0xFFFFFFB0  }
0x105: {  	s1 =	sadd.s32 $0xFFFFFFFF, s1;
	_ =	swait.ge [sflag:s5], $0x50  }
0x106: {  	p0 =	por $0x1, $0x1;
	s0 =	rddreg [dreg:$0x5];
	[sflag:s5] =	ssyncset.done $0x0  }
.LBB2_2:
0x107: {  	[sflag:s5] =	ssyncadd.s32 $0xFFFFFFB0  }
0x108: {  	[tilespmem:s9], [sflag:$0x3] =	stream.linear.gather [hbm4b:s0+s2], $0x50, $0x38;
	[tilespmem:$0x600] =	vst v63  }
0x109: {  	_ =	swait.ge [sflag:s12], $0x50  }
0x10a: {  	[sflag:s12] =	ssyncset.done $0x0  }
0x10b: {  	s0 =	rddreg [dreg:$0x6];
	[sflag:s12] =	ssyncadd.s32 $0xFFFFFFB0  }
0x10c: {  	[tilespmem:s10], [sflag:$0x3] =	stream.linear.gather [hbm4b:s0+s2], $0x50, $0x38;
	[tilespmem:$0x600] =	vst v63  }
0x10d: {  	_ =	swait.ge [sflag:s12], $0x50  }
0x10e: {  	[sflag:s12] =	ssyncset.done $0x0  }
0x10f: {  	s0 =	rddreg [dreg:$0x7];
	[sflag:s12] =	ssyncadd.s32 $0xFFFFFFB0  }
0x110: {  	[tilespmem:s8], [sflag:$0x3] =	stream.linear.gather [hbm4b:s0+s2], $0x50, $0x38;
	[tilespmem:$0x600] =	vst v63  }
0x111: {  	_ =	swait.ge [sflag:s12], $0x50  }
0x112: {  	[sflag:s12] =	ssyncset.done $0x0  }
0x113: {  	s0 =	rddreg [dreg:$0x8];
	[sflag:s12] =	ssyncadd.s32 $0xFFFFFFB0  }
0x114: {  	[tilespmem:s7], [sflag:$0x3] =	stream.linear.gather [hbm4b:s0+s2], $0x50, $0x38;
	[tilespmem:$0x600] =	vst v63  }
0x115: {  	_ =	swait.ge [sflag:s12], $0x50  }
0x116: {  	[sflag:s12] =	ssyncset.done $0x0  }
0x117: {  	s0 =	rddreg [dreg:$0x9];
	[sflag:s12] =	ssyncadd.s32 $0xFFFFFFB0  }
0x118: {  	[tilespmem:s2], [sflag:$0x3] =	stream.linear.gather [hbm4b:s0+s2], $0x50, $0x38;
	[tilespmem:$0x600] =	vst v63  }
0x119: {  	_ =	swait.ge [sflag:s12], $0x50  }
0x11a: {  	[sflag:s12] =	ssyncset.done $0x0  }
0x11b: {  	s0 =	rddreg [dreg:$0xa];
	[sflag:s12] =	ssyncadd.s32 $0xFFFFFFB0  }
0x11c: {  	[tilespmem:s15], [sflag:$0x3] =	stream.linear.gather [hbm4b:s0+s2], $0x50, $0x38;
	[tilespmem:$0x600] =	vst v63  }
0x11d: {  	_ =	swait.ge [sflag:s12], $0x50  }
0x11e: {  	[sflag:s12] =	ssyncset.done $0x0  }
0x11f: {  	s0 =	rddreg [dreg:$0xb];
	[sflag:s12] =	ssyncadd.s32 $0xFFFFFFB0  }
0x120: {  	[tilespmem:s13], [sflag:$0x3] =	stream.linear.gather [hbm4b:s0+s2], $0x50, $0x38;
	[tilespmem:$0x600] =	vst v63  }
0x121: {  	_ =	swait.ge [sflag:s12], $0x50  }
0x122: {  	[sflag:s12] =	ssyncset.done $0x0  }
0x123: {  	s0 =	rddreg [dreg:$0xc];
	[sflag:s12] =	ssyncadd.s32 $0xFFFFFFB0  }
0x124: {  	[tilespmem:s16], [sflag:$0x3] =	stream.linear.gather [hbm4b:s0+s2], $0x50, $0x38;
	[tilespmem:$0x600] =	vst v63  }
0x125: {  	_ =	swait.ge [sflag:s12], $0x50  }
0x126: {  	[sflag:s12] =	ssyncset.done $0x0  }
0x127: {  	s0 =	rddreg [dreg:$0xd];
	[sflag:s12] =	ssyncadd.s32 $0xFFFFFFB0  }
0x128: {  	[tilespmem:s14], [sflag:$0x3] =	stream.linear.gather [hbm4b:s0+s2], $0x50, $0x38;
	[tilespmem:$0x600] =	vst v63  }
0x129: {  	_ =	swait.ge [sflag:s12], $0x50  }
0x12a: {  	[sflag:s12] =	ssyncset.done $0x0  }
0x12b: {  	s0 =	rddreg [dreg:$0xe];
	[sflag:s12] =	ssyncadd.s32 $0xFFFFFFB0  }
0x12c: {  	[tilespmem:s19], [sflag:$0x3] =	stream.linear.gather [hbm4b:s0+s2], $0x50, $0x38;
	[tilespmem:$0x600] =	vst v63  }
0x12d: {  	_ =	swait.ge [sflag:s12], $0x50  }
0x12e: {  	[sflag:s12] =	ssyncset.done $0x0  }
0x12f: {  	s0 =	rddreg [dreg:$0xf];
	[sflag:s12] =	ssyncadd.s32 $0xFFFFFFB0  }
0x130: {  	[tilespmem:s18], [sflag:$0x3] =	stream.linear.gather [hbm4b:s0+s2], $0x50, $0x38;
	[tilespmem:$0x600] =	vst v63  }
0x131: {  	_ =	swait.ge [sflag:s12], $0x50  }
0x132: {  	[sflag:s12] =	ssyncset.done $0x0  }
0x133: {  	s0 =	rddreg [dreg:$0x10];
	[sflag:s12] =	ssyncadd.s32 $0xFFFFFFB0  }
0x134: {  	[tilespmem:s20], [sflag:$0x3] =	stream.linear.gather [hbm4b:s0+s2], $0x50, $0x38;
	[tilespmem:$0x600] =	vst v63  }
0x135: {  	_ =	swait.ge [sflag:s12], $0x50  }
0x136: {  	[sflag:s12] =	ssyncset.done $0x0  }
0x137: {  	[sflag:s12] =	ssyncadd.s32 $0xFFFFFFB0  }
0x138: {  	[hbm4b:s30+s22] =	stream.indirect.scatter [tilespmem:s9], [sflag:$0x1], $0x1, s2, s22, $0xb8;
	[tilespmem:$0x600] =	vst v63  }
0x139: {  	_ = 	snop  }
0x13a: {  	[hbm4b:s31+s22] =	stream.indirect.scatter [tilespmem:s15], [sflag:$0x2], $0x1, s2, s22, $0xb8;
	[tilespmem:$0x600] =	vst v63  }
0x13b: {  	_ = 	snop  }
0x13c: {  	[hbm4b:s30+s22] =	stream.indirect.scatter [tilespmem:s10], [sflag:$0x1], $0x1, s13, s22, $0xb8;
	[tilespmem:$0x600] =	vst v63  }
0x13d: {  	_ = 	snop  }
0x13e: {  	[hbm4b:s31+s22] =	stream.indirect.scatter [tilespmem:s16], [sflag:$0x2], $0x1, s13, s22, $0xb8;
	[tilespmem:$0x600] =	vst v63  }
0x13f: {  	_ = 	snop  }
0x140: {  	[hbm4b:s30+s22] =	stream.indirect.scatter [tilespmem:s8], [sflag:$0x1], $0x1, s14, s22, $0xb8;
	[tilespmem:$0x600] =	vst v63  }
0x141: {  	_ = 	snop  }
0x142: {  	[hbm4b:s31+s22] =	stream.indirect.scatter [tilespmem:s19], [sflag:$0x2], $0x1, s14, s22, $0xb8;
	[tilespmem:$0x600] =	vst v63  }
0x143: {  	_ = 	snop  }
0x144: {  	[hbm4b:s30+s22] =	stream.indirect.scatter [tilespmem:s7], [sflag:$0x1], $0x1, s18, s22, $0xb8;
	[tilespmem:$0x600] =	vst v63  }
0x145: {  	_ = 	snop  }
0x146: {  	[hbm4b:s31+s22] =	stream.indirect.scatter [tilespmem:s20], [sflag:$0x2], $0x1, s18, s22, $0xb8;
	[tilespmem:$0x600] =	vst v63  }
0x147: {  	_ =	swait.ge [sflag:s6], $0x50  }
0x148: {  	[sflag:s6] =	ssyncset.done $0x0  }
0x149: {  	[sflag:s6] =	ssyncadd.s32 $0xFFFFFFB0  }
0x14a: {  	_ =	swait.ge [sflag:s5], $0x50  }
0x14b: {  	[sflag:s5] =	ssyncset.done $0x0  }
0x14c: {  	[sflag:s5] =	ssyncadd.s32 $0xFFFFFFB0  }
0x14d: {  	_ =	swait.ge [sflag:s6], $0x50  }
0x14e: {  	[sflag:s6] =	ssyncset.done $0x0  }
0x14f: {  	[sflag:s6] =	ssyncadd.s32 $0xFFFFFFB0  }
0x150: {  	_ =	swait.ge [sflag:s5], $0x50  }
0x151: {  	[sflag:s5] =	ssyncset.done $0x0  }
0x152: {  	[sflag:s5] =	ssyncadd.s32 $0xFFFFFFB0  }
0x153: {  	_ =	swait.ge [sflag:s6], $0x50  }
0x154: {  	[sflag:s6] =	ssyncset.done $0x0  }
0x155: {  	[sflag:s6] =	ssyncadd.s32 $0xFFFFFFB0  }
0x156: {  	_ =	swait.ge [sflag:s5], $0x50  }
0x157: {  	[sflag:s5] =	ssyncset.done $0x0  }
0x158: {  	[sflag:s5] =	ssyncadd.s32 $0xFFFFFFB0  }
0x159: {  	_ =	swait.ge [sflag:s6], $0x50  }
0x15a: {  	[sflag:s6] =	ssyncset.done $0x0  }
0x15b: {  	[sflag:s6] =	ssyncadd.s32 $0xFFFFFFB0  }
0x15c: {  	_ =	swait.ge [sflag:s5], $0x50  }
0x15d: {  	[sflag:s5] =	ssyncset.done $0x0  }
0x15e: {  	s0 =	rddreg [dreg:$0x11];
	[sflag:s5] =	ssyncadd.s32 $0xFFFFFFB0  }
0x15f: {  	[tilespmem:s2], [sflag:$0x3] =	stream.linear.gather [hbm4b:s0+s2], $0x50, $0x38;
	[tilespmem:$0x600] =	vst v63  }
0x160: {  	_ =	swait.ge [sflag:s12], $0x50  }
0x161: {  	[sflag:s12] =	ssyncset.done $0x0  }
0x162: {  	s0 =	rddreg [dreg:$0x12];
	[sflag:s12] =	ssyncadd.s32 $0xFFFFFFB0  }
0x163: {  	[tilespmem:s15], [sflag:$0x3] =	stream.linear.gather [hbm4b:s0+s2], $0x50, $0x38;
	[tilespmem:$0x600] =	vst v63  }
0x164: {  	_ =	swait.ge [sflag:s12], $0x50  }
0x165: {  	[sflag:s12] =	ssyncset.done $0x0  }
0x166: {  	s0 =	rddreg [dreg:$0x13];
	[sflag:s12] =	ssyncadd.s32 $0xFFFFFFB0  }
0x167: {  	[tilespmem:s13], [sflag:$0x3] =	stream.linear.gather [hbm4b:s0+s2], $0x50, $0x38;
	[tilespmem:$0x600] =	vst v63  }
0x168: {  	_ =	swait.ge [sflag:s12], $0x50  }
0x169: {  	[sflag:s12] =	ssyncset.done $0x0  }
0x16a: {  	s0 =	rddreg [dreg:$0x14];
	[sflag:s12] =	ssyncadd.s32 $0xFFFFFFB0  }
0x16b: {  	[tilespmem:s16], [sflag:$0x3] =	stream.linear.gather [hbm4b:s0+s2], $0x50, $0x38;
	[tilespmem:$0x600] =	vst v63  }
0x16c: {  	_ =	swait.ge [sflag:s12], $0x50  }
0x16d: {  	[sflag:s12] =	ssyncset.done $0x0  }
0x16e: {  	s0 =	rddreg [dreg:$0x15];
	[sflag:s12] =	ssyncadd.s32 $0xFFFFFFB0  }
0x16f: {  	[tilespmem:s14], [sflag:$0x3] =	stream.linear.gather [hbm4b:s0+s2], $0x50, $0x38;
	[tilespmem:$0x600] =	vst v63  }
0x170: {  	_ =	swait.ge [sflag:s12], $0x50  }
0x171: {  	[sflag:s12] =	ssyncset.done $0x0  }
0x172: {  	s0 =	rddreg [dreg:$0x16];
	[sflag:s12] =	ssyncadd.s32 $0xFFFFFFB0  }
0x173: {  	[tilespmem:s19], [sflag:$0x3] =	stream.linear.gather [hbm4b:s0+s2], $0x50, $0x38;
	[tilespmem:$0x600] =	vst v63  }
0x174: {  	_ =	swait.ge [sflag:s12], $0x50  }
0x175: {  	[sflag:s12] =	ssyncset.done $0x0  }
0x176: {  	s0 =	rddreg [dreg:$0x17];
	[sflag:s12] =	ssyncadd.s32 $0xFFFFFFB0  }
0x177: {  	[tilespmem:s18], [sflag:$0x3] =	stream.linear.gather [hbm4b:s0+s2], $0x50, $0x38;
	[tilespmem:$0x600] =	vst v63  }
0x178: {  	_ =	swait.ge [sflag:s12], $0x50  }
0x179: {  	[sflag:s12] =	ssyncset.done $0x0  }
0x17a: {  	s0 =	rddreg [dreg:$0x18];
	[sflag:s12] =	ssyncadd.s32 $0xFFFFFFB0  }
0x17b: {  	[tilespmem:s20], [sflag:$0x3] =	stream.linear.gather [hbm4b:s0+s2], $0x50, $0x38;
	[tilespmem:$0x600] =	vst v63  }
0x17c: {  	_ =	swait.ge [sflag:s12], $0x50  }
0x17d: {  	[sflag:s12] =	ssyncset.done $0x0  }
0x17e: {  	[sflag:s12] =	ssyncadd.s32 $0xFFFFFFB0  }
0x17f: {  	[hbm4b:s28+s22] =	stream.indirect.scatter [tilespmem:s9], [sflag:$0x1], $0x1, s2, s22, $0xb8;
	[tilespmem:$0x600] =	vst v63  }
0x180: {  	_ = 	snop  }
0x181: {  	[hbm4b:s29+s22] =	stream.indirect.scatter [tilespmem:s15], [sflag:$0x2], $0x1, s2, s22, $0xb8;
	[tilespmem:$0x600] =	vst v63  }
0x182: {  	_ = 	snop  }
0x183: {  	[hbm4b:s28+s22] =	stream.indirect.scatter [tilespmem:s10], [sflag:$0x1], $0x1, s13, s22, $0xb8;
	[tilespmem:$0x600] =	vst v63  }
0x184: {  	_ = 	snop  }
0x185: {  	[hbm4b:s29+s22] =	stream.indirect.scatter [tilespmem:s16], [sflag:$0x2], $0x1, s13, s22, $0xb8;
	[tilespmem:$0x600] =	vst v63  }
0x186: {  	_ = 	snop  }
0x187: {  	[hbm4b:s28+s22] =	stream.indirect.scatter [tilespmem:s8], [sflag:$0x1], $0x1, s14, s22, $0xb8;
	[tilespmem:$0x600] =	vst v63  }
0x188: {  	_ = 	snop  }
0x189: {  	[hbm4b:s29+s22] =	stream.indirect.scatter [tilespmem:s19], [sflag:$0x2], $0x1, s14, s22, $0xb8;
	[tilespmem:$0x600] =	vst v63  }
0x18a: {  	_ = 	snop  }
0x18b: {  	[hbm4b:s28+s22] =	stream.indirect.scatter [tilespmem:s7], [sflag:$0x1], $0x1, s18, s22, $0xb8;
	[tilespmem:$0x600] =	vst v63  }
0x18c: {  	_ = 	snop  }
0x18d: {  	[hbm4b:s29+s22] =	stream.indirect.scatter [tilespmem:s20], [sflag:$0x2], $0x1, s18, s22, $0xb8;
	[tilespmem:$0x600] =	vst v63  }
0x18e: {  	_ =	swait.ge [sflag:s6], $0x50  }
0x18f: {  	[sflag:s6] =	ssyncset.done $0x0  }
0x190: {  	[sflag:s6] =	ssyncadd.s32 $0xFFFFFFB0  }
0x191: {  	_ =	swait.ge [sflag:s5], $0x50  }
0x192: {  	[sflag:s5] =	ssyncset.done $0x0  }
0x193: {  	[sflag:s5] =	ssyncadd.s32 $0xFFFFFFB0  }
0x194: {  	_ =	swait.ge [sflag:s6], $0x50  }
0x195: {  	[sflag:s6] =	ssyncset.done $0x0  }
0x196: {  	[sflag:s6] =	ssyncadd.s32 $0xFFFFFFB0  }
0x197: {  	_ =	swait.ge [sflag:s5], $0x50  }
0x198: {  	[sflag:s5] =	ssyncset.done $0x0  }
0x199: {  	[sflag:s5] =	ssyncadd.s32 $0xFFFFFFB0  }
0x19a: {  	_ =	swait.ge [sflag:s6], $0x50  }
0x19b: {  	[sflag:s6] =	ssyncset.done $0x0  }
0x19c: {  	[sflag:s6] =	ssyncadd.s32 $0xFFFFFFB0  }
0x19d: {  	_ =	swait.ge [sflag:s5], $0x50  }
0x19e: {  	[sflag:s5] =	ssyncset.done $0x0  }
0x19f: {  	[sflag:s5] =	ssyncadd.s32 $0xFFFFFFB0  }
0x1a0: {  	_ =	swait.ge [sflag:s6], $0x50  }
0x1a1: {  	[sflag:s6] =	ssyncset.done $0x0  }
0x1a2: {  	[sflag:s6] =	ssyncadd.s32 $0xFFFFFFB0  }
0x1a3: {  	_ =	swait.ge [sflag:s5], $0x50  }
0x1a4: {  	[sflag:s5] =	ssyncset.done $0x0  }
0x1a5: {  	s0 =	rddreg [dreg:$0x19];
	[sflag:s5] =	ssyncadd.s32 $0xFFFFFFB0  }
0x1a6: {  	[tilespmem:s2], [sflag:$0x3] =	stream.linear.gather [hbm4b:s0+s2], $0x50, $0x38;
	[tilespmem:$0x600] =	vst v63  }
0x1a7: {  	_ =	swait.ge [sflag:s12], $0x50  }
0x1a8: {  	[sflag:s12] =	ssyncset.done $0x0  }
0x1a9: {  	[sflag:s12] =	ssyncadd.s32 $0xFFFFFFB0  }
0x1aa: {  	[tilespmem:s15], [sflag:$0x3] =	stream.linear.gather [hbm4b:s26+s2], $0x50, $0x38;
	[tilespmem:$0x600] =	vst v63  }
0x1ab: {  	_ =	swait.ge [sflag:s12], $0x50  }
0x1ac: {  	[sflag:s12] =	ssyncset.done $0x0  }
0x1ad: {  	[sflag:s12] =	ssyncadd.s32 $0xFFFFFFB0  }
0x1ae: {  	[tilespmem:s13], [sflag:$0x3] =	stream.linear.gather [hbm4b:s25+s2], $0x50, $0x38;
	[tilespmem:$0x600] =	vst v63  }
0x1af: {  	_ =	swait.ge [sflag:s12], $0x50  }
0x1b0: {  	[sflag:s12] =	ssyncset.done $0x0  }
0x1b1: {  	[sflag:s12] =	ssyncadd.s32 $0xFFFFFFB0  }
0x1b2: {  	[tilespmem:s16], [sflag:$0x3] =	stream.linear.gather [hbm4b:s24+s2], $0x50, $0x38;
	[tilespmem:$0x600] =	vst v63  }
0x1b3: {  	_ =	swait.ge [sflag:s12], $0x50  }
0x1b4: {  	[sflag:s12] =	ssyncset.done $0x0  }
0x1b5: {  	[sflag:s12] =	ssyncadd.s32 $0xFFFFFFB0  }
0x1b6: {  	[tilespmem:s14], [sflag:$0x3] =	stream.linear.gather [hbm4b:s23+s2], $0x50, $0x38;
	[tilespmem:$0x600] =	vst v63  }
0x1b7: {  	_ =	swait.ge [sflag:s12], $0x50  }
0x1b8: {  	[sflag:s12] =	ssyncset.done $0x0  }
0x1b9: {  	[sflag:s12] =	ssyncadd.s32 $0xFFFFFFB0  }
0x1ba: {  	[tilespmem:s19], [sflag:$0x3] =	stream.linear.gather [hbm4b:s21+s2], $0x50, $0x38;
	[tilespmem:$0x600] =	vst v63  }
0x1bb: {  	_ =	swait.ge [sflag:s12], $0x50  }
0x1bc: {  	[sflag:s12] =	ssyncset.done $0x0  }
0x1bd: {  	[sflag:s12] =	ssyncadd.s32 $0xFFFFFFB0  }
0x1be: {  	[tilespmem:s18], [sflag:$0x3] =	stream.linear.gather [hbm4b:s17+s2], $0x50, $0x38;
	[tilespmem:$0x600] =	vst v63  }
0x1bf: {  	_ =	swait.ge [sflag:s12], $0x50  }
0x1c0: {  	[sflag:s12] =	ssyncset.done $0x0  }
0x1c1: {  	[sflag:s12] =	ssyncadd.s32 $0xFFFFFFB0  }
0x1c2: {  	[tilespmem:s20], [sflag:$0x3] =	stream.linear.gather [hbm4b:s11+s2], $0x50, $0x38;
	[tilespmem:$0x600] =	vst v63  }
0x1c3: {  	_ =	swait.ge [sflag:s12], $0x50  }
0x1c4: {  	[sflag:s12] =	ssyncset.done $0x0  }
0x1c5: {  	[sflag:s12] =	ssyncadd.s32 $0xFFFFFFB0  }
0x1c6: {  	[hbm4b:s3+s22] =	stream.indirect.scatter [tilespmem:s9], [sflag:$0x1], $0x1, s2, s22, $0xb8;
	[tilespmem:$0x600] =	vst v63  }
0x1c7: {  	_ = 	snop  }
0x1c8: {  	[hbm4b:s4+s22] =	stream.indirect.scatter [tilespmem:s15], [sflag:$0x2], $0x1, s2, s22, $0xb8;
	[tilespmem:$0x600] =	vst v63  }
0x1c9: {  	_ = 	snop  }
0x1ca: {  	[hbm4b:s3+s22] =	stream.indirect.scatter [tilespmem:s10], [sflag:$0x1], $0x1, s13, s22, $0xb8;
	[tilespmem:$0x600] =	vst v63  }
0x1cb: {  	_ = 	snop  }
0x1cc: {  	[hbm4b:s4+s22] =	stream.indirect.scatter [tilespmem:s16], [sflag:$0x2], $0x1, s13, s22, $0xb8;
	[tilespmem:$0x600] =	vst v63  }
0x1cd: {  	_ = 	snop  }
0x1ce: {  	[hbm4b:s3+s22] =	stream.indirect.scatter [tilespmem:s8], [sflag:$0x1], $0x1, s14, s22, $0xb8;
	[tilespmem:$0x600] =	vst v63  }
0x1cf: {  	_ = 	snop  }
0x1d0: {  	[hbm4b:s4+s22] =	stream.indirect.scatter [tilespmem:s19], [sflag:$0x2], $0x1, s14, s22, $0xb8;
	[tilespmem:$0x600] =	vst v63  }
0x1d1: {  	_ = 	snop  }
0x1d2: {  	[hbm4b:s3+s22] =	stream.indirect.scatter [tilespmem:s7], [sflag:$0x1], $0x1, s18, s22, $0xb8;
	[tilespmem:$0x600] =	vst v63  }
0x1d3: {  	_ = 	snop  }
0x1d4: {  	[hbm4b:s4+s22] =	stream.indirect.scatter [tilespmem:s20], [sflag:$0x2], $0x1, s18, s22, $0xb8;
	[tilespmem:$0x600] =	vst v63  }
0x1d5: {  	_ =	swait.ge [sflag:s6], $0x50  }
0x1d6: {  	[sflag:s6] =	ssyncset.done $0x0  }
0x1d7: {  	[sflag:s6] =	ssyncadd.s32 $0xFFFFFFB0  }
0x1d8: {  	_ =	swait.ge [sflag:s5], $0x50  }
0x1d9: {  	[sflag:s5] =	ssyncset.done $0x0  }
0x1da: {  	[sflag:s5] =	ssyncadd.s32 $0xFFFFFFB0  }
0x1db: {  	_ =	swait.ge [sflag:s6], $0x50  }
0x1dc: {  	[sflag:s6] =	ssyncset.done $0x0  }
0x1dd: {  	[sflag:s6] =	ssyncadd.s32 $0xFFFFFFB0  }
0x1de: {  	_ =	swait.ge [sflag:s5], $0x50  }
0x1df: {  	[sflag:s5] =	ssyncset.done $0x0  }
0x1e0: {  	[sflag:s5] =	ssyncadd.s32 $0xFFFFFFB0  }
0x1e1: {  	_ =	swait.ge [sflag:s6], $0x50  }
0x1e2: {  	[sflag:s6] =	ssyncset.done $0x0  }
0x1e3: {  	[sflag:s6] =	ssyncadd.s32 $0xFFFFFFB0  }
0x1e4: {  	_ =	swait.ge [sflag:s5], $0x50  }
0x1e5: {  	[sflag:s5] =	ssyncset.done $0x0  }
0x1e6: {  	p1 =	sne.s32 s1, $0x1;
	[sflag:s5] =	ssyncadd.s32 $0xFFFFFFB0  }
.Ltmp2:
0x1e7: {  	_ =	swait.ge [sflag:s6], $0x50;
	(pc) =	sbr.rel @p1 .LBB2_2-.Ltmp2, $4  }
0x1e8: {  	[sflag:s6] =	ssyncset.done $0x0  }
0x1e9: {  	[sflag:s6] =	ssyncadd.s32 $0xFFFFFFB0  }
0x1ea: {  	_ =	swait.ge [sflag:s5], $0x50  }
0x1eb: {  	s1 =	sadd.s32 $0xFFFFFFFF, s1;
	s0 =	rddreg [dreg:$0x5];
	[sflag:s5] =	ssyncset.done $0x0  }
.LBB2_3:
0x1ec: {  	[sflag:s5] =	ssyncadd.s32 @p0 $0xFFFFFFB0  }
0x1ed: {  	[tilespmem:s9], [sflag:$0x3] =	stream.linear.gather [hbm4b:s0+s2], $0x50, $0x38;
	[tilespmem:$0x600] =	vst v63  }
0x1ee: {  	_ =	swait.ge [sflag:s12], $0x50  }
0x1ef: {  	[sflag:s12] =	ssyncset.done $0x0  }
0x1f0: {  	s1 =	rddreg [dreg:$0x6];
	[sflag:s12] =	ssyncadd.s32 $0xFFFFFFB0  }
0x1f1: {  	[tilespmem:s10], [sflag:$0x3] =	stream.linear.gather [hbm4b:s1+s2], $0x50, $0x38;
	[tilespmem:$0x600] =	vst v63  }
0x1f2: {  	_ =	swait.ge [sflag:s12], $0x50  }
0x1f3: {  	[sflag:s12] =	ssyncset.done $0x0  }
0x1f4: {  	s1 =	rddreg [dreg:$0x7];
	[sflag:s12] =	ssyncadd.s32 $0xFFFFFFB0  }
0x1f5: {  	[tilespmem:s8], [sflag:$0x3] =	stream.linear.gather [hbm4b:s1+s2], $0x50, $0x38;
	[tilespmem:$0x600] =	vst v63  }
0x1f6: {  	_ =	swait.ge [sflag:s12], $0x50  }
0x1f7: {  	[sflag:s12] =	ssyncset.done $0x0  }
0x1f8: {  	s1 =	rddreg [dreg:$0x8];
	[sflag:s12] =	ssyncadd.s32 $0xFFFFFFB0  }
0x1f9: {  	[tilespmem:s7], [sflag:$0x3] =	stream.linear.gather [hbm4b:s1+s2], $0x50, $0x38;
	[tilespmem:$0x600] =	vst v63  }
0x1fa: {  	_ =	swait.ge [sflag:s12], $0x50  }
0x1fb: {  	[sflag:s12] =	ssyncset.done $0x0  }
0x1fc: {  	s1 =	rddreg [dreg:$0x9];
	[sflag:s12] =	ssyncadd.s32 $0xFFFFFFB0  }
0x1fd: {  	[tilespmem:s2], [sflag:$0x3] =	stream.linear.gather [hbm4b:s1+s2], $0x50, $0x38;
	[tilespmem:$0x600] =	vst v63  }
0x1fe: {  	_ =	swait.ge [sflag:s12], $0x50  }
0x1ff: {  	[sflag:s12] =	ssyncset.done $0x0  }
0x200: {  	s1 =	rddreg [dreg:$0xa];
	[sflag:s12] =	ssyncadd.s32 $0xFFFFFFB0  }
0x201: {  	[tilespmem:s15], [sflag:$0x3] =	stream.linear.gather [hbm4b:s1+s2], $0x50, $0x38;
	[tilespmem:$0x600] =	vst v63  }
0x202: {  	_ =	swait.ge [sflag:s12], $0x50  }
0x203: {  	[sflag:s12] =	ssyncset.done $0x0  }
0x204: {  	s1 =	rddreg [dreg:$0xb];
	[sflag:s12] =	ssyncadd.s32 $0xFFFFFFB0  }
0x205: {  	[tilespmem:s13], [sflag:$0x3] =	stream.linear.gather [hbm4b:s1+s2], $0x50, $0x38;
	[tilespmem:$0x600] =	vst v63  }
0x206: {  	_ =	swait.ge [sflag:s12], $0x50  }
0x207: {  	[sflag:s12] =	ssyncset.done $0x0  }
0x208: {  	s1 =	rddreg [dreg:$0xc];
	[sflag:s12] =	ssyncadd.s32 $0xFFFFFFB0  }
0x209: {  	[tilespmem:s16], [sflag:$0x3] =	stream.linear.gather [hbm4b:s1+s2], $0x50, $0x38;
	[tilespmem:$0x600] =	vst v63  }
0x20a: {  	_ =	swait.ge [sflag:s12], $0x50  }
0x20b: {  	[sflag:s12] =	ssyncset.done $0x0  }
0x20c: {  	s1 =	rddreg [dreg:$0xd];
	[sflag:s12] =	ssyncadd.s32 $0xFFFFFFB0  }
0x20d: {  	[tilespmem:s14], [sflag:$0x3] =	stream.linear.gather [hbm4b:s1+s2], $0x50, $0x38;
	[tilespmem:$0x600] =	vst v63  }
0x20e: {  	_ =	swait.ge [sflag:s12], $0x50  }
0x20f: {  	[sflag:s12] =	ssyncset.done $0x0  }
0x210: {  	s1 =	rddreg [dreg:$0xe];
	[sflag:s12] =	ssyncadd.s32 $0xFFFFFFB0  }
0x211: {  	[tilespmem:s19], [sflag:$0x3] =	stream.linear.gather [hbm4b:s1+s2], $0x50, $0x38;
	[tilespmem:$0x600] =	vst v63  }
0x212: {  	_ =	swait.ge [sflag:s12], $0x50  }
0x213: {  	[sflag:s12] =	ssyncset.done $0x0  }
0x214: {  	s1 =	rddreg [dreg:$0xf];
	[sflag:s12] =	ssyncadd.s32 $0xFFFFFFB0  }
0x215: {  	[tilespmem:s18], [sflag:$0x3] =	stream.linear.gather [hbm4b:s1+s2], $0x50, $0x38;
	[tilespmem:$0x600] =	vst v63  }
0x216: {  	_ =	swait.ge [sflag:s12], $0x50  }
0x217: {  	[sflag:s12] =	ssyncset.done $0x0  }
0x218: {  	s1 =	rddreg [dreg:$0x10];
	[sflag:s12] =	ssyncadd.s32 $0xFFFFFFB0  }
0x219: {  	[tilespmem:s20], [sflag:$0x3] =	stream.linear.gather [hbm4b:s1+s2], $0x50, $0x38;
	[tilespmem:$0x600] =	vst v63  }
0x21a: {  	_ =	swait.ge [sflag:s12], $0x50  }
0x21b: {  	[sflag:s12] =	ssyncset.done $0x0  }
0x21c: {  	[sflag:s12] =	ssyncadd.s32 $0xFFFFFFB0  }
0x21d: {  	[hbm4b:s30+s22] =	stream.indirect.scatter [tilespmem:s9], [sflag:$0x1], $0x1, s2, s22, $0xb8;
	[tilespmem:$0x600] =	vst v63  }
0x21e: {  	_ = 	snop  }
0x21f: {  	[hbm4b:s31+s22] =	stream.indirect.scatter [tilespmem:s15], [sflag:$0x2], $0x1, s2, s22, $0xb8;
	[tilespmem:$0x600] =	vst v63  }
0x220: {  	_ = 	snop  }
0x221: {  	[hbm4b:s30+s22] =	stream.indirect.scatter [tilespmem:s10], [sflag:$0x1], $0x1, s13, s22, $0xb8;
	[tilespmem:$0x600] =	vst v63  }
0x222: {  	_ = 	snop  }
0x223: {  	[hbm4b:s31+s22] =	stream.indirect.scatter [tilespmem:s16], [sflag:$0x2], $0x1, s13, s22, $0xb8;
	[tilespmem:$0x600] =	vst v63  }
0x224: {  	_ = 	snop  }
0x225: {  	[hbm4b:s30+s22] =	stream.indirect.scatter [tilespmem:s8], [sflag:$0x1], $0x1, s14, s22, $0xb8;
	[tilespmem:$0x600] =	vst v63  }
0x226: {  	_ = 	snop  }
0x227: {  	[hbm4b:s31+s22] =	stream.indirect.scatter [tilespmem:s19], [sflag:$0x2], $0x1, s14, s22, $0xb8;
	[tilespmem:$0x600] =	vst v63  }
0x228: {  	_ = 	snop  }
0x229: {  	[hbm4b:s30+s22] =	stream.indirect.scatter [tilespmem:s7], [sflag:$0x1], $0x1, s18, s22, $0xb8;
	[tilespmem:$0x600] =	vst v63  }
0x22a: {  	_ = 	snop  }
0x22b: {  	[hbm4b:s31+s22] =	stream.indirect.scatter [tilespmem:s20], [sflag:$0x2], $0x1, s18, s22, $0xb8;
	[tilespmem:$0x600] =	vst v63  }
0x22c: {  	_ =	swait.ge [sflag:s6], $0x50  }
0x22d: {  	[sflag:s6] =	ssyncset.done $0x0  }
0x22e: {  	[sflag:s6] =	ssyncadd.s32 $0xFFFFFFB0  }
0x22f: {  	_ =	swait.ge [sflag:s5], $0x50  }
0x230: {  	[sflag:s5] =	ssyncset.done $0x0  }
0x231: {  	[sflag:s5] =	ssyncadd.s32 $0xFFFFFFB0  }
0x232: {  	_ =	swait.ge [sflag:s6], $0x50  }
0x233: {  	[sflag:s6] =	ssyncset.done $0x0  }
0x234: {  	[sflag:s6] =	ssyncadd.s32 $0xFFFFFFB0  }
0x235: {  	_ =	swait.ge [sflag:s5], $0x50  }
0x236: {  	[sflag:s5] =	ssyncset.done $0x0  }
0x237: {  	[sflag:s5] =	ssyncadd.s32 $0xFFFFFFB0  }
0x238: {  	_ =	swait.ge [sflag:s6], $0x50  }
0x239: {  	[sflag:s6] =	ssyncset.done $0x0  }
0x23a: {  	[sflag:s6] =	ssyncadd.s32 $0xFFFFFFB0  }
0x23b: {  	_ =	swait.ge [sflag:s5], $0x50  }
0x23c: {  	[sflag:s5] =	ssyncset.done $0x0  }
0x23d: {  	[sflag:s5] =	ssyncadd.s32 $0xFFFFFFB0  }
0x23e: {  	_ =	swait.ge [sflag:s6], $0x50  }
0x23f: {  	[sflag:s6] =	ssyncset.done $0x0  }
0x240: {  	[sflag:s6] =	ssyncadd.s32 $0xFFFFFFB0  }
0x241: {  	_ =	swait.ge [sflag:s5], $0x50  }
0x242: {  	[sflag:s5] =	ssyncset.done $0x0  }
0x243: {  	s31 =	rddreg [dreg:$0x11];
	[sflag:s5] =	ssyncadd.s32 $0xFFFFFFB0  }
0x244: {  	[tilespmem:s2], [sflag:$0x3] =	stream.linear.gather [hbm4b:s31+s2], $0x50, $0x38;
	[tilespmem:$0x600] =	vst v63  }
0x245: {  	_ =	swait.ge [sflag:s12], $0x50  }
0x246: {  	[sflag:s12] =	ssyncset.done $0x0  }
0x247: {  	s1 =	rddreg [dreg:$0x12];
	[sflag:s12] =	ssyncadd.s32 $0xFFFFFFB0  }
0x248: {  	[tilespmem:s15], [sflag:$0x3] =	stream.linear.gather [hbm4b:s1+s2], $0x50, $0x38;
	[tilespmem:$0x600] =	vst v63  }
0x249: {  	_ =	swait.ge [sflag:s12], $0x50  }
0x24a: {  	[sflag:s12] =	ssyncset.done $0x0  }
0x24b: {  	s30 =	rddreg [dreg:$0x13];
	[sflag:s12] =	ssyncadd.s32 $0xFFFFFFB0  }
0x24c: {  	[tilespmem:s13], [sflag:$0x3] =	stream.linear.gather [hbm4b:s30+s2], $0x50, $0x38;
	[tilespmem:$0x600] =	vst v63  }
0x24d: {  	_ =	swait.ge [sflag:s12], $0x50  }
0x24e: {  	[sflag:s12] =	ssyncset.done $0x0  }
0x24f: {  	s31 =	rddreg [dreg:$0x14];
	[sflag:s12] =	ssyncadd.s32 $0xFFFFFFB0  }
0x250: {  	[tilespmem:s16], [sflag:$0x3] =	stream.linear.gather [hbm4b:s31+s2], $0x50, $0x38;
	[tilespmem:$0x600] =	vst v63  }
0x251: {  	_ =	swait.ge [sflag:s12], $0x50  }
0x252: {  	[sflag:s12] =	ssyncset.done $0x0  }
0x253: {  	s1 =	rddreg [dreg:$0x15];
	[sflag:s12] =	ssyncadd.s32 $0xFFFFFFB0  }
0x254: {  	[tilespmem:s14], [sflag:$0x3] =	stream.linear.gather [hbm4b:s1+s2], $0x50, $0x38;
	[tilespmem:$0x600] =	vst v63  }
0x255: {  	_ =	swait.ge [sflag:s12], $0x50  }
0x256: {  	[sflag:s12] =	ssyncset.done $0x0  }
0x257: {  	s30 =	rddreg [dreg:$0x16];
	[sflag:s12] =	ssyncadd.s32 $0xFFFFFFB0  }
0x258: {  	[tilespmem:s19], [sflag:$0x3] =	stream.linear.gather [hbm4b:s30+s2], $0x50, $0x38;
	[tilespmem:$0x600] =	vst v63  }
0x259: {  	_ =	swait.ge [sflag:s12], $0x50  }
0x25a: {  	[sflag:s12] =	ssyncset.done $0x0  }
0x25b: {  	s31 =	rddreg [dreg:$0x17];
	[sflag:s12] =	ssyncadd.s32 $0xFFFFFFB0  }
0x25c: {  	[tilespmem:s18], [sflag:$0x3] =	stream.linear.gather [hbm4b:s31+s2], $0x50, $0x38;
	[tilespmem:$0x600] =	vst v63  }
0x25d: {  	_ =	swait.ge [sflag:s12], $0x50  }
0x25e: {  	[sflag:s12] =	ssyncset.done $0x0  }
0x25f: {  	s1 =	rddreg [dreg:$0x18];
	[sflag:s12] =	ssyncadd.s32 $0xFFFFFFB0  }
0x260: {  	[tilespmem:s20], [sflag:$0x3] =	stream.linear.gather [hbm4b:s1+s2], $0x50, $0x38;
	[tilespmem:$0x600] =	vst v63  }
0x261: {  	_ =	swait.ge [sflag:s12], $0x50  }
0x262: {  	[sflag:s12] =	ssyncset.done $0x0  }
0x263: {  	[sflag:s12] =	ssyncadd.s32 $0xFFFFFFB0  }
0x264: {  	[hbm4b:s28+s22] =	stream.indirect.scatter [tilespmem:s9], [sflag:$0x1], $0x1, s2, s22, $0xb8;
	[tilespmem:$0x600] =	vst v63  }
0x265: {  	_ = 	snop  }
0x266: {  	[hbm4b:s29+s22] =	stream.indirect.scatter [tilespmem:s15], [sflag:$0x2], $0x1, s2, s22, $0xb8;
	[tilespmem:$0x600] =	vst v63  }
0x267: {  	_ = 	snop  }
0x268: {  	[hbm4b:s28+s22] =	stream.indirect.scatter [tilespmem:s10], [sflag:$0x1], $0x1, s13, s22, $0xb8;
	[tilespmem:$0x600] =	vst v63  }
0x269: {  	_ = 	snop  }
0x26a: {  	[hbm4b:s29+s22] =	stream.indirect.scatter [tilespmem:s16], [sflag:$0x2], $0x1, s13, s22, $0xb8;
	[tilespmem:$0x600] =	vst v63  }
0x26b: {  	_ = 	snop  }
0x26c: {  	[hbm4b:s28+s22] =	stream.indirect.scatter [tilespmem:s8], [sflag:$0x1], $0x1, s14, s22, $0xb8;
	[tilespmem:$0x600] =	vst v63  }
0x26d: {  	_ = 	snop  }
0x26e: {  	[hbm4b:s29+s22] =	stream.indirect.scatter [tilespmem:s19], [sflag:$0x2], $0x1, s14, s22, $0xb8;
	[tilespmem:$0x600] =	vst v63  }
0x26f: {  	_ = 	snop  }
0x270: {  	[hbm4b:s28+s22] =	stream.indirect.scatter [tilespmem:s7], [sflag:$0x1], $0x1, s18, s22, $0xb8;
	[tilespmem:$0x600] =	vst v63  }
0x271: {  	_ = 	snop  }
0x272: {  	[hbm4b:s29+s22] =	stream.indirect.scatter [tilespmem:s20], [sflag:$0x2], $0x1, s18, s22, $0xb8;
	[tilespmem:$0x600] =	vst v63  }
0x273: {  	_ =	swait.ge [sflag:s6], $0x50  }
0x274: {  	[sflag:s6] =	ssyncset.done $0x0  }
0x275: {  	[sflag:s6] =	ssyncadd.s32 $0xFFFFFFB0  }
0x276: {  	_ =	swait.ge [sflag:s5], $0x50  }
0x277: {  	[sflag:s5] =	ssyncset.done $0x0  }
0x278: {  	[sflag:s5] =	ssyncadd.s32 $0xFFFFFFB0  }
0x279: {  	_ =	swait.ge [sflag:s6], $0x50  }
0x27a: {  	[sflag:s6] =	ssyncset.done $0x0  }
0x27b: {  	[sflag:s6] =	ssyncadd.s32 $0xFFFFFFB0  }
0x27c: {  	_ =	swait.ge [sflag:s5], $0x50  }
0x27d: {  	[sflag:s5] =	ssyncset.done $0x0  }
0x27e: {  	[sflag:s5] =	ssyncadd.s32 $0xFFFFFFB0  }
0x27f: {  	_ =	swait.ge [sflag:s6], $0x50  }
0x280: {  	[sflag:s6] =	ssyncset.done $0x0  }
0x281: {  	[sflag:s6] =	ssyncadd.s32 $0xFFFFFFB0  }
0x282: {  	_ =	swait.ge [sflag:s5], $0x50  }
0x283: {  	[sflag:s5] =	ssyncset.done $0x0  }
0x284: {  	[sflag:s5] =	ssyncadd.s32 $0xFFFFFFB0  }
0x285: {  	_ =	swait.ge [sflag:s6], $0x50  }
0x286: {  	[sflag:s6] =	ssyncset.done $0x0  }
0x287: {  	[sflag:s6] =	ssyncadd.s32 $0xFFFFFFB0  }
0x288: {  	_ =	swait.ge [sflag:s5], $0x50  }
0x289: {  	[sflag:s5] =	ssyncset.done $0x0  }
0x28a: {  	s30 =	rddreg [dreg:$0x19];
	[sflag:s5] =	ssyncadd.s32 $0xFFFFFFB0  }
0x28b: {  	[tilespmem:s2], [sflag:$0x3] =	stream.linear.gather [hbm4b:s30+s2], $0x50, $0x38;
	[tilespmem:$0x600] =	vst v63  }
0x28c: {  	_ =	swait.ge [sflag:s12], $0x50  }
0x28d: {  	[sflag:s12] =	ssyncset.done $0x0  }
0x28e: {  	[sflag:s12] =	ssyncadd.s32 $0xFFFFFFB0  }
0x28f: {  	[tilespmem:s15], [sflag:$0x3] =	stream.linear.gather [hbm4b:s26+s2], $0x50, $0x38;
	[tilespmem:$0x600] =	vst v63  }
0x290: {  	_ =	swait.ge [sflag:s12], $0x50  }
0x291: {  	[sflag:s12] =	ssyncset.done $0x0  }
0x292: {  	[sflag:s12] =	ssyncadd.s32 $0xFFFFFFB0  }
0x293: {  	[tilespmem:s13], [sflag:$0x3] =	stream.linear.gather [hbm4b:s25+s2], $0x50, $0x38;
	[tilespmem:$0x600] =	vst v63  }
0x294: {  	_ =	swait.ge [sflag:s12], $0x50  }
0x295: {  	[sflag:s12] =	ssyncset.done $0x0  }
0x296: {  	[sflag:s12] =	ssyncadd.s32 $0xFFFFFFB0  }
0x297: {  	[tilespmem:s16], [sflag:$0x3] =	stream.linear.gather [hbm4b:s24+s2], $0x50, $0x38;
	[tilespmem:$0x600] =	vst v63  }
0x298: {  	_ =	swait.ge [sflag:s12], $0x50  }
0x299: {  	[sflag:s12] =	ssyncset.done $0x0  }
0x29a: {  	[sflag:s12] =	ssyncadd.s32 $0xFFFFFFB0  }
0x29b: {  	[tilespmem:s14], [sflag:$0x3] =	stream.linear.gather [hbm4b:s23+s2], $0x50, $0x38;
	[tilespmem:$0x600] =	vst v63  }
0x29c: {  	_ =	swait.ge [sflag:s12], $0x50  }
0x29d: {  	[sflag:s12] =	ssyncset.done $0x0  }
0x29e: {  	[sflag:s12] =	ssyncadd.s32 $0xFFFFFFB0  }
0x29f: {  	[tilespmem:s19], [sflag:$0x3] =	stream.linear.gather [hbm4b:s21+s2], $0x50, $0x38;
	[tilespmem:$0x600] =	vst v63  }
0x2a0: {  	_ =	swait.ge [sflag:s12], $0x50  }
0x2a1: {  	[sflag:s12] =	ssyncset.done $0x0  }
0x2a2: {  	[sflag:s12] =	ssyncadd.s32 $0xFFFFFFB0  }
0x2a3: {  	[tilespmem:s18], [sflag:$0x3] =	stream.linear.gather [hbm4b:s17+s2], $0x50, $0x38;
	[tilespmem:$0x600] =	vst v63  }
0x2a4: {  	_ =	swait.ge [sflag:s12], $0x50  }
0x2a5: {  	[sflag:s12] =	ssyncset.done $0x0  }
0x2a6: {  	[sflag:s12] =	ssyncadd.s32 $0xFFFFFFB0  }
0x2a7: {  	[tilespmem:s20], [sflag:$0x3] =	stream.linear.gather [hbm4b:s11+s2], $0x50, $0x38;
	[tilespmem:$0x600] =	vst v63  }
0x2a8: {  	_ =	swait.ge [sflag:s12], $0x50  }
0x2a9: {  	[sflag:s12] =	ssyncset.done $0x0  }
0x2aa: {  	[sflag:s12] =	ssyncadd.s32 $0xFFFFFFB0  }
0x2ab: {  	[hbm4b:s3+s22] =	stream.indirect.scatter [tilespmem:s9], [sflag:$0x1], $0x1, s2, s22, $0xb8;
	[tilespmem:$0x600] =	vst v63  }
0x2ac: {  	_ = 	snop  }
0x2ad: {  	[hbm4b:s4+s22] =	stream.indirect.scatter [tilespmem:s15], [sflag:$0x2], $0x1, s2, s22, $0xb8;
	[tilespmem:$0x600] =	vst v63  }
0x2ae: {  	_ = 	snop  }
0x2af: {  	[hbm4b:s3+s22] =	stream.indirect.scatter [tilespmem:s10], [sflag:$0x1], $0x1, s13, s22, $0xb8;
	[tilespmem:$0x600] =	vst v63  }
0x2b0: {  	_ = 	snop  }
0x2b1: {  	[hbm4b:s4+s22] =	stream.indirect.scatter [tilespmem:s16], [sflag:$0x2], $0x1, s13, s22, $0xb8;
	[tilespmem:$0x600] =	vst v63  }
0x2b2: {  	_ = 	snop  }
0x2b3: {  	[hbm4b:s3+s22] =	stream.indirect.scatter [tilespmem:s8], [sflag:$0x1], $0x1, s14, s22, $0xb8;
	[tilespmem:$0x600] =	vst v63  }
0x2b4: {  	_ = 	snop  }
0x2b5: {  	[hbm4b:s4+s22] =	stream.indirect.scatter [tilespmem:s19], [sflag:$0x2], $0x1, s14, s22, $0xb8;
	[tilespmem:$0x600] =	vst v63  }
0x2b6: {  	_ = 	snop  }
0x2b7: {  	[hbm4b:s3+s22] =	stream.indirect.scatter [tilespmem:s7], [sflag:$0x1], $0x1, s18, s22, $0xb8;
	[tilespmem:$0x600] =	vst v63  }
0x2b8: {  	_ = 	snop  }
0x2b9: {  	[hbm4b:s4+s22] =	stream.indirect.scatter [tilespmem:s20], [sflag:$0x2], $0x1, s18, s22, $0xb8;
	[tilespmem:$0x600] =	vst v63  }
0x2ba: {  	_ =	swait.ge [sflag:s6], $0x50  }
0x2bb: {  	[sflag:s6] =	ssyncset.done $0x0  }
0x2bc: {  	[sflag:s6] =	ssyncadd.s32 $0xFFFFFFB0  }
0x2bd: {  	_ =	swait.ge [sflag:s5], $0x50  }
0x2be: {  	[sflag:s5] =	ssyncset.done $0x0  }
0x2bf: {  	[sflag:s5] =	ssyncadd.s32 $0xFFFFFFB0  }
0x2c0: {  	_ =	swait.ge [sflag:s6], $0x50  }
0x2c1: {  	[sflag:s6] =	ssyncset.done $0x0  }
0x2c2: {  	[sflag:s6] =	ssyncadd.s32 $0xFFFFFFB0  }
0x2c3: {  	_ =	swait.ge [sflag:s5], $0x50  }
0x2c4: {  	[sflag:s5] =	ssyncset.done $0x0  }
0x2c5: {  	[sflag:s5] =	ssyncadd.s32 $0xFFFFFFB0  }
0x2c6: {  	_ =	swait.ge [sflag:s6], $0x50  }
0x2c7: {  	[sflag:s6] =	ssyncset.done $0x0  }
0x2c8: {  	[sflag:s6] =	ssyncadd.s32 $0xFFFFFFB0  }
0x2c9: {  	_ =	swait.ge [sflag:s5], $0x50  }
0x2ca: {  	[sflag:s5] =	ssyncset.done $0x0  }
0x2cb: {  	[sflag:s5] =	ssyncadd.s32 $0xFFFFFFB0  }
0x2cc: {  	_ =	swait.ge [sflag:s6], $0x50  }
0x2cd: {  	[sflag:s6] =	ssyncset.done $0x0  }
0x2ce: {  	[sflag:s6] =	ssyncadd.s32 $0xFFFFFFB0  }
0x2cf: {  	_ =	swait.ge [sflag:s5], $0x50  }
0x2d0: {  	[sflag:s5] =	ssyncset.done $0x0  }
0x2d1: {  	[sflag:s5] =	ssyncadd.s32 $0xFFFFFFB0  }
0x2d2: {  	_ =	sfence.sel $0x180000  }
0x2d3: {  	[bflag:$0x0] =	sbarrier.arrive $0xFFFF  }
0x2d4: {  	_ =	strace $0x90000047  }
0x2d5: {  	s31 =	stileid.u32;
	[bflag:$0x2] =	sbarrier.arrive $0xFFFF  }
0x2d6: {  	p0 =	sne.s32 s31, $0x0;
	s0 =	rddreg [dreg:$0x4]  }
0x2d7: {  	s0 =	sadd.s32 @!p0 $0x100000, s0  }
0x2d8: {  	[sflag:s0] =	ssyncadd.tile.s32 @!p0 $0x1;
	_ =	shalt  }
.Lfunc_end2:
_tile_overlayer_lowered:
.L_overlay_start_2:
0x2d9: {  	(tag) =	ssettag $0x2  }
0x2da: {  	s0 =	rddreg [dreg:$0x0];
	s2 =	stileid.u32  }
0x2db: {  	s1 =	rddreg [dreg:$0x1];
	p0 =	sne.s32 s2, $0x0  }
0x2dc: {  	s3 =	rddreg [dreg:$0x2];
	[bflag:$0x3] =	sbarrier.arrive $0xFFFF;
	s2 =	simm.s32 @!p0 $0x1C03  }
0x2dd: {  	[timem:s3], [sflag:s2] =	dma.local @!p0 [hbm:s0], s1  }
0x2de: {  	s0 =	simm.s32 @!p0 $0x3  }
0x2df: {  	_ =	swait.ge @!p0 [sflag:s0], s1  }
0x2e0: {  	s1 =	ssub.s32 @!p0 $0x0, s1;
	[sflag:s0] =	ssyncset.done @!p0 $0x0  }
0x2e1: {  	[sflag:s0] =	ssyncadd.s32 @!p0 s1  }
0x2e2: {  	[bflag:$0x3] =	sbarrier.arrive $0xFFFF  }
0x2e3: {  	_ =	shalt  }

// kernel: kernel.9.cloned.1.call-start
scs
__scs_entry_jumppad:
0x0: {  	(pc) =	sbr.rel $0x88, $3  }
0x1: {  	(tag) =	ssettag $0x0;
	lr =	simm.s32 $0x1  }
0x2: {  	[smem:$0x3F97] =	sst lr;
	_ =	strace $0xD0000000  }
0x3: {  	_ = 	snop  }
0x4: {  	_ = 	snop  }
0x5: {  	_ = 	snop  }
0x6: {  	_ = 	snop  }
0x7: {  	_ = 	snop  }
__scs_overlays_trampoline_lowered:
0x8: {  	[smem:$0x3FA6] =	sst s0  }
0x9: {  	[smem:$0x3FA7] =	sst s1  }
0xa: {  	[smem:$0x3FA8] =	sst s2  }
0xb: {  	[smem:$0x3FA9] =	sst s3  }
0xc: {  	[smem:$0x3FAA] =	sst s4  }
0xd: {  	[smem:$0x3FAB] =	sst s5  }
0xe: {  	[smem:$0x3FAC] =	sst s6  }
0xf: {  	[smem:$0x3FAD] =	sst s7  }
0x10: {  	[smem:$0x3FAE] =	sst s8  }
0x11: {  	[smem:$0x3FAF] =	sst s9;
	s0 =	simm.s32 @!p0 $0x0  }
0x12: {  	s1 =	sld [smem:$0x3F95];
	s0 =	simm.s32 @p0 $0x1  }
0x13: {  	[smem:$0x3FB0] =	sst s0;
	s0 =	simm.s32 @!p1 $0x0  }
0x14: {  	s2 =	sld [smem:$0x3F94];
	s0 =	simm.s32 @p1 $0x1  }
0x15: {  	[smem:$0x3FB1] =	sst s0;
	s0 =	simm.s32 @!p2 $0x0  }
0x16: {  	s3 =	sld [smem:$0x3FDB];
	s0 =	simm.s32 @p2 $0x1  }
0x17: {  	s4 =	simm.s32 $0x1BF5;
	[smem:$0x3FB3] =	sst s0  }
0x18: {  	s0 =	sld [smem:$0x3F96];
	_ =	swait.ge [sflag:s4], $0x0  }
0x19: {  	s7 =	sld [smem:$0x3F97]  }
0x1a: {  	s8 =	sadd.s32 $0xFFFFE003, lr  }
0x1b: {  	s9 =	sadd.s32 $0xFFFFFEF7, lr;
	s5 =	simm.s32 $0xFFFFFFFF;
	p2 =	slt.u32 s8, $0xFFFFF086  }
0x1c: {  	p1 =	slt.u32 s9, $0xF7A;
	s5 =	simm.s32 @!p2 $0x0  }
0x1d: {  	s5 =	simm.s32 @p1 $0x1;
	p0 =	seq.s32 s7, s2  }
0x1e: {  	s7 =	smul.u32 @!p0 $0xF7A, s2;
	p2 =	seq.s32 @!p0 s5, $0x0  }
0x1f: {  	s9 =	smul.u32 $0xF7A, s1;
	s8 =	simm.s32 @!p0 $0x1BF5;
	p2 =	por !p2, p0  }
0x20: {  	[sflag:s8] =	ssyncset.s32 @!p0 $0xFFFFF086;
	s6 =	sadd.s32 @!p0 s3, s7;
	s7 =	simm.s32 @!p0 $0x108  }
0x21: {  	s3 =	sadd.s32 s3, s9;
	s6 =	sadd.s32 @!p0 $0x88, s6;
	s7 =	simm.s32 @p2 $0x1082  }
0x22: {  	[simem:s7], [sflag:s8] =	dma.local @!p0 [hbm:s6], $0xF7A  }
0x23: {  	s9 =	sor.u32 $0xD0000000, s2;
	s6 =	simm.s32 $0x108;
	_ =	swait.ge @!p0 [sflag:s8], $0x0  }
0x24: {  	s3 =	sadd.s32 $0x88, s3;
	s6 =	simm.s32 @!p1 $0x1082;
	[sflag:s4] =	ssyncset.s32 $0xFFFFF086  }
0x25: {  	[simem:s6], [sflag:s4] =	dma.local [hbm:s3], $0xF7A  }
0x26: {  	[smem:$0x3F97] =	sst s1;
	(tag) =	ssettag s2;
	_ =	strace s9  }
0x27: {  	s1 =	sld [smem:$0x3FA7]  }
0x28: {  	s2 =	sld [smem:$0x3FA8]  }
0x29: {  	s4 =	sld [smem:$0x3FAA]  }
0x2a: {  	p0 =	seq.s32 s5, $0x0;
	s5 =	sld [smem:$0x3FAB]  }
0x2b: {  	s6 =	sld [smem:$0x3FAC]  }
0x2c: {  	s7 =	sld [smem:$0x3FAD]  }
0x2d: {  	s3 =	simm.s32 $0x108;
	s8 =	sld [smem:$0x3FAE]  }
0x2e: {  	s3 =	simm.s32 @!p0 $0x1082;
	s9 =	sld [smem:$0x3FAF]  }
0x2f: {  	lr =	sadd.s32 s0, s3;
	s0 =	sld [smem:$0x3FA6]  }
0x30: {  	s3 =	sld [smem:$0x3FA9]  }
0x31: {  	[smem:$0x3FB2] =	sst s10  }
0x32: {  	s10 =	sld [smem:$0x3FB0];
	_ =	sdelay $0x3  }
0x33: {  	p0 =	seq.s32 s10, $0x1;
	s10 =	sld [smem:$0x3FB2];
	_ =	sdelay $0x3  }
0x34: {  	[smem:$0x3FB2] =	sst s10  }
0x35: {  	s10 =	sld [smem:$0x3FB1];
	_ =	sdelay $0x3  }
0x36: {  	p1 =	seq.s32 s10, $0x1;
	s10 =	sld [smem:$0x3FB2];
	_ =	sdelay $0x3  }
0x37: {  	[smem:$0x3FB2] =	sst s10  }
0x38: {  	s10 =	sld [smem:$0x3FB3]  }
0x39: {  	_ = 	snop;
	(pc) =	sbr.ind lr, $3  }
0x3a: {  	_ = 	snop  }
0x3b: {  	_ = 	snop  }
0x3c: {  	p2 =	seq.s32 s10, $0x1;
	s10 =	sld [smem:$0x3FB2]  }
0x3d: {  	_ =	shalt  }
0x3e: {  	_ =	shalt  }
0x3f: {  	_ =	shalt  }
0x40: {  	_ =	shalt  }
0x41: {  	_ =	shalt  }
0x42: {  	_ =	shalt  }
0x43: {  	_ =	shalt  }
0x44: {  	_ =	shalt  }
0x45: {  	_ =	shalt  }
0x46: {  	_ =	shalt  }
0x47: {  	_ =	shalt  }
0x48: {  	_ =	shalt  }
0x49: {  	_ =	shalt  }
0x4a: {  	_ =	shalt  }
0x4b: {  	_ =	shalt  }
0x4c: {  	_ =	shalt  }
0x4d: {  	_ =	shalt  }
0x4e: {  	_ =	shalt  }
0x4f: {  	_ =	shalt  }
0x50: {  	_ =	shalt  }
0x51: {  	_ =	shalt  }
0x52: {  	_ =	shalt  }
0x53: {  	_ =	shalt  }
0x54: {  	_ =	shalt  }
0x55: {  	_ =	shalt  }
0x56: {  	_ =	shalt  }
0x57: {  	_ =	shalt  }
0x58: {  	_ =	shalt  }
0x59: {  	_ =	shalt  }
0x5a: {  	_ =	shalt  }
0x5b: {  	_ =	shalt  }
0x5c: {  	_ =	shalt  }
0x5d: {  	_ =	shalt  }
0x5e: {  	_ =	shalt  }
0x5f: {  	_ =	shalt  }
0x60: {  	_ =	shalt  }
0x61: {  	_ =	shalt  }
0x62: {  	_ =	shalt  }
0x63: {  	_ =	shalt  }
0x64: {  	_ =	shalt  }
0x65: {  	_ =	shalt  }
0x66: {  	_ =	shalt  }
0x67: {  	_ =	shalt  }
0x68: {  	_ =	shalt  }
0x69: {  	_ =	shalt  }
0x6a: {  	_ =	shalt  }
0x6b: {  	_ =	shalt  }
0x6c: {  	_ =	shalt  }
0x6d: {  	_ =	shalt  }
0x6e: {  	_ =	shalt  }
0x6f: {  	_ =	shalt  }
0x70: {  	_ =	shalt  }
0x71: {  	_ =	shalt  }
0x72: {  	_ =	shalt  }
0x73: {  	_ =	shalt  }
0x74: {  	_ =	shalt  }
0x75: {  	_ =	shalt  }
0x76: {  	_ =	shalt  }
0x77: {  	_ =	shalt  }
0x78: {  	_ =	shalt  }
0x79: {  	_ =	shalt  }
0x7a: {  	_ =	shalt  }
0x7b: {  	_ =	shalt  }
0x7c: {  	_ =	shalt  }
0x7d: {  	_ =	shalt  }
0x7e: {  	_ =	shalt  }
0x7f: {  	_ =	shalt  }
0x80: {  	_ =	shalt  }
0x81: {  	_ =	shalt  }
0x82: {  	_ =	shalt  }
0x83: {  	_ =	shalt  }
0x84: {  	_ =	shalt  }
0x85: {  	_ =	shalt  }
0x86: {  	_ =	shalt  }
0x87: {  	_ =	shalt  }
.Lfunc_end0:
.L_simem_size_0:
called_computation.1_lowered:
.L_overlay_start_0:
0x88: {  	s2 =	sld [smem:$0x3FD9]  }
0x89: {  	s3 =	sld [smem:$0x3FFE];
	_ =	sdelay $0x1  }
0x8a: {  	s1 =	srdreg.scid  }
0x8b: {  	s0 =	sand.u32 $0x1, s1  }
0x8c: {  	s14 =	sshll.u32 s0, $0xA;
	s2 =	sadd.s32 s3, s2  }
0x8d: {  	s2 =	sadd.s32 s2, s14  }
0x8e: {  	[smem:$0x3FBE] =	sst s2  }
0x8f: {  	_ = 	snop  }
0x90: {  	s2 =	sld [smem:$0x3FD0];
	_ =	sdelay $0x2  }
0x91: {  	s4 =	simm.s32 $0xA;
	s5 =	simm.s32 $0x10;
	s15 =	sld [smem:$0x3FC9]  }
0x92: {  	[smem:s5], [sflag:s4] =	dma.local [hbm:s2], $0x1  }
0x93: {  	_ =	swait.eq [sflag:s4], $0x1  }
0x94: {  	[sflag:s4] =	ssyncset.done $0x0  }
0x95: {  	[sflag:s4] =	ssyncadd.s32 $0xFFFFFFFF  }
0x96: {  	s16 =	sld [smem:$0x10];
	(tm) =	ssettm $0x1  }
0x97: {  	s17 =	sld [smem:$0x3FFB];
	_ =	sdelay $0x3  }
0x98: {  	_ =	strace s17  }
0x99: {  	s4 =	sld [smem:$0x3FFC];
	_ =	sdelay $0x3  }
0x9a: {  	_ =	strace s4  }
0x9b: {  	s4 =	sld [smem:$0x3FFD];
	_ =	sdelay $0x3  }
0x9c: {  	_ =	strace s4  }
0x9d: {  	_ =	strace $0x8FFFFFFF  }
0x9e: {  	s18 =	sld [smem:$0x3FDB];
	_ =	sdelay $0x1  }
0x9f: {  	s19 =	simm.s32 $_scs_section_size  }
0xa0: {  	s6 =	simm.s32 $_size__tile_overlayer_lowered;
	s7 =	simm.s32 $_tile_overlayer_lowered  }
0xa1: {  	s22 =	simm.s32 $0x1BFF;
	s21 =	sshll.u32 s7, $0x1;
	s4 =	sadd.s32 s19, s18  }
0xa2: {  	s8 =	simm.s32 $0x0;
	s20 =	sshll.u32 s6, $0x1;
	s6 =	sadd.s32 s21, s4  }
0xa3: {  	[timem:s8], [sflag:s22] =	dma.local [hbm:s6], s20  }
0xa4: {  	_ =	swait.ge [sflag:s22], s20  }
0xa5: {  	s5 =	ssub.s32 $0x0, s20;
	[sflag:s22] =	ssyncset.done $0x0  }
0xa6: {  	[sflag:s22] =	ssyncadd.s32 s5;
	_ =	sdelay $0x1  }
0xa7: {  	s23 =	simm.s32 $0x1B8B  }
0xa8: {  	_ =	swait.ge [sflag:s23], $0x1  }
0xa9: {  	[sflag:s23] =	ssyncset.done $0x0  }
0xaa: {  	s25 =	simm.s32 $0x1B8E;
	s24 =	sld [smem:$0x3FFE];
	[sflag:s23] =	ssyncadd.s32 $0xFFFFFFFF  }
0xab: {  	s26 =	simm.s32 $execute0_lowered;
	[smem:$0x3FD2] =	sst s25  }
0xac: {  	s6 =	sshll.u32 s26, $0x1;
	_ =	strace $0x80000049;
	[dreg:$0x1] =	wrdreg $0xFFFFFFFF  }
0xad: {  	s28 =	simm.s32 $_size_execute0_lowered;
	s4 =	sadd.s32 s4, s6;
	[dreg:$0x0] =	wrdreg $0x0  }
0xae: {  	s6 =	sshll.u32 s28, $0x1;
	[dreg:$0x2] =	wrdreg s4  }
0xaf: {  	[dreg:$0x3] =	wrdreg s6  }
0xb0: {  	[dreg:$0x4] =	wrdreg $0xC0  }
0xb1: {  	_ =	task [dreg:s8], $0x5FFFF  }
0xb2: {  	[dreg:$0x1] =	wrdreg $0xFFFFFFFF  }
0xb3: {  	[dreg:$0x0] =	wrdreg $0x60  }
0xb4: {  	[dreg:$0x2] =	wrdreg s15  }
0xb5: {  	[dreg:$0x3] =	wrdreg s24  }
0xb6: {  	[dreg:$0x4] =	wrdreg s16  }
0xb7: {  	[dreg:$0x5] =	wrdreg $0x9  }
0xb8: {  	_ =	task.clear_ibuf [dreg:s8], $0x6FFFF;
	_ =	strace $0x90000049  }
0xb9: {  	s29 =	simm.s32 $0x9;
	_ =	strace $0x8000004B  }
0xba: {  	_ =	swait.ge [sflag:s29], $0x1  }
0xbb: {  	[sflag:s29] =	ssyncadd.s32 $0xFFFFFFFF  }
0xbc: {  	_ =	strace $0x9000004B  }
0xbd: {  	_ =	sfence  }
0xbe: {  	s30 =	sld [smem:$0x0];
	_ =	sdelay $0x2  }
0xbf: {  	s31 =	sshll.u32 s1, $0xD;
	s1 =	sshrl.u32 s1, $0x2  }
0xc0: {  	s3 =	sand.u32 $0x4000, s31;
	s1 =	sadd.s32 s1, s30  }
0xc1: {  	s0 =	sor.u32 s3, s0;
	s1 =	sshll.u32 s1, $0x11  }
0xc2: {  	s0 =	sor.u32 s1, s0  }
0xc3: {  	s0 =	sadd.s32 $0x8F2B, s0  }
0xc4: {  	[sflag:s0] =	ssyncadd.remote.s32 $0x1  }
0xc5: {  	_ =	sfence.sel $0xFFFF  }
0xc6: {  	[dreg:$0x0] =	wrdreg $0xFFFFFFFF;
	(pc) =	sbr.abs _section_cstart, $3  }
0xc7: {  	[dreg:$0x1] =	wrdreg $0xFFFFFFFF  }
0xc8: {  	_ =	task.clear_ibuf [dreg:s8], $0x2FFFF;
	_ =	strace $0x9FFFFFFF  }
0xc9: {  	(tm) =	ssettm $0x7FFFFFFF  }
tec
execute0_lowered:
.L_overlay_start_1:
0x0: {  	(tag) =	ssettag $0x1  }
0x1: {  	s1 =	rddreg [dreg:$0x0]  }
0x2: {  	s2 =	rddreg [dreg:$0x1];
	s3 =	srdreg.scid  }
0x3: {  	s0 =	stileid.u32;
	s4 =	rddreg [dreg:$0x2];
	s13 =	simm.s32 $0x1100  }
0x4: {  	s14 =	simm.s32 $0x1900;
	s15 =	simm.s32 $0x2100;
	s16 =	simm.s32 $0x2900  }
0x5: {  	s17 =	simm.s32 $0x3100;
	s18 =	simm.s32 $0x3900;
	s19 =	simm.s32 $0x4100  }
0x6: {  	s20 =	simm.s32 $0x4900;
	s21 =	simm.s32 $0x5100;
	s22 =	simm.s32 $0x5900  }
0x7: {  	s28 =	simm.s32 $0x8100;
	s29 =	simm.s32 $0x8900;
	s30 =	simm.s32 $0x9100  }
0x8: {  	s31 =	simm.s32 $0x9900;
	s5 =	sand.u32 $0x1, s3;
	s6 =	sshll.u32 s0, $0x1  }
0x9: {  	s3 =	simm.s32 $0x0;
	s8 =	sadd.s32 $0x2E00, s2;
	s6 =	sor.u32 s5, s6  }
0xa: {  	s9 =	sadd.s32 $0x3400, s2;
	s5 =	ssub.s32 $0x2, s5;
	s7 =	smul.u32 $0xA0, s6  }
0xb: {  	[smem:$0x7FF] =	sst s3;
	s6 =	smul.u32 $0x1400, s6;
	s24 =	sshrl.u32 s5, $0x1  }
0xc: {  	s12 =	sadd.s32 $0x3A00, s2;
	_ =	strace $0x8000004A;
	s26 =	ssub.s32 s5, s24  }
0xd: {  	s24 =	simm.s32 $0x6900;
	s7 =	sshrl.u32 s7, $0x3;
	s2 =	sadd.s32 s6, s2  }
0xe: {  	s4 =	sadd.s32 s4, s6;
	s10 =	sadd.s32 s8, s7;
	s11 =	sadd.s32 $0xA, s7  }
0xf: {  	[dreg:$0x6] =	wrdreg s4;
	s23 =	sadd.s32 s9, s7;
	s4 =	sadd.s32 $0x4000, s2  }
0x10: {  	s5 =	sadd.s32 s12, s7;
	s7 =	sadd.s32 $0x2C000, s2;
	[dreg:$0x4] =	wrdreg s10  }
0x11: {  	s2 =	simm.s32 $0x1;
	s8 =	sadd.s32 s8, s11;
	[dreg:$0x7] =	wrdreg s23  }
0x12: {  	s25 =	sadd.s32 s9, s11;
	s6 =	sadd.s32 s12, s11;
	s9 =	simm.s32 $0x2  }
0x13: {  	v2 =	vlaneseq.u32;
	s10 =	simm.s32 $0x80;
	s11 =	simm.s32 $0x100;
	[dreg:$0x5] =	wrdreg s8  }
0x14: {  	vm0 =	vmmov $0xffff;
	v1 =	vshrl.u32 v2, $0x3;
	s12 =	simm.s32 $0x900;
	s23 =	simm.s32 $0x6100;
	[dreg:$0x8] =	wrdreg s25  }
0x15: {  	v0 =	vand.u32 $0x7, v2;
	v2 =	vor.u32 $0x8, v2;
	v1 =	vmul.u32 $0x8, v1;
	s8 =	smax.u32 s26, $0x1;
	s25 =	simm.s32 $0x7100;
	s26 =	simm.s32 $0x7900  }
.LBB2_1:
0x16: {  	s0 =	rddreg [dreg:$0x4]  }
0x17: {  	[tilespmem:s3], [sflag:$0x2] =	stream.linear.gather [hbm4b:s0+s3], $0x50, $0x38;
	[tilespmem:$0xA100] =	vst v63  }
0x18: {  	_ =	swait.ge [sflag:s9], $0x50  }
0x19: {  	[sflag:s9] =	ssyncset.done $0x0  }
0x1a: {  	s0 =	rddreg [dreg:$0x5];
	[sflag:s9] =	ssyncadd.s32 $0xFFFFFFB0  }
0x1b: {  	[tilespmem:s10], [sflag:$0x2] =	stream.linear.gather [hbm4b:s0+s3], $0x50, $0x38;
	[tilespmem:$0xA100] =	vst v63  }
0x1c: {  	_ =	swait.ge [sflag:s9], $0x50  }
0x1d: {  	[sflag:s9] =	ssyncset.done $0x0  }
0x1e: {  	[sflag:s9] =	ssyncadd.s32 $0xFFFFFFB0  }
0x1f: {  	v3 =	vld [tilespmem:$0x0];
	_ =	sdelay $0x4  }
0x20: {  	v4 =	vshll.u32 v3, $0x1  }
0x21: {  	v3 =	vand.u32 $0x7, v3;
	v4 =	vand.u32 $0xFFFFFFF0, v4  }
0x22: {  	v3 =	vor.u32 v3, v4  }
0x23: {  	v4 =	vperm.xlane v3, v0;
	_ =	sdelay $0x1  }
0x24: {  	v3 =	vperm.xlane v3, v2;
	v4 =	vadd.s32 v1, v4;
	_ =	sdelay $0x1  }
0x25: {  	v3 =	vadd.s32 v1, v3;
	_ =	sdelay $0x2  }
0x26: {  	[tilespmem:s11], [sflag:$0x1] =	stream.indirect_vreg.gather [hbm4b:s1+s3], $0x80, v4, vm0, $0xb8;
	[tilespmem:$0xA100] =	vst v63  }
0x27: {  	_ = 	snop  }
0x28: {  	[tilespmem:s12], [sflag:$0x1] =	stream.indirect_vreg.gather [hbm4b:s1+s3], $0x80, v3, vm0, $0xb8;
	[tilespmem:$0xA100] =	vst v63  }
0x29: {  	v3 =	vld [tilespmem:$0x10];
	_ =	sdelay $0x4  }
0x2a: {  	v35 =	vshll.u32 v3, $0x1  }
0x2b: {  	v3 =	vand.u32 $0x7, v3;
	v4 =	vand.u32 $0xFFFFFFF0, v35  }
0x2c: {  	v3 =	vor.u32 v3, v4  }
0x2d: {  	v4 =	vperm.xlane v3, v0;
	_ =	sdelay $0x1  }
0x2e: {  	v3 =	vperm.xlane v3, v2;
	v4 =	vadd.s32 v1, v4;
	_ =	sdelay $0x1  }
0x2f: {  	v3 =	vadd.s32 v1, v3;
	_ =	sdelay $0x2  }
0x30: {  	[tilespmem:s13], [sflag:$0x1] =	stream.indirect_vreg.gather [hbm4b:s1+s3], $0x80, v4, vm0, $0xb8;
	[tilespmem:$0xA100] =	vst v63  }
0x31: {  	_ = 	snop  }
0x32: {  	[tilespmem:s14], [sflag:$0x1] =	stream.indirect_vreg.gather [hbm4b:s1+s3], $0x80, v3, vm0, $0xb8;
	[tilespmem:$0xA100] =	vst v63  }
0x33: {  	v3 =	vld [tilespmem:$0x20];
	_ =	sdelay $0x4  }
0x34: {  	v36 =	vshll.u32 v3, $0x1  }
0x35: {  	v3 =	vand.u32 $0x7, v3;
	v4 =	vand.u32 $0xFFFFFFF0, v36  }
0x36: {  	v3 =	vor.u32 v3, v4  }
0x37: {  	v4 =	vperm.xlane v3, v0;
	_ =	sdelay $0x1  }
0x38: {  	v3 =	vperm.xlane v3, v2;
	v4 =	vadd.s32 v1, v4;
	_ =	sdelay $0x1  }
0x39: {  	v3 =	vadd.s32 v1, v3;
	_ =	sdelay $0x2  }
0x3a: {  	[tilespmem:s15], [sflag:$0x1] =	stream.indirect_vreg.gather [hbm4b:s1+s3], $0x80, v4, vm0, $0xb8;
	[tilespmem:$0xA100] =	vst v63  }
0x3b: {  	_ = 	snop  }
0x3c: {  	[tilespmem:s16], [sflag:$0x1] =	stream.indirect_vreg.gather [hbm4b:s1+s3], $0x80, v3, vm0, $0xb8;
	[tilespmem:$0xA100] =	vst v63  }
0x3d: {  	v3 =	vld [tilespmem:$0x30];
	_ =	sdelay $0x4  }
0x3e: {  	v37 =	vshll.u32 v3, $0x1  }
0x3f: {  	v3 =	vand.u32 $0x7, v3;
	v4 =	vand.u32 $0xFFFFFFF0, v37  }
0x40: {  	v3 =	vor.u32 v3, v4  }
0x41: {  	v4 =	vperm.xlane v3, v0;
	_ =	sdelay $0x1  }
0x42: {  	v3 =	vperm.xlane v3, v2;
	v4 =	vadd.s32 v1, v4;
	_ =	sdelay $0x1  }
0x43: {  	v3 =	vadd.s32 v1, v3;
	_ =	sdelay $0x2  }
0x44: {  	[tilespmem:s17], [sflag:$0x1] =	stream.indirect_vreg.gather [hbm4b:s1+s3], $0x80, v4, vm0, $0xb8;
	[tilespmem:$0xA100] =	vst v63  }
0x45: {  	_ = 	snop  }
0x46: {  	[tilespmem:s18], [sflag:$0x1] =	stream.indirect_vreg.gather [hbm4b:s1+s3], $0x80, v3, vm0, $0xb8;
	[tilespmem:$0xA100] =	vst v63  }
0x47: {  	v3 =	vld [tilespmem:$0x40];
	_ =	sdelay $0x4  }
0x48: {  	v38 =	vshll.u32 v3, $0x1  }
0x49: {  	v3 =	vand.u32 $0x7, v3;
	v4 =	vand.u32 $0xFFFFFFF0, v38  }
0x4a: {  	v3 =	vor.u32 v3, v4  }
0x4b: {  	v4 =	vperm.xlane v3, v0;
	_ =	sdelay $0x1  }
0x4c: {  	v3 =	vperm.xlane v3, v2;
	v4 =	vadd.s32 v1, v4;
	_ =	sdelay $0x1  }
0x4d: {  	v3 =	vadd.s32 v1, v3;
	_ =	sdelay $0x2  }
0x4e: {  	[tilespmem:s19], [sflag:$0x1] =	stream.indirect_vreg.gather [hbm4b:s1+s3], $0x80, v4, vm0, $0xb8;
	[tilespmem:$0xA100] =	vst v63  }
0x4f: {  	_ = 	snop  }
0x50: {  	[tilespmem:s20], [sflag:$0x1] =	stream.indirect_vreg.gather [hbm4b:s1+s3], $0x80, v3, vm0, $0xb8;
	[tilespmem:$0xA100] =	vst v63  }
0x51: {  	v3 =	vld [tilespmem:$0x80];
	_ =	sdelay $0x4  }
0x52: {  	v39 =	vshll.u32 v3, $0x1  }
0x53: {  	v3 =	vand.u32 $0x7, v3;
	v4 =	vand.u32 $0xFFFFFFF0, v39  }
0x54: {  	v3 =	vor.u32 v3, v4  }
0x55: {  	v4 =	vperm.xlane v3, v0;
	_ =	sdelay $0x1  }
0x56: {  	v3 =	vperm.xlane v3, v2;
	v4 =	vadd.s32 v1, v4;
	_ =	sdelay $0x1  }
0x57: {  	v3 =	vadd.s32 v1, v3;
	_ =	sdelay $0x2  }
0x58: {  	[tilespmem:s21], [sflag:$0x1] =	stream.indirect_vreg.gather [hbm4b:s1+s3], $0x80, v4, vm0, $0xb8;
	[tilespmem:$0xA100] =	vst v63  }
0x59: {  	_ = 	snop  }
0x5a: {  	[tilespmem:s22], [sflag:$0x1] =	stream.indirect_vreg.gather [hbm4b:s1+s3], $0x80, v3, vm0, $0xb8;
	[tilespmem:$0xA100] =	vst v63  }
0x5b: {  	v3 =	vld [tilespmem:$0x90];
	_ =	sdelay $0x4  }
0x5c: {  	v40 =	vshll.u32 v3, $0x1  }
0x5d: {  	v3 =	vand.u32 $0x7, v3;
	v4 =	vand.u32 $0xFFFFFFF0, v40  }
0x5e: {  	v3 =	vor.u32 v3, v4  }
0x5f: {  	v4 =	vperm.xlane v3, v0;
	_ =	sdelay $0x1  }
0x60: {  	v3 =	vperm.xlane v3, v2;
	v4 =	vadd.s32 v1, v4;
	_ =	sdelay $0x1  }
0x61: {  	v3 =	vadd.s32 v1, v3;
	_ =	sdelay $0x2  }
0x62: {  	[tilespmem:s23], [sflag:$0x1] =	stream.indirect_vreg.gather [hbm4b:s1+s3], $0x80, v4, vm0, $0xb8;
	[tilespmem:$0xA100] =	vst v63  }
0x63: {  	_ = 	snop  }
0x64: {  	[tilespmem:s24], [sflag:$0x1] =	stream.indirect_vreg.gather [hbm4b:s1+s3], $0x80, v3, vm0, $0xb8;
	[tilespmem:$0xA100] =	vst v63  }
0x65: {  	v3 =	vld [tilespmem:$0xA0];
	_ =	sdelay $0x4  }
0x66: {  	v41 =	vshll.u32 v3, $0x1  }
0x67: {  	v3 =	vand.u32 $0x7, v3;
	v4 =	vand.u32 $0xFFFFFFF0, v41  }
0x68: {  	v3 =	vor.u32 v3, v4  }
0x69: {  	v4 =	vperm.xlane v3, v0;
	_ =	sdelay $0x1  }
0x6a: {  	v3 =	vperm.xlane v3, v2;
	v4 =	vadd.s32 v1, v4;
	_ =	sdelay $0x1  }
0x6b: {  	v3 =	vadd.s32 v1, v3;
	_ =	sdelay $0x2  }
0x6c: {  	[tilespmem:s25], [sflag:$0x1] =	stream.indirect_vreg.gather [hbm4b:s1+s3], $0x80, v4, vm0, $0xb8;
	[tilespmem:$0xA100] =	vst v63  }
0x6d: {  	_ = 	snop  }
0x6e: {  	[tilespmem:s26], [sflag:$0x1] =	stream.indirect_vreg.gather [hbm4b:s1+s3], $0x80, v3, vm0, $0xb8;
	[tilespmem:$0xA100] =	vst v63  }
0x6f: {  	v3 =	vld [tilespmem:$0xB0];
	_ =	sdelay $0x4  }
0x70: {  	v42 =	vshll.u32 v3, $0x1  }
0x71: {  	v3 =	vand.u32 $0x7, v3;
	v4 =	vand.u32 $0xFFFFFFF0, v42  }
0x72: {  	v3 =	vor.u32 v3, v4  }
0x73: {  	v4 =	vperm.xlane v3, v0;
	_ =	sdelay $0x1  }
0x74: {  	v3 =	vperm.xlane v3, v2;
	v4 =	vadd.s32 v1, v4;
	_ =	sdelay $0x1  }
0x75: {  	v3 =	vadd.s32 v1, v3;
	_ =	sdelay $0x2  }
0x76: {  	[tilespmem:s28], [sflag:$0x1] =	stream.indirect_vreg.gather [hbm4b:s1+s3], $0x80, v4, vm0, $0xb8;
	[tilespmem:$0xA100] =	vst v63  }
0x77: {  	_ = 	snop  }
0x78: {  	[tilespmem:s29], [sflag:$0x1] =	stream.indirect_vreg.gather [hbm4b:s1+s3], $0x80, v3, vm0, $0xb8;
	[tilespmem:$0xA100] =	vst v63  }
0x79: {  	v3 =	vld [tilespmem:$0xC0];
	_ =	sdelay $0x4  }
0x7a: {  	v43 =	vshll.u32 v3, $0x1  }
0x7b: {  	v3 =	vand.u32 $0x7, v3;
	v4 =	vand.u32 $0xFFFFFFF0, v43  }
0x7c: {  	v3 =	vor.u32 v3, v4  }
0x7d: {  	v4 =	vperm.xlane v3, v0;
	_ =	sdelay $0x1  }
0x7e: {  	v3 =	vperm.xlane v3, v2;
	v4 =	vadd.s32 v1, v4;
	_ =	sdelay $0x1  }
0x7f: {  	v3 =	vadd.s32 v1, v3;
	_ =	sdelay $0x2  }
0x80: {  	[tilespmem:s30], [sflag:$0x1] =	stream.indirect_vreg.gather [hbm4b:s1+s3], $0x80, v4, vm0, $0xb8;
	[tilespmem:$0xA100] =	vst v63  }
0x81: {  	_ = 	snop  }
0x82: {  	[tilespmem:s31], [sflag:$0x1] =	stream.indirect_vreg.gather [hbm4b:s1+s3], $0x80, v3, vm0, $0xb8;
	[tilespmem:$0xA100] =	vst v63  }
0x83: {  	_ =	swait.ge [sflag:s2], $0x5000  }
0x84: {  	[sflag:s2] =	ssyncset.done $0x0  }
0x85: {  	[sflag:s2] =	ssyncadd.s32 $0xFFFFB000  }
0x86: {  	_ =	swait.ge [sflag:s2], $0x5000  }
0x87: {  	[sflag:s2] =	ssyncset.done $0x0  }
0x88: {  	s0 =	rddreg [dreg:$0x6];
	[sflag:s2] =	ssyncadd.s32 $0xFFFFB000  }
0x89: {  	[hbm4b:s0+s3] =	stream.linear.scatter [tilespmem:s11], [sflag:$0x2], $0xA000, $0x38;
	[tilespmem:$0xA100] =	vst v63  }
0x8a: {  	_ =	swait.ge [sflag:s9], $0xA000  }
0x8b: {  	[sflag:s9] =	ssyncset.done $0x0  }
0x8c: {  	s0 =	rddreg [dreg:$0x7];
	[sflag:s9] =	ssyncadd.s32 $0xFFFF6000  }
0x8d: {  	[tilespmem:s3], [sflag:$0x2] =	stream.linear.gather [hbm4b:s0+s3], $0x50, $0x38;
	[tilespmem:$0xA100] =	vst v63  }
0x8e: {  	_ =	swait.ge [sflag:s9], $0x50  }
0x8f: {  	[sflag:s9] =	ssyncset.done $0x0  }
0x90: {  	s0 =	rddreg [dreg:$0x8];
	[sflag:s9] =	ssyncadd.s32 $0xFFFFFFB0  }
0x91: {  	[tilespmem:s10], [sflag:$0x2] =	stream.linear.gather [hbm4b:s0+s3], $0x50, $0x38;
	[tilespmem:$0xA100] =	vst v63  }
0x92: {  	_ =	swait.ge [sflag:s9], $0x50  }
0x93: {  	[sflag:s9] =	ssyncset.done $0x0  }
0x94: {  	[sflag:s9] =	ssyncadd.s32 $0xFFFFFFB0  }
0x95: {  	v3 =	vld [tilespmem:$0x0];
	_ =	sdelay $0x4  }
0x96: {  	v44 =	vshll.u32 v3, $0x1  }
0x97: {  	v3 =	vand.u32 $0x7, v3;
	v4 =	vand.u32 $0xFFFFFFF0, v44  }
0x98: {  	v3 =	vor.u32 v3, v4  }
0x99: {  	v4 =	vperm.xlane v3, v0;
	_ =	sdelay $0x1  }
0x9a: {  	v3 =	vperm.xlane v3, v2;
	v4 =	vadd.s32 v1, v4;
	_ =	sdelay $0x1  }
0x9b: {  	v3 =	vadd.s32 v1, v3;
	_ =	sdelay $0x2  }
0x9c: {  	[tilespmem:s11], [sflag:$0x1] =	stream.indirect_vreg.gather [hbm4b:s1+s3], $0x80, v4, vm0, $0xb8;
	[tilespmem:$0xA100] =	vst v63  }
0x9d: {  	_ = 	snop  }
0x9e: {  	[tilespmem:s12], [sflag:$0x1] =	stream.indirect_vreg.gather [hbm4b:s1+s3], $0x80, v3, vm0, $0xb8;
	[tilespmem:$0xA100] =	vst v63  }
0x9f: {  	v3 =	vld [tilespmem:$0x10];
	_ =	sdelay $0x4  }
0xa0: {  	v45 =	vshll.u32 v3, $0x1  }
0xa1: {  	v3 =	vand.u32 $0x7, v3;
	v4 =	vand.u32 $0xFFFFFFF0, v45  }
0xa2: {  	v3 =	vor.u32 v3, v4  }
0xa3: {  	v4 =	vperm.xlane v3, v0;
	_ =	sdelay $0x1  }
0xa4: {  	v3 =	vperm.xlane v3, v2;
	v4 =	vadd.s32 v1, v4;
	_ =	sdelay $0x1  }
0xa5: {  	v3 =	vadd.s32 v1, v3;
	_ =	sdelay $0x2  }
0xa6: {  	[tilespmem:s13], [sflag:$0x1] =	stream.indirect_vreg.gather [hbm4b:s1+s3], $0x80, v4, vm0, $0xb8;
	[tilespmem:$0xA100] =	vst v63  }
0xa7: {  	_ = 	snop  }
0xa8: {  	[tilespmem:s14], [sflag:$0x1] =	stream.indirect_vreg.gather [hbm4b:s1+s3], $0x80, v3, vm0, $0xb8;
	[tilespmem:$0xA100] =	vst v63  }
0xa9: {  	v3 =	vld [tilespmem:$0x20];
	_ =	sdelay $0x4  }
0xaa: {  	v46 =	vshll.u32 v3, $0x1  }
0xab: {  	v3 =	vand.u32 $0x7, v3;
	v4 =	vand.u32 $0xFFFFFFF0, v46  }
0xac: {  	v3 =	vor.u32 v3, v4  }
0xad: {  	v4 =	vperm.xlane v3, v0;
	_ =	sdelay $0x1  }
0xae: {  	v3 =	vperm.xlane v3, v2;
	v4 =	vadd.s32 v1, v4;
	_ =	sdelay $0x1  }
0xaf: {  	v3 =	vadd.s32 v1, v3;
	_ =	sdelay $0x2  }
0xb0: {  	[tilespmem:s15], [sflag:$0x1] =	stream.indirect_vreg.gather [hbm4b:s1+s3], $0x80, v4, vm0, $0xb8;
	[tilespmem:$0xA100] =	vst v63  }
0xb1: {  	_ = 	snop  }
0xb2: {  	[tilespmem:s16], [sflag:$0x1] =	stream.indirect_vreg.gather [hbm4b:s1+s3], $0x80, v3, vm0, $0xb8;
	[tilespmem:$0xA100] =	vst v63  }
0xb3: {  	v3 =	vld [tilespmem:$0x30];
	_ =	sdelay $0x4  }
0xb4: {  	v47 =	vshll.u32 v3, $0x1  }
0xb5: {  	v3 =	vand.u32 $0x7, v3;
	v4 =	vand.u32 $0xFFFFFFF0, v47  }
0xb6: {  	v3 =	vor.u32 v3, v4  }
0xb7: {  	v4 =	vperm.xlane v3, v0;
	_ =	sdelay $0x1  }
0xb8: {  	v3 =	vperm.xlane v3, v2;
	v4 =	vadd.s32 v1, v4;
	_ =	sdelay $0x1  }
0xb9: {  	v3 =	vadd.s32 v1, v3;
	_ =	sdelay $0x2  }
0xba: {  	[tilespmem:s17], [sflag:$0x1] =	stream.indirect_vreg.gather [hbm4b:s1+s3], $0x80, v4, vm0, $0xb8;
	[tilespmem:$0xA100] =	vst v63  }
0xbb: {  	_ = 	snop  }
0xbc: {  	[tilespmem:s18], [sflag:$0x1] =	stream.indirect_vreg.gather [hbm4b:s1+s3], $0x80, v3, vm0, $0xb8;
	[tilespmem:$0xA100] =	vst v63  }
0xbd: {  	v3 =	vld [tilespmem:$0x40];
	_ =	sdelay $0x4  }
0xbe: {  	v48 =	vshll.u32 v3, $0x1  }
0xbf: {  	v3 =	vand.u32 $0x7, v3;
	v4 =	vand.u32 $0xFFFFFFF0, v48  }
0xc0: {  	v3 =	vor.u32 v3, v4  }
0xc1: {  	v4 =	vperm.xlane v3, v0;
	_ =	sdelay $0x1  }
0xc2: {  	v3 =	vperm.xlane v3, v2;
	v4 =	vadd.s32 v1, v4;
	_ =	sdelay $0x1  }
0xc3: {  	v3 =	vadd.s32 v1, v3;
	_ =	sdelay $0x2  }
0xc4: {  	[tilespmem:s19], [sflag:$0x1] =	stream.indirect_vreg.gather [hbm4b:s1+s3], $0x80, v4, vm0, $0xb8;
	[tilespmem:$0xA100] =	vst v63  }
0xc5: {  	_ = 	snop  }
0xc6: {  	[tilespmem:s20], [sflag:$0x1] =	stream.indirect_vreg.gather [hbm4b:s1+s3], $0x80, v3, vm0, $0xb8;
	[tilespmem:$0xA100] =	vst v63  }
0xc7: {  	v3 =	vld [tilespmem:$0x80];
	_ =	sdelay $0x4  }
0xc8: {  	v49 =	vshll.u32 v3, $0x1  }
0xc9: {  	v3 =	vand.u32 $0x7, v3;
	v4 =	vand.u32 $0xFFFFFFF0, v49  }
0xca: {  	v3 =	vor.u32 v3, v4  }
0xcb: {  	v4 =	vperm.xlane v3, v0;
	_ =	sdelay $0x1  }
0xcc: {  	v3 =	vperm.xlane v3, v2;
	v4 =	vadd.s32 v1, v4;
	_ =	sdelay $0x1  }
0xcd: {  	v3 =	vadd.s32 v1, v3;
	_ =	sdelay $0x2  }
0xce: {  	[tilespmem:s21], [sflag:$0x1] =	stream.indirect_vreg.gather [hbm4b:s1+s3], $0x80, v4, vm0, $0xb8;
	[tilespmem:$0xA100] =	vst v63  }
0xcf: {  	_ = 	snop  }
0xd0: {  	[tilespmem:s22], [sflag:$0x1] =	stream.indirect_vreg.gather [hbm4b:s1+s3], $0x80, v3, vm0, $0xb8;
	[tilespmem:$0xA100] =	vst v63  }
0xd1: {  	v3 =	vld [tilespmem:$0x90];
	_ =	sdelay $0x4  }
0xd2: {  	v50 =	vshll.u32 v3, $0x1  }
0xd3: {  	v3 =	vand.u32 $0x7, v3;
	v4 =	vand.u32 $0xFFFFFFF0, v50  }
0xd4: {  	v3 =	vor.u32 v3, v4  }
0xd5: {  	v4 =	vperm.xlane v3, v0;
	_ =	sdelay $0x1  }
0xd6: {  	v3 =	vperm.xlane v3, v2;
	v4 =	vadd.s32 v1, v4;
	_ =	sdelay $0x1  }
0xd7: {  	v3 =	vadd.s32 v1, v3;
	_ =	sdelay $0x2  }
0xd8: {  	[tilespmem:s23], [sflag:$0x1] =	stream.indirect_vreg.gather [hbm4b:s1+s3], $0x80, v4, vm0, $0xb8;
	[tilespmem:$0xA100] =	vst v63  }
0xd9: {  	_ = 	snop  }
0xda: {  	[tilespmem:s24], [sflag:$0x1] =	stream.indirect_vreg.gather [hbm4b:s1+s3], $0x80, v3, vm0, $0xb8;
	[tilespmem:$0xA100] =	vst v63  }
0xdb: {  	v3 =	vld [tilespmem:$0xA0];
	_ =	sdelay $0x4  }
0xdc: {  	v51 =	vshll.u32 v3, $0x1  }
0xdd: {  	v3 =	vand.u32 $0x7, v3;
	v4 =	vand.u32 $0xFFFFFFF0, v51  }
0xde: {  	v3 =	vor.u32 v3, v4  }
0xdf: {  	v4 =	vperm.xlane v3, v0;
	_ =	sdelay $0x1  }
0xe0: {  	v3 =	vperm.xlane v3, v2;
	v4 =	vadd.s32 v1, v4;
	_ =	sdelay $0x1  }
0xe1: {  	v3 =	vadd.s32 v1, v3;
	_ =	sdelay $0x2  }
0xe2: {  	[tilespmem:s25], [sflag:$0x1] =	stream.indirect_vreg.gather [hbm4b:s1+s3], $0x80, v4, vm0, $0xb8;
	[tilespmem:$0xA100] =	vst v63  }
0xe3: {  	_ = 	snop  }
0xe4: {  	[tilespmem:s26], [sflag:$0x1] =	stream.indirect_vreg.gather [hbm4b:s1+s3], $0x80, v3, vm0, $0xb8;
	[tilespmem:$0xA100] =	vst v63  }
0xe5: {  	v3 =	vld [tilespmem:$0xB0];
	_ =	sdelay $0x4  }
0xe6: {  	v52 =	vshll.u32 v3, $0x1  }
0xe7: {  	v3 =	vand.u32 $0x7, v3;
	v4 =	vand.u32 $0xFFFFFFF0, v52  }
0xe8: {  	v3 =	vor.u32 v3, v4  }
0xe9: {  	v4 =	vperm.xlane v3, v0;
	_ =	sdelay $0x1  }
0xea: {  	v3 =	vperm.xlane v3, v2;
	v4 =	vadd.s32 v1, v4;
	_ =	sdelay $0x1  }
0xeb: {  	v3 =	vadd.s32 v1, v3;
	_ =	sdelay $0x2  }
0xec: {  	[tilespmem:s28], [sflag:$0x1] =	stream.indirect_vreg.gather [hbm4b:s1+s3], $0x80, v4, vm0, $0xb8;
	[tilespmem:$0xA100] =	vst v63  }
0xed: {  	_ = 	snop  }
0xee: {  	[tilespmem:s29], [sflag:$0x1] =	stream.indirect_vreg.gather [hbm4b:s1+s3], $0x80, v3, vm0, $0xb8;
	[tilespmem:$0xA100] =	vst v63  }
0xef: {  	v3 =	vld [tilespmem:$0xC0];
	_ =	sdelay $0x4  }
0xf0: {  	v53 =	vshll.u32 v3, $0x1  }
0xf1: {  	v3 =	vand.u32 $0x7, v3;
	v4 =	vand.u32 $0xFFFFFFF0, v53  }
0xf2: {  	v3 =	vor.u32 v3, v4  }
0xf3: {  	v4 =	vperm.xlane v3, v0;
	_ =	sdelay $0x1  }
0xf4: {  	v3 =	vperm.xlane v3, v2;
	v4 =	vadd.s32 v1, v4;
	_ =	sdelay $0x1  }
0xf5: {  	v3 =	vadd.s32 v1, v3;
	_ =	sdelay $0x2  }
0xf6: {  	[tilespmem:s30], [sflag:$0x1] =	stream.indirect_vreg.gather [hbm4b:s1+s3], $0x80, v4, vm0, $0xb8;
	[tilespmem:$0xA100] =	vst v63  }
0xf7: {  	_ = 	snop  }
0xf8: {  	[tilespmem:s31], [sflag:$0x1] =	stream.indirect_vreg.gather [hbm4b:s1+s3], $0x80, v3, vm0, $0xb8;
	[tilespmem:$0xA100] =	vst v63  }
0xf9: {  	_ =	swait.ge [sflag:s2], $0x5000  }
0xfa: {  	[sflag:s2] =	ssyncset.done $0x0  }
0xfb: {  	[sflag:s2] =	ssyncadd.s32 $0xFFFFB000  }
0xfc: {  	_ =	swait.ge [sflag:s2], $0x5000  }
0xfd: {  	[sflag:s2] =	ssyncset.done $0x0  }
0xfe: {  	[sflag:s2] =	ssyncadd.s32 $0xFFFFB000  }
0xff: {  	[hbm4b:s4+s3] =	stream.linear.scatter [tilespmem:s11], [sflag:$0x2], $0xA000, $0x38;
	[tilespmem:$0xA100] =	vst v63  }
0x100: {  	_ =	swait.ge [sflag:s9], $0xA000  }
0x101: {  	[sflag:s9] =	ssyncset.done $0x0  }
0x102: {  	[sflag:s9] =	ssyncadd.s32 $0xFFFF6000  }
0x103: {  	[tilespmem:s3], [sflag:$0x2] =	stream.linear.gather [hbm4b:s5+s3], $0x50, $0x38;
	[tilespmem:$0xA100] =	vst v63  }
0x104: {  	_ =	swait.ge [sflag:s9], $0x50  }
0x105: {  	[sflag:s9] =	ssyncset.done $0x0  }
0x106: {  	[sflag:s9] =	ssyncadd.s32 $0xFFFFFFB0  }
0x107: {  	[tilespmem:s10], [sflag:$0x2] =	stream.linear.gather [hbm4b:s6+s3], $0x50, $0x38;
	[tilespmem:$0xA100] =	vst v63  }
0x108: {  	_ =	swait.ge [sflag:s9], $0x50  }
0x109: {  	[sflag:s9] =	ssyncset.done $0x0  }
0x10a: {  	[sflag:s9] =	ssyncadd.s32 $0xFFFFFFB0  }
0x10b: {  	v3 =	vld [tilespmem:$0x0];
	_ =	sdelay $0x4  }
0x10c: {  	v54 =	vshll.u32 v3, $0x1  }
0x10d: {  	v3 =	vand.u32 $0x7, v3;
	v4 =	vand.u32 $0xFFFFFFF0, v54  }
0x10e: {  	v3 =	vor.u32 v3, v4  }
0x10f: {  	v4 =	vperm.xlane v3, v0;
	_ =	sdelay $0x1  }
0x110: {  	v3 =	vperm.xlane v3, v2;
	v4 =	vadd.s32 v1, v4;
	_ =	sdelay $0x1  }
0x111: {  	v3 =	vadd.s32 v1, v3;
	_ =	sdelay $0x2  }
0x112: {  	[tilespmem:s11], [sflag:$0x1] =	stream.indirect_vreg.gather [hbm4b:s1+s3], $0x80, v4, vm0, $0xb8;
	[tilespmem:$0xA100] =	vst v63  }
0x113: {  	_ = 	snop  }
0x114: {  	[tilespmem:s12], [sflag:$0x1] =	stream.indirect_vreg.gather [hbm4b:s1+s3], $0x80, v3, vm0, $0xb8;
	[tilespmem:$0xA100] =	vst v63  }
0x115: {  	v3 =	vld [tilespmem:$0x10];
	_ =	sdelay $0x4  }
0x116: {  	v55 =	vshll.u32 v3, $0x1  }
0x117: {  	v3 =	vand.u32 $0x7, v3;
	v4 =	vand.u32 $0xFFFFFFF0, v55  }
0x118: {  	v3 =	vor.u32 v3, v4  }
0x119: {  	v4 =	vperm.xlane v3, v0;
	_ =	sdelay $0x1  }
0x11a: {  	v3 =	vperm.xlane v3, v2;
	v4 =	vadd.s32 v1, v4;
	_ =	sdelay $0x1  }
0x11b: {  	v3 =	vadd.s32 v1, v3;
	_ =	sdelay $0x2  }
0x11c: {  	[tilespmem:s13], [sflag:$0x1] =	stream.indirect_vreg.gather [hbm4b:s1+s3], $0x80, v4, vm0, $0xb8;
	[tilespmem:$0xA100] =	vst v63  }
0x11d: {  	_ = 	snop  }
0x11e: {  	[tilespmem:s14], [sflag:$0x1] =	stream.indirect_vreg.gather [hbm4b:s1+s3], $0x80, v3, vm0, $0xb8;
	[tilespmem:$0xA100] =	vst v63  }
0x11f: {  	v3 =	vld [tilespmem:$0x20];
	_ =	sdelay $0x4  }
0x120: {  	v56 =	vshll.u32 v3, $0x1  }
0x121: {  	v3 =	vand.u32 $0x7, v3;
	v4 =	vand.u32 $0xFFFFFFF0, v56  }
0x122: {  	v3 =	vor.u32 v3, v4  }
0x123: {  	v4 =	vperm.xlane v3, v0;
	_ =	sdelay $0x1  }
0x124: {  	v3 =	vperm.xlane v3, v2;
	v4 =	vadd.s32 v1, v4;
	_ =	sdelay $0x1  }
0x125: {  	v3 =	vadd.s32 v1, v3;
	_ =	sdelay $0x2  }
0x126: {  	[tilespmem:s15], [sflag:$0x1] =	stream.indirect_vreg.gather [hbm4b:s1+s3], $0x80, v4, vm0, $0xb8;
	[tilespmem:$0xA100] =	vst v63  }
0x127: {  	_ = 	snop  }
0x128: {  	[tilespmem:s16], [sflag:$0x1] =	stream.indirect_vreg.gather [hbm4b:s1+s3], $0x80, v3, vm0, $0xb8;
	[tilespmem:$0xA100] =	vst v63  }
0x129: {  	v3 =	vld [tilespmem:$0x30];
	_ =	sdelay $0x4  }
0x12a: {  	v57 =	vshll.u32 v3, $0x1  }
0x12b: {  	v3 =	vand.u32 $0x7, v3;
	v4 =	vand.u32 $0xFFFFFFF0, v57  }
0x12c: {  	v3 =	vor.u32 v3, v4  }
0x12d: {  	v4 =	vperm.xlane v3, v0;
	_ =	sdelay $0x1  }
0x12e: {  	v3 =	vperm.xlane v3, v2;
	v4 =	vadd.s32 v1, v4;
	_ =	sdelay $0x1  }
0x12f: {  	v3 =	vadd.s32 v1, v3;
	_ =	sdelay $0x2  }
0x130: {  	[tilespmem:s17], [sflag:$0x1] =	stream.indirect_vreg.gather [hbm4b:s1+s3], $0x80, v4, vm0, $0xb8;
	[tilespmem:$0xA100] =	vst v63  }
0x131: {  	_ = 	snop  }
0x132: {  	[tilespmem:s18], [sflag:$0x1] =	stream.indirect_vreg.gather [hbm4b:s1+s3], $0x80, v3, vm0, $0xb8;
	[tilespmem:$0xA100] =	vst v63  }
0x133: {  	v3 =	vld [tilespmem:$0x40];
	_ =	sdelay $0x4  }
0x134: {  	v58 =	vshll.u32 v3, $0x1  }
0x135: {  	v3 =	vand.u32 $0x7, v3;
	v4 =	vand.u32 $0xFFFFFFF0, v58  }
0x136: {  	v3 =	vor.u32 v3, v4  }
0x137: {  	v4 =	vperm.xlane v3, v0;
	_ =	sdelay $0x1  }
0x138: {  	v3 =	vperm.xlane v3, v2;
	v4 =	vadd.s32 v1, v4;
	_ =	sdelay $0x1  }
0x139: {  	v3 =	vadd.s32 v1, v3;
	_ =	sdelay $0x2  }
0x13a: {  	[tilespmem:s19], [sflag:$0x1] =	stream.indirect_vreg.gather [hbm4b:s1+s3], $0x80, v4, vm0, $0xb8;
	[tilespmem:$0xA100] =	vst v63  }
0x13b: {  	_ = 	snop  }
0x13c: {  	[tilespmem:s20], [sflag:$0x1] =	stream.indirect_vreg.gather [hbm4b:s1+s3], $0x80, v3, vm0, $0xb8;
	[tilespmem:$0xA100] =	vst v63  }
0x13d: {  	v3 =	vld [tilespmem:$0x80];
	_ =	sdelay $0x4  }
0x13e: {  	v59 =	vshll.u32 v3, $0x1  }
0x13f: {  	v3 =	vand.u32 $0x7, v3;
	v4 =	vand.u32 $0xFFFFFFF0, v59  }
0x140: {  	v3 =	vor.u32 v3, v4  }
0x141: {  	v4 =	vperm.xlane v3, v0;
	_ =	sdelay $0x1  }
0x142: {  	v3 =	vperm.xlane v3, v2;
	v4 =	vadd.s32 v1, v4;
	_ =	sdelay $0x1  }
0x143: {  	v3 =	vadd.s32 v1, v3;
	_ =	sdelay $0x2  }
0x144: {  	[tilespmem:s21], [sflag:$0x1] =	stream.indirect_vreg.gather [hbm4b:s1+s3], $0x80, v4, vm0, $0xb8;
	[tilespmem:$0xA100] =	vst v63  }
0x145: {  	_ = 	snop  }
0x146: {  	[tilespmem:s22], [sflag:$0x1] =	stream.indirect_vreg.gather [hbm4b:s1+s3], $0x80, v3, vm0, $0xb8;
	[tilespmem:$0xA100] =	vst v63  }
0x147: {  	v3 =	vld [tilespmem:$0x90];
	_ =	sdelay $0x4  }
0x148: {  	v60 =	vshll.u32 v3, $0x1  }
0x149: {  	v3 =	vand.u32 $0x7, v3;
	v4 =	vand.u32 $0xFFFFFFF0, v60  }
0x14a: {  	v3 =	vor.u32 v3, v4  }
0x14b: {  	v4 =	vperm.xlane v3, v0;
	_ =	sdelay $0x1  }
0x14c: {  	v3 =	vperm.xlane v3, v2;
	v4 =	vadd.s32 v1, v4;
	_ =	sdelay $0x1  }
0x14d: {  	v3 =	vadd.s32 v1, v3;
	_ =	sdelay $0x2  }
0x14e: {  	[tilespmem:s23], [sflag:$0x1] =	stream.indirect_vreg.gather [hbm4b:s1+s3], $0x80, v4, vm0, $0xb8;
	[tilespmem:$0xA100] =	vst v63  }
0x14f: {  	_ = 	snop  }
0x150: {  	[tilespmem:s24], [sflag:$0x1] =	stream.indirect_vreg.gather [hbm4b:s1+s3], $0x80, v3, vm0, $0xb8;
	[tilespmem:$0xA100] =	vst v63  }
0x151: {  	v3 =	vld [tilespmem:$0xA0];
	_ =	sdelay $0x4  }
0x152: {  	v61 =	vshll.u32 v3, $0x1  }
0x153: {  	v3 =	vand.u32 $0x7, v3;
	v4 =	vand.u32 $0xFFFFFFF0, v61  }
0x154: {  	v3 =	vor.u32 v3, v4  }
0x155: {  	v4 =	vperm.xlane v3, v0;
	_ =	sdelay $0x1  }
0x156: {  	v3 =	vperm.xlane v3, v2;
	v4 =	vadd.s32 v1, v4;
	_ =	sdelay $0x1  }
0x157: {  	v3 =	vadd.s32 v1, v3;
	_ =	sdelay $0x2  }
0x158: {  	[tilespmem:s25], [sflag:$0x1] =	stream.indirect_vreg.gather [hbm4b:s1+s3], $0x80, v4, vm0, $0xb8;
	[tilespmem:$0xA100] =	vst v63  }
0x159: {  	_ = 	snop  }
0x15a: {  	[tilespmem:s26], [sflag:$0x1] =	stream.indirect_vreg.gather [hbm4b:s1+s3], $0x80, v3, vm0, $0xb8;
	[tilespmem:$0xA100] =	vst v63  }
0x15b: {  	v3 =	vld [tilespmem:$0xB0];
	_ =	sdelay $0x4  }
0x15c: {  	v62 =	vshll.u32 v3, $0x1  }
0x15d: {  	v3 =	vand.u32 $0x7, v3;
	v4 =	vand.u32 $0xFFFFFFF0, v62  }
0x15e: {  	v3 =	vor.u32 v3, v4  }
0x15f: {  	v4 =	vperm.xlane v3, v0;
	_ =	sdelay $0x1  }
0x160: {  	v3 =	vperm.xlane v3, v2;
	v4 =	vadd.s32 v1, v4;
	_ =	sdelay $0x1  }
0x161: {  	v3 =	vadd.s32 v1, v3;
	_ =	sdelay $0x2  }
0x162: {  	[tilespmem:s28], [sflag:$0x1] =	stream.indirect_vreg.gather [hbm4b:s1+s3], $0x80, v4, vm0, $0xb8;
	[tilespmem:$0xA100] =	vst v63  }
0x163: {  	_ = 	snop  }
0x164: {  	[tilespmem:s29], [sflag:$0x1] =	stream.indirect_vreg.gather [hbm4b:s1+s3], $0x80, v3, vm0, $0xb8;
	[tilespmem:$0xA100] =	vst v63  }
0x165: {  	v3 =	vld [tilespmem:$0xC0];
	_ =	sdelay $0x4  }
0x166: {  	v63 =	vshll.u32 v3, $0x1  }
0x167: {  	v3 =	vand.u32 $0x7, v3;
	v4 =	vand.u32 $0xFFFFFFF0, v63  }
0x168: {  	v3 =	vor.u32 v3, v4  }
0x169: {  	v4 =	vperm.xlane v3, v0;
	_ =	sdelay $0x1  }
0x16a: {  	v3 =	vperm.xlane v3, v2;
	v4 =	vadd.s32 v1, v4;
	_ =	sdelay $0x1  }
0x16b: {  	v3 =	vadd.s32 v1, v3;
	_ =	sdelay $0x2  }
0x16c: {  	[tilespmem:s30], [sflag:$0x1] =	stream.indirect_vreg.gather [hbm4b:s1+s3], $0x80, v4, vm0, $0xb8;
	[tilespmem:$0xA100] =	vst v63  }
0x16d: {  	_ = 	snop  }
0x16e: {  	[tilespmem:s31], [sflag:$0x1] =	stream.indirect_vreg.gather [hbm4b:s1+s3], $0x80, v3, vm0, $0xb8;
	[tilespmem:$0xA100] =	vst v63  }
0x16f: {  	_ =	swait.ge [sflag:s2], $0x5000  }
0x170: {  	[sflag:s2] =	ssyncset.done $0x0  }
0x171: {  	[sflag:s2] =	ssyncadd.s32 $0xFFFFB000  }
0x172: {  	_ =	swait.ge [sflag:s2], $0x5000  }
0x173: {  	p0 =	sne.s32 s8, $0x1;
	[sflag:s2] =	ssyncset.done $0x0  }
.Ltmp0:
0x174: {  	[sflag:s2] =	ssyncadd.s32 $0xFFFFB000;
	(pc) =	sbr.rel @p0 .LBB2_1-.Ltmp0, $4  }
0x175: {  	[hbm4b:s7+s3] =	stream.linear.scatter [tilespmem:s11], [sflag:$0x2], $0xA000, $0x38;
	[tilespmem:$0xA100] =	vst v63  }
0x176: {  	_ =	swait.ge [sflag:s9], $0xA000  }
0x177: {  	[sflag:s9] =	ssyncset.done $0x0  }
0x178: {  	s8 =	sadd.s32 $0xFFFFFFFF, s8;
	[sflag:s9] =	ssyncadd.s32 $0xFFFF6000  }
0x179: {  	_ =	sfence.sel $0x180000  }
0x17a: {  	[bflag:$0x0] =	sbarrier.arrive $0xFFFF  }
0x17b: {  	_ =	strace $0x9000004A  }
0x17c: {  	s0 =	stileid.u32;
	[bflag:$0x2] =	sbarrier.arrive $0xFFFF  }
0x17d: {  	p0 =	sne.s32 s0, $0x0;
	s0 =	rddreg [dreg:$0x3]  }
0x17e: {  	s0 =	sadd.s32 @!p0 $0x100000, s0  }
0x17f: {  	[sflag:s0] =	ssyncadd.tile.s32 @!p0 $0x1;
	_ =	shalt  }
.Lfunc_end2:
_tile_overlayer_lowered:
.L_overlay_start_2:
0x180: {  	(tag) =	ssettag $0x2  }
0x181: {  	s0 =	rddreg [dreg:$0x0];
	s2 =	stileid.u32  }
0x182: {  	s1 =	rddreg [dreg:$0x1];
	p0 =	sne.s32 s2, $0x0  }
0x183: {  	s3 =	rddreg [dreg:$0x2];
	[bflag:$0x3] =	sbarrier.arrive $0xFFFF;
	s2 =	simm.s32 @!p0 $0x1C02  }
0x184: {  	[timem:s3], [sflag:s2] =	dma.local @!p0 [hbm:s0], s1  }
0x185: {  	s0 =	simm.s32 @!p0 $0x2  }
0x186: {  	_ =	swait.ge @!p0 [sflag:s0], s1  }
0x187: {  	s1 =	ssub.s32 @!p0 $0x0, s1;
	[sflag:s0] =	ssyncset.done @!p0 $0x0  }
0x188: {  	[sflag:s0] =	ssyncadd.s32 @!p0 s1  }
0x189: {  	[bflag:$0x3] =	sbarrier.arrive $0xFFFF  }
0x18a: {  	_ =	shalt  }

</sc_bundles>
